<compile_context>
chip_gen: v7x
topology: tpu7x:2x2x1
jax: 0.10.2.dev20260603
libtpu: 0.0.44.dev20260713+nightly
codegen_flags: <defaults>
</compile_context>

<pallas_src>
import functools

import jax
import jax.numpy as jnp
from jax import lax
from jax.experimental import pallas as pl
from jax.experimental.pallas import tpu as pltpu
from jax.experimental.pallas import tpu_sc as plsc

N = 10000
E = 320000
D = 128

NW = 32
CH = 125
EPT = E // NW
NCH = EPT // CH
WCH = 16
NWIN = NCH // WCH

DEG_ROWS = 10240
DEG_SPAN = DEG_ROWS // 16
ACC_ROWS = 10112
ACC_SPAN = ACC_ROWS // 16

_mesh = plsc.VectorSubcoreMesh(core_axis_name="c", subcore_axis_name="s")

_f32 = jnp.float32


@functools.partial(
    pl.kernel,
    mesh=_mesh,
    out_type=jax.ShapeDtypeStruct((2, DEG_ROWS), _f32),
    scratch_types=[
        pltpu.VMEM((NWIN, WCH, CH), jnp.int32),
        pltpu.VMEM((DEG_SPAN,), _f32),
        pltpu.VMEM_SHARED((DEG_ROWS,), _f32),
    ],
)
def _deg_kernel(dstp_hbm, out_hbm, idx_v, ones_v, deg_sh):
    c = lax.axis_index("c")
    s = lax.axis_index("s")
    wid = s * 2 + c
    def zfill(k, carry):
        ones_v[pl.ds(k * 16, 16)] = jnp.zeros((16,), _f32)
        return carry

    lax.fori_loop(0, DEG_SPAN // 16, zfill, 0)
    pltpu.sync_copy(ones_v, deg_sh.at[pl.ds(s * DEG_SPAN, DEG_SPAN)])
    pltpu.sync_copy(dstp_hbm.at[wid], idx_v)

    def ofill(k, carry):
        ones_v[pl.ds(k * 16, 16)] = jnp.ones((16,), _f32)
        return carry

    lax.fori_loop(0, CH // 16 + 1, ofill, 0)
    plsc.subcore_barrier()

    for w in range(NWIN):
        def body(j, carry):
            pltpu.sync_copy(ones_v.at[pl.ds(0, CH)],
                            deg_sh.at[idx_v.at[w, j]], add=True)
            return carry

        lax.fori_loop(0, WCH, body, 0)
    plsc.subcore_barrier()
    pltpu.sync_copy(
        deg_sh.at[pl.ds(s * DEG_SPAN, DEG_SPAN)],
        out_hbm.at[c, pl.ds(s * DEG_SPAN, DEG_SPAN)],
    )


@functools.partial(
    pl.kernel,
    mesh=_mesh,
    out_type=jax.ShapeDtypeStruct((2, ACC_ROWS, D), _f32),
    scratch_types=[
        pltpu.VMEM((2, WCH, CH), jnp.int32),
        pltpu.VMEM((2, WCH, CH), jnp.int32),
        pltpu.VMEM((CH, D), _f32),
        pltpu.VMEM((CH, D), _f32),
        pltpu.VMEM_SHARED((ACC_ROWS, D), _f32),
        pltpu.SemaphoreType.DMA,
        pltpu.SemaphoreType.DMA,
        pltpu.SemaphoreType.DMA,
    ],
)
def _agg_kernel(g_hbm, srcp_hbm, dstp_hbm, out_hbm,
                sidx, didx, buf0, buf1, acc_sh, sem0, sem1, wsem):
    c = lax.axis_index("c")
    s = lax.axis_index("s")
    wid = s * 2 + c

    def zfill(k, carry):
        r = k // 8
        buf0[r, pl.ds((k % 8) * 16, 16)] = jnp.zeros((16,), _f32)
        return carry

    lax.fori_loop(0, CH * 8, zfill, 0)
    base = s * ACC_SPAN
    for t in range(5):
        pltpu.sync_copy(buf0.at[pl.ds(0, 120)],
                        acc_sh.at[pl.ds(base + t * 120, 120)])
    pltpu.sync_copy(buf0.at[pl.ds(0, 32)],
                    acc_sh.at[pl.ds(base + 600, 32)])
    plsc.subcore_barrier()

    pltpu.sync_copy(srcp_hbm.at[wid, 0], sidx.at[0])
    pltpu.sync_copy(dstp_hbm.at[wid, 0], didx.at[0])
    wh = [pltpu.async_copy(srcp_hbm.at[wid, 1], sidx.at[1], wsem),
          pltpu.async_copy(dstp_hbm.at[wid, 1], didx.at[1], wsem)]
    for w in range(NWIN):
        sl = w % 2
        if w > 0:
            for h in wh:
                h.wait()
            wh = []
        if w + 1 < NWIN:
            wh = [pltpu.async_copy(srcp_hbm.at[wid, w + 1],
                                   sidx.at[(w + 1) % 2], wsem),
                  pltpu.async_copy(dstp_hbm.at[wid, w + 1],
                                   didx.at[(w + 1) % 2], wsem)]

        pltpu.async_copy(g_hbm.at[sidx.at[sl, 0]], buf0, sem0)

        def body(i, carry):
            j0 = 2 * i
            pltpu.async_copy(g_hbm.at[sidx.at[sl, j0 + 1]], buf1, sem1)
            pltpu.make_async_copy(g_hbm.at[sidx.at[sl, j0]], buf0,
                                  sem0).wait()
            pltpu.sync_copy(buf0, acc_sh.at[didx.at[sl, j0]], add=True)

            @pl.when(i < WCH // 2 - 1)
            def _():
                pltpu.async_copy(g_hbm.at[sidx.at[sl, j0 + 2]], buf0, sem0)

            pltpu.make_async_copy(g_hbm.at[sidx.at[sl, j0]], buf1,
                                  sem1).wait()
            pltpu.sync_copy(buf1, acc_sh.at[didx.at[sl, j0 + 1]], add=True)
            return carry

        lax.fori_loop(0, WCH // 2, body, 0)

    plsc.subcore_barrier()
    pltpu.sync_copy(
        acc_sh.at[pl.ds(s * ACC_SPAN, ACC_SPAN)],
        out_hbm.at[c, pl.ds(s * ACC_SPAN, ACC_SPAN), :],
    )


_BR = 1000


def _mm_body(x_ref, w_ref, h_ref):
    h_ref[...] = jnp.dot(x_ref[...], w_ref[...], preferred_element_type=_f32)


_mm_call = pl.pallas_call(
    _mm_body,
    grid=(N // _BR,),
    in_specs=[
        pl.BlockSpec((_BR, D), lambda i: (i, 0)),
        pl.BlockSpec((D, D), lambda i: (0, 0)),
    ],
    out_specs=pl.BlockSpec((_BR, D), lambda i: (i, 0)),
    out_shape=jax.ShapeDtypeStruct((N, D), _f32),
)


def _g_body(h_ref, degt_ref, g_ref, dis_ref):
    deg = jnp.sum(degt_ref[...], axis=1, keepdims=True) + 1.0
    dis = lax.rsqrt(deg)
    g_ref[...] = h_ref[...] * dis
    dis_ref[...] = dis


_g_call = pl.pallas_call(
    _g_body,
    grid=(N // _BR,),
    in_specs=[
        pl.BlockSpec((_BR, D), lambda i: (i, 0)),
        pl.BlockSpec((_BR, 2), lambda i: (i, 0)),
    ],
    out_specs=[
        pl.BlockSpec((_BR, D), lambda i: (i, 0)),
        pl.BlockSpec((_BR, 1), lambda i: (i, 0)),
    ],
    out_shape=[
        jax.ShapeDtypeStruct((N, D), _f32),
        jax.ShapeDtypeStruct((N, 1), _f32),
    ],
)


def _fin_body(acc_ref, g_ref, dis_ref, b_ref, o_ref):
    t = acc_ref[0] + acc_ref[1] + g_ref[...]
    o_ref[...] = jnp.maximum(t * dis_ref[...] + b_ref[...], 0.0)


_fin_call = pl.pallas_call(
    _fin_body,
    grid=(N // _BR,),
    in_specs=[
        pl.BlockSpec((2, _BR, D), lambda i: (0, i, 0)),
        pl.BlockSpec((_BR, D), lambda i: (i, 0)),
        pl.BlockSpec((_BR, 1), lambda i: (i, 0)),
        pl.BlockSpec((1, D), lambda i: (0, 0)),
    ],
    out_specs=pl.BlockSpec((_BR, D), lambda i: (i, 0)),
    out_shape=jax.ShapeDtypeStruct((N, D), _f32),
)


def kernel(x, edge_index, W, b):
    srcp = edge_index[0].reshape(NW, NWIN, WCH, CH)
    dstp = edge_index[1].reshape(NW, NWIN, WCH, CH)

    h = _mm_call(x, W)
    deg_parts = _deg_kernel(dstp)
    degt = deg_parts[:, :N].T

    g, dis = _g_call(h, degt)

    acc_parts = _agg_kernel(g, srcp, dstp)

    return _fin_call(acc_parts, g, dis, b.reshape(1, D))

# --- scband reference (transcript-rebuilt; emitter-appended) ---
"""Pipeline reference for scband-gcnlayer-12317966205308 (READ-ONLY COPY).

The authoritative reference and input builder live on the scoring server;
editing this copy changes nothing except your own understanding.
"""

import jax, jax.numpy as jnp
import numpy as np

N = 10000
E = 320000
D_IN = 128
D_OUT = 128


def setup_inputs(seed: int = 0) -> dict:
    key = jax.random.key(seed)
    k1, k2, k3 = jax.random.split(key, 3)
    x = jax.random.normal(k1, (N, D_IN), dtype=jnp.float32)
    edge_index = jax.random.randint(k2, (2, E), 0, N, dtype=jnp.int32)
    # GCNConv parameters: glorot-initialized weight, zero bias
    limit = float(np.sqrt(6.0 / (D_IN + D_OUT)))
    W = jax.random.uniform(k3, (D_IN, D_OUT), minval=-limit, maxval=limit, dtype=jnp.float32)
    b = jnp.zeros((D_OUT,), dtype=jnp.float32)
    return {"x": x, "edge_index": edge_index, "W": W, "b": b}


def reference(x, edge_index, W, b):
    # GCNConv (PyG semantics): add self-loops, symmetric normalization,
    # linear transform, scatter-add aggregation, bias, then ReLU.
    src = edge_index[0]
    dst = edge_index[1]
    loop = jnp.arange(N, dtype=edge_index.dtype)
    src = jnp.concatenate([src, loop])
    dst = jnp.concatenate([dst, loop])

    h = x @ W  # [N, D_OUT]

    deg = jnp.zeros((N,), dtype=x.dtype).at[dst].add(1.0)
    deg_inv_sqrt = jnp.where(deg > 0, jax.lax.rsqrt(jnp.maximum(deg, 1e-12)), 0.0)
    norm = deg_inv_sqrt[src] * deg_inv_sqrt[dst]  # [E+N]

    msg = h[src] * norm[:, None]  # gather + scale
    out = jnp.zeros((N, D_OUT), dtype=x.dtype).at[dst].add(msg)  # scatter-add
    out = out + b
    return jax.nn.relu(out)

if __name__ == "__main__":
    import jax
    _d = setup_inputs()
    print(jax.jit(kernel)(*tuple(_d.values())))

</pallas_src>

<mosaic_0001>
#map = affine_map<(d0, d1) -> (0, 0)>
#map1 = affine_map<(d0, d1) -> (0, 0, 0, 0)>
#map2 = affine_map<(d0, d1) -> (0, 0, 0)>
module attributes {stable_mosaic.version = 14 : i64} {
  func.func @_agg_kernel(%arg0: i32, %arg1: i32, %arg2: memref<10000x128xf32, #tpu.memory_space<hbm>>, %arg3: memref<32x5x16x125xi32, #tpu.memory_space<hbm>>, %arg4: memref<32x5x16x125xi32, #tpu.memory_space<hbm>>, %arg5: memref<2x10112x128xf32, #tpu.memory_space<hbm>>, %arg6: memref<2x16x125xi32, #tpu.memory_space<vmem>>, %arg7: memref<2x16x125xi32, #tpu.memory_space<vmem>>, %arg8: memref<125x128xf32, #tpu.memory_space<vmem>>, %arg9: memref<125x128xf32, #tpu.memory_space<vmem>>, %arg10: memref<10112x128xf32, #tpu.memory_space<vmem_shared>>, %arg11: memref<!tpu.dma_semaphore, #tpu.memory_space<semaphore_mem>>, %arg12: memref<!tpu.dma_semaphore, #tpu.memory_space<semaphore_mem>>, %arg13: memref<!tpu.dma_semaphore, #tpu.memory_space<semaphore_mem>>) attributes {dimension_semantics = [#tpu.dimension_semantics<core_parallel>, #tpu.dimension_semantics<subcore_parallel>], iteration_bounds = array<i64: 2, 16>, scalar_prefetch = 0 : i64, scratch_operands = 8 : i64, tpu.core_type = #tpu.core_type<sc_vector_subcore>, window_params = [{transform_indices = #map}, {transform_indices = #map1}, {transform_indices = #map1}, {transform_indices = #map2}]} {
    %mul3A = arith.constant 2 : i32
    %mul3A_0 = arith.muli %arg1, %mul3A : i32
    %add3A = arith.addi %mul3A_0, %arg0 : i32
    %scan3A = arith.constant 0 : i32
    %scan3A_1 = arith.constant 0 : i32
    %scan3A_2 = arith.constant 1000 : i32
    %scan3A_3 = arith.addi %scan3A_1, %scan3A_2 : i32
    %scan3A_4 = arith.constant 1 : i32
    scf.for %scan3A_420 = %scan3A_1 to %scan3A_3 step %scan3A_4  : i32 {
      %jit3A = arith.constant 8 : i32
      %div3A = arith.divsi %scan3A_420, %jit3A : i32
      %sign3A = arith.constant 0 : i32
      %sign3A_421 = arith.cmpi sgt, %scan3A_420, %sign3A : i32
      %sign3A_422 = arith.extui %sign3A_421 : i1 to i32
      %sign3A_423 = arith.constant 0 : i32
      %sign3A_424 = arith.cmpi slt, %scan3A_420, %sign3A_423 : i32
      %sign3A_425 = arith.extui %sign3A_424 : i1 to i32
      %sign3A_426 = arith.subi %sign3A_422, %sign3A_425 : i32
      %sign3A_427 = arith.constant 0 : i32
      %sign3A_428 = arith.cmpi sgt, %jit3A, %sign3A_427 : i32
      %sign3A_429 = arith.extui %sign3A_428 : i1 to i32
      %sign3A_430 = arith.constant 0 : i32
      %sign3A_431 = arith.cmpi slt, %jit3A, %sign3A_430 : i32
      %sign3A_432 = arith.extui %sign3A_431 : i1 to i32
      %sign3A_433 = arith.subi %sign3A_429, %sign3A_432 : i32
      %ne3A = arith.cmpi ne, %sign3A_426, %sign3A_433 : i32
      %rem3A = arith.remsi %scan3A_420, %jit3A : i32
      %ne3A_434 = arith.constant 0 : i32
      %ne3A_435 = arith.cmpi ne, %rem3A, %ne3A_434 : i32
      %and3A = arith.andi %ne3A, %ne3A_435 : i1
      %sub3A = arith.constant 1 : i32
      %sub3A_436 = arith.subi %div3A, %sub3A : i32
      %select_n3A = arith.select %and3A, %sub3A_436, %div3A : i32
      %broadcast_in_dim3A = arith.constant 0.000000e+00 : f32
      %broadcast_in_dim3A_437 = vector.broadcast %broadcast_in_dim3A : f32 to vector<16xf32>
      %jit3A_438 = arith.constant 8 : i32
      %eq3A = arith.constant 0 : i32
      %eq3A_439 = arith.cmpi eq, %jit3A_438, %eq3A : i32
      %jit3A_440 = arith.constant 1 : i32
      %select_n3A_441 = arith.select %eq3A_439, %jit3A_440, %jit3A_438 : i32
      %rem3A_442 = arith.remsi %scan3A_420, %select_n3A_441 : i32
      %ne3A_443 = arith.constant 0 : i32
      %ne3A_444 = arith.cmpi ne, %rem3A_442, %ne3A_443 : i32
      %lt3A = arith.constant 0 : i32
      %lt3A_445 = arith.cmpi slt, %rem3A_442, %lt3A : i32
      %lt3A_446 = arith.constant 0 : i32
      %lt3A_447 = arith.cmpi slt, %select_n3A_441, %lt3A_446 : i32
      %ne3A_448 = arith.xori %lt3A_445, %lt3A_447 : i1
      %and3A_449 = arith.andi %ne3A_448, %ne3A_444 : i1
      %add3A_450 = arith.addi %rem3A_442, %select_n3A_441 : i32
      %select_n3A_451 = arith.select %and3A_449, %add3A_450, %rem3A_442 : i32
      %mul3A_452 = arith.constant 16 : i32
      %mul3A_453 = arith.muli %select_n3A_451, %mul3A_452 : i32
      %swap3A = arith.index_cast %select_n3A : i32 to index
      %swap3A_454 = arith.index_cast %mul3A_453 : i32 to index
      %swap3A_455 = tpu.vector_load %arg8[%swap3A, %swap3A_454] {strides = array<i32>} : memref<125x128xf32, #tpu.memory_space<vmem>>, vector<1x16xf32>,
      %swap3A_456 = vector.shape_cast %swap3A_455 : vector<1x16xf32> to vector<16xf32>
      %swap3A_457 = vector.shape_cast %broadcast_in_dim3A_437 : vector<16xf32> to vector<1x16xf32>
      tpu.vector_store %arg8[%swap3A, %swap3A_454], %swap3A_457 {strides = array<i32>} : memref<125x128xf32, #tpu.memory_space<vmem>>, vector<1x16xf32>,
    }
    %scan3A_5 = arith.constant 1000 : i32
    %mul3A_6 = arith.constant 632 : i32
    %mul3A_7 = arith.muli %arg1, %mul3A_6 : i32
    %add3A_8 = arith.constant 0 : i32
    %add3A_9 = arith.addi %mul3A_7, %add3A_8 : i32
    "tpu.region"() ({
      %run_scoped3A_420 = tpu.sem_alloc : memref<!tpu.dma_semaphore, #tpu.memory_space<semaphore_mem>>
      %dma_start3A_421 = arith.constant 0 : i32
      %dma_start3A_422 = arith.constant 0 : i32
      %dma_start3A_423 = tpu.memref_slice %arg8[%dma_start3A_421, %dma_start3A_422] : memref<125x128xf32, #tpu.memory_space<vmem>> -> memref<120x128xf32, #tpu.memory_space<vmem>>
      %dma_start3A_424 = arith.constant 0 : i32
      %dma_start3A_425 = tpu.memref_slice %arg10[%add3A_9, %dma_start3A_424] : memref<10112x128xf32, #tpu.memory_space<vmem_shared>> -> memref<120x128xf32, #tpu.memory_space<vmem_shared>>
      %dma_start3A_426 = arith.constant 0 : i32
      %dma_start3A_427 = tpu.memref_slice %arg10[%add3A_9, %dma_start3A_426] : memref<10112x128xf32, #tpu.memory_space<vmem_shared>> -> memref<120x128xf32, #tpu.memory_space<vmem_shared>>
      %dma_start3A_428 = arith.constant 0 : i32
      %dma_start3A_429 = arith.constant 0 : i32
      %dma_start3A_430 = tpu.memref_slice %arg8[%dma_start3A_428, %dma_start3A_429] : memref<125x128xf32, #tpu.memory_space<vmem>> -> memref<120x128xf32, #tpu.memory_space<vmem>>
      tpu.enqueue_dma source(%dma_start3A_430 : memref<120x128xf32, #tpu.memory_space<vmem>>) target(%dma_start3A_427 : memref<120x128xf32, #tpu.memory_space<vmem_shared>>) target_semaphore(%run_scoped3A_420 : memref<!tpu.dma_semaphore, #tpu.memory_space<semaphore_mem>>)
      %dma_wait3A_431 = arith.constant 0 : i32
      %dma_wait3A_432 = arith.constant 0 : i32
      %dma_wait3A_433 = tpu.memref_slice %arg8[%dma_wait3A_431, %dma_wait3A_432] : memref<125x128xf32, #tpu.memory_space<vmem>> -> memref<120x128xf32, #tpu.memory_space<vmem>>
      %dma_wait3A_434 = arith.constant 0 : i32
      %dma_wait3A_435 = tpu.memref_slice %arg10[%add3A_9, %dma_wait3A_434] : memref<10112x128xf32, #tpu.memory_space<vmem_shared>> -> memref<120x128xf32, #tpu.memory_space<vmem_shared>>
      %dma_wait3A_436 = arith.constant 0 : i32
      %dma_wait3A_437 = tpu.memref_slice %arg10[%add3A_9, %dma_wait3A_436] : memref<10112x128xf32, #tpu.memory_space<vmem_shared>> -> memref<120x128xf32, #tpu.memory_space<vmem_shared>>
      %dma_wait3A_438 = arith.constant 0 : i32
      %dma_wait3A_439 = arith.constant 0 : i32
      %dma_wait3A_440 = tpu.memref_slice %arg8[%dma_wait3A_438, %dma_wait3A_439] : memref<125x128xf32, #tpu.memory_space<vmem>> -> memref<120x128xf32, #tpu.memory_space<vmem>>
      tpu.wait_dma2 semaphore(%run_scoped3A_420 : memref<!tpu.dma_semaphore, #tpu.memory_space<semaphore_mem>>) src(%dma_wait3A_440 : memref<120x128xf32, #tpu.memory_space<vmem>>) dst(%dma_wait3A_437 : memref<120x128xf32, #tpu.memory_space<vmem_shared>>)
      tpu.yield
    }) : () -> ()
    %add3A_10 = arith.constant 120 : i32
    %add3A_11 = arith.addi %mul3A_7, %add3A_10 : i32
    "tpu.region"() ({
      %run_scoped3A_420 = tpu.sem_alloc : memref<!tpu.dma_semaphore, #tpu.memory_space<semaphore_mem>>
      %dma_start3A_421 = arith.constant 0 : i32
      %dma_start3A_422 = arith.constant 0 : i32
      %dma_start3A_423 = tpu.memref_slice %arg8[%dma_start3A_421, %dma_start3A_422] : memref<125x128xf32, #tpu.memory_space<vmem>> -> memref<120x128xf32, #tpu.memory_space<vmem>>
      %dma_start3A_424 = arith.constant 0 : i32
      %dma_start3A_425 = tpu.memref_slice %arg10[%add3A_11, %dma_start3A_424] : memref<10112x128xf32, #tpu.memory_space<vmem_shared>> -> memref<120x128xf32, #tpu.memory_space<vmem_shared>>
      %dma_start3A_426 = arith.constant 0 : i32
      %dma_start3A_427 = tpu.memref_slice %arg10[%add3A_11, %dma_start3A_426] : memref<10112x128xf32, #tpu.memory_space<vmem_shared>> -> memref<120x128xf32, #tpu.memory_space<vmem_shared>>
      %dma_start3A_428 = arith.constant 0 : i32
      %dma_start3A_429 = arith.constant 0 : i32
      %dma_start3A_430 = tpu.memref_slice %arg8[%dma_start3A_428, %dma_start3A_429] : memref<125x128xf32, #tpu.memory_space<vmem>> -> memref<120x128xf32, #tpu.memory_space<vmem>>
      tpu.enqueue_dma source(%dma_start3A_430 : memref<120x128xf32, #tpu.memory_space<vmem>>) target(%dma_start3A_427 : memref<120x128xf32, #tpu.memory_space<vmem_shared>>) target_semaphore(%run_scoped3A_420 : memref<!tpu.dma_semaphore, #tpu.memory_space<semaphore_mem>>)
      %dma_wait3A_431 = arith.constant 0 : i32
      %dma_wait3A_432 = arith.constant 0 : i32
      %dma_wait3A_433 = tpu.memref_slice %arg8[%dma_wait3A_431, %dma_wait3A_432] : memref<125x128xf32, #tpu.memory_space<vmem>> -> memref<120x128xf32, #tpu.memory_space<vmem>>
      %dma_wait3A_434 = arith.constant 0 : i32
      %dma_wait3A_435 = tpu.memref_slice %arg10[%add3A_11, %dma_wait3A_434] : memref<10112x128xf32, #tpu.memory_space<vmem_shared>> -> memref<120x128xf32, #tpu.memory_space<vmem_shared>>
      %dma_wait3A_436 = arith.constant 0 : i32
      %dma_wait3A_437 = tpu.memref_slice %arg10[%add3A_11, %dma_wait3A_436] : memref<10112x128xf32, #tpu.memory_space<vmem_shared>> -> memref<120x128xf32, #tpu.memory_space<vmem_shared>>
      %dma_wait3A_438 = arith.constant 0 : i32
      %dma_wait3A_439 = arith.constant 0 : i32
      %dma_wait3A_440 = tpu.memref_slice %arg8[%dma_wait3A_438, %dma_wait3A_439] : memref<125x128xf32, #tpu.memory_space<vmem>> -> memref<120x128xf32, #tpu.memory_space<vmem>>
      tpu.wait_dma2 semaphore(%run_scoped3A_420 : memref<!tpu.dma_semaphore, #tpu.memory_space<semaphore_mem>>) src(%dma_wait3A_440 : memref<120x128xf32, #tpu.memory_space<vmem>>) dst(%dma_wait3A_437 : memref<120x128xf32, #tpu.memory_space<vmem_shared>>)
      tpu.yield
    }) : () -> ()
    %add3A_12 = arith.constant 240 : i32
    %add3A_13 = arith.addi %mul3A_7, %add3A_12 : i32
    "tpu.region"() ({
      %run_scoped3A_420 = tpu.sem_alloc : memref<!tpu.dma_semaphore, #tpu.memory_space<semaphore_mem>>
      %dma_start3A_421 = arith.constant 0 : i32
      %dma_start3A_422 = arith.constant 0 : i32
      %dma_start3A_423 = tpu.memref_slice %arg8[%dma_start3A_421, %dma_start3A_422] : memref<125x128xf32, #tpu.memory_space<vmem>> -> memref<120x128xf32, #tpu.memory_space<vmem>>
      %dma_start3A_424 = arith.constant 0 : i32
      %dma_start3A_425 = tpu.memref_slice %arg10[%add3A_13, %dma_start3A_424] : memref<10112x128xf32, #tpu.memory_space<vmem_shared>> -> memref<120x128xf32, #tpu.memory_space<vmem_shared>>
      %dma_start3A_426 = arith.constant 0 : i32
      %dma_start3A_427 = tpu.memref_slice %arg10[%add3A_13, %dma_start3A_426] : memref<10112x128xf32, #tpu.memory_space<vmem_shared>> -> memref<120x128xf32, #tpu.memory_space<vmem_shared>>
      %dma_start3A_428 = arith.constant 0 : i32
      %dma_start3A_429 = arith.constant 0 : i32
      %dma_start3A_430 = tpu.memref_slice %arg8[%dma_start3A_428, %dma_start3A_429] : memref<125x128xf32, #tpu.memory_space<vmem>> -> memref<120x128xf32, #tpu.memory_space<vmem>>
      tpu.enqueue_dma source(%dma_start3A_430 : memref<120x128xf32, #tpu.memory_space<vmem>>) target(%dma_start3A_427 : memref<120x128xf32, #tpu.memory_space<vmem_shared>>) target_semaphore(%run_scoped3A_420 : memref<!tpu.dma_semaphore, #tpu.memory_space<semaphore_mem>>)
      %dma_wait3A_431 = arith.constant 0 : i32
      %dma_wait3A_432 = arith.constant 0 : i32
      %dma_wait3A_433 = tpu.memref_slice %arg8[%dma_wait3A_431, %dma_wait3A_432] : memref<125x128xf32, #tpu.memory_space<vmem>> -> memref<120x128xf32, #tpu.memory_space<vmem>>
      %dma_wait3A_434 = arith.constant 0 : i32
      %dma_wait3A_435 = tpu.memref_slice %arg10[%add3A_13, %dma_wait3A_434] : memref<10112x128xf32, #tpu.memory_space<vmem_shared>> -> memref<120x128xf32, #tpu.memory_space<vmem_shared>>
      %dma_wait3A_436 = arith.constant 0 : i32
      %dma_wait3A_437 = tpu.memref_slice %arg10[%add3A_13, %dma_wait3A_436] : memref<10112x128xf32, #tpu.memory_space<vmem_shared>> -> memref<120x128xf32, #tpu.memory_space<vmem_shared>>
      %dma_wait3A_438 = arith.constant 0 : i32
      %dma_wait3A_439 = arith.constant 0 : i32
      %dma_wait3A_440 = tpu.memref_slice %arg8[%dma_wait3A_438, %dma_wait3A_439] : memref<125x128xf32, #tpu.memory_space<vmem>> -> memref<120x128xf32, #tpu.memory_space<vmem>>
      tpu.wait_dma2 semaphore(%run_scoped3A_420 : memref<!tpu.dma_semaphore, #tpu.memory_space<semaphore_mem>>) src(%dma_wait3A_440 : memref<120x128xf32, #tpu.memory_space<vmem>>) dst(%dma_wait3A_437 : memref<120x128xf32, #tpu.memory_space<vmem_shared>>)
      tpu.yield
    }) : () -> ()
    %add3A_14 = arith.constant 360 : i32
    %add3A_15 = arith.addi %mul3A_7, %add3A_14 : i32
    "tpu.region"() ({
      %run_scoped3A_420 = tpu.sem_alloc : memref<!tpu.dma_semaphore, #tpu.memory_space<semaphore_mem>>
      %dma_start3A_421 = arith.constant 0 : i32
      %dma_start3A_422 = arith.constant 0 : i32
      %dma_start3A_423 = tpu.memref_slice %arg8[%dma_start3A_421, %dma_start3A_422] : memref<125x128xf32, #tpu.memory_space<vmem>> -> memref<120x128xf32, #tpu.memory_space<vmem>>
      %dma_start3A_424 = arith.constant 0 : i32
      %dma_start3A_425 = tpu.memref_slice %arg10[%add3A_15, %dma_start3A_424] : memref<10112x128xf32, #tpu.memory_space<vmem_shared>> -> memref<120x128xf32, #tpu.memory_space<vmem_shared>>
      %dma_start3A_426 = arith.constant 0 : i32
      %dma_start3A_427 = tpu.memref_slice %arg10[%add3A_15, %dma_start3A_426] : memref<10112x128xf32, #tpu.memory_space<vmem_shared>> -> memref<120x128xf32, #tpu.memory_space<vmem_shared>>
      %dma_start3A_428 = arith.constant 0 : i32
      %dma_start3A_429 = arith.constant 0 : i32
      %dma_start3A_430 = tpu.memref_slice %arg8[%dma_start3A_428, %dma_start3A_429] : memref<125x128xf32, #tpu.memory_space<vmem>> -> memref<120x128xf32, #tpu.memory_space<vmem>>
      tpu.enqueue_dma source(%dma_start3A_430 : memref<120x128xf32, #tpu.memory_space<vmem>>) target(%dma_start3A_427 : memref<120x128xf32, #tpu.memory_space<vmem_shared>>) target_semaphore(%run_scoped3A_420 : memref<!tpu.dma_semaphore, #tpu.memory_space<semaphore_mem>>)
      %dma_wait3A_431 = arith.constant 0 : i32
      %dma_wait3A_432 = arith.constant 0 : i32
      %dma_wait3A_433 = tpu.memref_slice %arg8[%dma_wait3A_431, %dma_wait3A_432] : memref<125x128xf32, #tpu.memory_space<vmem>> -> memref<120x128xf32, #tpu.memory_space<vmem>>
      %dma_wait3A_434 = arith.constant 0 : i32
      %dma_wait3A_435 = tpu.memref_slice %arg10[%add3A_15, %dma_wait3A_434] : memref<10112x128xf32, #tpu.memory_space<vmem_shared>> -> memref<120x128xf32, #tpu.memory_space<vmem_shared>>
      %dma_wait3A_436 = arith.constant 0 : i32
      %dma_wait3A_437 = tpu.memref_slice %arg10[%add3A_15, %dma_wait3A_436] : memref<10112x128xf32, #tpu.memory_space<vmem_shared>> -> memref<120x128xf32, #tpu.memory_space<vmem_shared>>
      %dma_wait3A_438 = arith.constant 0 : i32
      %dma_wait3A_439 = arith.constant 0 : i32
      %dma_wait3A_440 = tpu.memref_slice %arg8[%dma_wait3A_438, %dma_wait3A_439] : memref<125x128xf32, #tpu.memory_space<vmem>> -> memref<120x128xf32, #tpu.memory_space<vmem>>
      tpu.wait_dma2 semaphore(%run_scoped3A_420 : memref<!tpu.dma_semaphore, #tpu.memory_space<semaphore_mem>>) src(%dma_wait3A_440 : memref<120x128xf32, #tpu.memory_space<vmem>>) dst(%dma_wait3A_437 : memref<120x128xf32, #tpu.memory_space<vmem_shared>>)
      tpu.yield
    }) : () -> ()
    %add3A_16 = arith.constant 480 : i32
    %add3A_17 = arith.addi %mul3A_7, %add3A_16 : i32
    "tpu.region"() ({
      %run_scoped3A_420 = tpu.sem_alloc : memref<!tpu.dma_semaphore, #tpu.memory_space<semaphore_mem>>
      %dma_start3A_421 = arith.constant 0 : i32
      %dma_start3A_422 = arith.constant 0 : i32
      %dma_start3A_423 = tpu.memref_slice %arg8[%dma_start3A_421, %dma_start3A_422] : memref<125x128xf32, #tpu.memory_space<vmem>> -> memref<120x128xf32, #tpu.memory_space<vmem>>
      %dma_start3A_424 = arith.constant 0 : i32
      %dma_start3A_425 = tpu.memref_slice %arg10[%add3A_17, %dma_start3A_424] : memref<10112x128xf32, #tpu.memory_space<vmem_shared>> -> memref<120x128xf32, #tpu.memory_space<vmem_shared>>
      %dma_start3A_426 = arith.constant 0 : i32
      %dma_start3A_427 = tpu.memref_slice %arg10[%add3A_17, %dma_start3A_426] : memref<10112x128xf32, #tpu.memory_space<vmem_shared>> -> memref<120x128xf32, #tpu.memory_space<vmem_shared>>
      %dma_start3A_428 = arith.constant 0 : i32
      %dma_start3A_429 = arith.constant 0 : i32
      %dma_start3A_430 = tpu.memref_slice %arg8[%dma_start3A_428, %dma_start3A_429] : memref<125x128xf32, #tpu.memory_space<vmem>> -> memref<120x128xf32, #tpu.memory_space<vmem>>
      tpu.enqueue_dma source(%dma_start3A_430 : memref<120x128xf32, #tpu.memory_space<vmem>>) target(%dma_start3A_427 : memref<120x128xf32, #tpu.memory_space<vmem_shared>>) target_semaphore(%run_scoped3A_420 : memref<!tpu.dma_semaphore, #tpu.memory_space<semaphore_mem>>)
      %dma_wait3A_431 = arith.constant 0 : i32
      %dma_wait3A_432 = arith.constant 0 : i32
      %dma_wait3A_433 = tpu.memref_slice %arg8[%dma_wait3A_431, %dma_wait3A_432] : memref<125x128xf32, #tpu.memory_space<vmem>> -> memref<120x128xf32, #tpu.memory_space<vmem>>
      %dma_wait3A_434 = arith.constant 0 : i32
      %dma_wait3A_435 = tpu.memref_slice %arg10[%add3A_17, %dma_wait3A_434] : memref<10112x128xf32, #tpu.memory_space<vmem_shared>> -> memref<120x128xf32, #tpu.memory_space<vmem_shared>>
      %dma_wait3A_436 = arith.constant 0 : i32
      %dma_wait3A_437 = tpu.memref_slice %arg10[%add3A_17, %dma_wait3A_436] : memref<10112x128xf32, #tpu.memory_space<vmem_shared>> -> memref<120x128xf32, #tpu.memory_space<vmem_shared>>
      %dma_wait3A_438 = arith.constant 0 : i32
      %dma_wait3A_439 = arith.constant 0 : i32
      %dma_wait3A_440 = tpu.memref_slice %arg8[%dma_wait3A_438, %dma_wait3A_439] : memref<125x128xf32, #tpu.memory_space<vmem>> -> memref<120x128xf32, #tpu.memory_space<vmem>>
      tpu.wait_dma2 semaphore(%run_scoped3A_420 : memref<!tpu.dma_semaphore, #tpu.memory_space<semaphore_mem>>) src(%dma_wait3A_440 : memref<120x128xf32, #tpu.memory_space<vmem>>) dst(%dma_wait3A_437 : memref<120x128xf32, #tpu.memory_space<vmem_shared>>)
      tpu.yield
    }) : () -> ()
    %add3A_18 = arith.constant 600 : i32
    %add3A_19 = arith.addi %mul3A_7, %add3A_18 : i32
    "tpu.region"() ({
      %run_scoped3A_420 = tpu.sem_alloc : memref<!tpu.dma_semaphore, #tpu.memory_space<semaphore_mem>>
      %dma_start3A_421 = arith.constant 0 : i32
      %dma_start3A_422 = arith.constant 0 : i32
      %dma_start3A_423 = tpu.memref_slice %arg8[%dma_start3A_421, %dma_start3A_422] : memref<125x128xf32, #tpu.memory_space<vmem>> -> memref<32x128xf32, #tpu.memory_space<vmem>>
      %dma_start3A_424 = arith.constant 0 : i32
      %dma_start3A_425 = tpu.memref_slice %arg10[%add3A_19, %dma_start3A_424] : memref<10112x128xf32, #tpu.memory_space<vmem_shared>> -> memref<32x128xf32, #tpu.memory_space<vmem_shared>>
      %dma_start3A_426 = arith.constant 0 : i32
      %dma_start3A_427 = tpu.memref_slice %arg10[%add3A_19, %dma_start3A_426] : memref<10112x128xf32, #tpu.memory_space<vmem_shared>> -> memref<32x128xf32, #tpu.memory_space<vmem_shared>>
      %dma_start3A_428 = arith.constant 0 : i32
      %dma_start3A_429 = arith.constant 0 : i32
      %dma_start3A_430 = tpu.memref_slice %arg8[%dma_start3A_428, %dma_start3A_429] : memref<125x128xf32, #tpu.memory_space<vmem>> -> memref<32x128xf32, #tpu.memory_space<vmem>>
      tpu.enqueue_dma source(%dma_start3A_430 : memref<32x128xf32, #tpu.memory_space<vmem>>) target(%dma_start3A_427 : memref<32x128xf32, #tpu.memory_space<vmem_shared>>) target_semaphore(%run_scoped3A_420 : memref<!tpu.dma_semaphore, #tpu.memory_space<semaphore_mem>>)
      %dma_wait3A_431 = arith.constant 0 : i32
      %dma_wait3A_432 = arith.constant 0 : i32
      %dma_wait3A_433 = tpu.memref_slice %arg8[%dma_wait3A_431, %dma_wait3A_432] : memref<125x128xf32, #tpu.memory_space<vmem>> -> memref<32x128xf32, #tpu.memory_space<vmem>>
      %dma_wait3A_434 = arith.constant 0 : i32
      %dma_wait3A_435 = tpu.memref_slice %arg10[%add3A_19, %dma_wait3A_434] : memref<10112x128xf32, #tpu.memory_space<vmem_shared>> -> memref<32x128xf32, #tpu.memory_space<vmem_shared>>
      %dma_wait3A_436 = arith.constant 0 : i32
      %dma_wait3A_437 = tpu.memref_slice %arg10[%add3A_19, %dma_wait3A_436] : memref<10112x128xf32, #tpu.memory_space<vmem_shared>> -> memref<32x128xf32, #tpu.memory_space<vmem_shared>>
      %dma_wait3A_438 = arith.constant 0 : i32
      %dma_wait3A_439 = arith.constant 0 : i32
      %dma_wait3A_440 = tpu.memref_slice %arg8[%dma_wait3A_438, %dma_wait3A_439] : memref<125x128xf32, #tpu.memory_space<vmem>> -> memref<32x128xf32, #tpu.memory_space<vmem>>
      tpu.wait_dma2 semaphore(%run_scoped3A_420 : memref<!tpu.dma_semaphore, #tpu.memory_space<semaphore_mem>>) src(%dma_wait3A_440 : memref<32x128xf32, #tpu.memory_space<vmem>>) dst(%dma_wait3A_437 : memref<32x128xf32, #tpu.memory_space<vmem_shared>>)
      tpu.yield
    }) : () -> ()
    %barrier3A = arith.constant 0 : index
    tpu.barrier barrier_id(%barrier3A)
    %run_scoped3A = arith.constant 0 : i32
    %run_scoped3A_20 = arith.constant 0 : i32
    "tpu.region"() ({
      %run_scoped3A_420 = tpu.sem_alloc : memref<!tpu.dma_semaphore, #tpu.memory_space<semaphore_mem>>
      %dma_start3A_421 = arith.constant 0 : i32
      %dma_start3A_422 = arith.constant 0 : i32
      %dma_start3A_423 = tpu.memref_slice %arg6[%run_scoped3A_20, %dma_start3A_421, %dma_start3A_422] : memref<2x16x125xi32, #tpu.memory_space<vmem>> -> memref<1x16x125xi32, #tpu.memory_space<vmem>>
      %dma_start3A_424 = tpu.memref_squeeze %dma_start3A_423 : memref<1x16x125xi32, #tpu.memory_space<vmem>> -> memref<16x125xi32, #tpu.memory_space<vmem>>
      %dma_start3A_425 = arith.constant 0 : i32
      %dma_start3A_426 = arith.constant 0 : i32
      %dma_start3A_427 = tpu.memref_slice %arg3[%add3A, %run_scoped3A, %dma_start3A_425, %dma_start3A_426] : memref<32x5x16x125xi32, #tpu.memory_space<hbm>> -> memref<1x1x16x125xi32, #tpu.memory_space<hbm>>
      %dma_start3A_428 = tpu.memref_squeeze %dma_start3A_427 : memref<1x1x16x125xi32, #tpu.memory_space<hbm>> -> memref<16x125xi32, #tpu.memory_space<hbm>>
      %dma_start3A_429 = arith.constant 0 : i32
      %dma_start3A_430 = arith.constant 0 : i32
      %dma_start3A_431 = tpu.memref_slice %arg6[%run_scoped3A_20, %dma_start3A_429, %dma_start3A_430] : memref<2x16x125xi32, #tpu.memory_space<vmem>> -> memref<1x16x125xi32, #tpu.memory_space<vmem>>
      %dma_start3A_432 = tpu.memref_squeeze %dma_start3A_431 : memref<1x16x125xi32, #tpu.memory_space<vmem>> -> memref<16x125xi32, #tpu.memory_space<vmem>>
      %dma_start3A_433 = arith.constant 0 : i32
      %dma_start3A_434 = arith.constant 0 : i32
      %dma_start3A_435 = tpu.memref_slice %arg3[%add3A, %run_scoped3A, %dma_start3A_433, %dma_start3A_434] : memref<32x5x16x125xi32, #tpu.memory_space<hbm>> -> memref<1x1x16x125xi32, #tpu.memory_space<hbm>>
      %dma_start3A_436 = tpu.memref_squeeze %dma_start3A_435 : memref<1x1x16x125xi32, #tpu.memory_space<hbm>> -> memref<16x125xi32, #tpu.memory_space<hbm>>
      tpu.enqueue_dma source(%dma_start3A_436 : memref<16x125xi32, #tpu.memory_space<hbm>>) target(%dma_start3A_432 : memref<16x125xi32, #tpu.memory_space<vmem>>) target_semaphore(%run_scoped3A_420 : memref<!tpu.dma_semaphore, #tpu.memory_space<semaphore_mem>>)
      %dma_wait3A_437 = arith.constant 0 : i32
      %dma_wait3A_438 = arith.constant 0 : i32
      %dma_wait3A_439 = tpu.memref_slice %arg6[%run_scoped3A_20, %dma_wait3A_437, %dma_wait3A_438] : memref<2x16x125xi32, #tpu.memory_space<vmem>> -> memref<1x16x125xi32, #tpu.memory_space<vmem>>
      %dma_wait3A_440 = tpu.memref_squeeze %dma_wait3A_439 : memref<1x16x125xi32, #tpu.memory_space<vmem>> -> memref<16x125xi32, #tpu.memory_space<vmem>>
      %dma_wait3A_441 = arith.constant 0 : i32
      %dma_wait3A_442 = arith.constant 0 : i32
      %dma_wait3A_443 = tpu.memref_slice %arg3[%add3A, %run_scoped3A, %dma_wait3A_441, %dma_wait3A_442] : memref<32x5x16x125xi32, #tpu.memory_space<hbm>> -> memref<1x1x16x125xi32, #tpu.memory_space<hbm>>
      %dma_wait3A_444 = tpu.memref_squeeze %dma_wait3A_443 : memref<1x1x16x125xi32, #tpu.memory_space<hbm>> -> memref<16x125xi32, #tpu.memory_space<hbm>>
      %dma_wait3A_445 = arith.constant 0 : i32
      %dma_wait3A_446 = arith.constant 0 : i32
      %dma_wait3A_447 = tpu.memref_slice %arg6[%run_scoped3A_20, %dma_wait3A_445, %dma_wait3A_446] : memref<2x16x125xi32, #tpu.memory_space<vmem>> -> memref<1x16x125xi32, #tpu.memory_space<vmem>>
      %dma_wait3A_448 = tpu.memref_squeeze %dma_wait3A_447 : memref<1x16x125xi32, #tpu.memory_space<vmem>> -> memref<16x125xi32, #tpu.memory_space<vmem>>
      %dma_wait3A_449 = arith.constant 0 : i32
      %dma_wait3A_450 = arith.constant 0 : i32
      %dma_wait3A_451 = tpu.memref_slice %arg3[%add3A, %run_scoped3A, %dma_wait3A_449, %dma_wait3A_450] : memref<32x5x16x125xi32, #tpu.memory_space<hbm>> -> memref<1x1x16x125xi32, #tpu.memory_space<hbm>>
      %dma_wait3A_452 = tpu.memref_squeeze %dma_wait3A_451 : memref<1x1x16x125xi32, #tpu.memory_space<hbm>> -> memref<16x125xi32, #tpu.memory_space<hbm>>
      tpu.wait_dma2 semaphore(%run_scoped3A_420 : memref<!tpu.dma_semaphore, #tpu.memory_space<semaphore_mem>>) src(%dma_wait3A_452 : memref<16x125xi32, #tpu.memory_space<hbm>>) dst(%dma_wait3A_448 : memref<16x125xi32, #tpu.memory_space<vmem>>)
      tpu.yield
    }) : () -> ()
    %run_scoped3A_21 = arith.constant 0 : i32
    %run_scoped3A_22 = arith.constant 0 : i32
    "tpu.region"() ({
      %run_scoped3A_420 = tpu.sem_alloc : memref<!tpu.dma_semaphore, #tpu.memory_space<semaphore_mem>>
      %dma_start3A_421 = arith.constant 0 : i32
      %dma_start3A_422 = arith.constant 0 : i32
      %dma_start3A_423 = tpu.memref_slice %arg7[%run_scoped3A_22, %dma_start3A_421, %dma_start3A_422] : memref<2x16x125xi32, #tpu.memory_space<vmem>> -> memref<1x16x125xi32, #tpu.memory_space<vmem>>
      %dma_start3A_424 = tpu.memref_squeeze %dma_start3A_423 : memref<1x16x125xi32, #tpu.memory_space<vmem>> -> memref<16x125xi32, #tpu.memory_space<vmem>>
      %dma_start3A_425 = arith.constant 0 : i32
      %dma_start3A_426 = arith.constant 0 : i32
      %dma_start3A_427 = tpu.memref_slice %arg4[%add3A, %run_scoped3A_21, %dma_start3A_425, %dma_start3A_426] : memref<32x5x16x125xi32, #tpu.memory_space<hbm>> -> memref<1x1x16x125xi32, #tpu.memory_space<hbm>>
      %dma_start3A_428 = tpu.memref_squeeze %dma_start3A_427 : memref<1x1x16x125xi32, #tpu.memory_space<hbm>> -> memref<16x125xi32, #tpu.memory_space<hbm>>
      %dma_start3A_429 = arith.constant 0 : i32
      %dma_start3A_430 = arith.constant 0 : i32
      %dma_start3A_431 = tpu.memref_slice %arg7[%run_scoped3A_22, %dma_start3A_429, %dma_start3A_430] : memref<2x16x125xi32, #tpu.memory_space<vmem>> -> memref<1x16x125xi32, #tpu.memory_space<vmem>>
      %dma_start3A_432 = tpu.memref_squeeze %dma_start3A_431 : memref<1x16x125xi32, #tpu.memory_space<vmem>> -> memref<16x125xi32, #tpu.memory_space<vmem>>
      %dma_start3A_433 = arith.constant 0 : i32
      %dma_start3A_434 = arith.constant 0 : i32
      %dma_start3A_435 = tpu.memref_slice %arg4[%add3A, %run_scoped3A_21, %dma_start3A_433, %dma_start3A_434] : memref<32x5x16x125xi32, #tpu.memory_space<hbm>> -> memref<1x1x16x125xi32, #tpu.memory_space<hbm>>
      %dma_start3A_436 = tpu.memref_squeeze %dma_start3A_435 : memref<1x1x16x125xi32, #tpu.memory_space<hbm>> -> memref<16x125xi32, #tpu.memory_space<hbm>>
      tpu.enqueue_dma source(%dma_start3A_436 : memref<16x125xi32, #tpu.memory_space<hbm>>) target(%dma_start3A_432 : memref<16x125xi32, #tpu.memory_space<vmem>>) target_semaphore(%run_scoped3A_420 : memref<!tpu.dma_semaphore, #tpu.memory_space<semaphore_mem>>)
      %dma_wait3A_437 = arith.constant 0 : i32
      %dma_wait3A_438 = arith.constant 0 : i32
      %dma_wait3A_439 = tpu.memref_slice %arg7[%run_scoped3A_22, %dma_wait3A_437, %dma_wait3A_438] : memref<2x16x125xi32, #tpu.memory_space<vmem>> -> memref<1x16x125xi32, #tpu.memory_space<vmem>>
      %dma_wait3A_440 = tpu.memref_squeeze %dma_wait3A_439 : memref<1x16x125xi32, #tpu.memory_space<vmem>> -> memref<16x125xi32, #tpu.memory_space<vmem>>
      %dma_wait3A_441 = arith.constant 0 : i32
      %dma_wait3A_442 = arith.constant 0 : i32
      %dma_wait3A_443 = tpu.memref_slice %arg4[%add3A, %run_scoped3A_21, %dma_wait3A_441, %dma_wait3A_442] : memref<32x5x16x125xi32, #tpu.memory_space<hbm>> -> memref<1x1x16x125xi32, #tpu.memory_space<hbm>>
      %dma_wait3A_444 = tpu.memref_squeeze %dma_wait3A_443 : memref<1x1x16x125xi32, #tpu.memory_space<hbm>> -> memref<16x125xi32, #tpu.memory_space<hbm>>
      %dma_wait3A_445 = arith.constant 0 : i32
      %dma_wait3A_446 = arith.constant 0 : i32
      %dma_wait3A_447 = tpu.memref_slice %arg7[%run_scoped3A_22, %dma_wait3A_445, %dma_wait3A_446] : memref<2x16x125xi32, #tpu.memory_space<vmem>> -> memref<1x16x125xi32, #tpu.memory_space<vmem>>
      %dma_wait3A_448 = tpu.memref_squeeze %dma_wait3A_447 : memref<1x16x125xi32, #tpu.memory_space<vmem>> -> memref<16x125xi32, #tpu.memory_space<vmem>>
      %dma_wait3A_449 = arith.constant 0 : i32
      %dma_wait3A_450 = arith.constant 0 : i32
      %dma_wait3A_451 = tpu.memref_slice %arg4[%add3A, %run_scoped3A_21, %dma_wait3A_449, %dma_wait3A_450] : memref<32x5x16x125xi32, #tpu.memory_space<hbm>> -> memref<1x1x16x125xi32, #tpu.memory_space<hbm>>
      %dma_wait3A_452 = tpu.memref_squeeze %dma_wait3A_451 : memref<1x1x16x125xi32, #tpu.memory_space<hbm>> -> memref<16x125xi32, #tpu.memory_space<hbm>>
      tpu.wait_dma2 semaphore(%run_scoped3A_420 : memref<!tpu.dma_semaphore, #tpu.memory_space<semaphore_mem>>) src(%dma_wait3A_452 : memref<16x125xi32, #tpu.memory_space<hbm>>) dst(%dma_wait3A_448 : memref<16x125xi32, #tpu.memory_space<vmem>>)
      tpu.yield
    }) : () -> ()
    %dma_start3A = arith.constant 1 : i32
    %dma_start3A_23 = arith.constant 1 : i32
    %dma_start3A_24 = arith.constant 0 : i32
    %dma_start3A_25 = arith.constant 0 : i32
    %dma_start3A_26 = tpu.memref_slice %arg6[%dma_start3A_23, %dma_start3A_24, %dma_start3A_25] : memref<2x16x125xi32, #tpu.memory_space<vmem>> -> memref<1x16x125xi32, #tpu.memory_space<vmem>>
    %dma_start3A_27 = tpu.memref_squeeze %dma_start3A_26 : memref<1x16x125xi32, #tpu.memory_space<vmem>> -> memref<16x125xi32, #tpu.memory_space<vmem>>
    %dma_start3A_28 = arith.constant 0 : i32
    %dma_start3A_29 = arith.constant 0 : i32
    %dma_start3A_30 = tpu.memref_slice %arg3[%add3A, %dma_start3A, %dma_start3A_28, %dma_start3A_29] : memref<32x5x16x125xi32, #tpu.memory_space<hbm>> -> memref<1x1x16x125xi32, #tpu.memory_space<hbm>>
    %dma_start3A_31 = tpu.memref_squeeze %dma_start3A_30 : memref<1x1x16x125xi32, #tpu.memory_space<hbm>> -> memref<16x125xi32, #tpu.memory_space<hbm>>
    %dma_start3A_32 = arith.constant 0 : i32
    %dma_start3A_33 = arith.constant 0 : i32
    %dma_start3A_34 = tpu.memref_slice %arg6[%dma_start3A_23, %dma_start3A_32, %dma_start3A_33] : memref<2x16x125xi32, #tpu.memory_space<vmem>> -> memref<1x16x125xi32, #tpu.memory_space<vmem>>
    %dma_start3A_35 = tpu.memref_squeeze %dma_start3A_34 : memref<1x16x125xi32, #tpu.memory_space<vmem>> -> memref<16x125xi32, #tpu.memory_space<vmem>>
    %dma_start3A_36 = arith.constant 0 : i32
    %dma_start3A_37 = arith.constant 0 : i32
    %dma_start3A_38 = tpu.memref_slice %arg3[%add3A, %dma_start3A, %dma_start3A_36, %dma_start3A_37] : memref<32x5x16x125xi32, #tpu.memory_space<hbm>> -> memref<1x1x16x125xi32, #tpu.memory_space<hbm>>
    %dma_start3A_39 = tpu.memref_squeeze %dma_start3A_38 : memref<1x1x16x125xi32, #tpu.memory_space<hbm>> -> memref<16x125xi32, #tpu.memory_space<hbm>>
    tpu.enqueue_dma source(%dma_start3A_39 : memref<16x125xi32, #tpu.memory_space<hbm>>) target(%dma_start3A_35 : memref<16x125xi32, #tpu.memory_space<vmem>>) target_semaphore(%arg13 : memref<!tpu.dma_semaphore, #tpu.memory_space<semaphore_mem>>)
    %dma_start3A_40 = arith.constant 1 : i32
    %dma_start3A_41 = arith.constant 1 : i32
    %dma_start3A_42 = arith.constant 0 : i32
    %dma_start3A_43 = arith.constant 0 : i32
    %dma_start3A_44 = tpu.memref_slice %arg7[%dma_start3A_41, %dma_start3A_42, %dma_start3A_43] : memref<2x16x125xi32, #tpu.memory_space<vmem>> -> memref<1x16x125xi32, #tpu.memory_space<vmem>>
    %dma_start3A_45 = tpu.memref_squeeze %dma_start3A_44 : memref<1x16x125xi32, #tpu.memory_space<vmem>> -> memref<16x125xi32, #tpu.memory_space<vmem>>
    %dma_start3A_46 = arith.constant 0 : i32
    %dma_start3A_47 = arith.constant 0 : i32
    %dma_start3A_48 = tpu.memref_slice %arg4[%add3A, %dma_start3A_40, %dma_start3A_46, %dma_start3A_47] : memref<32x5x16x125xi32, #tpu.memory_space<hbm>> -> memref<1x1x16x125xi32, #tpu.memory_space<hbm>>
    %dma_start3A_49 = tpu.memref_squeeze %dma_start3A_48 : memref<1x1x16x125xi32, #tpu.memory_space<hbm>> -> memref<16x125xi32, #tpu.memory_space<hbm>>
    %dma_start3A_50 = arith.constant 0 : i32
    %dma_start3A_51 = arith.constant 0 : i32
    %dma_start3A_52 = tpu.memref_slice %arg7[%dma_start3A_41, %dma_start3A_50, %dma_start3A_51] : memref<2x16x125xi32, #tpu.memory_space<vmem>> -> memref<1x16x125xi32, #tpu.memory_space<vmem>>
    %dma_start3A_53 = tpu.memref_squeeze %dma_start3A_52 : memref<1x16x125xi32, #tpu.memory_space<vmem>> -> memref<16x125xi32, #tpu.memory_space<vmem>>
    %dma_start3A_54 = arith.constant 0 : i32
    %dma_start3A_55 = arith.constant 0 : i32
    %dma_start3A_56 = tpu.memref_slice %arg4[%add3A, %dma_start3A_40, %dma_start3A_54, %dma_start3A_55] : memref<32x5x16x125xi32, #tpu.memory_space<hbm>> -> memref<1x1x16x125xi32, #tpu.memory_space<hbm>>
    %dma_start3A_57 = tpu.memref_squeeze %dma_start3A_56 : memref<1x1x16x125xi32, #tpu.memory_space<hbm>> -> memref<16x125xi32, #tpu.memory_space<hbm>>
    tpu.enqueue_dma source(%dma_start3A_57 : memref<16x125xi32, #tpu.memory_space<hbm>>) target(%dma_start3A_53 : memref<16x125xi32, #tpu.memory_space<vmem>>) target_semaphore(%arg13 : memref<!tpu.dma_semaphore, #tpu.memory_space<semaphore_mem>>)
    %dma_start3A_58 = arith.constant 1 : i32
    %dma_start3A_59 = arith.constant 1 : i32
    %dma_start3A_60 = arith.constant 0 : i32
    %dma_start3A_61 = arith.constant 0 : i32
    %dma_start3A_62 = tpu.memref_slice %arg6[%dma_start3A_59, %dma_start3A_60, %dma_start3A_61] : memref<2x16x125xi32, #tpu.memory_space<vmem>> -> memref<1x16x125xi32, #tpu.memory_space<vmem>>
    %dma_start3A_63 = tpu.memref_squeeze %dma_start3A_62 : memref<1x16x125xi32, #tpu.memory_space<vmem>> -> memref<16x125xi32, #tpu.memory_space<vmem>>
    %dma_start3A_64 = arith.constant 0 : i32
    %dma_start3A_65 = arith.constant 0 : i32
    %dma_start3A_66 = tpu.memref_slice %arg3[%add3A, %dma_start3A_58, %dma_start3A_64, %dma_start3A_65] : memref<32x5x16x125xi32, #tpu.memory_space<hbm>> -> memref<1x1x16x125xi32, #tpu.memory_space<hbm>>
    %dma_start3A_67 = tpu.memref_squeeze %dma_start3A_66 : memref<1x1x16x125xi32, #tpu.memory_space<hbm>> -> memref<16x125xi32, #tpu.memory_space<hbm>>
    %dma_start3A_68 = arith.constant 0 : i32
    %dma_start3A_69 = arith.constant 0 : i32
    %dma_start3A_70 = tpu.memref_slice %arg6[%dma_start3A_59, %dma_start3A_68, %dma_start3A_69] : memref<2x16x125xi32, #tpu.memory_space<vmem>> -> memref<1x16x125xi32, #tpu.memory_space<vmem>>
    %dma_start3A_71 = tpu.memref_squeeze %dma_start3A_70 : memref<1x16x125xi32, #tpu.memory_space<vmem>> -> memref<16x125xi32, #tpu.memory_space<vmem>>
    %dma_start3A_72 = arith.constant 0 : i32
    %dma_start3A_73 = arith.constant 0 : i32
    %dma_start3A_74 = tpu.memref_slice %arg3[%add3A, %dma_start3A_58, %dma_start3A_72, %dma_start3A_73] : memref<32x5x16x125xi32, #tpu.memory_space<hbm>> -> memref<1x1x16x125xi32, #tpu.memory_space<hbm>>
    %dma_start3A_75 = tpu.memref_squeeze %dma_start3A_74 : memref<1x1x16x125xi32, #tpu.memory_space<hbm>> -> memref<16x125xi32, #tpu.memory_space<hbm>>
    tpu.enqueue_dma source(%dma_start3A_75 : memref<16x125xi32, #tpu.memory_space<hbm>>) target(%dma_start3A_71 : memref<16x125xi32, #tpu.memory_space<vmem>>) target_semaphore(%arg13 : memref<!tpu.dma_semaphore, #tpu.memory_space<semaphore_mem>>)
    %dma_start3A_76 = arith.constant 1 : i32
    %dma_start3A_77 = arith.constant 1 : i32
    %dma_start3A_78 = arith.constant 0 : i32
    %dma_start3A_79 = arith.constant 0 : i32
    %dma_start3A_80 = tpu.memref_slice %arg7[%dma_start3A_77, %dma_start3A_78, %dma_start3A_79] : memref<2x16x125xi32, #tpu.memory_space<vmem>> -> memref<1x16x125xi32, #tpu.memory_space<vmem>>
    %dma_start3A_81 = tpu.memref_squeeze %dma_start3A_80 : memref<1x16x125xi32, #tpu.memory_space<vmem>> -> memref<16x125xi32, #tpu.memory_space<vmem>>
    %dma_start3A_82 = arith.constant 0 : i32
    %dma_start3A_83 = arith.constant 0 : i32
    %dma_start3A_84 = tpu.memref_slice %arg4[%add3A, %dma_start3A_76, %dma_start3A_82, %dma_start3A_83] : memref<32x5x16x125xi32, #tpu.memory_space<hbm>> -> memref<1x1x16x125xi32, #tpu.memory_space<hbm>>
    %dma_start3A_85 = tpu.memref_squeeze %dma_start3A_84 : memref<1x1x16x125xi32, #tpu.memory_space<hbm>> -> memref<16x125xi32, #tpu.memory_space<hbm>>
    %dma_start3A_86 = arith.constant 0 : i32
    %dma_start3A_87 = arith.constant 0 : i32
    %dma_start3A_88 = tpu.memref_slice %arg7[%dma_start3A_77, %dma_start3A_86, %dma_start3A_87] : memref<2x16x125xi32, #tpu.memory_space<vmem>> -> memref<1x16x125xi32, #tpu.memory_space<vmem>>
    %dma_start3A_89 = tpu.memref_squeeze %dma_start3A_88 : memref<1x16x125xi32, #tpu.memory_space<vmem>> -> memref<16x125xi32, #tpu.memory_space<vmem>>
    %dma_start3A_90 = arith.constant 0 : i32
    %dma_start3A_91 = arith.constant 0 : i32
    %dma_start3A_92 = tpu.memref_slice %arg4[%add3A, %dma_start3A_76, %dma_start3A_90, %dma_start3A_91] : memref<32x5x16x125xi32, #tpu.memory_space<hbm>> -> memref<1x1x16x125xi32, #tpu.memory_space<hbm>>
    %dma_start3A_93 = tpu.memref_squeeze %dma_start3A_92 : memref<1x1x16x125xi32, #tpu.memory_space<hbm>> -> memref<16x125xi32, #tpu.memory_space<hbm>>
    tpu.enqueue_dma source(%dma_start3A_93 : memref<16x125xi32, #tpu.memory_space<hbm>>) target(%dma_start3A_89 : memref<16x125xi32, #tpu.memory_space<vmem>>) target_semaphore(%arg13 : memref<!tpu.dma_semaphore, #tpu.memory_space<semaphore_mem>>)
    %dma_start3A_94 = arith.constant 0 : i32
    %dma_start3A_95 = arith.constant 0 : i32
    %dma_start3A_96 = arith.constant 0 : i32
    %dma_start3A_97 = tpu.memref_slice %arg6[%dma_start3A_94, %dma_start3A_95, %dma_start3A_96] : memref<2x16x125xi32, #tpu.memory_space<vmem>> -> memref<1x1x125xi32, #tpu.memory_space<vmem>>
    %dma_start3A_98 = tpu.memref_squeeze %dma_start3A_97 : memref<1x1x125xi32, #tpu.memory_space<vmem>> -> memref<125xi32, #tpu.memory_space<vmem>>
    %dma_start3A_99 = arith.constant 0 : i32
    %dma_start3A_100 = arith.constant 0 : i32
    %dma_start3A_101 = tpu.memref_slice %arg2[%dma_start3A_99, %dma_start3A_100] : memref<10000x128xf32, #tpu.memory_space<hbm>> -> memref<10000x128xf32, #tpu.memory_space<hbm>>
    tpu.enqueue_indirect_dma source(%dma_start3A_101 : memref<10000x128xf32, #tpu.memory_space<hbm>>) target(%arg8 : memref<125x128xf32, #tpu.memory_space<vmem>>) offsets(%dma_start3A_98 : memref<125xi32, #tpu.memory_space<vmem>>) semaphore(%arg11 : memref<!tpu.dma_semaphore, #tpu.memory_space<semaphore_mem>>)
    %scan3A_102 = arith.constant 0 : i32
    %scan3A_103 = arith.constant 0 : i32
    %scan3A_104 = arith.constant 8 : i32
    %scan3A_105 = arith.addi %scan3A_103, %scan3A_104 : i32
    %scan3A_106 = arith.constant 1 : i32
    scf.for %scan3A_420 = %scan3A_103 to %scan3A_105 step %scan3A_106  : i32 {
      %mul3A_421 = arith.constant 2 : i32
      %mul3A_422 = arith.muli %mul3A_421, %scan3A_420 : i32
      %add3A_423 = arith.constant 1 : i32
      %add3A_424 = arith.addi %mul3A_422, %add3A_423 : i32
      %dma_start3A_425 = arith.constant 0 : i32
      %dma_start3A_426 = arith.constant 0 : i32
      %dma_start3A_427 = tpu.memref_slice %arg6[%dma_start3A_425, %add3A_424, %dma_start3A_426] : memref<2x16x125xi32, #tpu.memory_space<vmem>> -> memref<1x1x125xi32, #tpu.memory_space<vmem>>
      %dma_start3A_428 = tpu.memref_squeeze %dma_start3A_427 : memref<1x1x125xi32, #tpu.memory_space<vmem>> -> memref<125xi32, #tpu.memory_space<vmem>>
      %dma_start3A_429 = arith.constant 0 : i32
      %dma_start3A_430 = arith.constant 0 : i32
      %dma_start3A_431 = tpu.memref_slice %arg2[%dma_start3A_429, %dma_start3A_430] : memref<10000x128xf32, #tpu.memory_space<hbm>> -> memref<10000x128xf32, #tpu.memory_space<hbm>>
      tpu.enqueue_indirect_dma source(%dma_start3A_431 : memref<10000x128xf32, #tpu.memory_space<hbm>>) target(%arg9 : memref<125x128xf32, #tpu.memory_space<vmem>>) offsets(%dma_start3A_428 : memref<125xi32, #tpu.memory_space<vmem>>) semaphore(%arg12 : memref<!tpu.dma_semaphore, #tpu.memory_space<semaphore_mem>>)
      %dma_wait3A_432 = arith.constant 0 : i32
      %dma_wait3A_433 = arith.constant 0 : i32
      %dma_wait3A_434 = tpu.memref_slice %arg6[%dma_wait3A_432, %mul3A_422, %dma_wait3A_433] : memref<2x16x125xi32, #tpu.memory_space<vmem>> -> memref<1x1x125xi32, #tpu.memory_space<vmem>>
      %dma_wait3A_435 = tpu.memref_squeeze %dma_wait3A_434 : memref<1x1x125xi32, #tpu.memory_space<vmem>> -> memref<125xi32, #tpu.memory_space<vmem>>
      %dma_wait3A_436 = arith.constant 0 : i32
      %dma_wait3A_437 = arith.constant 0 : i32
      %dma_wait3A_438 = tpu.memref_slice %arg2[%dma_wait3A_436, %dma_wait3A_437] : memref<10000x128xf32, #tpu.memory_space<hbm>> -> memref<10000x128xf32, #tpu.memory_space<hbm>>
      tpu.wait_indirect_dma semaphore(%arg11 : memref<!tpu.dma_semaphore, #tpu.memory_space<semaphore_mem>>) src(%dma_wait3A_438 : memref<10000x128xf32, #tpu.memory_space<hbm>>) dst(%arg8 : memref<125x128xf32, #tpu.memory_space<vmem>>)
      %run_scoped3A_439 = arith.constant 0 : i32
      "tpu.region"() ({
        %run_scoped3A_452 = tpu.sem_alloc : memref<!tpu.dma_semaphore, #tpu.memory_space<semaphore_mem>>
        %dma_start3A_453 = arith.constant 0 : i32
        %dma_start3A_454 = tpu.memref_slice %arg7[%run_scoped3A_439, %mul3A_422, %dma_start3A_453] : memref<2x16x125xi32, #tpu.memory_space<vmem>> -> memref<1x1x125xi32, #tpu.memory_space<vmem>>
        %dma_start3A_455 = tpu.memref_squeeze %dma_start3A_454 : memref<1x1x125xi32, #tpu.memory_space<vmem>> -> memref<125xi32, #tpu.memory_space<vmem>>
        %dma_start3A_456 = arith.constant 0 : i32
        %dma_start3A_457 = arith.constant 0 : i32
        %dma_start3A_458 = tpu.memref_slice %arg10[%dma_start3A_456, %dma_start3A_457] : memref<10112x128xf32, #tpu.memory_space<vmem_shared>> -> memref<10112x128xf32, #tpu.memory_space<vmem_shared>>
        tpu.enqueue_indirect_dma source(%arg8 : memref<125x128xf32, #tpu.memory_space<vmem>>) target(%dma_start3A_458 : memref<10112x128xf32, #tpu.memory_space<vmem_shared>>) offsets(%dma_start3A_455 : memref<125xi32, #tpu.memory_space<vmem>>) semaphore(%run_scoped3A_452 : memref<!tpu.dma_semaphore, #tpu.memory_space<semaphore_mem>>) {add = true}
        %dma_wait3A_459 = arith.constant 0 : i32
        %dma_wait3A_460 = tpu.memref_slice %arg7[%run_scoped3A_439, %mul3A_422, %dma_wait3A_459] : memref<2x16x125xi32, #tpu.memory_space<vmem>> -> memref<1x1x125xi32, #tpu.memory_space<vmem>>
        %dma_wait3A_461 = tpu.memref_squeeze %dma_wait3A_460 : memref<1x1x125xi32, #tpu.memory_space<vmem>> -> memref<125xi32, #tpu.memory_space<vmem>>
        %dma_wait3A_462 = arith.constant 0 : i32
        %dma_wait3A_463 = arith.constant 0 : i32
        %dma_wait3A_464 = tpu.memref_slice %arg10[%dma_wait3A_462, %dma_wait3A_463] : memref<10112x128xf32, #tpu.memory_space<vmem_shared>> -> memref<10112x128xf32, #tpu.memory_space<vmem_shared>>
        tpu.wait_indirect_dma semaphore(%run_scoped3A_452 : memref<!tpu.dma_semaphore, #tpu.memory_space<semaphore_mem>>) src(%arg8 : memref<125x128xf32, #tpu.memory_space<vmem>>) dst(%dma_wait3A_464 : memref<10112x128xf32, #tpu.memory_space<vmem_shared>>)
        tpu.yield
      }) : () -> ()
      %lt3A = arith.constant 7 : i32
      %lt3A_440 = arith.cmpi slt, %scan3A_420, %lt3A : i32
      %convert_element_type3A = arith.extui %lt3A_440 : i1 to i32
      %cond3A = arith.constant 0 : i32
      %cond3A_441 = arith.cmpi ne, %convert_element_type3A, %cond3A : i32
      scf.if %cond3A_441 {
        %add3A_452 = arith.constant 2 : i32
        %add3A_453 = arith.addi %mul3A_422, %add3A_452 : i32
        %dma_start3A_454 = arith.constant 0 : i32
        %dma_start3A_455 = arith.constant 0 : i32
        %dma_start3A_456 = tpu.memref_slice %arg6[%dma_start3A_454, %add3A_453, %dma_start3A_455] : memref<2x16x125xi32, #tpu.memory_space<vmem>> -> memref<1x1x125xi32, #tpu.memory_space<vmem>>
        %dma_start3A_457 = tpu.memref_squeeze %dma_start3A_456 : memref<1x1x125xi32, #tpu.memory_space<vmem>> -> memref<125xi32, #tpu.memory_space<vmem>>
        %dma_start3A_458 = arith.constant 0 : i32
        %dma_start3A_459 = arith.constant 0 : i32
        %dma_start3A_460 = tpu.memref_slice %arg2[%dma_start3A_458, %dma_start3A_459] : memref<10000x128xf32, #tpu.memory_space<hbm>> -> memref<10000x128xf32, #tpu.memory_space<hbm>>
        tpu.enqueue_indirect_dma source(%dma_start3A_460 : memref<10000x128xf32, #tpu.memory_space<hbm>>) target(%arg8 : memref<125x128xf32, #tpu.memory_space<vmem>>) offsets(%dma_start3A_457 : memref<125xi32, #tpu.memory_space<vmem>>) semaphore(%arg11 : memref<!tpu.dma_semaphore, #tpu.memory_space<semaphore_mem>>)
      } else {
      }
      %dma_wait3A_442 = arith.constant 0 : i32
      %dma_wait3A_443 = arith.constant 0 : i32
      %dma_wait3A_444 = tpu.memref_slice %arg6[%dma_wait3A_442, %mul3A_422, %dma_wait3A_443] : memref<2x16x125xi32, #tpu.memory_space<vmem>> -> memref<1x1x125xi32, #tpu.memory_space<vmem>>
      %dma_wait3A_445 = tpu.memref_squeeze %dma_wait3A_444 : memref<1x1x125xi32, #tpu.memory_space<vmem>> -> memref<125xi32, #tpu.memory_space<vmem>>
      %dma_wait3A_446 = arith.constant 0 : i32
      %dma_wait3A_447 = arith.constant 0 : i32
      %dma_wait3A_448 = tpu.memref_slice %arg2[%dma_wait3A_446, %dma_wait3A_447] : memref<10000x128xf32, #tpu.memory_space<hbm>> -> memref<10000x128xf32, #tpu.memory_space<hbm>>
      tpu.wait_indirect_dma semaphore(%arg12 : memref<!tpu.dma_semaphore, #tpu.memory_space<semaphore_mem>>) src(%dma_wait3A_448 : memref<10000x128xf32, #tpu.memory_space<hbm>>) dst(%arg9 : memref<125x128xf32, #tpu.memory_space<vmem>>)
      %add3A_449 = arith.constant 1 : i32
      %add3A_450 = arith.addi %mul3A_422, %add3A_449 : i32
      %run_scoped3A_451 = arith.constant 0 : i32
      "tpu.region"() ({
        %run_scoped3A_452 = tpu.sem_alloc : memref<!tpu.dma_semaphore, #tpu.memory_space<semaphore_mem>>
        %dma_start3A_453 = arith.constant 0 : i32
        %dma_start3A_454 = tpu.memref_slice %arg7[%run_scoped3A_451, %add3A_450, %dma_start3A_453] : memref<2x16x125xi32, #tpu.memory_space<vmem>> -> memref<1x1x125xi32, #tpu.memory_space<vmem>>
        %dma_start3A_455 = tpu.memref_squeeze %dma_start3A_454 : memref<1x1x125xi32, #tpu.memory_space<vmem>> -> memref<125xi32, #tpu.memory_space<vmem>>
        %dma_start3A_456 = arith.constant 0 : i32
        %dma_start3A_457 = arith.constant 0 : i32
        %dma_start3A_458 = tpu.memref_slice %arg10[%dma_start3A_456, %dma_start3A_457] : memref<10112x128xf32, #tpu.memory_space<vmem_shared>> -> memref<10112x128xf32, #tpu.memory_space<vmem_shared>>
        tpu.enqueue_indirect_dma source(%arg9 : memref<125x128xf32, #tpu.memory_space<vmem>>) target(%dma_start3A_458 : memref<10112x128xf32, #tpu.memory_space<vmem_shared>>) offsets(%dma_start3A_455 : memref<125xi32, #tpu.memory_space<vmem>>) semaphore(%run_scoped3A_452 : memref<!tpu.dma_semaphore, #tpu.memory_space<semaphore_mem>>) {add = true}
        %dma_wait3A_459 = arith.constant 0 : i32
        %dma_wait3A_460 = tpu.memref_slice %arg7[%run_scoped3A_451, %add3A_450, %dma_wait3A_459] : memref<2x16x125xi32, #tpu.memory_space<vmem>> -> memref<1x1x125xi32, #tpu.memory_space<vmem>>
        %dma_wait3A_461 = tpu.memref_squeeze %dma_wait3A_460 : memref<1x1x125xi32, #tpu.memory_space<vmem>> -> memref<125xi32, #tpu.memory_space<vmem>>
        %dma_wait3A_462 = arith.constant 0 : i32
        %dma_wait3A_463 = arith.constant 0 : i32
        %dma_wait3A_464 = tpu.memref_slice %arg10[%dma_wait3A_462, %dma_wait3A_463] : memref<10112x128xf32, #tpu.memory_space<vmem_shared>> -> memref<10112x128xf32, #tpu.memory_space<vmem_shared>>
        tpu.wait_indirect_dma semaphore(%run_scoped3A_452 : memref<!tpu.dma_semaphore, #tpu.memory_space<semaphore_mem>>) src(%arg9 : memref<125x128xf32, #tpu.memory_space<vmem>>) dst(%dma_wait3A_464 : memref<10112x128xf32, #tpu.memory_space<vmem_shared>>)
        tpu.yield
      }) : () -> ()
    }
    %scan3A_107 = arith.constant 8 : i32
    %dma_wait3A = arith.constant 1 : i32
    %dma_wait3A_108 = arith.constant 1 : i32
    %dma_wait3A_109 = arith.constant 0 : i32
    %dma_wait3A_110 = arith.constant 0 : i32
    %dma_wait3A_111 = tpu.memref_slice %arg6[%dma_wait3A_108, %dma_wait3A_109, %dma_wait3A_110] : memref<2x16x125xi32, #tpu.memory_space<vmem>> -> memref<1x16x125xi32, #tpu.memory_space<vmem>>
    %dma_wait3A_112 = tpu.memref_squeeze %dma_wait3A_111 : memref<1x16x125xi32, #tpu.memory_space<vmem>> -> memref<16x125xi32, #tpu.memory_space<vmem>>
    %dma_wait3A_113 = arith.constant 0 : i32
    %dma_wait3A_114 = arith.constant 0 : i32
    %dma_wait3A_115 = tpu.memref_slice %arg3[%add3A, %dma_wait3A, %dma_wait3A_113, %dma_wait3A_114] : memref<32x5x16x125xi32, #tpu.memory_space<hbm>> -> memref<1x1x16x125xi32, #tpu.memory_space<hbm>>
    %dma_wait3A_116 = tpu.memref_squeeze %dma_wait3A_115 : memref<1x1x16x125xi32, #tpu.memory_space<hbm>> -> memref<16x125xi32, #tpu.memory_space<hbm>>
    %dma_wait3A_117 = arith.constant 0 : i32
    %dma_wait3A_118 = arith.constant 0 : i32
    %dma_wait3A_119 = tpu.memref_slice %arg6[%dma_wait3A_108, %dma_wait3A_117, %dma_wait3A_118] : memref<2x16x125xi32, #tpu.memory_space<vmem>> -> memref<1x16x125xi32, #tpu.memory_space<vmem>>
    %dma_wait3A_120 = tpu.memref_squeeze %dma_wait3A_119 : memref<1x16x125xi32, #tpu.memory_space<vmem>> -> memref<16x125xi32, #tpu.memory_space<vmem>>
    %dma_wait3A_121 = arith.constant 0 : i32
    %dma_wait3A_122 = arith.constant 0 : i32
    %dma_wait3A_123 = tpu.memref_slice %arg3[%add3A, %dma_wait3A, %dma_wait3A_121, %dma_wait3A_122] : memref<32x5x16x125xi32, #tpu.memory_space<hbm>> -> memref<1x1x16x125xi32, #tpu.memory_space<hbm>>
    %dma_wait3A_124 = tpu.memref_squeeze %dma_wait3A_123 : memref<1x1x16x125xi32, #tpu.memory_space<hbm>> -> memref<16x125xi32, #tpu.memory_space<hbm>>
    tpu.wait_dma2 semaphore(%arg13 : memref<!tpu.dma_semaphore, #tpu.memory_space<semaphore_mem>>) src(%dma_wait3A_124 : memref<16x125xi32, #tpu.memory_space<hbm>>) dst(%dma_wait3A_120 : memref<16x125xi32, #tpu.memory_space<vmem>>)
    %dma_wait3A_125 = arith.constant 1 : i32
    %dma_wait3A_126 = arith.constant 1 : i32
    %dma_wait3A_127 = arith.constant 0 : i32
    %dma_wait3A_128 = arith.constant 0 : i32
    %dma_wait3A_129 = tpu.memref_slice %arg7[%dma_wait3A_126, %dma_wait3A_127, %dma_wait3A_128] : memref<2x16x125xi32, #tpu.memory_space<vmem>> -> memref<1x16x125xi32, #tpu.memory_space<vmem>>
    %dma_wait3A_130 = tpu.memref_squeeze %dma_wait3A_129 : memref<1x16x125xi32, #tpu.memory_space<vmem>> -> memref<16x125xi32, #tpu.memory_space<vmem>>
    %dma_wait3A_131 = arith.constant 0 : i32
    %dma_wait3A_132 = arith.constant 0 : i32
    %dma_wait3A_133 = tpu.memref_slice %arg4[%add3A, %dma_wait3A_125, %dma_wait3A_131, %dma_wait3A_132] : memref<32x5x16x125xi32, #tpu.memory_space<hbm>> -> memref<1x1x16x125xi32, #tpu.memory_space<hbm>>
    %dma_wait3A_134 = tpu.memref_squeeze %dma_wait3A_133 : memref<1x1x16x125xi32, #tpu.memory_space<hbm>> -> memref<16x125xi32, #tpu.memory_space<hbm>>
    %dma_wait3A_135 = arith.constant 0 : i32
    %dma_wait3A_136 = arith.constant 0 : i32
    %dma_wait3A_137 = tpu.memref_slice %arg7[%dma_wait3A_126, %dma_wait3A_135, %dma_wait3A_136] : memref<2x16x125xi32, #tpu.memory_space<vmem>> -> memref<1x16x125xi32, #tpu.memory_space<vmem>>
    %dma_wait3A_138 = tpu.memref_squeeze %dma_wait3A_137 : memref<1x16x125xi32, #tpu.memory_space<vmem>> -> memref<16x125xi32, #tpu.memory_space<vmem>>
    %dma_wait3A_139 = arith.constant 0 : i32
    %dma_wait3A_140 = arith.constant 0 : i32
    %dma_wait3A_141 = tpu.memref_slice %arg4[%add3A, %dma_wait3A_125, %dma_wait3A_139, %dma_wait3A_140] : memref<32x5x16x125xi32, #tpu.memory_space<hbm>> -> memref<1x1x16x125xi32, #tpu.memory_space<hbm>>
    %dma_wait3A_142 = tpu.memref_squeeze %dma_wait3A_141 : memref<1x1x16x125xi32, #tpu.memory_space<hbm>> -> memref<16x125xi32, #tpu.memory_space<hbm>>
    tpu.wait_dma2 semaphore(%arg13 : memref<!tpu.dma_semaphore, #tpu.memory_space<semaphore_mem>>) src(%dma_wait3A_142 : memref<16x125xi32, #tpu.memory_space<hbm>>) dst(%dma_wait3A_138 : memref<16x125xi32, #tpu.memory_space<vmem>>)
    %dma_start3A_143 = arith.constant 2 : i32
    %dma_start3A_144 = arith.constant 0 : i32
    %dma_start3A_145 = arith.constant 0 : i32
    %dma_start3A_146 = arith.constant 0 : i32
    %dma_start3A_147 = tpu.memref_slice %arg6[%dma_start3A_144, %dma_start3A_145, %dma_start3A_146] : memref<2x16x125xi32, #tpu.memory_space<vmem>> -> memref<1x16x125xi32, #tpu.memory_space<vmem>>
    %dma_start3A_148 = tpu.memref_squeeze %dma_start3A_147 : memref<1x16x125xi32, #tpu.memory_space<vmem>> -> memref<16x125xi32, #tpu.memory_space<vmem>>
    %dma_start3A_149 = arith.constant 0 : i32
    %dma_start3A_150 = arith.constant 0 : i32
    %dma_start3A_151 = tpu.memref_slice %arg3[%add3A, %dma_start3A_143, %dma_start3A_149, %dma_start3A_150] : memref<32x5x16x125xi32, #tpu.memory_space<hbm>> -> memref<1x1x16x125xi32, #tpu.memory_space<hbm>>
    %dma_start3A_152 = tpu.memref_squeeze %dma_start3A_151 : memref<1x1x16x125xi32, #tpu.memory_space<hbm>> -> memref<16x125xi32, #tpu.memory_space<hbm>>
    %dma_start3A_153 = arith.constant 0 : i32
    %dma_start3A_154 = arith.constant 0 : i32
    %dma_start3A_155 = tpu.memref_slice %arg6[%dma_start3A_144, %dma_start3A_153, %dma_start3A_154] : memref<2x16x125xi32, #tpu.memory_space<vmem>> -> memref<1x16x125xi32, #tpu.memory_space<vmem>>
    %dma_start3A_156 = tpu.memref_squeeze %dma_start3A_155 : memref<1x16x125xi32, #tpu.memory_space<vmem>> -> memref<16x125xi32, #tpu.memory_space<vmem>>
    %dma_start3A_157 = arith.constant 0 : i32
    %dma_start3A_158 = arith.constant 0 : i32
    %dma_start3A_159 = tpu.memref_slice %arg3[%add3A, %dma_start3A_143, %dma_start3A_157, %dma_start3A_158] : memref<32x5x16x125xi32, #tpu.memory_space<hbm>> -> memref<1x1x16x125xi32, #tpu.memory_space<hbm>>
    %dma_start3A_160 = tpu.memref_squeeze %dma_start3A_159 : memref<1x1x16x125xi32, #tpu.memory_space<hbm>> -> memref<16x125xi32, #tpu.memory_space<hbm>>
    tpu.enqueue_dma source(%dma_start3A_160 : memref<16x125xi32, #tpu.memory_space<hbm>>) target(%dma_start3A_156 : memref<16x125xi32, #tpu.memory_space<vmem>>) target_semaphore(%arg13 : memref<!tpu.dma_semaphore, #tpu.memory_space<semaphore_mem>>)
    %dma_start3A_161 = arith.constant 2 : i32
    %dma_start3A_162 = arith.constant 0 : i32
    %dma_start3A_163 = arith.constant 0 : i32
    %dma_start3A_164 = arith.constant 0 : i32
    %dma_start3A_165 = tpu.memref_slice %arg7[%dma_start3A_162, %dma_start3A_163, %dma_start3A_164] : memref<2x16x125xi32, #tpu.memory_space<vmem>> -> memref<1x16x125xi32, #tpu.memory_space<vmem>>
    %dma_start3A_166 = tpu.memref_squeeze %dma_start3A_165 : memref<1x16x125xi32, #tpu.memory_space<vmem>> -> memref<16x125xi32, #tpu.memory_space<vmem>>
    %dma_start3A_167 = arith.constant 0 : i32
    %dma_start3A_168 = arith.constant 0 : i32
    %dma_start3A_169 = tpu.memref_slice %arg4[%add3A, %dma_start3A_161, %dma_start3A_167, %dma_start3A_168] : memref<32x5x16x125xi32, #tpu.memory_space<hbm>> -> memref<1x1x16x125xi32, #tpu.memory_space<hbm>>
    %dma_start3A_170 = tpu.memref_squeeze %dma_start3A_169 : memref<1x1x16x125xi32, #tpu.memory_space<hbm>> -> memref<16x125xi32, #tpu.memory_space<hbm>>
    %dma_start3A_171 = arith.constant 0 : i32
    %dma_start3A_172 = arith.constant 0 : i32
    %dma_start3A_173 = tpu.memref_slice %arg7[%dma_start3A_162, %dma_start3A_171, %dma_start3A_172] : memref<2x16x125xi32, #tpu.memory_space<vmem>> -> memref<1x16x125xi32, #tpu.memory_space<vmem>>
    %dma_start3A_174 = tpu.memref_squeeze %dma_start3A_173 : memref<1x16x125xi32, #tpu.memory_space<vmem>> -> memref<16x125xi32, #tpu.memory_space<vmem>>
    %dma_start3A_175 = arith.constant 0 : i32
    %dma_start3A_176 = arith.constant 0 : i32
    %dma_start3A_177 = tpu.memref_slice %arg4[%add3A, %dma_start3A_161, %dma_start3A_175, %dma_start3A_176] : memref<32x5x16x125xi32, #tpu.memory_space<hbm>> -> memref<1x1x16x125xi32, #tpu.memory_space<hbm>>
    %dma_start3A_178 = tpu.memref_squeeze %dma_start3A_177 : memref<1x1x16x125xi32, #tpu.memory_space<hbm>> -> memref<16x125xi32, #tpu.memory_space<hbm>>
    tpu.enqueue_dma source(%dma_start3A_178 : memref<16x125xi32, #tpu.memory_space<hbm>>) target(%dma_start3A_174 : memref<16x125xi32, #tpu.memory_space<vmem>>) target_semaphore(%arg13 : memref<!tpu.dma_semaphore, #tpu.memory_space<semaphore_mem>>)
    %dma_start3A_179 = arith.constant 1 : i32
    %dma_start3A_180 = arith.constant 0 : i32
    %dma_start3A_181 = arith.constant 0 : i32
    %dma_start3A_182 = tpu.memref_slice %arg6[%dma_start3A_179, %dma_start3A_180, %dma_start3A_181] : memref<2x16x125xi32, #tpu.memory_space<vmem>> -> memref<1x1x125xi32, #tpu.memory_space<vmem>>
    %dma_start3A_183 = tpu.memref_squeeze %dma_start3A_182 : memref<1x1x125xi32, #tpu.memory_space<vmem>> -> memref<125xi32, #tpu.memory_space<vmem>>
    %dma_start3A_184 = arith.constant 0 : i32
    %dma_start3A_185 = arith.constant 0 : i32
    %dma_start3A_186 = tpu.memref_slice %arg2[%dma_start3A_184, %dma_start3A_185] : memref<10000x128xf32, #tpu.memory_space<hbm>> -> memref<10000x128xf32, #tpu.memory_space<hbm>>
    tpu.enqueue_indirect_dma source(%dma_start3A_186 : memref<10000x128xf32, #tpu.memory_space<hbm>>) target(%arg8 : memref<125x128xf32, #tpu.memory_space<vmem>>) offsets(%dma_start3A_183 : memref<125xi32, #tpu.memory_space<vmem>>) semaphore(%arg11 : memref<!tpu.dma_semaphore, #tpu.memory_space<semaphore_mem>>)
    %scan3A_187 = arith.constant 0 : i32
    %scan3A_188 = arith.constant 0 : i32
    %scan3A_189 = arith.constant 8 : i32
    %scan3A_190 = arith.addi %scan3A_188, %scan3A_189 : i32
    %scan3A_191 = arith.constant 1 : i32
    scf.for %scan3A_420 = %scan3A_188 to %scan3A_190 step %scan3A_191  : i32 {
      %mul3A_421 = arith.constant 2 : i32
      %mul3A_422 = arith.muli %mul3A_421, %scan3A_420 : i32
      %add3A_423 = arith.constant 1 : i32
      %add3A_424 = arith.addi %mul3A_422, %add3A_423 : i32
      %dma_start3A_425 = arith.constant 1 : i32
      %dma_start3A_426 = arith.constant 0 : i32
      %dma_start3A_427 = tpu.memref_slice %arg6[%dma_start3A_425, %add3A_424, %dma_start3A_426] : memref<2x16x125xi32, #tpu.memory_space<vmem>> -> memref<1x1x125xi32, #tpu.memory_space<vmem>>
      %dma_start3A_428 = tpu.memref_squeeze %dma_start3A_427 : memref<1x1x125xi32, #tpu.memory_space<vmem>> -> memref<125xi32, #tpu.memory_space<vmem>>
      %dma_start3A_429 = arith.constant 0 : i32
      %dma_start3A_430 = arith.constant 0 : i32
      %dma_start3A_431 = tpu.memref_slice %arg2[%dma_start3A_429, %dma_start3A_430] : memref<10000x128xf32, #tpu.memory_space<hbm>> -> memref<10000x128xf32, #tpu.memory_space<hbm>>
      tpu.enqueue_indirect_dma source(%dma_start3A_431 : memref<10000x128xf32, #tpu.memory_space<hbm>>) target(%arg9 : memref<125x128xf32, #tpu.memory_space<vmem>>) offsets(%dma_start3A_428 : memref<125xi32, #tpu.memory_space<vmem>>) semaphore(%arg12 : memref<!tpu.dma_semaphore, #tpu.memory_space<semaphore_mem>>)
      %dma_wait3A_432 = arith.constant 1 : i32
      %dma_wait3A_433 = arith.constant 0 : i32
      %dma_wait3A_434 = tpu.memref_slice %arg6[%dma_wait3A_432, %mul3A_422, %dma_wait3A_433] : memref<2x16x125xi32, #tpu.memory_space<vmem>> -> memref<1x1x125xi32, #tpu.memory_space<vmem>>
      %dma_wait3A_435 = tpu.memref_squeeze %dma_wait3A_434 : memref<1x1x125xi32, #tpu.memory_space<vmem>> -> memref<125xi32, #tpu.memory_space<vmem>>
      %dma_wait3A_436 = arith.constant 0 : i32
      %dma_wait3A_437 = arith.constant 0 : i32
      %dma_wait3A_438 = tpu.memref_slice %arg2[%dma_wait3A_436, %dma_wait3A_437] : memref<10000x128xf32, #tpu.memory_space<hbm>> -> memref<10000x128xf32, #tpu.memory_space<hbm>>
      tpu.wait_indirect_dma semaphore(%arg11 : memref<!tpu.dma_semaphore, #tpu.memory_space<semaphore_mem>>) src(%dma_wait3A_438 : memref<10000x128xf32, #tpu.memory_space<hbm>>) dst(%arg8 : memref<125x128xf32, #tpu.memory_space<vmem>>)
      %run_scoped3A_439 = arith.constant 1 : i32
      "tpu.region"() ({
        %run_scoped3A_452 = tpu.sem_alloc : memref<!tpu.dma_semaphore, #tpu.memory_space<semaphore_mem>>
        %dma_start3A_453 = arith.constant 0 : i32
        %dma_start3A_454 = tpu.memref_slice %arg7[%run_scoped3A_439, %mul3A_422, %dma_start3A_453] : memref<2x16x125xi32, #tpu.memory_space<vmem>> -> memref<1x1x125xi32, #tpu.memory_space<vmem>>
        %dma_start3A_455 = tpu.memref_squeeze %dma_start3A_454 : memref<1x1x125xi32, #tpu.memory_space<vmem>> -> memref<125xi32, #tpu.memory_space<vmem>>
        %dma_start3A_456 = arith.constant 0 : i32
        %dma_start3A_457 = arith.constant 0 : i32
        %dma_start3A_458 = tpu.memref_slice %arg10[%dma_start3A_456, %dma_start3A_457] : memref<10112x128xf32, #tpu.memory_space<vmem_shared>> -> memref<10112x128xf32, #tpu.memory_space<vmem_shared>>
        tpu.enqueue_indirect_dma source(%arg8 : memref<125x128xf32, #tpu.memory_space<vmem>>) target(%dma_start3A_458 : memref<10112x128xf32, #tpu.memory_space<vmem_shared>>) offsets(%dma_start3A_455 : memref<125xi32, #tpu.memory_space<vmem>>) semaphore(%run_scoped3A_452 : memref<!tpu.dma_semaphore, #tpu.memory_space<semaphore_mem>>) {add = true}
        %dma_wait3A_459 = arith.constant 0 : i32
        %dma_wait3A_460 = tpu.memref_slice %arg7[%run_scoped3A_439, %mul3A_422, %dma_wait3A_459] : memref<2x16x125xi32, #tpu.memory_space<vmem>> -> memref<1x1x125xi32, #tpu.memory_space<vmem>>
        %dma_wait3A_461 = tpu.memref_squeeze %dma_wait3A_460 : memref<1x1x125xi32, #tpu.memory_space<vmem>> -> memref<125xi32, #tpu.memory_space<vmem>>
        %dma_wait3A_462 = arith.constant 0 : i32
        %dma_wait3A_463 = arith.constant 0 : i32
        %dma_wait3A_464 = tpu.memref_slice %arg10[%dma_wait3A_462, %dma_wait3A_463] : memref<10112x128xf32, #tpu.memory_space<vmem_shared>> -> memref<10112x128xf32, #tpu.memory_space<vmem_shared>>
        tpu.wait_indirect_dma semaphore(%run_scoped3A_452 : memref<!tpu.dma_semaphore, #tpu.memory_space<semaphore_mem>>) src(%arg8 : memref<125x128xf32, #tpu.memory_space<vmem>>) dst(%dma_wait3A_464 : memref<10112x128xf32, #tpu.memory_space<vmem_shared>>)
        tpu.yield
      }) : () -> ()
      %lt3A = arith.constant 7 : i32
      %lt3A_440 = arith.cmpi slt, %scan3A_420, %lt3A : i32
      %convert_element_type3A = arith.extui %lt3A_440 : i1 to i32
      %cond3A = arith.constant 0 : i32
      %cond3A_441 = arith.cmpi ne, %convert_element_type3A, %cond3A : i32
      scf.if %cond3A_441 {
        %add3A_452 = arith.constant 2 : i32
        %add3A_453 = arith.addi %mul3A_422, %add3A_452 : i32
        %dma_start3A_454 = arith.constant 1 : i32
        %dma_start3A_455 = arith.constant 0 : i32
        %dma_start3A_456 = tpu.memref_slice %arg6[%dma_start3A_454, %add3A_453, %dma_start3A_455] : memref<2x16x125xi32, #tpu.memory_space<vmem>> -> memref<1x1x125xi32, #tpu.memory_space<vmem>>
        %dma_start3A_457 = tpu.memref_squeeze %dma_start3A_456 : memref<1x1x125xi32, #tpu.memory_space<vmem>> -> memref<125xi32, #tpu.memory_space<vmem>>
        %dma_start3A_458 = arith.constant 0 : i32
        %dma_start3A_459 = arith.constant 0 : i32
        %dma_start3A_460 = tpu.memref_slice %arg2[%dma_start3A_458, %dma_start3A_459] : memref<10000x128xf32, #tpu.memory_space<hbm>> -> memref<10000x128xf32, #tpu.memory_space<hbm>>
        tpu.enqueue_indirect_dma source(%dma_start3A_460 : memref<10000x128xf32, #tpu.memory_space<hbm>>) target(%arg8 : memref<125x128xf32, #tpu.memory_space<vmem>>) offsets(%dma_start3A_457 : memref<125xi32, #tpu.memory_space<vmem>>) semaphore(%arg11 : memref<!tpu.dma_semaphore, #tpu.memory_space<semaphore_mem>>)
      } else {
      }
      %dma_wait3A_442 = arith.constant 1 : i32
      %dma_wait3A_443 = arith.constant 0 : i32
      %dma_wait3A_444 = tpu.memref_slice %arg6[%dma_wait3A_442, %mul3A_422, %dma_wait3A_443] : memref<2x16x125xi32, #tpu.memory_space<vmem>> -> memref<1x1x125xi32, #tpu.memory_space<vmem>>
      %dma_wait3A_445 = tpu.memref_squeeze %dma_wait3A_444 : memref<1x1x125xi32, #tpu.memory_space<vmem>> -> memref<125xi32, #tpu.memory_space<vmem>>
      %dma_wait3A_446 = arith.constant 0 : i32
      %dma_wait3A_447 = arith.constant 0 : i32
      %dma_wait3A_448 = tpu.memref_slice %arg2[%dma_wait3A_446, %dma_wait3A_447] : memref<10000x128xf32, #tpu.memory_space<hbm>> -> memref<10000x128xf32, #tpu.memory_space<hbm>>
      tpu.wait_indirect_dma semaphore(%arg12 : memref<!tpu.dma_semaphore, #tpu.memory_space<semaphore_mem>>) src(%dma_wait3A_448 : memref<10000x128xf32, #tpu.memory_space<hbm>>) dst(%arg9 : memref<125x128xf32, #tpu.memory_space<vmem>>)
      %add3A_449 = arith.constant 1 : i32
      %add3A_450 = arith.addi %mul3A_422, %add3A_449 : i32
      %run_scoped3A_451 = arith.constant 1 : i32
      "tpu.region"() ({
        %run_scoped3A_452 = tpu.sem_alloc : memref<!tpu.dma_semaphore, #tpu.memory_space<semaphore_mem>>
        %dma_start3A_453 = arith.constant 0 : i32
        %dma_start3A_454 = tpu.memref_slice %arg7[%run_scoped3A_451, %add3A_450, %dma_start3A_453] : memref<2x16x125xi32, #tpu.memory_space<vmem>> -> memref<1x1x125xi32, #tpu.memory_space<vmem>>
        %dma_start3A_455 = tpu.memref_squeeze %dma_start3A_454 : memref<1x1x125xi32, #tpu.memory_space<vmem>> -> memref<125xi32, #tpu.memory_space<vmem>>
        %dma_start3A_456 = arith.constant 0 : i32
        %dma_start3A_457 = arith.constant 0 : i32
        %dma_start3A_458 = tpu.memref_slice %arg10[%dma_start3A_456, %dma_start3A_457] : memref<10112x128xf32, #tpu.memory_space<vmem_shared>> -> memref<10112x128xf32, #tpu.memory_space<vmem_shared>>
        tpu.enqueue_indirect_dma source(%arg9 : memref<125x128xf32, #tpu.memory_space<vmem>>) target(%dma_start3A_458 : memref<10112x128xf32, #tpu.memory_space<vmem_shared>>) offsets(%dma_start3A_455 : memref<125xi32, #tpu.memory_space<vmem>>) semaphore(%run_scoped3A_452 : memref<!tpu.dma_semaphore, #tpu.memory_space<semaphore_mem>>) {add = true}
        %dma_wait3A_459 = arith.constant 0 : i32
        %dma_wait3A_460 = tpu.memref_slice %arg7[%run_scoped3A_451, %add3A_450, %dma_wait3A_459] : memref<2x16x125xi32, #tpu.memory_space<vmem>> -> memref<1x1x125xi32, #tpu.memory_space<vmem>>
        %dma_wait3A_461 = tpu.memref_squeeze %dma_wait3A_460 : memref<1x1x125xi32, #tpu.memory_space<vmem>> -> memref<125xi32, #tpu.memory_space<vmem>>
        %dma_wait3A_462 = arith.constant 0 : i32
        %dma_wait3A_463 = arith.constant 0 : i32
        %dma_wait3A_464 = tpu.memref_slice %arg10[%dma_wait3A_462, %dma_wait3A_463] : memref<10112x128xf32, #tpu.memory_space<vmem_shared>> -> memref<10112x128xf32, #tpu.memory_space<vmem_shared>>
        tpu.wait_indirect_dma semaphore(%run_scoped3A_452 : memref<!tpu.dma_semaphore, #tpu.memory_space<semaphore_mem>>) src(%arg9 : memref<125x128xf32, #tpu.memory_space<vmem>>) dst(%dma_wait3A_464 : memref<10112x128xf32, #tpu.memory_space<vmem_shared>>)
        tpu.yield
      }) : () -> ()
    }
    %scan3A_192 = arith.constant 8 : i32
    %dma_wait3A_193 = arith.constant 2 : i32
    %dma_wait3A_194 = arith.constant 0 : i32
    %dma_wait3A_195 = arith.constant 0 : i32
    %dma_wait3A_196 = arith.constant 0 : i32
    %dma_wait3A_197 = tpu.memref_slice %arg6[%dma_wait3A_194, %dma_wait3A_195, %dma_wait3A_196] : memref<2x16x125xi32, #tpu.memory_space<vmem>> -> memref<1x16x125xi32, #tpu.memory_space<vmem>>
    %dma_wait3A_198 = tpu.memref_squeeze %dma_wait3A_197 : memref<1x16x125xi32, #tpu.memory_space<vmem>> -> memref<16x125xi32, #tpu.memory_space<vmem>>
    %dma_wait3A_199 = arith.constant 0 : i32
    %dma_wait3A_200 = arith.constant 0 : i32
    %dma_wait3A_201 = tpu.memref_slice %arg3[%add3A, %dma_wait3A_193, %dma_wait3A_199, %dma_wait3A_200] : memref<32x5x16x125xi32, #tpu.memory_space<hbm>> -> memref<1x1x16x125xi32, #tpu.memory_space<hbm>>
    %dma_wait3A_202 = tpu.memref_squeeze %dma_wait3A_201 : memref<1x1x16x125xi32, #tpu.memory_space<hbm>> -> memref<16x125xi32, #tpu.memory_space<hbm>>
    %dma_wait3A_203 = arith.constant 0 : i32
    %dma_wait3A_204 = arith.constant 0 : i32
    %dma_wait3A_205 = tpu.memref_slice %arg6[%dma_wait3A_194, %dma_wait3A_203, %dma_wait3A_204] : memref<2x16x125xi32, #tpu.memory_space<vmem>> -> memref<1x16x125xi32, #tpu.memory_space<vmem>>
    %dma_wait3A_206 = tpu.memref_squeeze %dma_wait3A_205 : memref<1x16x125xi32, #tpu.memory_space<vmem>> -> memref<16x125xi32, #tpu.memory_space<vmem>>
    %dma_wait3A_207 = arith.constant 0 : i32
    %dma_wait3A_208 = arith.constant 0 : i32
    %dma_wait3A_209 = tpu.memref_slice %arg3[%add3A, %dma_wait3A_193, %dma_wait3A_207, %dma_wait3A_208] : memref<32x5x16x125xi32, #tpu.memory_space<hbm>> -> memref<1x1x16x125xi32, #tpu.memory_space<hbm>>
    %dma_wait3A_210 = tpu.memref_squeeze %dma_wait3A_209 : memref<1x1x16x125xi32, #tpu.memory_space<hbm>> -> memref<16x125xi32, #tpu.memory_space<hbm>>
    tpu.wait_dma2 semaphore(%arg13 : memref<!tpu.dma_semaphore, #tpu.memory_space<semaphore_mem>>) src(%dma_wait3A_210 : memref<16x125xi32, #tpu.memory_space<hbm>>) dst(%dma_wait3A_206 : memref<16x125xi32, #tpu.memory_space<vmem>>)
    %dma_wait3A_211 = arith.constant 2 : i32
    %dma_wait3A_212 = arith.constant 0 : i32
    %dma_wait3A_213 = arith.constant 0 : i32
    %dma_wait3A_214 = arith.constant 0 : i32
    %dma_wait3A_215 = tpu.memref_slice %arg7[%dma_wait3A_212, %dma_wait3A_213, %dma_wait3A_214] : memref<2x16x125xi32, #tpu.memory_space<vmem>> -> memref<1x16x125xi32, #tpu.memory_space<vmem>>
    %dma_wait3A_216 = tpu.memref_squeeze %dma_wait3A_215 : memref<1x16x125xi32, #tpu.memory_space<vmem>> -> memref<16x125xi32, #tpu.memory_space<vmem>>
    %dma_wait3A_217 = arith.constant 0 : i32
    %dma_wait3A_218 = arith.constant 0 : i32
    %dma_wait3A_219 = tpu.memref_slice %arg4[%add3A, %dma_wait3A_211, %dma_wait3A_217, %dma_wait3A_218] : memref<32x5x16x125xi32, #tpu.memory_space<hbm>> -> memref<1x1x16x125xi32, #tpu.memory_space<hbm>>
    %dma_wait3A_220 = tpu.memref_squeeze %dma_wait3A_219 : memref<1x1x16x125xi32, #tpu.memory_space<hbm>> -> memref<16x125xi32, #tpu.memory_space<hbm>>
    %dma_wait3A_221 = arith.constant 0 : i32
    %dma_wait3A_222 = arith.constant 0 : i32
    %dma_wait3A_223 = tpu.memref_slice %arg7[%dma_wait3A_212, %dma_wait3A_221, %dma_wait3A_222] : memref<2x16x125xi32, #tpu.memory_space<vmem>> -> memref<1x16x125xi32, #tpu.memory_space<vmem>>
    %dma_wait3A_224 = tpu.memref_squeeze %dma_wait3A_223 : memref<1x16x125xi32, #tpu.memory_space<vmem>> -> memref<16x125xi32, #tpu.memory_space<vmem>>
    %dma_wait3A_225 = arith.constant 0 : i32
    %dma_wait3A_226 = arith.constant 0 : i32
    %dma_wait3A_227 = tpu.memref_slice %arg4[%add3A, %dma_wait3A_211, %dma_wait3A_225, %dma_wait3A_226] : memref<32x5x16x125xi32, #tpu.memory_space<hbm>> -> memref<1x1x16x125xi32, #tpu.memory_space<hbm>>
    %dma_wait3A_228 = tpu.memref_squeeze %dma_wait3A_227 : memref<1x1x16x125xi32, #tpu.memory_space<hbm>> -> memref<16x125xi32, #tpu.memory_space<hbm>>
    tpu.wait_dma2 semaphore(%arg13 : memref<!tpu.dma_semaphore, #tpu.memory_space<semaphore_mem>>) src(%dma_wait3A_228 : memref<16x125xi32, #tpu.memory_space<hbm>>) dst(%dma_wait3A_224 : memref<16x125xi32, #tpu.memory_space<vmem>>)
    %dma_start3A_229 = arith.constant 3 : i32
    %dma_start3A_230 = arith.constant 1 : i32
    %dma_start3A_231 = arith.constant 0 : i32
    %dma_start3A_232 = arith.constant 0 : i32
    %dma_start3A_233 = tpu.memref_slice %arg6[%dma_start3A_230, %dma_start3A_231, %dma_start3A_232] : memref<2x16x125xi32, #tpu.memory_space<vmem>> -> memref<1x16x125xi32, #tpu.memory_space<vmem>>
    %dma_start3A_234 = tpu.memref_squeeze %dma_start3A_233 : memref<1x16x125xi32, #tpu.memory_space<vmem>> -> memref<16x125xi32, #tpu.memory_space<vmem>>
    %dma_start3A_235 = arith.constant 0 : i32
    %dma_start3A_236 = arith.constant 0 : i32
    %dma_start3A_237 = tpu.memref_slice %arg3[%add3A, %dma_start3A_229, %dma_start3A_235, %dma_start3A_236] : memref<32x5x16x125xi32, #tpu.memory_space<hbm>> -> memref<1x1x16x125xi32, #tpu.memory_space<hbm>>
    %dma_start3A_238 = tpu.memref_squeeze %dma_start3A_237 : memref<1x1x16x125xi32, #tpu.memory_space<hbm>> -> memref<16x125xi32, #tpu.memory_space<hbm>>
    %dma_start3A_239 = arith.constant 0 : i32
    %dma_start3A_240 = arith.constant 0 : i32
    %dma_start3A_241 = tpu.memref_slice %arg6[%dma_start3A_230, %dma_start3A_239, %dma_start3A_240] : memref<2x16x125xi32, #tpu.memory_space<vmem>> -> memref<1x16x125xi32, #tpu.memory_space<vmem>>
    %dma_start3A_242 = tpu.memref_squeeze %dma_start3A_241 : memref<1x16x125xi32, #tpu.memory_space<vmem>> -> memref<16x125xi32, #tpu.memory_space<vmem>>
    %dma_start3A_243 = arith.constant 0 : i32
    %dma_start3A_244 = arith.constant 0 : i32
    %dma_start3A_245 = tpu.memref_slice %arg3[%add3A, %dma_start3A_229, %dma_start3A_243, %dma_start3A_244] : memref<32x5x16x125xi32, #tpu.memory_space<hbm>> -> memref<1x1x16x125xi32, #tpu.memory_space<hbm>>
    %dma_start3A_246 = tpu.memref_squeeze %dma_start3A_245 : memref<1x1x16x125xi32, #tpu.memory_space<hbm>> -> memref<16x125xi32, #tpu.memory_space<hbm>>
    tpu.enqueue_dma source(%dma_start3A_246 : memref<16x125xi32, #tpu.memory_space<hbm>>) target(%dma_start3A_242 : memref<16x125xi32, #tpu.memory_space<vmem>>) target_semaphore(%arg13 : memref<!tpu.dma_semaphore, #tpu.memory_space<semaphore_mem>>)
    %dma_start3A_247 = arith.constant 3 : i32
    %dma_start3A_248 = arith.constant 1 : i32
    %dma_start3A_249 = arith.constant 0 : i32
    %dma_start3A_250 = arith.constant 0 : i32
    %dma_start3A_251 = tpu.memref_slice %arg7[%dma_start3A_248, %dma_start3A_249, %dma_start3A_250] : memref<2x16x125xi32, #tpu.memory_space<vmem>> -> memref<1x16x125xi32, #tpu.memory_space<vmem>>
    %dma_start3A_252 = tpu.memref_squeeze %dma_start3A_251 : memref<1x16x125xi32, #tpu.memory_space<vmem>> -> memref<16x125xi32, #tpu.memory_space<vmem>>
    %dma_start3A_253 = arith.constant 0 : i32
    %dma_start3A_254 = arith.constant 0 : i32
    %dma_start3A_255 = tpu.memref_slice %arg4[%add3A, %dma_start3A_247, %dma_start3A_253, %dma_start3A_254] : memref<32x5x16x125xi32, #tpu.memory_space<hbm>> -> memref<1x1x16x125xi32, #tpu.memory_space<hbm>>
    %dma_start3A_256 = tpu.memref_squeeze %dma_start3A_255 : memref<1x1x16x125xi32, #tpu.memory_space<hbm>> -> memref<16x125xi32, #tpu.memory_space<hbm>>
    %dma_start3A_257 = arith.constant 0 : i32
    %dma_start3A_258 = arith.constant 0 : i32
    %dma_start3A_259 = tpu.memref_slice %arg7[%dma_start3A_248, %dma_start3A_257, %dma_start3A_258] : memref<2x16x125xi32, #tpu.memory_space<vmem>> -> memref<1x16x125xi32, #tpu.memory_space<vmem>>
    %dma_start3A_260 = tpu.memref_squeeze %dma_start3A_259 : memref<1x16x125xi32, #tpu.memory_space<vmem>> -> memref<16x125xi32, #tpu.memory_space<vmem>>
    %dma_start3A_261 = arith.constant 0 : i32
    %dma_start3A_262 = arith.constant 0 : i32
    %dma_start3A_263 = tpu.memref_slice %arg4[%add3A, %dma_start3A_247, %dma_start3A_261, %dma_start3A_262] : memref<32x5x16x125xi32, #tpu.memory_space<hbm>> -> memref<1x1x16x125xi32, #tpu.memory_space<hbm>>
    %dma_start3A_264 = tpu.memref_squeeze %dma_start3A_263 : memref<1x1x16x125xi32, #tpu.memory_space<hbm>> -> memref<16x125xi32, #tpu.memory_space<hbm>>
    tpu.enqueue_dma source(%dma_start3A_264 : memref<16x125xi32, #tpu.memory_space<hbm>>) target(%dma_start3A_260 : memref<16x125xi32, #tpu.memory_space<vmem>>) target_semaphore(%arg13 : memref<!tpu.dma_semaphore, #tpu.memory_space<semaphore_mem>>)
    %dma_start3A_265 = arith.constant 0 : i32
    %dma_start3A_266 = arith.constant 0 : i32
    %dma_start3A_267 = arith.constant 0 : i32
    %dma_start3A_268 = tpu.memref_slice %arg6[%dma_start3A_265, %dma_start3A_266, %dma_start3A_267] : memref<2x16x125xi32, #tpu.memory_space<vmem>> -> memref<1x1x125xi32, #tpu.memory_space<vmem>>
    %dma_start3A_269 = tpu.memref_squeeze %dma_start3A_268 : memref<1x1x125xi32, #tpu.memory_space<vmem>> -> memref<125xi32, #tpu.memory_space<vmem>>
    %dma_start3A_270 = arith.constant 0 : i32
    %dma_start3A_271 = arith.constant 0 : i32
    %dma_start3A_272 = tpu.memref_slice %arg2[%dma_start3A_270, %dma_start3A_271] : memref<10000x128xf32, #tpu.memory_space<hbm>> -> memref<10000x128xf32, #tpu.memory_space<hbm>>
    tpu.enqueue_indirect_dma source(%dma_start3A_272 : memref<10000x128xf32, #tpu.memory_space<hbm>>) target(%arg8 : memref<125x128xf32, #tpu.memory_space<vmem>>) offsets(%dma_start3A_269 : memref<125xi32, #tpu.memory_space<vmem>>) semaphore(%arg11 : memref<!tpu.dma_semaphore, #tpu.memory_space<semaphore_mem>>)
    %scan3A_273 = arith.constant 0 : i32
    %scan3A_274 = arith.constant 0 : i32
    %scan3A_275 = arith.constant 8 : i32
    %scan3A_276 = arith.addi %scan3A_274, %scan3A_275 : i32
    %scan3A_277 = arith.constant 1 : i32
    scf.for %scan3A_420 = %scan3A_274 to %scan3A_276 step %scan3A_277  : i32 {
      %mul3A_421 = arith.constant 2 : i32
      %mul3A_422 = arith.muli %mul3A_421, %scan3A_420 : i32
      %add3A_423 = arith.constant 1 : i32
      %add3A_424 = arith.addi %mul3A_422, %add3A_423 : i32
      %dma_start3A_425 = arith.constant 0 : i32
      %dma_start3A_426 = arith.constant 0 : i32
      %dma_start3A_427 = tpu.memref_slice %arg6[%dma_start3A_425, %add3A_424, %dma_start3A_426] : memref<2x16x125xi32, #tpu.memory_space<vmem>> -> memref<1x1x125xi32, #tpu.memory_space<vmem>>
      %dma_start3A_428 = tpu.memref_squeeze %dma_start3A_427 : memref<1x1x125xi32, #tpu.memory_space<vmem>> -> memref<125xi32, #tpu.memory_space<vmem>>
      %dma_start3A_429 = arith.constant 0 : i32
      %dma_start3A_430 = arith.constant 0 : i32
      %dma_start3A_431 = tpu.memref_slice %arg2[%dma_start3A_429, %dma_start3A_430] : memref<10000x128xf32, #tpu.memory_space<hbm>> -> memref<10000x128xf32, #tpu.memory_space<hbm>>
      tpu.enqueue_indirect_dma source(%dma_start3A_431 : memref<10000x128xf32, #tpu.memory_space<hbm>>) target(%arg9 : memref<125x128xf32, #tpu.memory_space<vmem>>) offsets(%dma_start3A_428 : memref<125xi32, #tpu.memory_space<vmem>>) semaphore(%arg12 : memref<!tpu.dma_semaphore, #tpu.memory_space<semaphore_mem>>)
      %dma_wait3A_432 = arith.constant 0 : i32
      %dma_wait3A_433 = arith.constant 0 : i32
      %dma_wait3A_434 = tpu.memref_slice %arg6[%dma_wait3A_432, %mul3A_422, %dma_wait3A_433] : memref<2x16x125xi32, #tpu.memory_space<vmem>> -> memref<1x1x125xi32, #tpu.memory_space<vmem>>
      %dma_wait3A_435 = tpu.memref_squeeze %dma_wait3A_434 : memref<1x1x125xi32, #tpu.memory_space<vmem>> -> memref<125xi32, #tpu.memory_space<vmem>>
      %dma_wait3A_436 = arith.constant 0 : i32
      %dma_wait3A_437 = arith.constant 0 : i32
      %dma_wait3A_438 = tpu.memref_slice %arg2[%dma_wait3A_436, %dma_wait3A_437] : memref<10000x128xf32, #tpu.memory_space<hbm>> -> memref<10000x128xf32, #tpu.memory_space<hbm>>
      tpu.wait_indirect_dma semaphore(%arg11 : memref<!tpu.dma_semaphore, #tpu.memory_space<semaphore_mem>>) src(%dma_wait3A_438 : memref<10000x128xf32, #tpu.memory_space<hbm>>) dst(%arg8 : memref<125x128xf32, #tpu.memory_space<vmem>>)
      %run_scoped3A_439 = arith.constant 0 : i32
      "tpu.region"() ({
        %run_scoped3A_452 = tpu.sem_alloc : memref<!tpu.dma_semaphore, #tpu.memory_space<semaphore_mem>>
        %dma_start3A_453 = arith.constant 0 : i32
        %dma_start3A_454 = tpu.memref_slice %arg7[%run_scoped3A_439, %mul3A_422, %dma_start3A_453] : memref<2x16x125xi32, #tpu.memory_space<vmem>> -> memref<1x1x125xi32, #tpu.memory_space<vmem>>
        %dma_start3A_455 = tpu.memref_squeeze %dma_start3A_454 : memref<1x1x125xi32, #tpu.memory_space<vmem>> -> memref<125xi32, #tpu.memory_space<vmem>>
        %dma_start3A_456 = arith.constant 0 : i32
        %dma_start3A_457 = arith.constant 0 : i32
        %dma_start3A_458 = tpu.memref_slice %arg10[%dma_start3A_456, %dma_start3A_457] : memref<10112x128xf32, #tpu.memory_space<vmem_shared>> -> memref<10112x128xf32, #tpu.memory_space<vmem_shared>>
        tpu.enqueue_indirect_dma source(%arg8 : memref<125x128xf32, #tpu.memory_space<vmem>>) target(%dma_start3A_458 : memref<10112x128xf32, #tpu.memory_space<vmem_shared>>) offsets(%dma_start3A_455 : memref<125xi32, #tpu.memory_space<vmem>>) semaphore(%run_scoped3A_452 : memref<!tpu.dma_semaphore, #tpu.memory_space<semaphore_mem>>) {add = true}
        %dma_wait3A_459 = arith.constant 0 : i32
        %dma_wait3A_460 = tpu.memref_slice %arg7[%run_scoped3A_439, %mul3A_422, %dma_wait3A_459] : memref<2x16x125xi32, #tpu.memory_space<vmem>> -> memref<1x1x125xi32, #tpu.memory_space<vmem>>
        %dma_wait3A_461 = tpu.memref_squeeze %dma_wait3A_460 : memref<1x1x125xi32, #tpu.memory_space<vmem>> -> memref<125xi32, #tpu.memory_space<vmem>>
        %dma_wait3A_462 = arith.constant 0 : i32
        %dma_wait3A_463 = arith.constant 0 : i32
        %dma_wait3A_464 = tpu.memref_slice %arg10[%dma_wait3A_462, %dma_wait3A_463] : memref<10112x128xf32, #tpu.memory_space<vmem_shared>> -> memref<10112x128xf32, #tpu.memory_space<vmem_shared>>
        tpu.wait_indirect_dma semaphore(%run_scoped3A_452 : memref<!tpu.dma_semaphore, #tpu.memory_space<semaphore_mem>>) src(%arg8 : memref<125x128xf32, #tpu.memory_space<vmem>>) dst(%dma_wait3A_464 : memref<10112x128xf32, #tpu.memory_space<vmem_shared>>)
        tpu.yield
      }) : () -> ()
      %lt3A = arith.constant 7 : i32
      %lt3A_440 = arith.cmpi slt, %scan3A_420, %lt3A : i32
      %convert_element_type3A = arith.extui %lt3A_440 : i1 to i32
      %cond3A = arith.constant 0 : i32
      %cond3A_441 = arith.cmpi ne, %convert_element_type3A, %cond3A : i32
      scf.if %cond3A_441 {
        %add3A_452 = arith.constant 2 : i32
        %add3A_453 = arith.addi %mul3A_422, %add3A_452 : i32
        %dma_start3A_454 = arith.constant 0 : i32
        %dma_start3A_455 = arith.constant 0 : i32
        %dma_start3A_456 = tpu.memref_slice %arg6[%dma_start3A_454, %add3A_453, %dma_start3A_455] : memref<2x16x125xi32, #tpu.memory_space<vmem>> -> memref<1x1x125xi32, #tpu.memory_space<vmem>>
        %dma_start3A_457 = tpu.memref_squeeze %dma_start3A_456 : memref<1x1x125xi32, #tpu.memory_space<vmem>> -> memref<125xi32, #tpu.memory_space<vmem>>
        %dma_start3A_458 = arith.constant 0 : i32
        %dma_start3A_459 = arith.constant 0 : i32
        %dma_start3A_460 = tpu.memref_slice %arg2[%dma_start3A_458, %dma_start3A_459] : memref<10000x128xf32, #tpu.memory_space<hbm>> -> memref<10000x128xf32, #tpu.memory_space<hbm>>
        tpu.enqueue_indirect_dma source(%dma_start3A_460 : memref<10000x128xf32, #tpu.memory_space<hbm>>) target(%arg8 : memref<125x128xf32, #tpu.memory_space<vmem>>) offsets(%dma_start3A_457 : memref<125xi32, #tpu.memory_space<vmem>>) semaphore(%arg11 : memref<!tpu.dma_semaphore, #tpu.memory_space<semaphore_mem>>)
      } else {
      }
      %dma_wait3A_442 = arith.constant 0 : i32
      %dma_wait3A_443 = arith.constant 0 : i32
      %dma_wait3A_444 = tpu.memref_slice %arg6[%dma_wait3A_442, %mul3A_422, %dma_wait3A_443] : memref<2x16x125xi32, #tpu.memory_space<vmem>> -> memref<1x1x125xi32, #tpu.memory_space<vmem>>
      %dma_wait3A_445 = tpu.memref_squeeze %dma_wait3A_444 : memref<1x1x125xi32, #tpu.memory_space<vmem>> -> memref<125xi32, #tpu.memory_space<vmem>>
      %dma_wait3A_446 = arith.constant 0 : i32
      %dma_wait3A_447 = arith.constant 0 : i32
      %dma_wait3A_448 = tpu.memref_slice %arg2[%dma_wait3A_446, %dma_wait3A_447] : memref<10000x128xf32, #tpu.memory_space<hbm>> -> memref<10000x128xf32, #tpu.memory_space<hbm>>
      tpu.wait_indirect_dma semaphore(%arg12 : memref<!tpu.dma_semaphore, #tpu.memory_space<semaphore_mem>>) src(%dma_wait3A_448 : memref<10000x128xf32, #tpu.memory_space<hbm>>) dst(%arg9 : memref<125x128xf32, #tpu.memory_space<vmem>>)
      %add3A_449 = arith.constant 1 : i32
      %add3A_450 = arith.addi %mul3A_422, %add3A_449 : i32
      %run_scoped3A_451 = arith.constant 0 : i32
      "tpu.region"() ({
        %run_scoped3A_452 = tpu.sem_alloc : memref<!tpu.dma_semaphore, #tpu.memory_space<semaphore_mem>>
        %dma_start3A_453 = arith.constant 0 : i32
        %dma_start3A_454 = tpu.memref_slice %arg7[%run_scoped3A_451, %add3A_450, %dma_start3A_453] : memref<2x16x125xi32, #tpu.memory_space<vmem>> -> memref<1x1x125xi32, #tpu.memory_space<vmem>>
        %dma_start3A_455 = tpu.memref_squeeze %dma_start3A_454 : memref<1x1x125xi32, #tpu.memory_space<vmem>> -> memref<125xi32, #tpu.memory_space<vmem>>
        %dma_start3A_456 = arith.constant 0 : i32
        %dma_start3A_457 = arith.constant 0 : i32
        %dma_start3A_458 = tpu.memref_slice %arg10[%dma_start3A_456, %dma_start3A_457] : memref<10112x128xf32, #tpu.memory_space<vmem_shared>> -> memref<10112x128xf32, #tpu.memory_space<vmem_shared>>
        tpu.enqueue_indirect_dma source(%arg9 : memref<125x128xf32, #tpu.memory_space<vmem>>) target(%dma_start3A_458 : memref<10112x128xf32, #tpu.memory_space<vmem_shared>>) offsets(%dma_start3A_455 : memref<125xi32, #tpu.memory_space<vmem>>) semaphore(%run_scoped3A_452 : memref<!tpu.dma_semaphore, #tpu.memory_space<semaphore_mem>>) {add = true}
        %dma_wait3A_459 = arith.constant 0 : i32
        %dma_wait3A_460 = tpu.memref_slice %arg7[%run_scoped3A_451, %add3A_450, %dma_wait3A_459] : memref<2x16x125xi32, #tpu.memory_space<vmem>> -> memref<1x1x125xi32, #tpu.memory_space<vmem>>
        %dma_wait3A_461 = tpu.memref_squeeze %dma_wait3A_460 : memref<1x1x125xi32, #tpu.memory_space<vmem>> -> memref<125xi32, #tpu.memory_space<vmem>>
        %dma_wait3A_462 = arith.constant 0 : i32
        %dma_wait3A_463 = arith.constant 0 : i32
        %dma_wait3A_464 = tpu.memref_slice %arg10[%dma_wait3A_462, %dma_wait3A_463] : memref<10112x128xf32, #tpu.memory_space<vmem_shared>> -> memref<10112x128xf32, #tpu.memory_space<vmem_shared>>
        tpu.wait_indirect_dma semaphore(%run_scoped3A_452 : memref<!tpu.dma_semaphore, #tpu.memory_space<semaphore_mem>>) src(%arg9 : memref<125x128xf32, #tpu.memory_space<vmem>>) dst(%dma_wait3A_464 : memref<10112x128xf32, #tpu.memory_space<vmem_shared>>)
        tpu.yield
      }) : () -> ()
    }
    %scan3A_278 = arith.constant 8 : i32
    %dma_wait3A_279 = arith.constant 3 : i32
    %dma_wait3A_280 = arith.constant 1 : i32
    %dma_wait3A_281 = arith.constant 0 : i32
    %dma_wait3A_282 = arith.constant 0 : i32
    %dma_wait3A_283 = tpu.memref_slice %arg6[%dma_wait3A_280, %dma_wait3A_281, %dma_wait3A_282] : memref<2x16x125xi32, #tpu.memory_space<vmem>> -> memref<1x16x125xi32, #tpu.memory_space<vmem>>
    %dma_wait3A_284 = tpu.memref_squeeze %dma_wait3A_283 : memref<1x16x125xi32, #tpu.memory_space<vmem>> -> memref<16x125xi32, #tpu.memory_space<vmem>>
    %dma_wait3A_285 = arith.constant 0 : i32
    %dma_wait3A_286 = arith.constant 0 : i32
    %dma_wait3A_287 = tpu.memref_slice %arg3[%add3A, %dma_wait3A_279, %dma_wait3A_285, %dma_wait3A_286] : memref<32x5x16x125xi32, #tpu.memory_space<hbm>> -> memref<1x1x16x125xi32, #tpu.memory_space<hbm>>
    %dma_wait3A_288 = tpu.memref_squeeze %dma_wait3A_287 : memref<1x1x16x125xi32, #tpu.memory_space<hbm>> -> memref<16x125xi32, #tpu.memory_space<hbm>>
    %dma_wait3A_289 = arith.constant 0 : i32
    %dma_wait3A_290 = arith.constant 0 : i32
    %dma_wait3A_291 = tpu.memref_slice %arg6[%dma_wait3A_280, %dma_wait3A_289, %dma_wait3A_290] : memref<2x16x125xi32, #tpu.memory_space<vmem>> -> memref<1x16x125xi32, #tpu.memory_space<vmem>>
    %dma_wait3A_292 = tpu.memref_squeeze %dma_wait3A_291 : memref<1x16x125xi32, #tpu.memory_space<vmem>> -> memref<16x125xi32, #tpu.memory_space<vmem>>
    %dma_wait3A_293 = arith.constant 0 : i32
    %dma_wait3A_294 = arith.constant 0 : i32
    %dma_wait3A_295 = tpu.memref_slice %arg3[%add3A, %dma_wait3A_279, %dma_wait3A_293, %dma_wait3A_294] : memref<32x5x16x125xi32, #tpu.memory_space<hbm>> -> memref<1x1x16x125xi32, #tpu.memory_space<hbm>>
    %dma_wait3A_296 = tpu.memref_squeeze %dma_wait3A_295 : memref<1x1x16x125xi32, #tpu.memory_space<hbm>> -> memref<16x125xi32, #tpu.memory_space<hbm>>
    tpu.wait_dma2 semaphore(%arg13 : memref<!tpu.dma_semaphore, #tpu.memory_space<semaphore_mem>>) src(%dma_wait3A_296 : memref<16x125xi32, #tpu.memory_space<hbm>>) dst(%dma_wait3A_292 : memref<16x125xi32, #tpu.memory_space<vmem>>)
    %dma_wait3A_297 = arith.constant 3 : i32
    %dma_wait3A_298 = arith.constant 1 : i32
    %dma_wait3A_299 = arith.constant 0 : i32
    %dma_wait3A_300 = arith.constant 0 : i32
    %dma_wait3A_301 = tpu.memref_slice %arg7[%dma_wait3A_298, %dma_wait3A_299, %dma_wait3A_300] : memref<2x16x125xi32, #tpu.memory_space<vmem>> -> memref<1x16x125xi32, #tpu.memory_space<vmem>>
    %dma_wait3A_302 = tpu.memref_squeeze %dma_wait3A_301 : memref<1x16x125xi32, #tpu.memory_space<vmem>> -> memref<16x125xi32, #tpu.memory_space<vmem>>
    %dma_wait3A_303 = arith.constant 0 : i32
    %dma_wait3A_304 = arith.constant 0 : i32
    %dma_wait3A_305 = tpu.memref_slice %arg4[%add3A, %dma_wait3A_297, %dma_wait3A_303, %dma_wait3A_304] : memref<32x5x16x125xi32, #tpu.memory_space<hbm>> -> memref<1x1x16x125xi32, #tpu.memory_space<hbm>>
    %dma_wait3A_306 = tpu.memref_squeeze %dma_wait3A_305 : memref<1x1x16x125xi32, #tpu.memory_space<hbm>> -> memref<16x125xi32, #tpu.memory_space<hbm>>
    %dma_wait3A_307 = arith.constant 0 : i32
    %dma_wait3A_308 = arith.constant 0 : i32
    %dma_wait3A_309 = tpu.memref_slice %arg7[%dma_wait3A_298, %dma_wait3A_307, %dma_wait3A_308] : memref<2x16x125xi32, #tpu.memory_space<vmem>> -> memref<1x16x125xi32, #tpu.memory_space<vmem>>
    %dma_wait3A_310 = tpu.memref_squeeze %dma_wait3A_309 : memref<1x16x125xi32, #tpu.memory_space<vmem>> -> memref<16x125xi32, #tpu.memory_space<vmem>>
    %dma_wait3A_311 = arith.constant 0 : i32
    %dma_wait3A_312 = arith.constant 0 : i32
    %dma_wait3A_313 = tpu.memref_slice %arg4[%add3A, %dma_wait3A_297, %dma_wait3A_311, %dma_wait3A_312] : memref<32x5x16x125xi32, #tpu.memory_space<hbm>> -> memref<1x1x16x125xi32, #tpu.memory_space<hbm>>
    %dma_wait3A_314 = tpu.memref_squeeze %dma_wait3A_313 : memref<1x1x16x125xi32, #tpu.memory_space<hbm>> -> memref<16x125xi32, #tpu.memory_space<hbm>>
    tpu.wait_dma2 semaphore(%arg13 : memref<!tpu.dma_semaphore, #tpu.memory_space<semaphore_mem>>) src(%dma_wait3A_314 : memref<16x125xi32, #tpu.memory_space<hbm>>) dst(%dma_wait3A_310 : memref<16x125xi32, #tpu.memory_space<vmem>>)
    %dma_start3A_315 = arith.constant 4 : i32
    %dma_start3A_316 = arith.constant 0 : i32
    %dma_start3A_317 = arith.constant 0 : i32
    %dma_start3A_318 = arith.constant 0 : i32
    %dma_start3A_319 = tpu.memref_slice %arg6[%dma_start3A_316, %dma_start3A_317, %dma_start3A_318] : memref<2x16x125xi32, #tpu.memory_space<vmem>> -> memref<1x16x125xi32, #tpu.memory_space<vmem>>
    %dma_start3A_320 = tpu.memref_squeeze %dma_start3A_319 : memref<1x16x125xi32, #tpu.memory_space<vmem>> -> memref<16x125xi32, #tpu.memory_space<vmem>>
    %dma_start3A_321 = arith.constant 0 : i32
    %dma_start3A_322 = arith.constant 0 : i32
    %dma_start3A_323 = tpu.memref_slice %arg3[%add3A, %dma_start3A_315, %dma_start3A_321, %dma_start3A_322] : memref<32x5x16x125xi32, #tpu.memory_space<hbm>> -> memref<1x1x16x125xi32, #tpu.memory_space<hbm>>
    %dma_start3A_324 = tpu.memref_squeeze %dma_start3A_323 : memref<1x1x16x125xi32, #tpu.memory_space<hbm>> -> memref<16x125xi32, #tpu.memory_space<hbm>>
    %dma_start3A_325 = arith.constant 0 : i32
    %dma_start3A_326 = arith.constant 0 : i32
    %dma_start3A_327 = tpu.memref_slice %arg6[%dma_start3A_316, %dma_start3A_325, %dma_start3A_326] : memref<2x16x125xi32, #tpu.memory_space<vmem>> -> memref<1x16x125xi32, #tpu.memory_space<vmem>>
    %dma_start3A_328 = tpu.memref_squeeze %dma_start3A_327 : memref<1x16x125xi32, #tpu.memory_space<vmem>> -> memref<16x125xi32, #tpu.memory_space<vmem>>
    %dma_start3A_329 = arith.constant 0 : i32
    %dma_start3A_330 = arith.constant 0 : i32
    %dma_start3A_331 = tpu.memref_slice %arg3[%add3A, %dma_start3A_315, %dma_start3A_329, %dma_start3A_330] : memref<32x5x16x125xi32, #tpu.memory_space<hbm>> -> memref<1x1x16x125xi32, #tpu.memory_space<hbm>>
    %dma_start3A_332 = tpu.memref_squeeze %dma_start3A_331 : memref<1x1x16x125xi32, #tpu.memory_space<hbm>> -> memref<16x125xi32, #tpu.memory_space<hbm>>
    tpu.enqueue_dma source(%dma_start3A_332 : memref<16x125xi32, #tpu.memory_space<hbm>>) target(%dma_start3A_328 : memref<16x125xi32, #tpu.memory_space<vmem>>) target_semaphore(%arg13 : memref<!tpu.dma_semaphore, #tpu.memory_space<semaphore_mem>>)
    %dma_start3A_333 = arith.constant 4 : i32
    %dma_start3A_334 = arith.constant 0 : i32
    %dma_start3A_335 = arith.constant 0 : i32
    %dma_start3A_336 = arith.constant 0 : i32
    %dma_start3A_337 = tpu.memref_slice %arg7[%dma_start3A_334, %dma_start3A_335, %dma_start3A_336] : memref<2x16x125xi32, #tpu.memory_space<vmem>> -> memref<1x16x125xi32, #tpu.memory_space<vmem>>
    %dma_start3A_338 = tpu.memref_squeeze %dma_start3A_337 : memref<1x16x125xi32, #tpu.memory_space<vmem>> -> memref<16x125xi32, #tpu.memory_space<vmem>>
    %dma_start3A_339 = arith.constant 0 : i32
    %dma_start3A_340 = arith.constant 0 : i32
    %dma_start3A_341 = tpu.memref_slice %arg4[%add3A, %dma_start3A_333, %dma_start3A_339, %dma_start3A_340] : memref<32x5x16x125xi32, #tpu.memory_space<hbm>> -> memref<1x1x16x125xi32, #tpu.memory_space<hbm>>
    %dma_start3A_342 = tpu.memref_squeeze %dma_start3A_341 : memref<1x1x16x125xi32, #tpu.memory_space<hbm>> -> memref<16x125xi32, #tpu.memory_space<hbm>>
    %dma_start3A_343 = arith.constant 0 : i32
    %dma_start3A_344 = arith.constant 0 : i32
    %dma_start3A_345 = tpu.memref_slice %arg7[%dma_start3A_334, %dma_start3A_343, %dma_start3A_344] : memref<2x16x125xi32, #tpu.memory_space<vmem>> -> memref<1x16x125xi32, #tpu.memory_space<vmem>>
    %dma_start3A_346 = tpu.memref_squeeze %dma_start3A_345 : memref<1x16x125xi32, #tpu.memory_space<vmem>> -> memref<16x125xi32, #tpu.memory_space<vmem>>
    %dma_start3A_347 = arith.constant 0 : i32
    %dma_start3A_348 = arith.constant 0 : i32
    %dma_start3A_349 = tpu.memref_slice %arg4[%add3A, %dma_start3A_333, %dma_start3A_347, %dma_start3A_348] : memref<32x5x16x125xi32, #tpu.memory_space<hbm>> -> memref<1x1x16x125xi32, #tpu.memory_space<hbm>>
    %dma_start3A_350 = tpu.memref_squeeze %dma_start3A_349 : memref<1x1x16x125xi32, #tpu.memory_space<hbm>> -> memref<16x125xi32, #tpu.memory_space<hbm>>
    tpu.enqueue_dma source(%dma_start3A_350 : memref<16x125xi32, #tpu.memory_space<hbm>>) target(%dma_start3A_346 : memref<16x125xi32, #tpu.memory_space<vmem>>) target_semaphore(%arg13 : memref<!tpu.dma_semaphore, #tpu.memory_space<semaphore_mem>>)
    %dma_start3A_351 = arith.constant 1 : i32
    %dma_start3A_352 = arith.constant 0 : i32
    %dma_start3A_353 = arith.constant 0 : i32
    %dma_start3A_354 = tpu.memref_slice %arg6[%dma_start3A_351, %dma_start3A_352, %dma_start3A_353] : memref<2x16x125xi32, #tpu.memory_space<vmem>> -> memref<1x1x125xi32, #tpu.memory_space<vmem>>
    %dma_start3A_355 = tpu.memref_squeeze %dma_start3A_354 : memref<1x1x125xi32, #tpu.memory_space<vmem>> -> memref<125xi32, #tpu.memory_space<vmem>>
    %dma_start3A_356 = arith.constant 0 : i32
    %dma_start3A_357 = arith.constant 0 : i32
    %dma_start3A_358 = tpu.memref_slice %arg2[%dma_start3A_356, %dma_start3A_357] : memref<10000x128xf32, #tpu.memory_space<hbm>> -> memref<10000x128xf32, #tpu.memory_space<hbm>>
    tpu.enqueue_indirect_dma source(%dma_start3A_358 : memref<10000x128xf32, #tpu.memory_space<hbm>>) target(%arg8 : memref<125x128xf32, #tpu.memory_space<vmem>>) offsets(%dma_start3A_355 : memref<125xi32, #tpu.memory_space<vmem>>) semaphore(%arg11 : memref<!tpu.dma_semaphore, #tpu.memory_space<semaphore_mem>>)
    %scan3A_359 = arith.constant 0 : i32
    %scan3A_360 = arith.constant 0 : i32
    %scan3A_361 = arith.constant 8 : i32
    %scan3A_362 = arith.addi %scan3A_360, %scan3A_361 : i32
    %scan3A_363 = arith.constant 1 : i32
    scf.for %scan3A_420 = %scan3A_360 to %scan3A_362 step %scan3A_363  : i32 {
      %mul3A_421 = arith.constant 2 : i32
      %mul3A_422 = arith.muli %mul3A_421, %scan3A_420 : i32
      %add3A_423 = arith.constant 1 : i32
      %add3A_424 = arith.addi %mul3A_422, %add3A_423 : i32
      %dma_start3A_425 = arith.constant 1 : i32
      %dma_start3A_426 = arith.constant 0 : i32
      %dma_start3A_427 = tpu.memref_slice %arg6[%dma_start3A_425, %add3A_424, %dma_start3A_426] : memref<2x16x125xi32, #tpu.memory_space<vmem>> -> memref<1x1x125xi32, #tpu.memory_space<vmem>>
      %dma_start3A_428 = tpu.memref_squeeze %dma_start3A_427 : memref<1x1x125xi32, #tpu.memory_space<vmem>> -> memref<125xi32, #tpu.memory_space<vmem>>
      %dma_start3A_429 = arith.constant 0 : i32
      %dma_start3A_430 = arith.constant 0 : i32
      %dma_start3A_431 = tpu.memref_slice %arg2[%dma_start3A_429, %dma_start3A_430] : memref<10000x128xf32, #tpu.memory_space<hbm>> -> memref<10000x128xf32, #tpu.memory_space<hbm>>
      tpu.enqueue_indirect_dma source(%dma_start3A_431 : memref<10000x128xf32, #tpu.memory_space<hbm>>) target(%arg9 : memref<125x128xf32, #tpu.memory_space<vmem>>) offsets(%dma_start3A_428 : memref<125xi32, #tpu.memory_space<vmem>>) semaphore(%arg12 : memref<!tpu.dma_semaphore, #tpu.memory_space<semaphore_mem>>)
      %dma_wait3A_432 = arith.constant 1 : i32
      %dma_wait3A_433 = arith.constant 0 : i32
      %dma_wait3A_434 = tpu.memref_slice %arg6[%dma_wait3A_432, %mul3A_422, %dma_wait3A_433] : memref<2x16x125xi32, #tpu.memory_space<vmem>> -> memref<1x1x125xi32, #tpu.memory_space<vmem>>
      %dma_wait3A_435 = tpu.memref_squeeze %dma_wait3A_434 : memref<1x1x125xi32, #tpu.memory_space<vmem>> -> memref<125xi32, #tpu.memory_space<vmem>>
      %dma_wait3A_436 = arith.constant 0 : i32
      %dma_wait3A_437 = arith.constant 0 : i32
      %dma_wait3A_438 = tpu.memref_slice %arg2[%dma_wait3A_436, %dma_wait3A_437] : memref<10000x128xf32, #tpu.memory_space<hbm>> -> memref<10000x128xf32, #tpu.memory_space<hbm>>
      tpu.wait_indirect_dma semaphore(%arg11 : memref<!tpu.dma_semaphore, #tpu.memory_space<semaphore_mem>>) src(%dma_wait3A_438 : memref<10000x128xf32, #tpu.memory_space<hbm>>) dst(%arg8 : memref<125x128xf32, #tpu.memory_space<vmem>>)
      %run_scoped3A_439 = arith.constant 1 : i32
      "tpu.region"() ({
        %run_scoped3A_452 = tpu.sem_alloc : memref<!tpu.dma_semaphore, #tpu.memory_space<semaphore_mem>>
        %dma_start3A_453 = arith.constant 0 : i32
        %dma_start3A_454 = tpu.memref_slice %arg7[%run_scoped3A_439, %mul3A_422, %dma_start3A_453] : memref<2x16x125xi32, #tpu.memory_space<vmem>> -> memref<1x1x125xi32, #tpu.memory_space<vmem>>
        %dma_start3A_455 = tpu.memref_squeeze %dma_start3A_454 : memref<1x1x125xi32, #tpu.memory_space<vmem>> -> memref<125xi32, #tpu.memory_space<vmem>>
        %dma_start3A_456 = arith.constant 0 : i32
        %dma_start3A_457 = arith.constant 0 : i32
        %dma_start3A_458 = tpu.memref_slice %arg10[%dma_start3A_456, %dma_start3A_457] : memref<10112x128xf32, #tpu.memory_space<vmem_shared>> -> memref<10112x128xf32, #tpu.memory_space<vmem_shared>>
        tpu.enqueue_indirect_dma source(%arg8 : memref<125x128xf32, #tpu.memory_space<vmem>>) target(%dma_start3A_458 : memref<10112x128xf32, #tpu.memory_space<vmem_shared>>) offsets(%dma_start3A_455 : memref<125xi32, #tpu.memory_space<vmem>>) semaphore(%run_scoped3A_452 : memref<!tpu.dma_semaphore, #tpu.memory_space<semaphore_mem>>) {add = true}
        %dma_wait3A_459 = arith.constant 0 : i32
        %dma_wait3A_460 = tpu.memref_slice %arg7[%run_scoped3A_439, %mul3A_422, %dma_wait3A_459] : memref<2x16x125xi32, #tpu.memory_space<vmem>> -> memref<1x1x125xi32, #tpu.memory_space<vmem>>
        %dma_wait3A_461 = tpu.memref_squeeze %dma_wait3A_460 : memref<1x1x125xi32, #tpu.memory_space<vmem>> -> memref<125xi32, #tpu.memory_space<vmem>>
        %dma_wait3A_462 = arith.constant 0 : i32
        %dma_wait3A_463 = arith.constant 0 : i32
        %dma_wait3A_464 = tpu.memref_slice %arg10[%dma_wait3A_462, %dma_wait3A_463] : memref<10112x128xf32, #tpu.memory_space<vmem_shared>> -> memref<10112x128xf32, #tpu.memory_space<vmem_shared>>
        tpu.wait_indirect_dma semaphore(%run_scoped3A_452 : memref<!tpu.dma_semaphore, #tpu.memory_space<semaphore_mem>>) src(%arg8 : memref<125x128xf32, #tpu.memory_space<vmem>>) dst(%dma_wait3A_464 : memref<10112x128xf32, #tpu.memory_space<vmem_shared>>)
        tpu.yield
      }) : () -> ()
      %lt3A = arith.constant 7 : i32
      %lt3A_440 = arith.cmpi slt, %scan3A_420, %lt3A : i32
      %convert_element_type3A = arith.extui %lt3A_440 : i1 to i32
      %cond3A = arith.constant 0 : i32
      %cond3A_441 = arith.cmpi ne, %convert_element_type3A, %cond3A : i32
      scf.if %cond3A_441 {
        %add3A_452 = arith.constant 2 : i32
        %add3A_453 = arith.addi %mul3A_422, %add3A_452 : i32
        %dma_start3A_454 = arith.constant 1 : i32
        %dma_start3A_455 = arith.constant 0 : i32
        %dma_start3A_456 = tpu.memref_slice %arg6[%dma_start3A_454, %add3A_453, %dma_start3A_455] : memref<2x16x125xi32, #tpu.memory_space<vmem>> -> memref<1x1x125xi32, #tpu.memory_space<vmem>>
        %dma_start3A_457 = tpu.memref_squeeze %dma_start3A_456 : memref<1x1x125xi32, #tpu.memory_space<vmem>> -> memref<125xi32, #tpu.memory_space<vmem>>
        %dma_start3A_458 = arith.constant 0 : i32
        %dma_start3A_459 = arith.constant 0 : i32
        %dma_start3A_460 = tpu.memref_slice %arg2[%dma_start3A_458, %dma_start3A_459] : memref<10000x128xf32, #tpu.memory_space<hbm>> -> memref<10000x128xf32, #tpu.memory_space<hbm>>
        tpu.enqueue_indirect_dma source(%dma_start3A_460 : memref<10000x128xf32, #tpu.memory_space<hbm>>) target(%arg8 : memref<125x128xf32, #tpu.memory_space<vmem>>) offsets(%dma_start3A_457 : memref<125xi32, #tpu.memory_space<vmem>>) semaphore(%arg11 : memref<!tpu.dma_semaphore, #tpu.memory_space<semaphore_mem>>)
      } else {
      }
      %dma_wait3A_442 = arith.constant 1 : i32
      %dma_wait3A_443 = arith.constant 0 : i32
      %dma_wait3A_444 = tpu.memref_slice %arg6[%dma_wait3A_442, %mul3A_422, %dma_wait3A_443] : memref<2x16x125xi32, #tpu.memory_space<vmem>> -> memref<1x1x125xi32, #tpu.memory_space<vmem>>
      %dma_wait3A_445 = tpu.memref_squeeze %dma_wait3A_444 : memref<1x1x125xi32, #tpu.memory_space<vmem>> -> memref<125xi32, #tpu.memory_space<vmem>>
      %dma_wait3A_446 = arith.constant 0 : i32
      %dma_wait3A_447 = arith.constant 0 : i32
      %dma_wait3A_448 = tpu.memref_slice %arg2[%dma_wait3A_446, %dma_wait3A_447] : memref<10000x128xf32, #tpu.memory_space<hbm>> -> memref<10000x128xf32, #tpu.memory_space<hbm>>
      tpu.wait_indirect_dma semaphore(%arg12 : memref<!tpu.dma_semaphore, #tpu.memory_space<semaphore_mem>>) src(%dma_wait3A_448 : memref<10000x128xf32, #tpu.memory_space<hbm>>) dst(%arg9 : memref<125x128xf32, #tpu.memory_space<vmem>>)
      %add3A_449 = arith.constant 1 : i32
      %add3A_450 = arith.addi %mul3A_422, %add3A_449 : i32
      %run_scoped3A_451 = arith.constant 1 : i32
      "tpu.region"() ({
        %run_scoped3A_452 = tpu.sem_alloc : memref<!tpu.dma_semaphore, #tpu.memory_space<semaphore_mem>>
        %dma_start3A_453 = arith.constant 0 : i32
        %dma_start3A_454 = tpu.memref_slice %arg7[%run_scoped3A_451, %add3A_450, %dma_start3A_453] : memref<2x16x125xi32, #tpu.memory_space<vmem>> -> memref<1x1x125xi32, #tpu.memory_space<vmem>>
        %dma_start3A_455 = tpu.memref_squeeze %dma_start3A_454 : memref<1x1x125xi32, #tpu.memory_space<vmem>> -> memref<125xi32, #tpu.memory_space<vmem>>
        %dma_start3A_456 = arith.constant 0 : i32
        %dma_start3A_457 = arith.constant 0 : i32
        %dma_start3A_458 = tpu.memref_slice %arg10[%dma_start3A_456, %dma_start3A_457] : memref<10112x128xf32, #tpu.memory_space<vmem_shared>> -> memref<10112x128xf32, #tpu.memory_space<vmem_shared>>
        tpu.enqueue_indirect_dma source(%arg9 : memref<125x128xf32, #tpu.memory_space<vmem>>) target(%dma_start3A_458 : memref<10112x128xf32, #tpu.memory_space<vmem_shared>>) offsets(%dma_start3A_455 : memref<125xi32, #tpu.memory_space<vmem>>) semaphore(%run_scoped3A_452 : memref<!tpu.dma_semaphore, #tpu.memory_space<semaphore_mem>>) {add = true}
        %dma_wait3A_459 = arith.constant 0 : i32
        %dma_wait3A_460 = tpu.memref_slice %arg7[%run_scoped3A_451, %add3A_450, %dma_wait3A_459] : memref<2x16x125xi32, #tpu.memory_space<vmem>> -> memref<1x1x125xi32, #tpu.memory_space<vmem>>
        %dma_wait3A_461 = tpu.memref_squeeze %dma_wait3A_460 : memref<1x1x125xi32, #tpu.memory_space<vmem>> -> memref<125xi32, #tpu.memory_space<vmem>>
        %dma_wait3A_462 = arith.constant 0 : i32
        %dma_wait3A_463 = arith.constant 0 : i32
        %dma_wait3A_464 = tpu.memref_slice %arg10[%dma_wait3A_462, %dma_wait3A_463] : memref<10112x128xf32, #tpu.memory_space<vmem_shared>> -> memref<10112x128xf32, #tpu.memory_space<vmem_shared>>
        tpu.wait_indirect_dma semaphore(%run_scoped3A_452 : memref<!tpu.dma_semaphore, #tpu.memory_space<semaphore_mem>>) src(%arg9 : memref<125x128xf32, #tpu.memory_space<vmem>>) dst(%dma_wait3A_464 : memref<10112x128xf32, #tpu.memory_space<vmem_shared>>)
        tpu.yield
      }) : () -> ()
    }
    %scan3A_364 = arith.constant 8 : i32
    %dma_wait3A_365 = arith.constant 4 : i32
    %dma_wait3A_366 = arith.constant 0 : i32
    %dma_wait3A_367 = arith.constant 0 : i32
    %dma_wait3A_368 = arith.constant 0 : i32
    %dma_wait3A_369 = tpu.memref_slice %arg6[%dma_wait3A_366, %dma_wait3A_367, %dma_wait3A_368] : memref<2x16x125xi32, #tpu.memory_space<vmem>> -> memref<1x16x125xi32, #tpu.memory_space<vmem>>
    %dma_wait3A_370 = tpu.memref_squeeze %dma_wait3A_369 : memref<1x16x125xi32, #tpu.memory_space<vmem>> -> memref<16x125xi32, #tpu.memory_space<vmem>>
    %dma_wait3A_371 = arith.constant 0 : i32
    %dma_wait3A_372 = arith.constant 0 : i32
    %dma_wait3A_373 = tpu.memref_slice %arg3[%add3A, %dma_wait3A_365, %dma_wait3A_371, %dma_wait3A_372] : memref<32x5x16x125xi32, #tpu.memory_space<hbm>> -> memref<1x1x16x125xi32, #tpu.memory_space<hbm>>
    %dma_wait3A_374 = tpu.memref_squeeze %dma_wait3A_373 : memref<1x1x16x125xi32, #tpu.memory_space<hbm>> -> memref<16x125xi32, #tpu.memory_space<hbm>>
    %dma_wait3A_375 = arith.constant 0 : i32
    %dma_wait3A_376 = arith.constant 0 : i32
    %dma_wait3A_377 = tpu.memref_slice %arg6[%dma_wait3A_366, %dma_wait3A_375, %dma_wait3A_376] : memref<2x16x125xi32, #tpu.memory_space<vmem>> -> memref<1x16x125xi32, #tpu.memory_space<vmem>>
    %dma_wait3A_378 = tpu.memref_squeeze %dma_wait3A_377 : memref<1x16x125xi32, #tpu.memory_space<vmem>> -> memref<16x125xi32, #tpu.memory_space<vmem>>
    %dma_wait3A_379 = arith.constant 0 : i32
    %dma_wait3A_380 = arith.constant 0 : i32
    %dma_wait3A_381 = tpu.memref_slice %arg3[%add3A, %dma_wait3A_365, %dma_wait3A_379, %dma_wait3A_380] : memref<32x5x16x125xi32, #tpu.memory_space<hbm>> -> memref<1x1x16x125xi32, #tpu.memory_space<hbm>>
    %dma_wait3A_382 = tpu.memref_squeeze %dma_wait3A_381 : memref<1x1x16x125xi32, #tpu.memory_space<hbm>> -> memref<16x125xi32, #tpu.memory_space<hbm>>
    tpu.wait_dma2 semaphore(%arg13 : memref<!tpu.dma_semaphore, #tpu.memory_space<semaphore_mem>>) src(%dma_wait3A_382 : memref<16x125xi32, #tpu.memory_space<hbm>>) dst(%dma_wait3A_378 : memref<16x125xi32, #tpu.memory_space<vmem>>)
    %dma_wait3A_383 = arith.constant 4 : i32
    %dma_wait3A_384 = arith.constant 0 : i32
    %dma_wait3A_385 = arith.constant 0 : i32
    %dma_wait3A_386 = arith.constant 0 : i32
    %dma_wait3A_387 = tpu.memref_slice %arg7[%dma_wait3A_384, %dma_wait3A_385, %dma_wait3A_386] : memref<2x16x125xi32, #tpu.memory_space<vmem>> -> memref<1x16x125xi32, #tpu.memory_space<vmem>>
    %dma_wait3A_388 = tpu.memref_squeeze %dma_wait3A_387 : memref<1x16x125xi32, #tpu.memory_space<vmem>> -> memref<16x125xi32, #tpu.memory_space<vmem>>
    %dma_wait3A_389 = arith.constant 0 : i32
    %dma_wait3A_390 = arith.constant 0 : i32
    %dma_wait3A_391 = tpu.memref_slice %arg4[%add3A, %dma_wait3A_383, %dma_wait3A_389, %dma_wait3A_390] : memref<32x5x16x125xi32, #tpu.memory_space<hbm>> -> memref<1x1x16x125xi32, #tpu.memory_space<hbm>>
    %dma_wait3A_392 = tpu.memref_squeeze %dma_wait3A_391 : memref<1x1x16x125xi32, #tpu.memory_space<hbm>> -> memref<16x125xi32, #tpu.memory_space<hbm>>
    %dma_wait3A_393 = arith.constant 0 : i32
    %dma_wait3A_394 = arith.constant 0 : i32
    %dma_wait3A_395 = tpu.memref_slice %arg7[%dma_wait3A_384, %dma_wait3A_393, %dma_wait3A_394] : memref<2x16x125xi32, #tpu.memory_space<vmem>> -> memref<1x16x125xi32, #tpu.memory_space<vmem>>
    %dma_wait3A_396 = tpu.memref_squeeze %dma_wait3A_395 : memref<1x16x125xi32, #tpu.memory_space<vmem>> -> memref<16x125xi32, #tpu.memory_space<vmem>>
    %dma_wait3A_397 = arith.constant 0 : i32
    %dma_wait3A_398 = arith.constant 0 : i32
    %dma_wait3A_399 = tpu.memref_slice %arg4[%add3A, %dma_wait3A_383, %dma_wait3A_397, %dma_wait3A_398] : memref<32x5x16x125xi32, #tpu.memory_space<hbm>> -> memref<1x1x16x125xi32, #tpu.memory_space<hbm>>
    %dma_wait3A_400 = tpu.memref_squeeze %dma_wait3A_399 : memref<1x1x16x125xi32, #tpu.memory_space<hbm>> -> memref<16x125xi32, #tpu.memory_space<hbm>>
    tpu.wait_dma2 semaphore(%arg13 : memref<!tpu.dma_semaphore, #tpu.memory_space<semaphore_mem>>) src(%dma_wait3A_400 : memref<16x125xi32, #tpu.memory_space<hbm>>) dst(%dma_wait3A_396 : memref<16x125xi32, #tpu.memory_space<vmem>>)
    %dma_start3A_401 = arith.constant 0 : i32
    %dma_start3A_402 = arith.constant 0 : i32
    %dma_start3A_403 = arith.constant 0 : i32
    %dma_start3A_404 = tpu.memref_slice %arg6[%dma_start3A_401, %dma_start3A_402, %dma_start3A_403] : memref<2x16x125xi32, #tpu.memory_space<vmem>> -> memref<1x1x125xi32, #tpu.memory_space<vmem>>
    %dma_start3A_405 = tpu.memref_squeeze %dma_start3A_404 : memref<1x1x125xi32, #tpu.memory_space<vmem>> -> memref<125xi32, #tpu.memory_space<vmem>>
    %dma_start3A_406 = arith.constant 0 : i32
    %dma_start3A_407 = arith.constant 0 : i32
    %dma_start3A_408 = tpu.memref_slice %arg2[%dma_start3A_406, %dma_start3A_407] : memref<10000x128xf32, #tpu.memory_space<hbm>> -> memref<10000x128xf32, #tpu.memory_space<hbm>>
    tpu.enqueue_indirect_dma source(%dma_start3A_408 : memref<10000x128xf32, #tpu.memory_space<hbm>>) target(%arg8 : memref<125x128xf32, #tpu.memory_space<vmem>>) offsets(%dma_start3A_405 : memref<125xi32, #tpu.memory_space<vmem>>) semaphore(%arg11 : memref<!tpu.dma_semaphore, #tpu.memory_space<semaphore_mem>>)
    %scan3A_409 = arith.constant 0 : i32
    %scan3A_410 = arith.constant 0 : i32
    %scan3A_411 = arith.constant 8 : i32
    %scan3A_412 = arith.addi %scan3A_410, %scan3A_411 : i32
    %scan3A_413 = arith.constant 1 : i32
    scf.for %scan3A_420 = %scan3A_410 to %scan3A_412 step %scan3A_413  : i32 {
      %mul3A_421 = arith.constant 2 : i32
      %mul3A_422 = arith.muli %mul3A_421, %scan3A_420 : i32
      %add3A_423 = arith.constant 1 : i32
      %add3A_424 = arith.addi %mul3A_422, %add3A_423 : i32
      %dma_start3A_425 = arith.constant 0 : i32
      %dma_start3A_426 = arith.constant 0 : i32
      %dma_start3A_427 = tpu.memref_slice %arg6[%dma_start3A_425, %add3A_424, %dma_start3A_426] : memref<2x16x125xi32, #tpu.memory_space<vmem>> -> memref<1x1x125xi32, #tpu.memory_space<vmem>>
      %dma_start3A_428 = tpu.memref_squeeze %dma_start3A_427 : memref<1x1x125xi32, #tpu.memory_space<vmem>> -> memref<125xi32, #tpu.memory_space<vmem>>
      %dma_start3A_429 = arith.constant 0 : i32
      %dma_start3A_430 = arith.constant 0 : i32
      %dma_start3A_431 = tpu.memref_slice %arg2[%dma_start3A_429, %dma_start3A_430] : memref<10000x128xf32, #tpu.memory_space<hbm>> -> memref<10000x128xf32, #tpu.memory_space<hbm>>
      tpu.enqueue_indirect_dma source(%dma_start3A_431 : memref<10000x128xf32, #tpu.memory_space<hbm>>) target(%arg9 : memref<125x128xf32, #tpu.memory_space<vmem>>) offsets(%dma_start3A_428 : memref<125xi32, #tpu.memory_space<vmem>>) semaphore(%arg12 : memref<!tpu.dma_semaphore, #tpu.memory_space<semaphore_mem>>)
      %dma_wait3A_432 = arith.constant 0 : i32
      %dma_wait3A_433 = arith.constant 0 : i32
      %dma_wait3A_434 = tpu.memref_slice %arg6[%dma_wait3A_432, %mul3A_422, %dma_wait3A_433] : memref<2x16x125xi32, #tpu.memory_space<vmem>> -> memref<1x1x125xi32, #tpu.memory_space<vmem>>
      %dma_wait3A_435 = tpu.memref_squeeze %dma_wait3A_434 : memref<1x1x125xi32, #tpu.memory_space<vmem>> -> memref<125xi32, #tpu.memory_space<vmem>>
      %dma_wait3A_436 = arith.constant 0 : i32
      %dma_wait3A_437 = arith.constant 0 : i32
      %dma_wait3A_438 = tpu.memref_slice %arg2[%dma_wait3A_436, %dma_wait3A_437] : memref<10000x128xf32, #tpu.memory_space<hbm>> -> memref<10000x128xf32, #tpu.memory_space<hbm>>
      tpu.wait_indirect_dma semaphore(%arg11 : memref<!tpu.dma_semaphore, #tpu.memory_space<semaphore_mem>>) src(%dma_wait3A_438 : memref<10000x128xf32, #tpu.memory_space<hbm>>) dst(%arg8 : memref<125x128xf32, #tpu.memory_space<vmem>>)
      %run_scoped3A_439 = arith.constant 0 : i32
      "tpu.region"() ({
        %run_scoped3A_452 = tpu.sem_alloc : memref<!tpu.dma_semaphore, #tpu.memory_space<semaphore_mem>>
        %dma_start3A_453 = arith.constant 0 : i32
        %dma_start3A_454 = tpu.memref_slice %arg7[%run_scoped3A_439, %mul3A_422, %dma_start3A_453] : memref<2x16x125xi32, #tpu.memory_space<vmem>> -> memref<1x1x125xi32, #tpu.memory_space<vmem>>
        %dma_start3A_455 = tpu.memref_squeeze %dma_start3A_454 : memref<1x1x125xi32, #tpu.memory_space<vmem>> -> memref<125xi32, #tpu.memory_space<vmem>>
        %dma_start3A_456 = arith.constant 0 : i32
        %dma_start3A_457 = arith.constant 0 : i32
        %dma_start3A_458 = tpu.memref_slice %arg10[%dma_start3A_456, %dma_start3A_457] : memref<10112x128xf32, #tpu.memory_space<vmem_shared>> -> memref<10112x128xf32, #tpu.memory_space<vmem_shared>>
        tpu.enqueue_indirect_dma source(%arg8 : memref<125x128xf32, #tpu.memory_space<vmem>>) target(%dma_start3A_458 : memref<10112x128xf32, #tpu.memory_space<vmem_shared>>) offsets(%dma_start3A_455 : memref<125xi32, #tpu.memory_space<vmem>>) semaphore(%run_scoped3A_452 : memref<!tpu.dma_semaphore, #tpu.memory_space<semaphore_mem>>) {add = true}
        %dma_wait3A_459 = arith.constant 0 : i32
        %dma_wait3A_460 = tpu.memref_slice %arg7[%run_scoped3A_439, %mul3A_422, %dma_wait3A_459] : memref<2x16x125xi32, #tpu.memory_space<vmem>> -> memref<1x1x125xi32, #tpu.memory_space<vmem>>
        %dma_wait3A_461 = tpu.memref_squeeze %dma_wait3A_460 : memref<1x1x125xi32, #tpu.memory_space<vmem>> -> memref<125xi32, #tpu.memory_space<vmem>>
        %dma_wait3A_462 = arith.constant 0 : i32
        %dma_wait3A_463 = arith.constant 0 : i32
        %dma_wait3A_464 = tpu.memref_slice %arg10[%dma_wait3A_462, %dma_wait3A_463] : memref<10112x128xf32, #tpu.memory_space<vmem_shared>> -> memref<10112x128xf32, #tpu.memory_space<vmem_shared>>
        tpu.wait_indirect_dma semaphore(%run_scoped3A_452 : memref<!tpu.dma_semaphore, #tpu.memory_space<semaphore_mem>>) src(%arg8 : memref<125x128xf32, #tpu.memory_space<vmem>>) dst(%dma_wait3A_464 : memref<10112x128xf32, #tpu.memory_space<vmem_shared>>)
        tpu.yield
      }) : () -> ()
      %lt3A = arith.constant 7 : i32
      %lt3A_440 = arith.cmpi slt, %scan3A_420, %lt3A : i32
      %convert_element_type3A = arith.extui %lt3A_440 : i1 to i32
      %cond3A = arith.constant 0 : i32
      %cond3A_441 = arith.cmpi ne, %convert_element_type3A, %cond3A : i32
      scf.if %cond3A_441 {
        %add3A_452 = arith.constant 2 : i32
        %add3A_453 = arith.addi %mul3A_422, %add3A_452 : i32
        %dma_start3A_454 = arith.constant 0 : i32
        %dma_start3A_455 = arith.constant 0 : i32
        %dma_start3A_456 = tpu.memref_slice %arg6[%dma_start3A_454, %add3A_453, %dma_start3A_455] : memref<2x16x125xi32, #tpu.memory_space<vmem>> -> memref<1x1x125xi32, #tpu.memory_space<vmem>>
        %dma_start3A_457 = tpu.memref_squeeze %dma_start3A_456 : memref<1x1x125xi32, #tpu.memory_space<vmem>> -> memref<125xi32, #tpu.memory_space<vmem>>
        %dma_start3A_458 = arith.constant 0 : i32
        %dma_start3A_459 = arith.constant 0 : i32
        %dma_start3A_460 = tpu.memref_slice %arg2[%dma_start3A_458, %dma_start3A_459] : memref<10000x128xf32, #tpu.memory_space<hbm>> -> memref<10000x128xf32, #tpu.memory_space<hbm>>
        tpu.enqueue_indirect_dma source(%dma_start3A_460 : memref<10000x128xf32, #tpu.memory_space<hbm>>) target(%arg8 : memref<125x128xf32, #tpu.memory_space<vmem>>) offsets(%dma_start3A_457 : memref<125xi32, #tpu.memory_space<vmem>>) semaphore(%arg11 : memref<!tpu.dma_semaphore, #tpu.memory_space<semaphore_mem>>)
      } else {
      }
      %dma_wait3A_442 = arith.constant 0 : i32
      %dma_wait3A_443 = arith.constant 0 : i32
      %dma_wait3A_444 = tpu.memref_slice %arg6[%dma_wait3A_442, %mul3A_422, %dma_wait3A_443] : memref<2x16x125xi32, #tpu.memory_space<vmem>> -> memref<1x1x125xi32, #tpu.memory_space<vmem>>
      %dma_wait3A_445 = tpu.memref_squeeze %dma_wait3A_444 : memref<1x1x125xi32, #tpu.memory_space<vmem>> -> memref<125xi32, #tpu.memory_space<vmem>>
      %dma_wait3A_446 = arith.constant 0 : i32
      %dma_wait3A_447 = arith.constant 0 : i32
      %dma_wait3A_448 = tpu.memref_slice %arg2[%dma_wait3A_446, %dma_wait3A_447] : memref<10000x128xf32, #tpu.memory_space<hbm>> -> memref<10000x128xf32, #tpu.memory_space<hbm>>
      tpu.wait_indirect_dma semaphore(%arg12 : memref<!tpu.dma_semaphore, #tpu.memory_space<semaphore_mem>>) src(%dma_wait3A_448 : memref<10000x128xf32, #tpu.memory_space<hbm>>) dst(%arg9 : memref<125x128xf32, #tpu.memory_space<vmem>>)
      %add3A_449 = arith.constant 1 : i32
      %add3A_450 = arith.addi %mul3A_422, %add3A_449 : i32
      %run_scoped3A_451 = arith.constant 0 : i32
      "tpu.region"() ({
        %run_scoped3A_452 = tpu.sem_alloc : memref<!tpu.dma_semaphore, #tpu.memory_space<semaphore_mem>>
        %dma_start3A_453 = arith.constant 0 : i32
        %dma_start3A_454 = tpu.memref_slice %arg7[%run_scoped3A_451, %add3A_450, %dma_start3A_453] : memref<2x16x125xi32, #tpu.memory_space<vmem>> -> memref<1x1x125xi32, #tpu.memory_space<vmem>>
        %dma_start3A_455 = tpu.memref_squeeze %dma_start3A_454 : memref<1x1x125xi32, #tpu.memory_space<vmem>> -> memref<125xi32, #tpu.memory_space<vmem>>
        %dma_start3A_456 = arith.constant 0 : i32
        %dma_start3A_457 = arith.constant 0 : i32
        %dma_start3A_458 = tpu.memref_slice %arg10[%dma_start3A_456, %dma_start3A_457] : memref<10112x128xf32, #tpu.memory_space<vmem_shared>> -> memref<10112x128xf32, #tpu.memory_space<vmem_shared>>
        tpu.enqueue_indirect_dma source(%arg9 : memref<125x128xf32, #tpu.memory_space<vmem>>) target(%dma_start3A_458 : memref<10112x128xf32, #tpu.memory_space<vmem_shared>>) offsets(%dma_start3A_455 : memref<125xi32, #tpu.memory_space<vmem>>) semaphore(%run_scoped3A_452 : memref<!tpu.dma_semaphore, #tpu.memory_space<semaphore_mem>>) {add = true}
        %dma_wait3A_459 = arith.constant 0 : i32
        %dma_wait3A_460 = tpu.memref_slice %arg7[%run_scoped3A_451, %add3A_450, %dma_wait3A_459] : memref<2x16x125xi32, #tpu.memory_space<vmem>> -> memref<1x1x125xi32, #tpu.memory_space<vmem>>
        %dma_wait3A_461 = tpu.memref_squeeze %dma_wait3A_460 : memref<1x1x125xi32, #tpu.memory_space<vmem>> -> memref<125xi32, #tpu.memory_space<vmem>>
        %dma_wait3A_462 = arith.constant 0 : i32
        %dma_wait3A_463 = arith.constant 0 : i32
        %dma_wait3A_464 = tpu.memref_slice %arg10[%dma_wait3A_462, %dma_wait3A_463] : memref<10112x128xf32, #tpu.memory_space<vmem_shared>> -> memref<10112x128xf32, #tpu.memory_space<vmem_shared>>
        tpu.wait_indirect_dma semaphore(%run_scoped3A_452 : memref<!tpu.dma_semaphore, #tpu.memory_space<semaphore_mem>>) src(%arg9 : memref<125x128xf32, #tpu.memory_space<vmem>>) dst(%dma_wait3A_464 : memref<10112x128xf32, #tpu.memory_space<vmem_shared>>)
        tpu.yield
      }) : () -> ()
    }
    %scan3A_414 = arith.constant 8 : i32
    %barrier3A_415 = arith.constant 0 : index
    tpu.barrier barrier_id(%barrier3A_415)
    %mul3A_416 = arith.constant 632 : i32
    %mul3A_417 = arith.muli %arg1, %mul3A_416 : i32
    %mul3A_418 = arith.constant 632 : i32
    %mul3A_419 = arith.muli %arg1, %mul3A_418 : i32
    "tpu.region"() ({
      %run_scoped3A_420 = tpu.sem_alloc : memref<!tpu.dma_semaphore, #tpu.memory_space<semaphore_mem>>
      %dma_start3A_421 = arith.constant 0 : i32
      %dma_start3A_422 = tpu.memref_slice %arg5[%arg0, %mul3A_419, %dma_start3A_421] : memref<2x10112x128xf32, #tpu.memory_space<hbm>> -> memref<1x632x128xf32, #tpu.memory_space<hbm>>
      %dma_start3A_423 = tpu.memref_squeeze %dma_start3A_422 : memref<1x632x128xf32, #tpu.memory_space<hbm>> -> memref<632x128xf32, #tpu.memory_space<hbm>>
      %dma_start3A_424 = arith.constant 0 : i32
      %dma_start3A_425 = tpu.memref_slice %arg10[%mul3A_417, %dma_start3A_424] : memref<10112x128xf32, #tpu.memory_space<vmem_shared>> -> memref<632x128xf32, #tpu.memory_space<vmem_shared>>
      tpu.enqueue_dma source(%dma_start3A_425 : memref<632x128xf32, #tpu.memory_space<vmem_shared>>) target(%dma_start3A_423 : memref<632x128xf32, #tpu.memory_space<hbm>>) target_semaphore(%run_scoped3A_420 : memref<!tpu.dma_semaphore, #tpu.memory_space<semaphore_mem>>)
      %dma_wait3A_426 = arith.constant 0 : i32
      %dma_wait3A_427 = tpu.memref_slice %arg5[%arg0, %mul3A_419, %dma_wait3A_426] : memref<2x10112x128xf32, #tpu.memory_space<hbm>> -> memref<1x632x128xf32, #tpu.memory_space<hbm>>
      %dma_wait3A_428 = tpu.memref_squeeze %dma_wait3A_427 : memref<1x632x128xf32, #tpu.memory_space<hbm>> -> memref<632x128xf32, #tpu.memory_space<hbm>>
      %dma_wait3A_429 = arith.constant 0 : i32
      %dma_wait3A_430 = tpu.memref_slice %arg10[%mul3A_417, %dma_wait3A_429] : memref<10112x128xf32, #tpu.memory_space<vmem_shared>> -> memref<632x128xf32, #tpu.memory_space<vmem_shared>>
      tpu.wait_dma2 semaphore(%run_scoped3A_420 : memref<!tpu.dma_semaphore, #tpu.memory_space<semaphore_mem>>) src(%dma_wait3A_430 : memref<632x128xf32, #tpu.memory_space<vmem_shared>>) dst(%dma_wait3A_428 : memref<632x128xf32, #tpu.memory_space<hbm>>)
      tpu.yield
    }) : () -> ()
    return
  }
}

#map = affine_map<(d0, d1) -> (0, 0, 0, 0)>
#map1 = affine_map<(d0, d1) -> (0, 0)>
module attributes {stable_mosaic.version = 14 : i64} {
  func.func @_deg_kernel(%arg0: i32, %arg1: i32, %arg2: memref<32x5x16x125xi32, #tpu.memory_space<hbm>>, %arg3: memref<2x10240xf32, #tpu.memory_space<hbm>>, %arg4: memref<5x16x125xi32, #tpu.memory_space<vmem>>, %arg5: memref<640xf32, #tpu.memory_space<vmem>>, %arg6: memref<10240xf32, #tpu.memory_space<vmem_shared>>) attributes {dimension_semantics = [#tpu.dimension_semantics<core_parallel>, #tpu.dimension_semantics<subcore_parallel>], iteration_bounds = array<i64: 2, 16>, scalar_prefetch = 0 : i64, scratch_operands = 3 : i64, tpu.core_type = #tpu.core_type<sc_vector_subcore>, window_params = [{transform_indices = #map}, {transform_indices = #map1}]} {
    %mul3A = arith.constant 2 : i32
    %mul3A_0 = arith.muli %arg1, %mul3A : i32
    %add3A = arith.addi %mul3A_0, %arg0 : i32
    %scan3A = arith.constant 0 : i32
    %scan3A_1 = arith.constant 0 : i32
    %scan3A_2 = arith.constant 40 : i32
    %scan3A_3 = arith.addi %scan3A_1, %scan3A_2 : i32
    %scan3A_4 = arith.constant 1 : i32
    scf.for %scan3A_49 = %scan3A_1 to %scan3A_3 step %scan3A_4  : i32 {
      %broadcast_in_dim3A = arith.constant 0.000000e+00 : f32
      %broadcast_in_dim3A_50 = vector.broadcast %broadcast_in_dim3A : f32 to vector<16xf32>
      %mul3A_51 = arith.constant 16 : i32
      %mul3A_52 = arith.muli %scan3A_49, %mul3A_51 : i32
      %swap3A = arith.index_cast %mul3A_52 : i32 to index
      %swap3A_53 = tpu.vector_load %arg5[%swap3A] {strides = array<i32>} : memref<640xf32, #tpu.memory_space<vmem>>, vector<16xf32>,
      %swap3A_54 = vector.shape_cast %swap3A_53 : vector<16xf32> to vector<16xf32>
      %swap3A_55 = vector.shape_cast %broadcast_in_dim3A_50 : vector<16xf32> to vector<16xf32>
      tpu.vector_store %arg5[%swap3A], %swap3A_55 {strides = array<i32>} : memref<640xf32, #tpu.memory_space<vmem>>, vector<16xf32>,
    }
    %scan3A_5 = arith.constant 40 : i32
    %mul3A_6 = arith.constant 640 : i32
    %mul3A_7 = arith.muli %arg1, %mul3A_6 : i32
    "tpu.region"() ({
      %run_scoped3A = tpu.sem_alloc : memref<!tpu.dma_semaphore, #tpu.memory_space<semaphore_mem>>
      %dma_start3A = tpu.memref_slice %arg6[%mul3A_7] : memref<10240xf32, #tpu.memory_space<vmem_shared>> -> memref<640xf32, #tpu.memory_space<vmem_shared>>
      %dma_start3A_49 = tpu.memref_slice %arg6[%mul3A_7] : memref<10240xf32, #tpu.memory_space<vmem_shared>> -> memref<640xf32, #tpu.memory_space<vmem_shared>>
      tpu.enqueue_dma source(%arg5 : memref<640xf32, #tpu.memory_space<vmem>>) target(%dma_start3A_49 : memref<640xf32, #tpu.memory_space<vmem_shared>>) target_semaphore(%run_scoped3A : memref<!tpu.dma_semaphore, #tpu.memory_space<semaphore_mem>>)
      %dma_wait3A = tpu.memref_slice %arg6[%mul3A_7] : memref<10240xf32, #tpu.memory_space<vmem_shared>> -> memref<640xf32, #tpu.memory_space<vmem_shared>>
      %dma_wait3A_50 = tpu.memref_slice %arg6[%mul3A_7] : memref<10240xf32, #tpu.memory_space<vmem_shared>> -> memref<640xf32, #tpu.memory_space<vmem_shared>>
      tpu.wait_dma2 semaphore(%run_scoped3A : memref<!tpu.dma_semaphore, #tpu.memory_space<semaphore_mem>>) src(%arg5 : memref<640xf32, #tpu.memory_space<vmem>>) dst(%dma_wait3A_50 : memref<640xf32, #tpu.memory_space<vmem_shared>>)
      tpu.yield
    }) : () -> ()
    "tpu.region"() ({
      %run_scoped3A = tpu.sem_alloc : memref<!tpu.dma_semaphore, #tpu.memory_space<semaphore_mem>>
      %dma_start3A = arith.constant 0 : i32
      %dma_start3A_49 = arith.constant 0 : i32
      %dma_start3A_50 = arith.constant 0 : i32
      %dma_start3A_51 = tpu.memref_slice %arg2[%add3A, %dma_start3A, %dma_start3A_49, %dma_start3A_50] : memref<32x5x16x125xi32, #tpu.memory_space<hbm>> -> memref<1x5x16x125xi32, #tpu.memory_space<hbm>>
      %dma_start3A_52 = tpu.memref_squeeze %dma_start3A_51 : memref<1x5x16x125xi32, #tpu.memory_space<hbm>> -> memref<5x16x125xi32, #tpu.memory_space<hbm>>
      %dma_start3A_53 = arith.constant 0 : i32
      %dma_start3A_54 = arith.constant 0 : i32
      %dma_start3A_55 = arith.constant 0 : i32
      %dma_start3A_56 = tpu.memref_slice %arg2[%add3A, %dma_start3A_53, %dma_start3A_54, %dma_start3A_55] : memref<32x5x16x125xi32, #tpu.memory_space<hbm>> -> memref<1x5x16x125xi32, #tpu.memory_space<hbm>>
      %dma_start3A_57 = tpu.memref_squeeze %dma_start3A_56 : memref<1x5x16x125xi32, #tpu.memory_space<hbm>> -> memref<5x16x125xi32, #tpu.memory_space<hbm>>
      tpu.enqueue_dma source(%dma_start3A_57 : memref<5x16x125xi32, #tpu.memory_space<hbm>>) target(%arg4 : memref<5x16x125xi32, #tpu.memory_space<vmem>>) target_semaphore(%run_scoped3A : memref<!tpu.dma_semaphore, #tpu.memory_space<semaphore_mem>>)
      %dma_wait3A = arith.constant 0 : i32
      %dma_wait3A_58 = arith.constant 0 : i32
      %dma_wait3A_59 = arith.constant 0 : i32
      %dma_wait3A_60 = tpu.memref_slice %arg2[%add3A, %dma_wait3A, %dma_wait3A_58, %dma_wait3A_59] : memref<32x5x16x125xi32, #tpu.memory_space<hbm>> -> memref<1x5x16x125xi32, #tpu.memory_space<hbm>>
      %dma_wait3A_61 = tpu.memref_squeeze %dma_wait3A_60 : memref<1x5x16x125xi32, #tpu.memory_space<hbm>> -> memref<5x16x125xi32, #tpu.memory_space<hbm>>
      %dma_wait3A_62 = arith.constant 0 : i32
      %dma_wait3A_63 = arith.constant 0 : i32
      %dma_wait3A_64 = arith.constant 0 : i32
      %dma_wait3A_65 = tpu.memref_slice %arg2[%add3A, %dma_wait3A_62, %dma_wait3A_63, %dma_wait3A_64] : memref<32x5x16x125xi32, #tpu.memory_space<hbm>> -> memref<1x5x16x125xi32, #tpu.memory_space<hbm>>
      %dma_wait3A_66 = tpu.memref_squeeze %dma_wait3A_65 : memref<1x5x16x125xi32, #tpu.memory_space<hbm>> -> memref<5x16x125xi32, #tpu.memory_space<hbm>>
      tpu.wait_dma2 semaphore(%run_scoped3A : memref<!tpu.dma_semaphore, #tpu.memory_space<semaphore_mem>>) src(%dma_wait3A_66 : memref<5x16x125xi32, #tpu.memory_space<hbm>>) dst(%arg4 : memref<5x16x125xi32, #tpu.memory_space<vmem>>)
      tpu.yield
    }) : () -> ()
    %scan3A_8 = arith.constant 0 : i32
    %scan3A_9 = arith.constant 0 : i32
    %scan3A_10 = arith.constant 8 : i32
    %scan3A_11 = arith.addi %scan3A_9, %scan3A_10 : i32
    %scan3A_12 = arith.constant 1 : i32
    scf.for %scan3A_49 = %scan3A_9 to %scan3A_11 step %scan3A_12  : i32 {
      %broadcast_in_dim3A = arith.constant 1.000000e+00 : f32
      %broadcast_in_dim3A_50 = vector.broadcast %broadcast_in_dim3A : f32 to vector<16xf32>
      %mul3A_51 = arith.constant 16 : i32
      %mul3A_52 = arith.muli %scan3A_49, %mul3A_51 : i32
      %swap3A = arith.index_cast %mul3A_52 : i32 to index
      %swap3A_53 = tpu.vector_load %arg5[%swap3A] {strides = array<i32>} : memref<640xf32, #tpu.memory_space<vmem>>, vector<16xf32>,
      %swap3A_54 = vector.shape_cast %swap3A_53 : vector<16xf32> to vector<16xf32>
      %swap3A_55 = vector.shape_cast %broadcast_in_dim3A_50 : vector<16xf32> to vector<16xf32>
      tpu.vector_store %arg5[%swap3A], %swap3A_55 {strides = array<i32>} : memref<640xf32, #tpu.memory_space<vmem>>, vector<16xf32>,
    }
    %scan3A_13 = arith.constant 8 : i32
    %barrier3A = arith.constant 0 : index
    tpu.barrier barrier_id(%barrier3A)
    %scan3A_14 = arith.constant 0 : i32
    %scan3A_15 = arith.constant 0 : i32
    %scan3A_16 = arith.constant 16 : i32
    %scan3A_17 = arith.addi %scan3A_15, %scan3A_16 : i32
    %scan3A_18 = arith.constant 1 : i32
    scf.for %scan3A_49 = %scan3A_15 to %scan3A_17 step %scan3A_18  : i32 {
      %run_scoped3A = arith.constant 0 : i32
      "tpu.region"() ({
        %run_scoped3A_50 = tpu.sem_alloc : memref<!tpu.dma_semaphore, #tpu.memory_space<semaphore_mem>>
        %dma_start3A = arith.constant 0 : i32
        %dma_start3A_51 = tpu.memref_slice %arg5[%dma_start3A] : memref<640xf32, #tpu.memory_space<vmem>> -> memref<125xf32, #tpu.memory_space<vmem>>
        %dma_start3A_52 = arith.constant 0 : i32
        %dma_start3A_53 = tpu.memref_slice %arg4[%run_scoped3A, %scan3A_49, %dma_start3A_52] : memref<5x16x125xi32, #tpu.memory_space<vmem>> -> memref<1x1x125xi32, #tpu.memory_space<vmem>>
        %dma_start3A_54 = tpu.memref_squeeze %dma_start3A_53 : memref<1x1x125xi32, #tpu.memory_space<vmem>> -> memref<125xi32, #tpu.memory_space<vmem>>
        %dma_start3A_55 = arith.constant 0 : i32
        %dma_start3A_56 = tpu.memref_slice %arg6[%dma_start3A_55] : memref<10240xf32, #tpu.memory_space<vmem_shared>> -> memref<10240xf32, #tpu.memory_space<vmem_shared>>
        tpu.enqueue_indirect_dma source(%dma_start3A_51 : memref<125xf32, #tpu.memory_space<vmem>>) target(%dma_start3A_56 : memref<10240xf32, #tpu.memory_space<vmem_shared>>) offsets(%dma_start3A_54 : memref<125xi32, #tpu.memory_space<vmem>>) semaphore(%run_scoped3A_50 : memref<!tpu.dma_semaphore, #tpu.memory_space<semaphore_mem>>) {add = true}
        %dma_wait3A = arith.constant 0 : i32
        %dma_wait3A_57 = tpu.memref_slice %arg5[%dma_wait3A] : memref<640xf32, #tpu.memory_space<vmem>> -> memref<125xf32, #tpu.memory_space<vmem>>
        %dma_wait3A_58 = arith.constant 0 : i32
        %dma_wait3A_59 = tpu.memref_slice %arg4[%run_scoped3A, %scan3A_49, %dma_wait3A_58] : memref<5x16x125xi32, #tpu.memory_space<vmem>> -> memref<1x1x125xi32, #tpu.memory_space<vmem>>
        %dma_wait3A_60 = tpu.memref_squeeze %dma_wait3A_59 : memref<1x1x125xi32, #tpu.memory_space<vmem>> -> memref<125xi32, #tpu.memory_space<vmem>>
        %dma_wait3A_61 = arith.constant 0 : i32
        %dma_wait3A_62 = tpu.memref_slice %arg6[%dma_wait3A_61] : memref<10240xf32, #tpu.memory_space<vmem_shared>> -> memref<10240xf32, #tpu.memory_space<vmem_shared>>
        tpu.wait_indirect_dma semaphore(%run_scoped3A_50 : memref<!tpu.dma_semaphore, #tpu.memory_space<semaphore_mem>>) src(%dma_wait3A_57 : memref<125xf32, #tpu.memory_space<vmem>>) dst(%dma_wait3A_62 : memref<10240xf32, #tpu.memory_space<vmem_shared>>)
        tpu.yield
      }) : () -> ()
    }
    %scan3A_19 = arith.constant 16 : i32
    %scan3A_20 = arith.constant 0 : i32
    %scan3A_21 = arith.constant 0 : i32
    %scan3A_22 = arith.constant 16 : i32
    %scan3A_23 = arith.addi %scan3A_21, %scan3A_22 : i32
    %scan3A_24 = arith.constant 1 : i32
    scf.for %scan3A_49 = %scan3A_21 to %scan3A_23 step %scan3A_24  : i32 {
      %run_scoped3A = arith.constant 1 : i32
      "tpu.region"() ({
        %run_scoped3A_50 = tpu.sem_alloc : memref<!tpu.dma_semaphore, #tpu.memory_space<semaphore_mem>>
        %dma_start3A = arith.constant 0 : i32
        %dma_start3A_51 = tpu.memref_slice %arg5[%dma_start3A] : memref<640xf32, #tpu.memory_space<vmem>> -> memref<125xf32, #tpu.memory_space<vmem>>
        %dma_start3A_52 = arith.constant 0 : i32
        %dma_start3A_53 = tpu.memref_slice %arg4[%run_scoped3A, %scan3A_49, %dma_start3A_52] : memref<5x16x125xi32, #tpu.memory_space<vmem>> -> memref<1x1x125xi32, #tpu.memory_space<vmem>>
        %dma_start3A_54 = tpu.memref_squeeze %dma_start3A_53 : memref<1x1x125xi32, #tpu.memory_space<vmem>> -> memref<125xi32, #tpu.memory_space<vmem>>
        %dma_start3A_55 = arith.constant 0 : i32
        %dma_start3A_56 = tpu.memref_slice %arg6[%dma_start3A_55] : memref<10240xf32, #tpu.memory_space<vmem_shared>> -> memref<10240xf32, #tpu.memory_space<vmem_shared>>
        tpu.enqueue_indirect_dma source(%dma_start3A_51 : memref<125xf32, #tpu.memory_space<vmem>>) target(%dma_start3A_56 : memref<10240xf32, #tpu.memory_space<vmem_shared>>) offsets(%dma_start3A_54 : memref<125xi32, #tpu.memory_space<vmem>>) semaphore(%run_scoped3A_50 : memref<!tpu.dma_semaphore, #tpu.memory_space<semaphore_mem>>) {add = true}
        %dma_wait3A = arith.constant 0 : i32
        %dma_wait3A_57 = tpu.memref_slice %arg5[%dma_wait3A] : memref<640xf32, #tpu.memory_space<vmem>> -> memref<125xf32, #tpu.memory_space<vmem>>
        %dma_wait3A_58 = arith.constant 0 : i32
        %dma_wait3A_59 = tpu.memref_slice %arg4[%run_scoped3A, %scan3A_49, %dma_wait3A_58] : memref<5x16x125xi32, #tpu.memory_space<vmem>> -> memref<1x1x125xi32, #tpu.memory_space<vmem>>
        %dma_wait3A_60 = tpu.memref_squeeze %dma_wait3A_59 : memref<1x1x125xi32, #tpu.memory_space<vmem>> -> memref<125xi32, #tpu.memory_space<vmem>>
        %dma_wait3A_61 = arith.constant 0 : i32
        %dma_wait3A_62 = tpu.memref_slice %arg6[%dma_wait3A_61] : memref<10240xf32, #tpu.memory_space<vmem_shared>> -> memref<10240xf32, #tpu.memory_space<vmem_shared>>
        tpu.wait_indirect_dma semaphore(%run_scoped3A_50 : memref<!tpu.dma_semaphore, #tpu.memory_space<semaphore_mem>>) src(%dma_wait3A_57 : memref<125xf32, #tpu.memory_space<vmem>>) dst(%dma_wait3A_62 : memref<10240xf32, #tpu.memory_space<vmem_shared>>)
        tpu.yield
      }) : () -> ()
    }
    %scan3A_25 = arith.constant 16 : i32
    %scan3A_26 = arith.constant 0 : i32
    %scan3A_27 = arith.constant 0 : i32
    %scan3A_28 = arith.constant 16 : i32
    %scan3A_29 = arith.addi %scan3A_27, %scan3A_28 : i32
    %scan3A_30 = arith.constant 1 : i32
    scf.for %scan3A_49 = %scan3A_27 to %scan3A_29 step %scan3A_30  : i32 {
      %run_scoped3A = arith.constant 2 : i32
      "tpu.region"() ({
        %run_scoped3A_50 = tpu.sem_alloc : memref<!tpu.dma_semaphore, #tpu.memory_space<semaphore_mem>>
        %dma_start3A = arith.constant 0 : i32
        %dma_start3A_51 = tpu.memref_slice %arg5[%dma_start3A] : memref<640xf32, #tpu.memory_space<vmem>> -> memref<125xf32, #tpu.memory_space<vmem>>
        %dma_start3A_52 = arith.constant 0 : i32
        %dma_start3A_53 = tpu.memref_slice %arg4[%run_scoped3A, %scan3A_49, %dma_start3A_52] : memref<5x16x125xi32, #tpu.memory_space<vmem>> -> memref<1x1x125xi32, #tpu.memory_space<vmem>>
        %dma_start3A_54 = tpu.memref_squeeze %dma_start3A_53 : memref<1x1x125xi32, #tpu.memory_space<vmem>> -> memref<125xi32, #tpu.memory_space<vmem>>
        %dma_start3A_55 = arith.constant 0 : i32
        %dma_start3A_56 = tpu.memref_slice %arg6[%dma_start3A_55] : memref<10240xf32, #tpu.memory_space<vmem_shared>> -> memref<10240xf32, #tpu.memory_space<vmem_shared>>
        tpu.enqueue_indirect_dma source(%dma_start3A_51 : memref<125xf32, #tpu.memory_space<vmem>>) target(%dma_start3A_56 : memref<10240xf32, #tpu.memory_space<vmem_shared>>) offsets(%dma_start3A_54 : memref<125xi32, #tpu.memory_space<vmem>>) semaphore(%run_scoped3A_50 : memref<!tpu.dma_semaphore, #tpu.memory_space<semaphore_mem>>) {add = true}
        %dma_wait3A = arith.constant 0 : i32
        %dma_wait3A_57 = tpu.memref_slice %arg5[%dma_wait3A] : memref<640xf32, #tpu.memory_space<vmem>> -> memref<125xf32, #tpu.memory_space<vmem>>
        %dma_wait3A_58 = arith.constant 0 : i32
        %dma_wait3A_59 = tpu.memref_slice %arg4[%run_scoped3A, %scan3A_49, %dma_wait3A_58] : memref<5x16x125xi32, #tpu.memory_space<vmem>> -> memref<1x1x125xi32, #tpu.memory_space<vmem>>
        %dma_wait3A_60 = tpu.memref_squeeze %dma_wait3A_59 : memref<1x1x125xi32, #tpu.memory_space<vmem>> -> memref<125xi32, #tpu.memory_space<vmem>>
        %dma_wait3A_61 = arith.constant 0 : i32
        %dma_wait3A_62 = tpu.memref_slice %arg6[%dma_wait3A_61] : memref<10240xf32, #tpu.memory_space<vmem_shared>> -> memref<10240xf32, #tpu.memory_space<vmem_shared>>
        tpu.wait_indirect_dma semaphore(%run_scoped3A_50 : memref<!tpu.dma_semaphore, #tpu.memory_space<semaphore_mem>>) src(%dma_wait3A_57 : memref<125xf32, #tpu.memory_space<vmem>>) dst(%dma_wait3A_62 : memref<10240xf32, #tpu.memory_space<vmem_shared>>)
        tpu.yield
      }) : () -> ()
    }
    %scan3A_31 = arith.constant 16 : i32
    %scan3A_32 = arith.constant 0 : i32
    %scan3A_33 = arith.constant 0 : i32
    %scan3A_34 = arith.constant 16 : i32
    %scan3A_35 = arith.addi %scan3A_33, %scan3A_34 : i32
    %scan3A_36 = arith.constant 1 : i32
    scf.for %scan3A_49 = %scan3A_33 to %scan3A_35 step %scan3A_36  : i32 {
      %run_scoped3A = arith.constant 3 : i32
      "tpu.region"() ({
        %run_scoped3A_50 = tpu.sem_alloc : memref<!tpu.dma_semaphore, #tpu.memory_space<semaphore_mem>>
        %dma_start3A = arith.constant 0 : i32
        %dma_start3A_51 = tpu.memref_slice %arg5[%dma_start3A] : memref<640xf32, #tpu.memory_space<vmem>> -> memref<125xf32, #tpu.memory_space<vmem>>
        %dma_start3A_52 = arith.constant 0 : i32
        %dma_start3A_53 = tpu.memref_slice %arg4[%run_scoped3A, %scan3A_49, %dma_start3A_52] : memref<5x16x125xi32, #tpu.memory_space<vmem>> -> memref<1x1x125xi32, #tpu.memory_space<vmem>>
        %dma_start3A_54 = tpu.memref_squeeze %dma_start3A_53 : memref<1x1x125xi32, #tpu.memory_space<vmem>> -> memref<125xi32, #tpu.memory_space<vmem>>
        %dma_start3A_55 = arith.constant 0 : i32
        %dma_start3A_56 = tpu.memref_slice %arg6[%dma_start3A_55] : memref<10240xf32, #tpu.memory_space<vmem_shared>> -> memref<10240xf32, #tpu.memory_space<vmem_shared>>
        tpu.enqueue_indirect_dma source(%dma_start3A_51 : memref<125xf32, #tpu.memory_space<vmem>>) target(%dma_start3A_56 : memref<10240xf32, #tpu.memory_space<vmem_shared>>) offsets(%dma_start3A_54 : memref<125xi32, #tpu.memory_space<vmem>>) semaphore(%run_scoped3A_50 : memref<!tpu.dma_semaphore, #tpu.memory_space<semaphore_mem>>) {add = true}
        %dma_wait3A = arith.constant 0 : i32
        %dma_wait3A_57 = tpu.memref_slice %arg5[%dma_wait3A] : memref<640xf32, #tpu.memory_space<vmem>> -> memref<125xf32, #tpu.memory_space<vmem>>
        %dma_wait3A_58 = arith.constant 0 : i32
        %dma_wait3A_59 = tpu.memref_slice %arg4[%run_scoped3A, %scan3A_49, %dma_wait3A_58] : memref<5x16x125xi32, #tpu.memory_space<vmem>> -> memref<1x1x125xi32, #tpu.memory_space<vmem>>
        %dma_wait3A_60 = tpu.memref_squeeze %dma_wait3A_59 : memref<1x1x125xi32, #tpu.memory_space<vmem>> -> memref<125xi32, #tpu.memory_space<vmem>>
        %dma_wait3A_61 = arith.constant 0 : i32
        %dma_wait3A_62 = tpu.memref_slice %arg6[%dma_wait3A_61] : memref<10240xf32, #tpu.memory_space<vmem_shared>> -> memref<10240xf32, #tpu.memory_space<vmem_shared>>
        tpu.wait_indirect_dma semaphore(%run_scoped3A_50 : memref<!tpu.dma_semaphore, #tpu.memory_space<semaphore_mem>>) src(%dma_wait3A_57 : memref<125xf32, #tpu.memory_space<vmem>>) dst(%dma_wait3A_62 : memref<10240xf32, #tpu.memory_space<vmem_shared>>)
        tpu.yield
      }) : () -> ()
    }
    %scan3A_37 = arith.constant 16 : i32
    %scan3A_38 = arith.constant 0 : i32
    %scan3A_39 = arith.constant 0 : i32
    %scan3A_40 = arith.constant 16 : i32
    %scan3A_41 = arith.addi %scan3A_39, %scan3A_40 : i32
    %scan3A_42 = arith.constant 1 : i32
    scf.for %scan3A_49 = %scan3A_39 to %scan3A_41 step %scan3A_42  : i32 {
      %run_scoped3A = arith.constant 4 : i32
      "tpu.region"() ({
        %run_scoped3A_50 = tpu.sem_alloc : memref<!tpu.dma_semaphore, #tpu.memory_space<semaphore_mem>>
        %dma_start3A = arith.constant 0 : i32
        %dma_start3A_51 = tpu.memref_slice %arg5[%dma_start3A] : memref<640xf32, #tpu.memory_space<vmem>> -> memref<125xf32, #tpu.memory_space<vmem>>
        %dma_start3A_52 = arith.constant 0 : i32
        %dma_start3A_53 = tpu.memref_slice %arg4[%run_scoped3A, %scan3A_49, %dma_start3A_52] : memref<5x16x125xi32, #tpu.memory_space<vmem>> -> memref<1x1x125xi32, #tpu.memory_space<vmem>>
        %dma_start3A_54 = tpu.memref_squeeze %dma_start3A_53 : memref<1x1x125xi32, #tpu.memory_space<vmem>> -> memref<125xi32, #tpu.memory_space<vmem>>
        %dma_start3A_55 = arith.constant 0 : i32
        %dma_start3A_56 = tpu.memref_slice %arg6[%dma_start3A_55] : memref<10240xf32, #tpu.memory_space<vmem_shared>> -> memref<10240xf32, #tpu.memory_space<vmem_shared>>
        tpu.enqueue_indirect_dma source(%dma_start3A_51 : memref<125xf32, #tpu.memory_space<vmem>>) target(%dma_start3A_56 : memref<10240xf32, #tpu.memory_space<vmem_shared>>) offsets(%dma_start3A_54 : memref<125xi32, #tpu.memory_space<vmem>>) semaphore(%run_scoped3A_50 : memref<!tpu.dma_semaphore, #tpu.memory_space<semaphore_mem>>) {add = true}
        %dma_wait3A = arith.constant 0 : i32
        %dma_wait3A_57 = tpu.memref_slice %arg5[%dma_wait3A] : memref<640xf32, #tpu.memory_space<vmem>> -> memref<125xf32, #tpu.memory_space<vmem>>
        %dma_wait3A_58 = arith.constant 0 : i32
        %dma_wait3A_59 = tpu.memref_slice %arg4[%run_scoped3A, %scan3A_49, %dma_wait3A_58] : memref<5x16x125xi32, #tpu.memory_space<vmem>> -> memref<1x1x125xi32, #tpu.memory_space<vmem>>
        %dma_wait3A_60 = tpu.memref_squeeze %dma_wait3A_59 : memref<1x1x125xi32, #tpu.memory_space<vmem>> -> memref<125xi32, #tpu.memory_space<vmem>>
        %dma_wait3A_61 = arith.constant 0 : i32
        %dma_wait3A_62 = tpu.memref_slice %arg6[%dma_wait3A_61] : memref<10240xf32, #tpu.memory_space<vmem_shared>> -> memref<10240xf32, #tpu.memory_space<vmem_shared>>
        tpu.wait_indirect_dma semaphore(%run_scoped3A_50 : memref<!tpu.dma_semaphore, #tpu.memory_space<semaphore_mem>>) src(%dma_wait3A_57 : memref<125xf32, #tpu.memory_space<vmem>>) dst(%dma_wait3A_62 : memref<10240xf32, #tpu.memory_space<vmem_shared>>)
        tpu.yield
      }) : () -> ()
    }
    %scan3A_43 = arith.constant 16 : i32
    %barrier3A_44 = arith.constant 0 : index
    tpu.barrier barrier_id(%barrier3A_44)
    %mul3A_45 = arith.constant 640 : i32
    %mul3A_46 = arith.muli %arg1, %mul3A_45 : i32
    %mul3A_47 = arith.constant 640 : i32
    %mul3A_48 = arith.muli %arg1, %mul3A_47 : i32
    "tpu.region"() ({
      %run_scoped3A = tpu.sem_alloc : memref<!tpu.dma_semaphore, #tpu.memory_space<semaphore_mem>>
      %dma_start3A = tpu.memref_slice %arg3[%arg0, %mul3A_48] : memref<2x10240xf32, #tpu.memory_space<hbm>> -> memref<1x640xf32, #tpu.memory_space<hbm>>
      %dma_start3A_49 = tpu.memref_squeeze %dma_start3A : memref<1x640xf32, #tpu.memory_space<hbm>> -> memref<640xf32, #tpu.memory_space<hbm>>
      %dma_start3A_50 = tpu.memref_slice %arg6[%mul3A_46] : memref<10240xf32, #tpu.memory_space<vmem_shared>> -> memref<640xf32, #tpu.memory_space<vmem_shared>>
      tpu.enqueue_dma source(%dma_start3A_50 : memref<640xf32, #tpu.memory_space<vmem_shared>>) target(%dma_start3A_49 : memref<640xf32, #tpu.memory_space<hbm>>) target_semaphore(%run_scoped3A : memref<!tpu.dma_semaphore, #tpu.memory_space<semaphore_mem>>)
      %dma_wait3A = tpu.memref_slice %arg3[%arg0, %mul3A_48] : memref<2x10240xf32, #tpu.memory_space<hbm>> -> memref<1x640xf32, #tpu.memory_space<hbm>>
      %dma_wait3A_51 = tpu.memref_squeeze %dma_wait3A : memref<1x640xf32, #tpu.memory_space<hbm>> -> memref<640xf32, #tpu.memory_space<hbm>>
      %dma_wait3A_52 = tpu.memref_slice %arg6[%mul3A_46] : memref<10240xf32, #tpu.memory_space<vmem_shared>> -> memref<640xf32, #tpu.memory_space<vmem_shared>>
      tpu.wait_dma2 semaphore(%run_scoped3A : memref<!tpu.dma_semaphore, #tpu.memory_space<semaphore_mem>>) src(%dma_wait3A_52 : memref<640xf32, #tpu.memory_space<vmem_shared>>) dst(%dma_wait3A_51 : memref<640xf32, #tpu.memory_space<hbm>>)
      tpu.yield
    }) : () -> ()
    return
  }
}

module attributes {stable_mosaic.version = 14 : i64} {
  func.func @_mm_body(%arg0: i32, %arg1: memref<1000x128xf32, #tpu.memory_space<vmem>>, %arg2: memref<128x128xf32, #tpu.memory_space<vmem>>, %arg3: memref<1000x128xf32, #tpu.memory_space<vmem>>) attributes {dimension_semantics = [#tpu.dimension_semantics<arbitrary>], iteration_bounds = array<i64: 10>, scalar_prefetch = 0 : i64, scratch_operands = 0 : i64, tpu.core_type = #tpu.core_type<tc>, window_params = [{transform_indices = @transform_0, window_bounds = array<i64: 1000, 128>}, {pipeline_mode = #tpu.pipeline_mode<synchronous>, transform_indices = @transform_1, window_bounds = array<i64: 128, 128>}, {transform_indices = @transform_2, window_bounds = array<i64: 1000, 128>}]} {
    %get3A = arith.constant 0 : index
    %get3A_0 = arith.constant 0 : index
    %get3A_1 = vector.load %arg1[%get3A, %get3A_0] : memref<1000x128xf32, #tpu.memory_space<vmem>>, vector<1000x128xf32>
    %get3A_2 = arith.constant 0 : index
    %get3A_3 = arith.constant 0 : index
    %get3A_4 = vector.load %arg2[%get3A_2, %get3A_3] : memref<128x128xf32, #tpu.memory_space<vmem>>, vector<128x128xf32>
    %dot_general3A = arith.constant dense<0.000000e+00> : vector<1000x128xf32>
    %dot_general3A_5 = tpu.matmul %get3A_1, %get3A_4, %dot_general3A {dimension_numbers = #tpu.dot_dimension_numbers<[1], [0], [0], [1], [0, 0, 1, 1], [], []>, transpose_lhs_hint = false} : vector<1000x128xf32>, vector<128x128xf32>, vector<1000x128xf32> -> vector<1000x128xf32>
    %swap3A = arith.constant 0 : index
    %swap3A_6 = arith.constant 0 : index
    %swap3A_7 = vector.load %arg3[%swap3A, %swap3A_6] : memref<1000x128xf32, #tpu.memory_space<vmem>>, vector<1000x128xf32>
    tpu.vector_store %arg3[%swap3A, %swap3A_6], %dot_general3A_5 {strides = array<i32>} : memref<1000x128xf32, #tpu.memory_space<vmem>>, vector<1000x128xf32>,
    return
  }
  func.func @transform_0(%arg0: i32) -> (i32, i32) {
    %c0_i32 = arith.constant 0 : i32
    %c0_i32_0 = arith.constant 0 : i32
    return %arg0, %c0_i32 : i32, i32
  }
  func.func @transform_1(%arg0: i32) -> (i32, i32) {
    %c0_i32 = arith.constant 0 : i32
    %c0_i32_0 = arith.constant 0 : i32
    %c0_i32_1 = arith.constant 0 : i32
    return %c0_i32, %c0_i32_0 : i32, i32
  }
  func.func @transform_2(%arg0: i32) -> (i32, i32) {
    %c0_i32 = arith.constant 0 : i32
    %c0_i32_0 = arith.constant 0 : i32
    return %arg0, %c0_i32 : i32, i32
  }
}

module attributes {stable_mosaic.version = 14 : i64} {
  func.func @_g_body(%arg0: i32, %arg1: memref<1000x128xf32, #tpu.memory_space<vmem>>, %arg2: memref<1000x2xf32, #tpu.memory_space<vmem>>, %arg3: memref<1000x128xf32, #tpu.memory_space<vmem>>, %arg4: memref<1000x1xf32, #tpu.memory_space<vmem>>) attributes {dimension_semantics = [#tpu.dimension_semantics<arbitrary>], iteration_bounds = array<i64: 10>, scalar_prefetch = 0 : i64, scratch_operands = 0 : i64, tpu.core_type = #tpu.core_type<tc>, window_params = [{transform_indices = @transform_0, window_bounds = array<i64: 1000, 128>}, {transform_indices = @transform_1, window_bounds = array<i64: 1000, 2>}, {transform_indices = @transform_2, window_bounds = array<i64: 1000, 128>}, {transform_indices = @transform_3, window_bounds = array<i64: 1000, 1>}]} {
    %get3A = arith.constant 0 : index
    %get3A_0 = arith.constant 0 : index
    %get3A_1 = vector.load %arg2[%get3A, %get3A_0] : memref<1000x2xf32, #tpu.memory_space<vmem>>, vector<1000x2xf32>
    %reduce_sum3A = arith.constant dense<0.000000e+00> : vector<1000xf32>
    %reduce_sum3A_2 = vector.multi_reduction <add>, %get3A_1, %reduce_sum3A [1] : vector<1000x2xf32> to vector<1000xf32>
    %broadcast_in_dim3A = vector.shape_cast %reduce_sum3A_2 : vector<1000xf32> to vector<1000x1xf32>
    %add3A = arith.constant 1.000000e+00 : f32
    %add3A_3 = vector.broadcast %add3A : f32 to vector<1000x1xf32>
    %add3A_4 = arith.addf %broadcast_in_dim3A, %add3A_3 : vector<1000x1xf32>
    %rsqrt3A = math.rsqrt %add3A_4 : vector<1000x1xf32>
    %get3A_5 = arith.constant 0 : index
    %get3A_6 = arith.constant 0 : index
    %get3A_7 = vector.load %arg1[%get3A_5, %get3A_6] : memref<1000x128xf32, #tpu.memory_space<vmem>>, vector<1000x128xf32>
    %mul3A = vector.broadcast %rsqrt3A : vector<1000x1xf32> to vector<1000x128xf32>
    %mul3A_8 = arith.mulf %get3A_7, %mul3A : vector<1000x128xf32>
    %swap3A = arith.constant 0 : index
    %swap3A_9 = arith.constant 0 : index
    %swap3A_10 = vector.load %arg3[%swap3A, %swap3A_9] : memref<1000x128xf32, #tpu.memory_space<vmem>>, vector<1000x128xf32>
    tpu.vector_store %arg3[%swap3A, %swap3A_9], %mul3A_8 {strides = array<i32>} : memref<1000x128xf32, #tpu.memory_space<vmem>>, vector<1000x128xf32>,
    %swap3A_11 = arith.constant 0 : index
    %swap3A_12 = arith.constant 0 : index
    %swap3A_13 = vector.load %arg4[%swap3A_11, %swap3A_12] : memref<1000x1xf32, #tpu.memory_space<vmem>>, vector<1000x1xf32>
    tpu.vector_store %arg4[%swap3A_11, %swap3A_12], %rsqrt3A {strides = array<i32>} : memref<1000x1xf32, #tpu.memory_space<vmem>>, vector<1000x1xf32>,
    return
  }
  func.func @transform_0(%arg0: i32) -> (i32, i32) {
    %c0_i32 = arith.constant 0 : i32
    %c0_i32_0 = arith.constant 0 : i32
    return %arg0, %c0_i32 : i32, i32
  }
  func.func @transform_1(%arg0: i32) -> (i32, i32) {
    %c0_i32 = arith.constant 0 : i32
    %c0_i32_0 = arith.constant 0 : i32
    return %arg0, %c0_i32 : i32, i32
  }
  func.func @transform_2(%arg0: i32) -> (i32, i32) {
    %c0_i32 = arith.constant 0 : i32
    %c0_i32_0 = arith.constant 0 : i32
    return %arg0, %c0_i32 : i32, i32
  }
  func.func @transform_3(%arg0: i32) -> (i32, i32) {
    %c0_i32 = arith.constant 0 : i32
    %c0_i32_0 = arith.constant 0 : i32
    return %arg0, %c0_i32 : i32, i32
  }
}

module attributes {stable_mosaic.version = 14 : i64} {
  func.func @_fin_body(%arg0: i32, %arg1: memref<2x1000x128xf32, #tpu.memory_space<vmem>>, %arg2: memref<1000x128xf32, #tpu.memory_space<vmem>>, %arg3: memref<1000x1xf32, #tpu.memory_space<vmem>>, %arg4: memref<1x128xf32, #tpu.memory_space<vmem>>, %arg5: memref<1000x128xf32, #tpu.memory_space<vmem>>) attributes {dimension_semantics = [#tpu.dimension_semantics<arbitrary>], iteration_bounds = array<i64: 10>, scalar_prefetch = 0 : i64, scratch_operands = 0 : i64, tpu.core_type = #tpu.core_type<tc>, window_params = [{transform_indices = @transform_0, window_bounds = array<i64: 2, 1000, 128>}, {transform_indices = @transform_1, window_bounds = array<i64: 1000, 128>}, {transform_indices = @transform_2, window_bounds = array<i64: 1000, 1>}, {pipeline_mode = #tpu.pipeline_mode<synchronous>, transform_indices = @transform_3, window_bounds = array<i64: 1, 128>}, {transform_indices = @transform_4, window_bounds = array<i64: 1000, 128>}]} {
    %get3A = arith.constant 0 : index
    %get3A_0 = arith.constant 0 : index
    %get3A_1 = arith.constant 0 : index
    %get3A_2 = vector.load %arg1[%get3A, %get3A_0, %get3A_1] : memref<2x1000x128xf32, #tpu.memory_space<vmem>>, vector<1x1000x128xf32>
    %get3A_3 = vector.shape_cast %get3A_2 : vector<1x1000x128xf32> to vector<1000x128xf32>
    %get3A_4 = arith.constant 1 : index
    %get3A_5 = arith.constant 0 : index
    %get3A_6 = arith.constant 0 : index
    %get3A_7 = vector.load %arg1[%get3A_4, %get3A_5, %get3A_6] : memref<2x1000x128xf32, #tpu.memory_space<vmem>>, vector<1x1000x128xf32>
    %get3A_8 = vector.shape_cast %get3A_7 : vector<1x1000x128xf32> to vector<1000x128xf32>
    %add3A = arith.addf %get3A_3, %get3A_8 : vector<1000x128xf32>
    %get3A_9 = arith.constant 0 : index
    %get3A_10 = arith.constant 0 : index
    %get3A_11 = vector.load %arg2[%get3A_9, %get3A_10] : memref<1000x128xf32, #tpu.memory_space<vmem>>, vector<1000x128xf32>
    %add3A_12 = arith.addf %add3A, %get3A_11 : vector<1000x128xf32>
    %get3A_13 = arith.constant 0 : index
    %get3A_14 = arith.constant 0 : index
    %get3A_15 = vector.load %arg3[%get3A_13, %get3A_14] : memref<1000x1xf32, #tpu.memory_space<vmem>>, vector<1000x1xf32>
    %mul3A = vector.broadcast %get3A_15 : vector<1000x1xf32> to vector<1000x128xf32>
    %mul3A_16 = arith.mulf %add3A_12, %mul3A : vector<1000x128xf32>
    %get3A_17 = arith.constant 0 : index
    %get3A_18 = arith.constant 0 : index
    %get3A_19 = vector.load %arg4[%get3A_17, %get3A_18] : memref<1x128xf32, #tpu.memory_space<vmem>>, vector<1x128xf32>
    %add3A_20 = vector.broadcast %get3A_19 : vector<1x128xf32> to vector<1000x128xf32>
    %add3A_21 = arith.addf %mul3A_16, %add3A_20 : vector<1000x128xf32>
    %max3A = arith.constant 0.000000e+00 : f32
    %max3A_22 = vector.broadcast %max3A : f32 to vector<1000x128xf32>
    %max3A_23 = arith.maximumf %add3A_21, %max3A_22 : vector<1000x128xf32>
    %swap3A = arith.constant 0 : index
    %swap3A_24 = arith.constant 0 : index
    %swap3A_25 = vector.load %arg5[%swap3A, %swap3A_24] : memref<1000x128xf32, #tpu.memory_space<vmem>>, vector<1000x128xf32>
    tpu.vector_store %arg5[%swap3A, %swap3A_24], %max3A_23 {strides = array<i32>} : memref<1000x128xf32, #tpu.memory_space<vmem>>, vector<1000x128xf32>,
    return
  }
  func.func @transform_0(%arg0: i32) -> (i32, i32, i32) {
    %c0_i32 = arith.constant 0 : i32
    %c0_i32_0 = arith.constant 0 : i32
    %c0_i32_1 = arith.constant 0 : i32
    return %c0_i32, %arg0, %c0_i32_0 : i32, i32, i32
  }
  func.func @transform_1(%arg0: i32) -> (i32, i32) {
    %c0_i32 = arith.constant 0 : i32
    %c0_i32_0 = arith.constant 0 : i32
    return %arg0, %c0_i32 : i32, i32
  }
  func.func @transform_2(%arg0: i32) -> (i32, i32) {
    %c0_i32 = arith.constant 0 : i32
    %c0_i32_0 = arith.constant 0 : i32
    return %arg0, %c0_i32 : i32, i32
  }
  func.func @transform_3(%arg0: i32) -> (i32, i32) {
    %c0_i32 = arith.constant 0 : i32
    %c0_i32_0 = arith.constant 0 : i32
    %c0_i32_1 = arith.constant 0 : i32
    return %c0_i32, %c0_i32_0 : i32, i32
  }
  func.func @transform_4(%arg0: i32) -> (i32, i32) {
    %c0_i32 = arith.constant 0 : i32
    %c0_i32_0 = arith.constant 0 : i32
    return %arg0, %c0_i32 : i32, i32
  }
}

</mosaic_0001>

<sc_bundles>
// kernel: kernel.10.cloned.1.call-start
scs
__scs_entry_jumppad:
0x0: {  	(pc) =	sbr.rel $0x88, $3  }
0x1: {  	(tag) =	ssettag $0x0;
	lr =	simm.s32 $0x1  }
0x2: {  	[smem:$0x3F9D] =	sst lr;
	_ =	strace $0xD0000000  }
0x3: {  	_ = 	snop  }
0x4: {  	_ = 	snop  }
0x5: {  	_ = 	snop  }
0x6: {  	_ = 	snop  }
0x7: {  	_ = 	snop  }
__scs_overlays_trampoline_lowered:
0x8: {  	[smem:$0x3FAC] =	sst s0  }
0x9: {  	[smem:$0x3FAD] =	sst s1  }
0xa: {  	[smem:$0x3FAE] =	sst s2  }
0xb: {  	[smem:$0x3FAF] =	sst s3  }
0xc: {  	[smem:$0x3FB0] =	sst s4  }
0xd: {  	[smem:$0x3FB1] =	sst s5  }
0xe: {  	[smem:$0x3FB2] =	sst s6  }
0xf: {  	[smem:$0x3FB3] =	sst s7  }
0x10: {  	[smem:$0x3FB4] =	sst s8  }
0x11: {  	[smem:$0x3FB5] =	sst s9;
	s0 =	simm.s32 @!p0 $0x0  }
0x12: {  	s1 =	sld [smem:$0x3F9B];
	s0 =	simm.s32 @p0 $0x1  }
0x13: {  	[smem:$0x3FB6] =	sst s0;
	s0 =	simm.s32 @!p1 $0x0  }
0x14: {  	s2 =	sld [smem:$0x3F9A];
	s0 =	simm.s32 @p1 $0x1  }
0x15: {  	[smem:$0x3FB7] =	sst s0;
	s0 =	simm.s32 @!p2 $0x0  }
0x16: {  	s3 =	sld [smem:$0x3FDB];
	s0 =	simm.s32 @p2 $0x1  }
0x17: {  	s4 =	simm.s32 $0x1BF5;
	[smem:$0x3FB9] =	sst s0  }
0x18: {  	s0 =	sld [smem:$0x3F9C];
	_ =	swait.ge [sflag:s4], $0x0  }
0x19: {  	s7 =	sld [smem:$0x3F9D]  }
0x1a: {  	s8 =	sadd.s32 $0xFFFFE003, lr  }
0x1b: {  	s9 =	sadd.s32 $0xFFFFFEF7, lr;
	s5 =	simm.s32 $0xFFFFFFFF;
	p2 =	slt.u32 s8, $0xFFFFF086  }
0x1c: {  	p1 =	slt.u32 s9, $0xF7A;
	s5 =	simm.s32 @!p2 $0x0  }
0x1d: {  	s5 =	simm.s32 @p1 $0x1;
	p0 =	seq.s32 s7, s2  }
0x1e: {  	s7 =	smul.u32 @!p0 $0xF7A, s2;
	p2 =	seq.s32 @!p0 s5, $0x0  }
0x1f: {  	s9 =	smul.u32 $0xF7A, s1;
	s8 =	simm.s32 @!p0 $0x1BF5;
	p2 =	por !p2, p0  }
0x20: {  	[sflag:s8] =	ssyncset.s32 @!p0 $0xFFFFF086;
	s6 =	sadd.s32 @!p0 s3, s7;
	s7 =	simm.s32 @!p0 $0x108  }
0x21: {  	s3 =	sadd.s32 s3, s9;
	s6 =	sadd.s32 @!p0 $0x88, s6;
	s7 =	simm.s32 @p2 $0x1082  }
0x22: {  	[simem:s7], [sflag:s8] =	dma.local @!p0 [hbm:s6], $0xF7A  }
0x23: {  	s9 =	sor.u32 $0xD0000000, s2;
	s6 =	simm.s32 $0x108;
	_ =	swait.ge @!p0 [sflag:s8], $0x0  }
0x24: {  	s3 =	sadd.s32 $0x88, s3;
	s6 =	simm.s32 @!p1 $0x1082;
	[sflag:s4] =	ssyncset.s32 $0xFFFFF086  }
0x25: {  	[simem:s6], [sflag:s4] =	dma.local [hbm:s3], $0xF7A  }
0x26: {  	[smem:$0x3F9D] =	sst s1;
	(tag) =	ssettag s2;
	_ =	strace s9  }
0x27: {  	s1 =	sld [smem:$0x3FAD]  }
0x28: {  	s2 =	sld [smem:$0x3FAE]  }
0x29: {  	s4 =	sld [smem:$0x3FB0]  }
0x2a: {  	p0 =	seq.s32 s5, $0x0;
	s5 =	sld [smem:$0x3FB1]  }
0x2b: {  	s6 =	sld [smem:$0x3FB2]  }
0x2c: {  	s7 =	sld [smem:$0x3FB3]  }
0x2d: {  	s3 =	simm.s32 $0x108;
	s8 =	sld [smem:$0x3FB4]  }
0x2e: {  	s3 =	simm.s32 @!p0 $0x1082;
	s9 =	sld [smem:$0x3FB5]  }
0x2f: {  	lr =	sadd.s32 s0, s3;
	s0 =	sld [smem:$0x3FAC]  }
0x30: {  	s3 =	sld [smem:$0x3FAF]  }
0x31: {  	[smem:$0x3FB8] =	sst s10  }
0x32: {  	s10 =	sld [smem:$0x3FB6];
	_ =	sdelay $0x3  }
0x33: {  	p0 =	seq.s32 s10, $0x1;
	s10 =	sld [smem:$0x3FB8];
	_ =	sdelay $0x3  }
0x34: {  	[smem:$0x3FB8] =	sst s10  }
0x35: {  	s10 =	sld [smem:$0x3FB7];
	_ =	sdelay $0x3  }
0x36: {  	p1 =	seq.s32 s10, $0x1;
	s10 =	sld [smem:$0x3FB8];
	_ =	sdelay $0x3  }
0x37: {  	[smem:$0x3FB8] =	sst s10  }
0x38: {  	s10 =	sld [smem:$0x3FB9]  }
0x39: {  	_ = 	snop;
	(pc) =	sbr.ind lr, $3  }
0x3a: {  	_ = 	snop  }
0x3b: {  	_ = 	snop  }
0x3c: {  	p2 =	seq.s32 s10, $0x1;
	s10 =	sld [smem:$0x3FB8]  }
0x3d: {  	_ =	shalt  }
0x3e: {  	_ =	shalt  }
0x3f: {  	_ =	shalt  }
0x40: {  	_ =	shalt  }
0x41: {  	_ =	shalt  }
0x42: {  	_ =	shalt  }
0x43: {  	_ =	shalt  }
0x44: {  	_ =	shalt  }
0x45: {  	_ =	shalt  }
0x46: {  	_ =	shalt  }
0x47: {  	_ =	shalt  }
0x48: {  	_ =	shalt  }
0x49: {  	_ =	shalt  }
0x4a: {  	_ =	shalt  }
0x4b: {  	_ =	shalt  }
0x4c: {  	_ =	shalt  }
0x4d: {  	_ =	shalt  }
0x4e: {  	_ =	shalt  }
0x4f: {  	_ =	shalt  }
0x50: {  	_ =	shalt  }
0x51: {  	_ =	shalt  }
0x52: {  	_ =	shalt  }
0x53: {  	_ =	shalt  }
0x54: {  	_ =	shalt  }
0x55: {  	_ =	shalt  }
0x56: {  	_ =	shalt  }
0x57: {  	_ =	shalt  }
0x58: {  	_ =	shalt  }
0x59: {  	_ =	shalt  }
0x5a: {  	_ =	shalt  }
0x5b: {  	_ =	shalt  }
0x5c: {  	_ =	shalt  }
0x5d: {  	_ =	shalt  }
0x5e: {  	_ =	shalt  }
0x5f: {  	_ =	shalt  }
0x60: {  	_ =	shalt  }
0x61: {  	_ =	shalt  }
0x62: {  	_ =	shalt  }
0x63: {  	_ =	shalt  }
0x64: {  	_ =	shalt  }
0x65: {  	_ =	shalt  }
0x66: {  	_ =	shalt  }
0x67: {  	_ =	shalt  }
0x68: {  	_ =	shalt  }
0x69: {  	_ =	shalt  }
0x6a: {  	_ =	shalt  }
0x6b: {  	_ =	shalt  }
0x6c: {  	_ =	shalt  }
0x6d: {  	_ =	shalt  }
0x6e: {  	_ =	shalt  }
0x6f: {  	_ =	shalt  }
0x70: {  	_ =	shalt  }
0x71: {  	_ =	shalt  }
0x72: {  	_ =	shalt  }
0x73: {  	_ =	shalt  }
0x74: {  	_ =	shalt  }
0x75: {  	_ =	shalt  }
0x76: {  	_ =	shalt  }
0x77: {  	_ =	shalt  }
0x78: {  	_ =	shalt  }
0x79: {  	_ =	shalt  }
0x7a: {  	_ =	shalt  }
0x7b: {  	_ =	shalt  }
0x7c: {  	_ =	shalt  }
0x7d: {  	_ =	shalt  }
0x7e: {  	_ =	shalt  }
0x7f: {  	_ =	shalt  }
0x80: {  	_ =	shalt  }
0x81: {  	_ =	shalt  }
0x82: {  	_ =	shalt  }
0x83: {  	_ =	shalt  }
0x84: {  	_ =	shalt  }
0x85: {  	_ =	shalt  }
0x86: {  	_ =	shalt  }
0x87: {  	_ =	shalt  }
.Lfunc_end0:
.L_simem_size_0:
called_computation.1_lowered:
.L_overlay_start_0:
0x88: {  	s2 =	sld [smem:$0x3FD9]  }
0x89: {  	s3 =	sld [smem:$0x3FFE];
	_ =	sdelay $0x1  }
0x8a: {  	s1 =	srdreg.scid  }
0x8b: {  	s0 =	sand.u32 $0x1, s1  }
0x8c: {  	s17 =	sshll.u32 s0, $0xA;
	s2 =	sadd.s32 s3, s2  }
0x8d: {  	s2 =	sadd.s32 s2, s17  }
0x8e: {  	[smem:$0x3FC4] =	sst s2  }
0x8f: {  	_ = 	snop  }
0x90: {  	s2 =	sld [smem:$0x3FD0];
	(tm) =	ssettm $0x1  }
0x91: {  	s18 =	sld [smem:$0x3FFB];
	_ =	sdelay $0x3  }
0x92: {  	_ =	strace s18  }
0x93: {  	s3 =	sld [smem:$0x3FFC];
	_ =	sdelay $0x3  }
0x94: {  	_ =	strace s3  }
0x95: {  	s3 =	sld [smem:$0x3FFD];
	_ =	sdelay $0x3  }
0x96: {  	_ =	strace s3  }
0x97: {  	_ =	strace $0x8FFFFFFF  }
0x98: {  	s19 =	sld [smem:$0x3FDB];
	_ =	sdelay $0x1  }
0x99: {  	s4 =	simm.s32 $_scs_section_size  }
0x9a: {  	s5 =	simm.s32 $_size__tile_overlayer_lowered;
	s6 =	simm.s32 $_tile_overlayer_lowered  }
0x9b: {  	s22 =	simm.s32 $0x1BFF;
	s21 =	sshll.u32 s6, $0x1;
	s3 =	sadd.s32 s4, s19  }
0x9c: {  	s7 =	simm.s32 $0x0;
	s20 =	sshll.u32 s5, $0x1;
	s5 =	sadd.s32 s21, s3  }
0x9d: {  	[timem:s7], [sflag:s22] =	dma.local [hbm:s5], s20  }
0x9e: {  	_ =	swait.ge [sflag:s22], s20  }
0x9f: {  	s4 =	ssub.s32 $0x0, s20;
	[sflag:s22] =	ssyncset.done $0x0  }
0xa0: {  	[sflag:s22] =	ssyncadd.s32 s4;
	_ =	sdelay $0x1  }
0xa1: {  	s23 =	simm.s32 $0x1B8B  }
0xa2: {  	_ =	swait.ge [sflag:s23], $0x1  }
0xa3: {  	[sflag:s23] =	ssyncset.done $0x0  }
0xa4: {  	s25 =	simm.s32 $0x1B8E;
	s24 =	sld [smem:$0x3FFE];
	[sflag:s23] =	ssyncadd.s32 $0xFFFFFFFF  }
0xa5: {  	s26 =	simm.s32 $execute0_lowered;
	[smem:$0x3FD2] =	sst s25  }
0xa6: {  	s5 =	sshll.u32 s26, $0x1;
	_ =	strace $0x80000049;
	[dreg:$0x1] =	wrdreg $0xFFFFFFFF  }
0xa7: {  	s28 =	simm.s32 $_size_execute0_lowered;
	s3 =	sadd.s32 s3, s5;
	[dreg:$0x0] =	wrdreg $0x0  }
0xa8: {  	s5 =	sshll.u32 s28, $0x1;
	[dreg:$0x2] =	wrdreg s3  }
0xa9: {  	[dreg:$0x3] =	wrdreg s5  }
0xaa: {  	[dreg:$0x4] =	wrdreg $0xC0  }
0xab: {  	_ =	task [dreg:s7], $0x5FFFF  }
0xac: {  	[dreg:$0x1] =	wrdreg $0xFFFFFFFF  }
0xad: {  	[dreg:$0x0] =	wrdreg $0x60  }
0xae: {  	[dreg:$0x2] =	wrdreg s2  }
0xaf: {  	[dreg:$0x3] =	wrdreg s24  }
0xb0: {  	[dreg:$0x4] =	wrdreg $0xA0000  }
0xb1: {  	[dreg:$0x5] =	wrdreg $0x9  }
0xb2: {  	_ =	task.clear_ibuf [dreg:s7], $0x6FFFF;
	_ =	strace $0x90000049  }
0xb3: {  	s29 =	simm.s32 $0x9;
	_ =	strace $0x8000004B  }
0xb4: {  	_ =	swait.ge [sflag:s29], $0x1  }
0xb5: {  	[sflag:s29] =	ssyncadd.s32 $0xFFFFFFFF  }
0xb6: {  	_ =	strace $0x9000004B  }
0xb7: {  	_ =	sfence  }
0xb8: {  	s30 =	sld [smem:$0x0];
	_ =	sdelay $0x2  }
0xb9: {  	s31 =	sshll.u32 s1, $0xD;
	s1 =	sshrl.u32 s1, $0x2  }
0xba: {  	s3 =	sand.u32 $0x4000, s31;
	s1 =	sadd.s32 s1, s30  }
0xbb: {  	s0 =	sor.u32 s3, s0;
	s1 =	sshll.u32 s1, $0x11  }
0xbc: {  	s0 =	sor.u32 s1, s0  }
0xbd: {  	s0 =	sadd.s32 $0x8F2B, s0  }
0xbe: {  	[sflag:s0] =	ssyncadd.remote.s32 $0x1  }
0xbf: {  	_ =	sfence.sel $0xFFFF  }
0xc0: {  	[dreg:$0x0] =	wrdreg $0xFFFFFFFF;
	(pc) =	sbr.abs _section_cstart, $3  }
0xc1: {  	[dreg:$0x1] =	wrdreg $0xFFFFFFFF  }
0xc2: {  	_ =	task.clear_ibuf [dreg:s7], $0x2FFFF;
	_ =	strace $0x9FFFFFFF  }
0xc3: {  	(tm) =	ssettm $0x7FFFFFFF  }
tec
execute0_lowered:
.L_overlay_start_1:
0x0: {  	(tag) =	ssettag $0x1  }
0x1: {  	s0 =	rddreg [dreg:$0x0]  }
0x2: {  	s1 =	rddreg [dreg:$0x1]  }
0x3: {  	s2 =	srdreg.scid;
	s3 =	rddreg [dreg:$0x2]  }
0x4: {  	s9 =	stileid.u32;
	s4 =	simm.s32 $0x0;
	s29 =	simm.s32 $0x7D  }
0x5: {  	s31 =	simm.s32 $0x6000;
	s28 =	simm.s32 $0x800;
	s2 =	sand.u32 $0x1, s2  }
0x6: {  	s6 =	smul.u32 $0x13C00, s9;
	[smem:$0x7FF] =	sst s4;
	s7 =	sadd.s32 $0xBA00, s1  }
0x7: {  	s11 =	sadd.s32 $0x1A00, s1;
	s8 =	smul.u32 $0x4F000, s9;
	s9 =	sshll.u32 s9, $0x1  }
0x8: {  	s5 =	smul.u32 $0x13C000, s2;
	_ =	strace $0x8000004A;
	s12 =	ssub.s32 $0x2, s2  }
0x9: {  	s2 =	sor.u32 s2, s9;
	s9 =	simm.s32 $0x1880;
	s10 =	sshrl.u32 s12, $0x1  }
0xa: {  	s8 =	sshrl.u32 s8, $0x2;
	s2 =	smul.u32 $0x2800, s2;
	s5 =	sadd.s32 s6, s5  }
0xb: {  	s13 =	ssub.s32 s12, s10;
	s14 =	sadd.s32 s8, s3;
	s6 =	simm.s32 $0x2  }
0xc: {  	s10 =	simm.s32 $0x980;
	s12 =	simm.s32 $0xA00;
	s5 =	sshrl.u32 s5, $0x3  }
0xd: {  	s8 =	sadd.s32 $0x3C00, s14;
	s15 =	sadd.s32 $0x7800, s14;
	[dreg:$0x15] =	wrdreg s14  }
0xe: {  	s16 =	sadd.s32 $0xB400, s14;
	s17 =	sadd.s32 $0xF000, s14;
	[dreg:$0x4] =	wrdreg s8  }
0xf: {  	s18 =	sadd.s32 $0x12C00, s14;
	s2 =	sshrl.u32 s2, $0x3;
	[dreg:$0x5] =	wrdreg s15  }
0x10: {  	s30 =	smax.u32 s13, $0x1;
	s13 =	simm.s32 $0x1980;
	[dreg:$0x6] =	wrdreg s16  }
0x11: {  	s14 =	simm.s32 $0xA80;
	s1 =	sadd.s32 s5, s1;
	[dreg:$0x7] =	wrdreg s17  }
0x12: {  	[dreg:$0x8] =	wrdreg s18;
	s19 =	sadd.s32 s7, s2;
	s20 =	sadd.s32 s11, s2  }
0x13: {  	s21 =	sadd.s32 $0x100, s2;
	s23 =	sadd.s32 $0x200, s2;
	[dreg:$0x12] =	wrdreg s30  }
0x14: {  	s25 =	sadd.s32 $0x300, s2;
	s2 =	sadd.s32 $0x400, s2;
	[dreg:$0x9] =	wrdreg s19  }
0x15: {  	s15 =	simm.s32 $0x1A00;
	[dreg:$0xa] =	wrdreg s20;
	s22 =	sadd.s32 s7, s21  }
0x16: {  	s16 =	simm.s32 $0xB00;
	s8 =	sadd.s32 s11, s21;
	[dreg:$0x13] =	wrdreg s22  }
0x17: {  	s17 =	simm.s32 $0x1A80;
	s24 =	sadd.s32 s7, s23;
	[dreg:$0x14] =	wrdreg s8  }
0x18: {  	s18 =	simm.s32 $0xB80;
	s26 =	sadd.s32 s7, s25;
	[dreg:$0xb] =	wrdreg s24  }
0x19: {  	s7 =	sadd.s32 s7, s2;
	s2 =	sadd.s32 s11, s2;
	[dreg:$0xd] =	wrdreg s26  }
0x1a: {  	s1 =	sadd.s32 $0x15A00, s1;
	s21 =	simm.s32 $0x3;
	[dreg:$0xf] =	wrdreg s7  }
0x1b: {  	s19 =	simm.s32 $0x1B00;
	s20 =	simm.s32 $0xC00;
	[dreg:$0x10] =	wrdreg s2  }
0x1c: {  	s8 =	sadd.s32 s11, s23;
	[dreg:$0x11] =	wrdreg s1;
	s23 =	simm.s32 $0x2000  }
0x1d: {  	s24 =	simm.s32 $0x4;
	s1 =	simm.s32 $0x1;
	s22 =	simm.s32 $0x0  }
0x1e: {  	s26 =	simm.s32 $0x900;
	[dreg:$0xc] =	wrdreg s8;
	s8 =	sadd.s32 s11, s25  }
0x1f: {  	v0 =	vimm.f32 $0.0e+00;
	s11 =	simm.s32 $0x1900;
	s25 =	simm.s32 $0x1B80;
	[dreg:$0xe] =	wrdreg s8  }
.LBB2_1:
0x20: {  	s2 =	sand.u32 $0xFE00, s4  }
0x21: {  	s7 =	sand.u32 $0x70, s4;
	s2 =	sshrl.u32 s2, $0x2  }
0x22: {  	s30 =	simm.s32 $0x40;
	s7 =	sor.u32 s7, s2;
	s2 =	simm.s32 $0x0  }
.LBB2_2:
0x23: {  	p0 =	sne.s32 s30, $0xF9C0  }
0x24: {  	[tilespmem:s7+$0x2000] =	vst v0;
	s2 =	sadd.s32 $0x10, s2;
	s7 =	smov.u32 s30;
	s30 =	sadd.s32 $0x40, s30  }
.Ltmp0:
0x25: {  	(pc) =	sbr.rel @p0 .LBB2_2-.Ltmp0, $4  }
0x26: {  	_ = 	snop  }
0x27: {  	s7 =	sand.u32 $0xFE00, s7  }
0x28: {  	s8 =	sand.u32 $0x70, s2;
	s7 =	sshrl.u32 s7, $0x2  }
0x29: {  	s7 =	sor.u32 s8, s7  }
0x2a: {  	[tilespmem:s7+$0x2000] =	vst v0;
	s2 =	rddreg [dreg:$0x15]  }
0x2b: {  	[spmem:s2] =	stream.linear.scatter [tilespmem:s23], [sflag:$0x4], $0x3C00, $0x38;
	[tilespmem:$0x1DC00] =	vst v63  }
0x2c: {  	_ =	swait.ge [sflag:s24], $0x3C00  }
0x2d: {  	[sflag:s24] =	ssyncset.done $0x0  }
0x2e: {  	s8 =	rddreg [dreg:$0x4];
	[sflag:s24] =	ssyncadd.s32 $0xFFFFC400  }
0x2f: {  	[spmem:s8] =	stream.linear.scatter [tilespmem:s23], [sflag:$0x4], $0x3C00, $0x38;
	[tilespmem:$0x1DC00] =	vst v63  }
0x30: {  	_ =	swait.ge [sflag:s24], $0x3C00  }
0x31: {  	[sflag:s24] =	ssyncset.done $0x0  }
0x32: {  	s30 =	rddreg [dreg:$0x5];
	[sflag:s24] =	ssyncadd.s32 $0xFFFFC400  }
0x33: {  	[spmem:s30] =	stream.linear.scatter [tilespmem:s23], [sflag:$0x4], $0x3C00, $0x38;
	[tilespmem:$0x1DC00] =	vst v63  }
0x34: {  	_ =	swait.ge [sflag:s24], $0x3C00  }
0x35: {  	[sflag:s24] =	ssyncset.done $0x0  }
0x36: {  	s5 =	rddreg [dreg:$0x6];
	[sflag:s24] =	ssyncadd.s32 $0xFFFFC400  }
0x37: {  	[spmem:s5] =	stream.linear.scatter [tilespmem:s23], [sflag:$0x4], $0x3C00, $0x38;
	[tilespmem:$0x1DC00] =	vst v63  }
0x38: {  	_ =	swait.ge [sflag:s24], $0x3C00  }
0x39: {  	[sflag:s24] =	ssyncset.done $0x0  }
0x3a: {  	s7 =	rddreg [dreg:$0x7];
	[sflag:s24] =	ssyncadd.s32 $0xFFFFC400  }
0x3b: {  	[spmem:s7] =	stream.linear.scatter [tilespmem:s23], [sflag:$0x4], $0x3C00, $0x38;
	[tilespmem:$0x1DC00] =	vst v63  }
0x3c: {  	_ =	swait.ge [sflag:s24], $0x3C00  }
0x3d: {  	[sflag:s24] =	ssyncset.done $0x0  }
0x3e: {  	s8 =	rddreg [dreg:$0x8];
	[sflag:s24] =	ssyncadd.s32 $0xFFFFC400  }
0x3f: {  	[spmem:s8] =	stream.linear.scatter [tilespmem:s23], [sflag:$0x4], $0x1000, $0x38;
	[tilespmem:$0x1DC00] =	vst v63  }
0x40: {  	_ =	swait.ge [sflag:s24], $0x1000  }
0x41: {  	[sflag:s24] =	ssyncset.done $0x0  }
0x42: {  	[sflag:s24] =	ssyncadd.s32 $0xFFFFF000  }
0x43: {  	[bflag:$0x0] =	sbarrier.arrive $0xFFFF  }
0x44: {  	s30 =	rddreg [dreg:$0x9]  }
0x45: {  	[tilespmem:s4], [sflag:$0x4] =	stream.linear.gather [hbm4b:s30+s4], $0x800, $0x38;
	[tilespmem:$0x1DC00] =	vst v63  }
0x46: {  	_ =	swait.ge [sflag:s24], $0x800  }
0x47: {  	[sflag:s24] =	ssyncset.done $0x0  }
0x48: {  	s8 =	simm.s32 $0x1000;
	s5 =	rddreg [dreg:$0xa];
	[sflag:s24] =	ssyncadd.s32 $0xFFFFF800  }
0x49: {  	[tilespmem:s8], [sflag:$0x4] =	stream.linear.gather [hbm4b:s5+s4], $0x800, $0x38;
	[tilespmem:$0x1DC00] =	vst v63  }
0x4a: {  	_ =	swait.ge [sflag:s24], $0x800  }
0x4b: {  	[sflag:s24] =	ssyncset.done $0x0  }
0x4c: {  	s7 =	rddreg [dreg:$0x13];
	[sflag:s24] =	ssyncadd.s32 $0xFFFFF800  }
0x4d: {  	[tilespmem:s28], [sflag:$0x3] =	stream.linear.gather [hbm4b:s7+s4], $0x800, $0x38;
	[tilespmem:$0x1DC00] =	vst v63  }
0x4e: {  	s5 =	simm.s32 $0x1800;
	s30 =	rddreg [dreg:$0x14]  }
0x4f: {  	[tilespmem:s5], [sflag:$0x3] =	stream.linear.gather [hbm4b:s30+s4], $0x800, $0x38;
	[tilespmem:$0x1DC00] =	vst v63  }
0x50: {  	_ = 	snop  }
0x51: {  	[tilespmem:s28], [sflag:$0x3] =	stream.linear.gather [hbm4b:s7+s4], $0x800, $0x38;
	[tilespmem:$0x1DC00] =	vst v63  }
0x52: {  	_ = 	snop  }
0x53: {  	[tilespmem:s5], [sflag:$0x3] =	stream.linear.gather [hbm4b:s30+s4], $0x800, $0x38;
	[tilespmem:$0x1DC00] =	vst v63  }
0x54: {  	_ = 	snop  }
0x55: {  	[tilespmem:s23], [sflag:$0x1] =	stream.indirect.gather [hbm4b:s0+s29], $0x80, s4, s29, $0xb8;
	[tilespmem:$0x1DC00] =	vst v63  }
0x56: {  	s7 =	simm.s32 $0x80  }
0x57: {  	[tilespmem:s31], [sflag:$0x2] =	stream.indirect.gather [hbm4b:s0+s29], $0x80, s7, s29, $0xb8;
	[tilespmem:$0x1DC00] =	vst v63  }
0x58: {  	_ =	swait.ge [sflag:s1], $0x3E80  }
0x59: {  	[sflag:s1] =	ssyncset.done $0x0  }
0x5a: {  	[sflag:s1] =	ssyncadd.s32 $0xFFFFC180  }
0x5b: {  	[spmem:s3] =	stream.indirect.scatter.add.f32 [tilespmem:s23], [sflag:$0x4], $0x80, s8, s29, $0xb8;
	[tilespmem:$0x1DC00] =	vst v63  }
0x5c: {  	_ =	swait.ge [sflag:s24], $0x3E80  }
0x5d: {  	[sflag:s24] =	ssyncset.done $0x0  }
0x5e: {  	s30 =	simm.s32 $0x100;
	[sflag:s24] =	ssyncadd.s32 $0xFFFFC180  }
0x5f: {  	[tilespmem:s23], [sflag:$0x1] =	stream.indirect.gather [hbm4b:s0+s29], $0x80, s30, s29, $0xb8;
	[tilespmem:$0x1DC00] =	vst v63  }
0x60: {  	_ =	swait.ge [sflag:s6], $0x3E80  }
0x61: {  	[sflag:s6] =	ssyncset.done $0x0  }
0x62: {  	s7 =	simm.s32 $0x1080;
	[sflag:s6] =	ssyncadd.s32 $0xFFFFC180  }
0x63: {  	[spmem:s3] =	stream.indirect.scatter.add.f32 [tilespmem:s31], [sflag:$0x4], $0x80, s7, s29, $0xb8;
	[tilespmem:$0x1DC00] =	vst v63  }
0x64: {  	_ =	swait.ge [sflag:s24], $0x3E80  }
0x65: {  	[sflag:s24] =	ssyncset.done $0x0  }
0x66: {  	s30 =	simm.s32 $0x180;
	[sflag:s24] =	ssyncadd.s32 $0xFFFFC180  }
0x67: {  	[tilespmem:s31], [sflag:$0x2] =	stream.indirect.gather [hbm4b:s0+s29], $0x80, s30, s29, $0xb8;
	[tilespmem:$0x1DC00] =	vst v63  }
0x68: {  	_ =	swait.ge [sflag:s1], $0x3E80  }
0x69: {  	[sflag:s1] =	ssyncset.done $0x0  }
0x6a: {  	s7 =	simm.s32 $0x1100;
	[sflag:s1] =	ssyncadd.s32 $0xFFFFC180  }
0x6b: {  	[spmem:s3] =	stream.indirect.scatter.add.f32 [tilespmem:s23], [sflag:$0x4], $0x80, s7, s29, $0xb8;
	[tilespmem:$0x1DC00] =	vst v63  }
0x6c: {  	_ =	swait.ge [sflag:s24], $0x3E80  }
0x6d: {  	[sflag:s24] =	ssyncset.done $0x0  }
0x6e: {  	s30 =	simm.s32 $0x200;
	[sflag:s24] =	ssyncadd.s32 $0xFFFFC180  }
0x6f: {  	[tilespmem:s23], [sflag:$0x1] =	stream.indirect.gather [hbm4b:s0+s29], $0x80, s30, s29, $0xb8;
	[tilespmem:$0x1DC00] =	vst v63  }
0x70: {  	_ =	swait.ge [sflag:s6], $0x3E80  }
0x71: {  	[sflag:s6] =	ssyncset.done $0x0  }
0x72: {  	s7 =	simm.s32 $0x1180;
	[sflag:s6] =	ssyncadd.s32 $0xFFFFC180  }
0x73: {  	[spmem:s3] =	stream.indirect.scatter.add.f32 [tilespmem:s31], [sflag:$0x4], $0x80, s7, s29, $0xb8;
	[tilespmem:$0x1DC00] =	vst v63  }
0x74: {  	_ =	swait.ge [sflag:s24], $0x3E80  }
0x75: {  	[sflag:s24] =	ssyncset.done $0x0  }
0x76: {  	s30 =	simm.s32 $0x280;
	[sflag:s24] =	ssyncadd.s32 $0xFFFFC180  }
0x77: {  	[tilespmem:s31], [sflag:$0x2] =	stream.indirect.gather [hbm4b:s0+s29], $0x80, s30, s29, $0xb8;
	[tilespmem:$0x1DC00] =	vst v63  }
0x78: {  	_ =	swait.ge [sflag:s1], $0x3E80  }
0x79: {  	[sflag:s1] =	ssyncset.done $0x0  }
0x7a: {  	s7 =	simm.s32 $0x1200;
	[sflag:s1] =	ssyncadd.s32 $0xFFFFC180  }
0x7b: {  	[spmem:s3] =	stream.indirect.scatter.add.f32 [tilespmem:s23], [sflag:$0x4], $0x80, s7, s29, $0xb8;
	[tilespmem:$0x1DC00] =	vst v63  }
0x7c: {  	_ =	swait.ge [sflag:s24], $0x3E80  }
0x7d: {  	[sflag:s24] =	ssyncset.done $0x0  }
0x7e: {  	s30 =	simm.s32 $0x300;
	[sflag:s24] =	ssyncadd.s32 $0xFFFFC180  }
0x7f: {  	[tilespmem:s23], [sflag:$0x1] =	stream.indirect.gather [hbm4b:s0+s29], $0x80, s30, s29, $0xb8;
	[tilespmem:$0x1DC00] =	vst v63  }
0x80: {  	_ =	swait.ge [sflag:s6], $0x3E80  }
0x81: {  	[sflag:s6] =	ssyncset.done $0x0  }
0x82: {  	s7 =	simm.s32 $0x1280;
	[sflag:s6] =	ssyncadd.s32 $0xFFFFC180  }
0x83: {  	[spmem:s3] =	stream.indirect.scatter.add.f32 [tilespmem:s31], [sflag:$0x4], $0x80, s7, s29, $0xb8;
	[tilespmem:$0x1DC00] =	vst v63  }
0x84: {  	_ =	swait.ge [sflag:s24], $0x3E80  }
0x85: {  	[sflag:s24] =	ssyncset.done $0x0  }
0x86: {  	s30 =	simm.s32 $0x380;
	[sflag:s24] =	ssyncadd.s32 $0xFFFFC180  }
0x87: {  	[tilespmem:s31], [sflag:$0x2] =	stream.indirect.gather [hbm4b:s0+s29], $0x80, s30, s29, $0xb8;
	[tilespmem:$0x1DC00] =	vst v63  }
0x88: {  	_ =	swait.ge [sflag:s1], $0x3E80  }
0x89: {  	[sflag:s1] =	ssyncset.done $0x0  }
0x8a: {  	s7 =	simm.s32 $0x1300;
	[sflag:s1] =	ssyncadd.s32 $0xFFFFC180  }
0x8b: {  	[spmem:s3] =	stream.indirect.scatter.add.f32 [tilespmem:s23], [sflag:$0x4], $0x80, s7, s29, $0xb8;
	[tilespmem:$0x1DC00] =	vst v63  }
0x8c: {  	_ =	swait.ge [sflag:s24], $0x3E80  }
0x8d: {  	[sflag:s24] =	ssyncset.done $0x0  }
0x8e: {  	s30 =	simm.s32 $0x400;
	[sflag:s24] =	ssyncadd.s32 $0xFFFFC180  }
0x8f: {  	[tilespmem:s23], [sflag:$0x1] =	stream.indirect.gather [hbm4b:s0+s29], $0x80, s30, s29, $0xb8;
	[tilespmem:$0x1DC00] =	vst v63  }
0x90: {  	_ =	swait.ge [sflag:s6], $0x3E80  }
0x91: {  	[sflag:s6] =	ssyncset.done $0x0  }
0x92: {  	s7 =	simm.s32 $0x1380;
	[sflag:s6] =	ssyncadd.s32 $0xFFFFC180  }
0x93: {  	[spmem:s3] =	stream.indirect.scatter.add.f32 [tilespmem:s31], [sflag:$0x4], $0x80, s7, s29, $0xb8;
	[tilespmem:$0x1DC00] =	vst v63  }
0x94: {  	_ =	swait.ge [sflag:s24], $0x3E80  }
0x95: {  	[sflag:s24] =	ssyncset.done $0x0  }
0x96: {  	s30 =	simm.s32 $0x480;
	[sflag:s24] =	ssyncadd.s32 $0xFFFFC180  }
0x97: {  	[tilespmem:s31], [sflag:$0x2] =	stream.indirect.gather [hbm4b:s0+s29], $0x80, s30, s29, $0xb8;
	[tilespmem:$0x1DC00] =	vst v63  }
0x98: {  	_ =	swait.ge [sflag:s1], $0x3E80  }
0x99: {  	[sflag:s1] =	ssyncset.done $0x0  }
0x9a: {  	s7 =	simm.s32 $0x1400;
	[sflag:s1] =	ssyncadd.s32 $0xFFFFC180  }
0x9b: {  	[spmem:s3] =	stream.indirect.scatter.add.f32 [tilespmem:s23], [sflag:$0x4], $0x80, s7, s29, $0xb8;
	[tilespmem:$0x1DC00] =	vst v63  }
0x9c: {  	_ =	swait.ge [sflag:s24], $0x3E80  }
0x9d: {  	[sflag:s24] =	ssyncset.done $0x0  }
0x9e: {  	s30 =	simm.s32 $0x500;
	[sflag:s24] =	ssyncadd.s32 $0xFFFFC180  }
0x9f: {  	[tilespmem:s23], [sflag:$0x1] =	stream.indirect.gather [hbm4b:s0+s29], $0x80, s30, s29, $0xb8;
	[tilespmem:$0x1DC00] =	vst v63  }
0xa0: {  	_ =	swait.ge [sflag:s6], $0x3E80  }
0xa1: {  	[sflag:s6] =	ssyncset.done $0x0  }
0xa2: {  	s7 =	simm.s32 $0x1480;
	[sflag:s6] =	ssyncadd.s32 $0xFFFFC180  }
0xa3: {  	[spmem:s3] =	stream.indirect.scatter.add.f32 [tilespmem:s31], [sflag:$0x4], $0x80, s7, s29, $0xb8;
	[tilespmem:$0x1DC00] =	vst v63  }
0xa4: {  	_ =	swait.ge [sflag:s24], $0x3E80  }
0xa5: {  	[sflag:s24] =	ssyncset.done $0x0  }
0xa6: {  	s30 =	simm.s32 $0x580;
	[sflag:s24] =	ssyncadd.s32 $0xFFFFC180  }
0xa7: {  	[tilespmem:s31], [sflag:$0x2] =	stream.indirect.gather [hbm4b:s0+s29], $0x80, s30, s29, $0xb8;
	[tilespmem:$0x1DC00] =	vst v63  }
0xa8: {  	_ =	swait.ge [sflag:s1], $0x3E80  }
0xa9: {  	[sflag:s1] =	ssyncset.done $0x0  }
0xaa: {  	s7 =	simm.s32 $0x1500;
	[sflag:s1] =	ssyncadd.s32 $0xFFFFC180  }
0xab: {  	[spmem:s3] =	stream.indirect.scatter.add.f32 [tilespmem:s23], [sflag:$0x4], $0x80, s7, s29, $0xb8;
	[tilespmem:$0x1DC00] =	vst v63  }
0xac: {  	_ =	swait.ge [sflag:s24], $0x3E80  }
0xad: {  	[sflag:s24] =	ssyncset.done $0x0  }
0xae: {  	s30 =	simm.s32 $0x600;
	[sflag:s24] =	ssyncadd.s32 $0xFFFFC180  }
0xaf: {  	[tilespmem:s23], [sflag:$0x1] =	stream.indirect.gather [hbm4b:s0+s29], $0x80, s30, s29, $0xb8;
	[tilespmem:$0x1DC00] =	vst v63  }
0xb0: {  	_ =	swait.ge [sflag:s6], $0x3E80  }
0xb1: {  	[sflag:s6] =	ssyncset.done $0x0  }
0xb2: {  	s7 =	simm.s32 $0x1580;
	[sflag:s6] =	ssyncadd.s32 $0xFFFFC180  }
0xb3: {  	[spmem:s3] =	stream.indirect.scatter.add.f32 [tilespmem:s31], [sflag:$0x4], $0x80, s7, s29, $0xb8;
	[tilespmem:$0x1DC00] =	vst v63  }
0xb4: {  	_ =	swait.ge [sflag:s24], $0x3E80  }
0xb5: {  	[sflag:s24] =	ssyncset.done $0x0  }
0xb6: {  	s30 =	simm.s32 $0x680;
	[sflag:s24] =	ssyncadd.s32 $0xFFFFC180  }
0xb7: {  	[tilespmem:s31], [sflag:$0x2] =	stream.indirect.gather [hbm4b:s0+s29], $0x80, s30, s29, $0xb8;
	[tilespmem:$0x1DC00] =	vst v63  }
0xb8: {  	_ =	swait.ge [sflag:s1], $0x3E80  }
0xb9: {  	[sflag:s1] =	ssyncset.done $0x0  }
0xba: {  	s7 =	simm.s32 $0x1600;
	[sflag:s1] =	ssyncadd.s32 $0xFFFFC180  }
0xbb: {  	[spmem:s3] =	stream.indirect.scatter.add.f32 [tilespmem:s23], [sflag:$0x4], $0x80, s7, s29, $0xb8;
	[tilespmem:$0x1DC00] =	vst v63  }
0xbc: {  	_ =	swait.ge [sflag:s24], $0x3E80  }
0xbd: {  	[sflag:s24] =	ssyncset.done $0x0  }
0xbe: {  	s30 =	simm.s32 $0x700;
	[sflag:s24] =	ssyncadd.s32 $0xFFFFC180  }
0xbf: {  	[tilespmem:s23], [sflag:$0x1] =	stream.indirect.gather [hbm4b:s0+s29], $0x80, s30, s29, $0xb8;
	[tilespmem:$0x1DC00] =	vst v63  }
0xc0: {  	_ =	swait.ge [sflag:s6], $0x3E80  }
0xc1: {  	[sflag:s6] =	ssyncset.done $0x0  }
0xc2: {  	s7 =	simm.s32 $0x1680;
	[sflag:s6] =	ssyncadd.s32 $0xFFFFC180  }
0xc3: {  	[spmem:s3] =	stream.indirect.scatter.add.f32 [tilespmem:s31], [sflag:$0x4], $0x80, s7, s29, $0xb8;
	[tilespmem:$0x1DC00] =	vst v63  }
0xc4: {  	_ =	swait.ge [sflag:s24], $0x3E80  }
0xc5: {  	[sflag:s24] =	ssyncset.done $0x0  }
0xc6: {  	s30 =	simm.s32 $0x780;
	[sflag:s24] =	ssyncadd.s32 $0xFFFFC180  }
0xc7: {  	[tilespmem:s31], [sflag:$0x2] =	stream.indirect.gather [hbm4b:s0+s29], $0x80, s30, s29, $0xb8;
	[tilespmem:$0x1DC00] =	vst v63  }
0xc8: {  	_ =	swait.ge [sflag:s1], $0x3E80  }
0xc9: {  	[sflag:s1] =	ssyncset.done $0x0  }
0xca: {  	s7 =	simm.s32 $0x1700;
	[sflag:s1] =	ssyncadd.s32 $0xFFFFC180  }
0xcb: {  	[spmem:s3] =	stream.indirect.scatter.add.f32 [tilespmem:s23], [sflag:$0x4], $0x80, s7, s29, $0xb8;
	[tilespmem:$0x1DC00] =	vst v63  }
0xcc: {  	_ =	swait.ge [sflag:s24], $0x3E80  }
0xcd: {  	[sflag:s24] =	ssyncset.done $0x0  }
0xce: {  	[sflag:s24] =	ssyncadd.s32 $0xFFFFC180  }
0xcf: {  	_ =	swait.ge [sflag:s6], $0x3E80  }
0xd0: {  	[sflag:s6] =	ssyncset.done $0x0  }
0xd1: {  	s30 =	simm.s32 $0x1780;
	[sflag:s6] =	ssyncadd.s32 $0xFFFFC180  }
0xd2: {  	[spmem:s3] =	stream.indirect.scatter.add.f32 [tilespmem:s31], [sflag:$0x4], $0x80, s30, s29, $0xb8;
	[tilespmem:$0x1DC00] =	vst v63  }
0xd3: {  	_ =	swait.ge [sflag:s24], $0x3E80  }
0xd4: {  	[sflag:s24] =	ssyncset.done $0x0  }
0xd5: {  	[sflag:s24] =	ssyncadd.s32 $0xFFFFC180  }
0xd6: {  	_ =	swait.ge [sflag:s21], $0x800  }
0xd7: {  	[sflag:s21] =	ssyncset.done $0x0  }
0xd8: {  	[sflag:s21] =	ssyncadd.s32 $0xFFFFF800  }
0xd9: {  	_ =	swait.ge [sflag:s21], $0x800  }
0xda: {  	[sflag:s21] =	ssyncset.done $0x0  }
0xdb: {  	s7 =	rddreg [dreg:$0xb];
	[sflag:s21] =	ssyncadd.s32 $0xFFFFF800  }
0xdc: {  	[tilespmem:s4], [sflag:$0x3] =	stream.linear.gather [hbm4b:s7+s4], $0x800, $0x38;
	[tilespmem:$0x1DC00] =	vst v63  }
0xdd: {  	s30 =	rddreg [dreg:$0xc]  }
0xde: {  	[tilespmem:s8], [sflag:$0x3] =	stream.linear.gather [hbm4b:s30+s4], $0x800, $0x38;
	[tilespmem:$0x1DC00] =	vst v63  }
0xdf: {  	_ = 	snop  }
0xe0: {  	[tilespmem:s23], [sflag:$0x1] =	stream.indirect.gather [hbm4b:s0+s29], $0x80, s28, s29, $0xb8;
	[tilespmem:$0x1DC00] =	vst v63  }
0xe1: {  	s7 =	simm.s32 $0x880  }
0xe2: {  	[tilespmem:s31], [sflag:$0x2] =	stream.indirect.gather [hbm4b:s0+s29], $0x80, s7, s29, $0xb8;
	[tilespmem:$0x1DC00] =	vst v63  }
0xe3: {  	_ =	swait.ge [sflag:s1], $0x3E80  }
0xe4: {  	[sflag:s1] =	ssyncset.done $0x0  }
0xe5: {  	[sflag:s1] =	ssyncadd.s32 $0xFFFFC180  }
0xe6: {  	[spmem:s3] =	stream.indirect.scatter.add.f32 [tilespmem:s23], [sflag:$0x4], $0x80, s5, s29, $0xb8;
	[tilespmem:$0x1DC00] =	vst v63  }
0xe7: {  	_ =	swait.ge [sflag:s24], $0x3E80  }
0xe8: {  	[sflag:s24] =	ssyncset.done $0x0  }
0xe9: {  	[sflag:s24] =	ssyncadd.s32 $0xFFFFC180  }
0xea: {  	[tilespmem:s23], [sflag:$0x1] =	stream.indirect.gather [hbm4b:s0+s29], $0x80, s26, s29, $0xb8;
	[tilespmem:$0x1DC00] =	vst v63  }
0xeb: {  	_ =	swait.ge [sflag:s6], $0x3E80  }
0xec: {  	[sflag:s6] =	ssyncset.done $0x0  }
0xed: {  	[sflag:s6] =	ssyncadd.s32 $0xFFFFC180  }
0xee: {  	[spmem:s3] =	stream.indirect.scatter.add.f32 [tilespmem:s31], [sflag:$0x4], $0x80, s9, s29, $0xb8;
	[tilespmem:$0x1DC00] =	vst v63  }
0xef: {  	_ =	swait.ge [sflag:s24], $0x3E80  }
0xf0: {  	[sflag:s24] =	ssyncset.done $0x0  }
0xf1: {  	[sflag:s24] =	ssyncadd.s32 $0xFFFFC180  }
0xf2: {  	[tilespmem:s31], [sflag:$0x2] =	stream.indirect.gather [hbm4b:s0+s29], $0x80, s10, s29, $0xb8;
	[tilespmem:$0x1DC00] =	vst v63  }
0xf3: {  	_ =	swait.ge [sflag:s1], $0x3E80  }
0xf4: {  	[sflag:s1] =	ssyncset.done $0x0  }
0xf5: {  	[sflag:s1] =	ssyncadd.s32 $0xFFFFC180  }
0xf6: {  	[spmem:s3] =	stream.indirect.scatter.add.f32 [tilespmem:s23], [sflag:$0x4], $0x80, s11, s29, $0xb8;
	[tilespmem:$0x1DC00] =	vst v63  }
0xf7: {  	_ =	swait.ge [sflag:s24], $0x3E80  }
0xf8: {  	[sflag:s24] =	ssyncset.done $0x0  }
0xf9: {  	[sflag:s24] =	ssyncadd.s32 $0xFFFFC180  }
0xfa: {  	[tilespmem:s23], [sflag:$0x1] =	stream.indirect.gather [hbm4b:s0+s29], $0x80, s12, s29, $0xb8;
	[tilespmem:$0x1DC00] =	vst v63  }
0xfb: {  	_ =	swait.ge [sflag:s6], $0x3E80  }
0xfc: {  	[sflag:s6] =	ssyncset.done $0x0  }
0xfd: {  	[sflag:s6] =	ssyncadd.s32 $0xFFFFC180  }
0xfe: {  	[spmem:s3] =	stream.indirect.scatter.add.f32 [tilespmem:s31], [sflag:$0x4], $0x80, s13, s29, $0xb8;
	[tilespmem:$0x1DC00] =	vst v63  }
0xff: {  	_ =	swait.ge [sflag:s24], $0x3E80  }
0x100: {  	[sflag:s24] =	ssyncset.done $0x0  }
0x101: {  	[sflag:s24] =	ssyncadd.s32 $0xFFFFC180  }
0x102: {  	[tilespmem:s31], [sflag:$0x2] =	stream.indirect.gather [hbm4b:s0+s29], $0x80, s14, s29, $0xb8;
	[tilespmem:$0x1DC00] =	vst v63  }
0x103: {  	_ =	swait.ge [sflag:s1], $0x3E80  }
0x104: {  	[sflag:s1] =	ssyncset.done $0x0  }
0x105: {  	[sflag:s1] =	ssyncadd.s32 $0xFFFFC180  }
0x106: {  	[spmem:s3] =	stream.indirect.scatter.add.f32 [tilespmem:s23], [sflag:$0x4], $0x80, s15, s29, $0xb8;
	[tilespmem:$0x1DC00] =	vst v63  }
0x107: {  	_ =	swait.ge [sflag:s24], $0x3E80  }
0x108: {  	[sflag:s24] =	ssyncset.done $0x0  }
0x109: {  	[sflag:s24] =	ssyncadd.s32 $0xFFFFC180  }
0x10a: {  	[tilespmem:s23], [sflag:$0x1] =	stream.indirect.gather [hbm4b:s0+s29], $0x80, s16, s29, $0xb8;
	[tilespmem:$0x1DC00] =	vst v63  }
0x10b: {  	_ =	swait.ge [sflag:s6], $0x3E80  }
0x10c: {  	[sflag:s6] =	ssyncset.done $0x0  }
0x10d: {  	[sflag:s6] =	ssyncadd.s32 $0xFFFFC180  }
0x10e: {  	[spmem:s3] =	stream.indirect.scatter.add.f32 [tilespmem:s31], [sflag:$0x4], $0x80, s17, s29, $0xb8;
	[tilespmem:$0x1DC00] =	vst v63  }
0x10f: {  	_ =	swait.ge [sflag:s24], $0x3E80  }
0x110: {  	[sflag:s24] =	ssyncset.done $0x0  }
0x111: {  	[sflag:s24] =	ssyncadd.s32 $0xFFFFC180  }
0x112: {  	[tilespmem:s31], [sflag:$0x2] =	stream.indirect.gather [hbm4b:s0+s29], $0x80, s18, s29, $0xb8;
	[tilespmem:$0x1DC00] =	vst v63  }
0x113: {  	_ =	swait.ge [sflag:s1], $0x3E80  }
0x114: {  	[sflag:s1] =	ssyncset.done $0x0  }
0x115: {  	[sflag:s1] =	ssyncadd.s32 $0xFFFFC180  }
0x116: {  	[spmem:s3] =	stream.indirect.scatter.add.f32 [tilespmem:s23], [sflag:$0x4], $0x80, s19, s29, $0xb8;
	[tilespmem:$0x1DC00] =	vst v63  }
0x117: {  	_ =	swait.ge [sflag:s24], $0x3E80  }
0x118: {  	[sflag:s24] =	ssyncset.done $0x0  }
0x119: {  	[sflag:s24] =	ssyncadd.s32 $0xFFFFC180  }
0x11a: {  	[tilespmem:s23], [sflag:$0x1] =	stream.indirect.gather [hbm4b:s0+s29], $0x80, s20, s29, $0xb8;
	[tilespmem:$0x1DC00] =	vst v63  }
0x11b: {  	_ =	swait.ge [sflag:s6], $0x3E80  }
0x11c: {  	[sflag:s6] =	ssyncset.done $0x0  }
0x11d: {  	[sflag:s6] =	ssyncadd.s32 $0xFFFFC180  }
0x11e: {  	[spmem:s3] =	stream.indirect.scatter.add.f32 [tilespmem:s31], [sflag:$0x4], $0x80, s25, s29, $0xb8;
	[tilespmem:$0x1DC00] =	vst v63  }
0x11f: {  	_ =	swait.ge [sflag:s24], $0x3E80  }
0x120: {  	[sflag:s24] =	ssyncset.done $0x0  }
0x121: {  	s30 =	simm.s32 $0xC80;
	[sflag:s24] =	ssyncadd.s32 $0xFFFFC180  }
0x122: {  	[tilespmem:s31], [sflag:$0x2] =	stream.indirect.gather [hbm4b:s0+s29], $0x80, s30, s29, $0xb8;
	[tilespmem:$0x1DC00] =	vst v63  }
0x123: {  	_ =	swait.ge [sflag:s1], $0x3E80  }
0x124: {  	[sflag:s1] =	ssyncset.done $0x0  }
0x125: {  	s2 =	simm.s32 $0x1C00;
	[sflag:s1] =	ssyncadd.s32 $0xFFFFC180  }
0x126: {  	[spmem:s3] =	stream.indirect.scatter.add.f32 [tilespmem:s23], [sflag:$0x4], $0x80, s2, s29, $0xb8;
	[tilespmem:$0x1DC00] =	vst v63  }
0x127: {  	_ =	swait.ge [sflag:s24], $0x3E80  }
0x128: {  	[sflag:s24] =	ssyncset.done $0x0  }
0x129: {  	s2 =	simm.s32 $0xD00;
	[sflag:s24] =	ssyncadd.s32 $0xFFFFC180  }
0x12a: {  	[tilespmem:s23], [sflag:$0x1] =	stream.indirect.gather [hbm4b:s0+s29], $0x80, s2, s29, $0xb8;
	[tilespmem:$0x1DC00] =	vst v63  }
0x12b: {  	_ =	swait.ge [sflag:s6], $0x3E80  }
0x12c: {  	[sflag:s6] =	ssyncset.done $0x0  }
0x12d: {  	s2 =	simm.s32 $0x1C80;
	[sflag:s6] =	ssyncadd.s32 $0xFFFFC180  }
0x12e: {  	[spmem:s3] =	stream.indirect.scatter.add.f32 [tilespmem:s31], [sflag:$0x4], $0x80, s2, s29, $0xb8;
	[tilespmem:$0x1DC00] =	vst v63  }
0x12f: {  	_ =	swait.ge [sflag:s24], $0x3E80  }
0x130: {  	[sflag:s24] =	ssyncset.done $0x0  }
0x131: {  	s2 =	simm.s32 $0xD80;
	[sflag:s24] =	ssyncadd.s32 $0xFFFFC180  }
0x132: {  	[tilespmem:s31], [sflag:$0x2] =	stream.indirect.gather [hbm4b:s0+s29], $0x80, s2, s29, $0xb8;
	[tilespmem:$0x1DC00] =	vst v63  }
0x133: {  	_ =	swait.ge [sflag:s1], $0x3E80  }
0x134: {  	[sflag:s1] =	ssyncset.done $0x0  }
0x135: {  	s2 =	simm.s32 $0x1D00;
	[sflag:s1] =	ssyncadd.s32 $0xFFFFC180  }
0x136: {  	[spmem:s3] =	stream.indirect.scatter.add.f32 [tilespmem:s23], [sflag:$0x4], $0x80, s2, s29, $0xb8;
	[tilespmem:$0x1DC00] =	vst v63  }
0x137: {  	_ =	swait.ge [sflag:s24], $0x3E80  }
0x138: {  	[sflag:s24] =	ssyncset.done $0x0  }
0x139: {  	s2 =	simm.s32 $0xE00;
	[sflag:s24] =	ssyncadd.s32 $0xFFFFC180  }
0x13a: {  	[tilespmem:s23], [sflag:$0x1] =	stream.indirect.gather [hbm4b:s0+s29], $0x80, s2, s29, $0xb8;
	[tilespmem:$0x1DC00] =	vst v63  }
0x13b: {  	_ =	swait.ge [sflag:s6], $0x3E80  }
0x13c: {  	[sflag:s6] =	ssyncset.done $0x0  }
0x13d: {  	s2 =	simm.s32 $0x1D80;
	[sflag:s6] =	ssyncadd.s32 $0xFFFFC180  }
0x13e: {  	[spmem:s3] =	stream.indirect.scatter.add.f32 [tilespmem:s31], [sflag:$0x4], $0x80, s2, s29, $0xb8;
	[tilespmem:$0x1DC00] =	vst v63  }
0x13f: {  	_ =	swait.ge [sflag:s24], $0x3E80  }
0x140: {  	[sflag:s24] =	ssyncset.done $0x0  }
0x141: {  	s2 =	simm.s32 $0xE80;
	[sflag:s24] =	ssyncadd.s32 $0xFFFFC180  }
0x142: {  	[tilespmem:s31], [sflag:$0x2] =	stream.indirect.gather [hbm4b:s0+s29], $0x80, s2, s29, $0xb8;
	[tilespmem:$0x1DC00] =	vst v63  }
0x143: {  	_ =	swait.ge [sflag:s1], $0x3E80  }
0x144: {  	[sflag:s1] =	ssyncset.done $0x0  }
0x145: {  	s2 =	simm.s32 $0x1E00;
	[sflag:s1] =	ssyncadd.s32 $0xFFFFC180  }
0x146: {  	[spmem:s3] =	stream.indirect.scatter.add.f32 [tilespmem:s23], [sflag:$0x4], $0x80, s2, s29, $0xb8;
	[tilespmem:$0x1DC00] =	vst v63  }
0x147: {  	_ =	swait.ge [sflag:s24], $0x3E80  }
0x148: {  	[sflag:s24] =	ssyncset.done $0x0  }
0x149: {  	s2 =	simm.s32 $0xF00;
	[sflag:s24] =	ssyncadd.s32 $0xFFFFC180  }
0x14a: {  	[tilespmem:s23], [sflag:$0x1] =	stream.indirect.gather [hbm4b:s0+s29], $0x80, s2, s29, $0xb8;
	[tilespmem:$0x1DC00] =	vst v63  }
0x14b: {  	_ =	swait.ge [sflag:s6], $0x3E80  }
0x14c: {  	[sflag:s6] =	ssyncset.done $0x0  }
0x14d: {  	s2 =	simm.s32 $0x1E80;
	[sflag:s6] =	ssyncadd.s32 $0xFFFFC180  }
0x14e: {  	[spmem:s3] =	stream.indirect.scatter.add.f32 [tilespmem:s31], [sflag:$0x4], $0x80, s2, s29, $0xb8;
	[tilespmem:$0x1DC00] =	vst v63  }
0x14f: {  	_ =	swait.ge [sflag:s24], $0x3E80  }
0x150: {  	[sflag:s24] =	ssyncset.done $0x0  }
0x151: {  	s2 =	simm.s32 $0xF80;
	[sflag:s24] =	ssyncadd.s32 $0xFFFFC180  }
0x152: {  	[tilespmem:s31], [sflag:$0x2] =	stream.indirect.gather [hbm4b:s0+s29], $0x80, s2, s29, $0xb8;
	[tilespmem:$0x1DC00] =	vst v63  }
0x153: {  	_ =	swait.ge [sflag:s1], $0x3E80  }
0x154: {  	[sflag:s1] =	ssyncset.done $0x0  }
0x155: {  	s2 =	simm.s32 $0x1F00;
	[sflag:s1] =	ssyncadd.s32 $0xFFFFC180  }
0x156: {  	[spmem:s3] =	stream.indirect.scatter.add.f32 [tilespmem:s23], [sflag:$0x4], $0x80, s2, s29, $0xb8;
	[tilespmem:$0x1DC00] =	vst v63  }
0x157: {  	_ =	swait.ge [sflag:s24], $0x3E80  }
0x158: {  	[sflag:s24] =	ssyncset.done $0x0  }
0x159: {  	[sflag:s24] =	ssyncadd.s32 $0xFFFFC180  }
0x15a: {  	_ =	swait.ge [sflag:s6], $0x3E80  }
0x15b: {  	[sflag:s6] =	ssyncset.done $0x0  }
0x15c: {  	s2 =	simm.s32 $0x1F80;
	[sflag:s6] =	ssyncadd.s32 $0xFFFFC180  }
0x15d: {  	[spmem:s3] =	stream.indirect.scatter.add.f32 [tilespmem:s31], [sflag:$0x4], $0x80, s2, s29, $0xb8;
	[tilespmem:$0x1DC00] =	vst v63  }
0x15e: {  	_ =	swait.ge [sflag:s24], $0x3E80  }
0x15f: {  	[sflag:s24] =	ssyncset.done $0x0  }
0x160: {  	[sflag:s24] =	ssyncadd.s32 $0xFFFFC180  }
0x161: {  	_ =	swait.ge [sflag:s21], $0x800  }
0x162: {  	[sflag:s21] =	ssyncset.done $0x0  }
0x163: {  	[sflag:s21] =	ssyncadd.s32 $0xFFFFF800  }
0x164: {  	_ =	swait.ge [sflag:s21], $0x800  }
0x165: {  	[sflag:s21] =	ssyncset.done $0x0  }
0x166: {  	s2 =	rddreg [dreg:$0xd];
	[sflag:s21] =	ssyncadd.s32 $0xFFFFF800  }
0x167: {  	[tilespmem:s28], [sflag:$0x3] =	stream.linear.gather [hbm4b:s2+s4], $0x800, $0x38;
	[tilespmem:$0x1DC00] =	vst v63  }
0x168: {  	s2 =	rddreg [dreg:$0xe]  }
0x169: {  	[tilespmem:s5], [sflag:$0x3] =	stream.linear.gather [hbm4b:s2+s4], $0x800, $0x38;
	[tilespmem:$0x1DC00] =	vst v63  }
0x16a: {  	_ = 	snop  }
0x16b: {  	[tilespmem:s23], [sflag:$0x1] =	stream.indirect.gather [hbm4b:s0+s29], $0x80, s4, s29, $0xb8;
	[tilespmem:$0x1DC00] =	vst v63  }
0x16c: {  	s2 =	simm.s32 $0x80  }
0x16d: {  	[tilespmem:s31], [sflag:$0x2] =	stream.indirect.gather [hbm4b:s0+s29], $0x80, s2, s29, $0xb8;
	[tilespmem:$0x1DC00] =	vst v63  }
0x16e: {  	_ =	swait.ge [sflag:s1], $0x3E80  }
0x16f: {  	[sflag:s1] =	ssyncset.done $0x0  }
0x170: {  	[sflag:s1] =	ssyncadd.s32 $0xFFFFC180  }
0x171: {  	[spmem:s3] =	stream.indirect.scatter.add.f32 [tilespmem:s23], [sflag:$0x4], $0x80, s8, s29, $0xb8;
	[tilespmem:$0x1DC00] =	vst v63  }
0x172: {  	_ =	swait.ge [sflag:s24], $0x3E80  }
0x173: {  	[sflag:s24] =	ssyncset.done $0x0  }
0x174: {  	s2 =	simm.s32 $0x100;
	[sflag:s24] =	ssyncadd.s32 $0xFFFFC180  }
0x175: {  	[tilespmem:s23], [sflag:$0x1] =	stream.indirect.gather [hbm4b:s0+s29], $0x80, s2, s29, $0xb8;
	[tilespmem:$0x1DC00] =	vst v63  }
0x176: {  	_ =	swait.ge [sflag:s6], $0x3E80  }
0x177: {  	[sflag:s6] =	ssyncset.done $0x0  }
0x178: {  	s2 =	simm.s32 $0x1080;
	[sflag:s6] =	ssyncadd.s32 $0xFFFFC180  }
0x179: {  	[spmem:s3] =	stream.indirect.scatter.add.f32 [tilespmem:s31], [sflag:$0x4], $0x80, s2, s29, $0xb8;
	[tilespmem:$0x1DC00] =	vst v63  }
0x17a: {  	_ =	swait.ge [sflag:s24], $0x3E80  }
0x17b: {  	[sflag:s24] =	ssyncset.done $0x0  }
0x17c: {  	s2 =	simm.s32 $0x180;
	[sflag:s24] =	ssyncadd.s32 $0xFFFFC180  }
0x17d: {  	[tilespmem:s31], [sflag:$0x2] =	stream.indirect.gather [hbm4b:s0+s29], $0x80, s2, s29, $0xb8;
	[tilespmem:$0x1DC00] =	vst v63  }
0x17e: {  	_ =	swait.ge [sflag:s1], $0x3E80  }
0x17f: {  	[sflag:s1] =	ssyncset.done $0x0  }
0x180: {  	s2 =	simm.s32 $0x1100;
	[sflag:s1] =	ssyncadd.s32 $0xFFFFC180  }
0x181: {  	[spmem:s3] =	stream.indirect.scatter.add.f32 [tilespmem:s23], [sflag:$0x4], $0x80, s2, s29, $0xb8;
	[tilespmem:$0x1DC00] =	vst v63  }
0x182: {  	_ =	swait.ge [sflag:s24], $0x3E80  }
0x183: {  	[sflag:s24] =	ssyncset.done $0x0  }
0x184: {  	s2 =	simm.s32 $0x200;
	[sflag:s24] =	ssyncadd.s32 $0xFFFFC180  }
0x185: {  	[tilespmem:s23], [sflag:$0x1] =	stream.indirect.gather [hbm4b:s0+s29], $0x80, s2, s29, $0xb8;
	[tilespmem:$0x1DC00] =	vst v63  }
0x186: {  	_ =	swait.ge [sflag:s6], $0x3E80  }
0x187: {  	[sflag:s6] =	ssyncset.done $0x0  }
0x188: {  	s2 =	simm.s32 $0x1180;
	[sflag:s6] =	ssyncadd.s32 $0xFFFFC180  }
0x189: {  	[spmem:s3] =	stream.indirect.scatter.add.f32 [tilespmem:s31], [sflag:$0x4], $0x80, s2, s29, $0xb8;
	[tilespmem:$0x1DC00] =	vst v63  }
0x18a: {  	_ =	swait.ge [sflag:s24], $0x3E80  }
0x18b: {  	[sflag:s24] =	ssyncset.done $0x0  }
0x18c: {  	s2 =	simm.s32 $0x280;
	[sflag:s24] =	ssyncadd.s32 $0xFFFFC180  }
0x18d: {  	[tilespmem:s31], [sflag:$0x2] =	stream.indirect.gather [hbm4b:s0+s29], $0x80, s2, s29, $0xb8;
	[tilespmem:$0x1DC00] =	vst v63  }
0x18e: {  	_ =	swait.ge [sflag:s1], $0x3E80  }
0x18f: {  	[sflag:s1] =	ssyncset.done $0x0  }
0x190: {  	s2 =	simm.s32 $0x1200;
	[sflag:s1] =	ssyncadd.s32 $0xFFFFC180  }
0x191: {  	[spmem:s3] =	stream.indirect.scatter.add.f32 [tilespmem:s23], [sflag:$0x4], $0x80, s2, s29, $0xb8;
	[tilespmem:$0x1DC00] =	vst v63  }
0x192: {  	_ =	swait.ge [sflag:s24], $0x3E80  }
0x193: {  	[sflag:s24] =	ssyncset.done $0x0  }
0x194: {  	s2 =	simm.s32 $0x300;
	[sflag:s24] =	ssyncadd.s32 $0xFFFFC180  }
0x195: {  	[tilespmem:s23], [sflag:$0x1] =	stream.indirect.gather [hbm4b:s0+s29], $0x80, s2, s29, $0xb8;
	[tilespmem:$0x1DC00] =	vst v63  }
0x196: {  	_ =	swait.ge [sflag:s6], $0x3E80  }
0x197: {  	[sflag:s6] =	ssyncset.done $0x0  }
0x198: {  	s2 =	simm.s32 $0x1280;
	[sflag:s6] =	ssyncadd.s32 $0xFFFFC180  }
0x199: {  	[spmem:s3] =	stream.indirect.scatter.add.f32 [tilespmem:s31], [sflag:$0x4], $0x80, s2, s29, $0xb8;
	[tilespmem:$0x1DC00] =	vst v63  }
0x19a: {  	_ =	swait.ge [sflag:s24], $0x3E80  }
0x19b: {  	[sflag:s24] =	ssyncset.done $0x0  }
0x19c: {  	s2 =	simm.s32 $0x380;
	[sflag:s24] =	ssyncadd.s32 $0xFFFFC180  }
0x19d: {  	[tilespmem:s31], [sflag:$0x2] =	stream.indirect.gather [hbm4b:s0+s29], $0x80, s2, s29, $0xb8;
	[tilespmem:$0x1DC00] =	vst v63  }
0x19e: {  	_ =	swait.ge [sflag:s1], $0x3E80  }
0x19f: {  	[sflag:s1] =	ssyncset.done $0x0  }
0x1a0: {  	s2 =	simm.s32 $0x1300;
	[sflag:s1] =	ssyncadd.s32 $0xFFFFC180  }
0x1a1: {  	[spmem:s3] =	stream.indirect.scatter.add.f32 [tilespmem:s23], [sflag:$0x4], $0x80, s2, s29, $0xb8;
	[tilespmem:$0x1DC00] =	vst v63  }
0x1a2: {  	_ =	swait.ge [sflag:s24], $0x3E80  }
0x1a3: {  	[sflag:s24] =	ssyncset.done $0x0  }
0x1a4: {  	s2 =	simm.s32 $0x400;
	[sflag:s24] =	ssyncadd.s32 $0xFFFFC180  }
0x1a5: {  	[tilespmem:s23], [sflag:$0x1] =	stream.indirect.gather [hbm4b:s0+s29], $0x80, s2, s29, $0xb8;
	[tilespmem:$0x1DC00] =	vst v63  }
0x1a6: {  	_ =	swait.ge [sflag:s6], $0x3E80  }
0x1a7: {  	[sflag:s6] =	ssyncset.done $0x0  }
0x1a8: {  	s2 =	simm.s32 $0x1380;
	[sflag:s6] =	ssyncadd.s32 $0xFFFFC180  }
0x1a9: {  	[spmem:s3] =	stream.indirect.scatter.add.f32 [tilespmem:s31], [sflag:$0x4], $0x80, s2, s29, $0xb8;
	[tilespmem:$0x1DC00] =	vst v63  }
0x1aa: {  	_ =	swait.ge [sflag:s24], $0x3E80  }
0x1ab: {  	[sflag:s24] =	ssyncset.done $0x0  }
0x1ac: {  	s2 =	simm.s32 $0x480;
	[sflag:s24] =	ssyncadd.s32 $0xFFFFC180  }
0x1ad: {  	[tilespmem:s31], [sflag:$0x2] =	stream.indirect.gather [hbm4b:s0+s29], $0x80, s2, s29, $0xb8;
	[tilespmem:$0x1DC00] =	vst v63  }
0x1ae: {  	_ =	swait.ge [sflag:s1], $0x3E80  }
0x1af: {  	[sflag:s1] =	ssyncset.done $0x0  }
0x1b0: {  	s2 =	simm.s32 $0x1400;
	[sflag:s1] =	ssyncadd.s32 $0xFFFFC180  }
0x1b1: {  	[spmem:s3] =	stream.indirect.scatter.add.f32 [tilespmem:s23], [sflag:$0x4], $0x80, s2, s29, $0xb8;
	[tilespmem:$0x1DC00] =	vst v63  }
0x1b2: {  	_ =	swait.ge [sflag:s24], $0x3E80  }
0x1b3: {  	[sflag:s24] =	ssyncset.done $0x0  }
0x1b4: {  	s2 =	simm.s32 $0x500;
	[sflag:s24] =	ssyncadd.s32 $0xFFFFC180  }
0x1b5: {  	[tilespmem:s23], [sflag:$0x1] =	stream.indirect.gather [hbm4b:s0+s29], $0x80, s2, s29, $0xb8;
	[tilespmem:$0x1DC00] =	vst v63  }
0x1b6: {  	_ =	swait.ge [sflag:s6], $0x3E80  }
0x1b7: {  	[sflag:s6] =	ssyncset.done $0x0  }
0x1b8: {  	s2 =	simm.s32 $0x1480;
	[sflag:s6] =	ssyncadd.s32 $0xFFFFC180  }
0x1b9: {  	[spmem:s3] =	stream.indirect.scatter.add.f32 [tilespmem:s31], [sflag:$0x4], $0x80, s2, s29, $0xb8;
	[tilespmem:$0x1DC00] =	vst v63  }
0x1ba: {  	_ =	swait.ge [sflag:s24], $0x3E80  }
0x1bb: {  	[sflag:s24] =	ssyncset.done $0x0  }
0x1bc: {  	s2 =	simm.s32 $0x580;
	[sflag:s24] =	ssyncadd.s32 $0xFFFFC180  }
0x1bd: {  	[tilespmem:s31], [sflag:$0x2] =	stream.indirect.gather [hbm4b:s0+s29], $0x80, s2, s29, $0xb8;
	[tilespmem:$0x1DC00] =	vst v63  }
0x1be: {  	_ =	swait.ge [sflag:s1], $0x3E80  }
0x1bf: {  	[sflag:s1] =	ssyncset.done $0x0  }
0x1c0: {  	s2 =	simm.s32 $0x1500;
	[sflag:s1] =	ssyncadd.s32 $0xFFFFC180  }
0x1c1: {  	[spmem:s3] =	stream.indirect.scatter.add.f32 [tilespmem:s23], [sflag:$0x4], $0x80, s2, s29, $0xb8;
	[tilespmem:$0x1DC00] =	vst v63  }
0x1c2: {  	_ =	swait.ge [sflag:s24], $0x3E80  }
0x1c3: {  	[sflag:s24] =	ssyncset.done $0x0  }
0x1c4: {  	s2 =	simm.s32 $0x600;
	[sflag:s24] =	ssyncadd.s32 $0xFFFFC180  }
0x1c5: {  	[tilespmem:s23], [sflag:$0x1] =	stream.indirect.gather [hbm4b:s0+s29], $0x80, s2, s29, $0xb8;
	[tilespmem:$0x1DC00] =	vst v63  }
0x1c6: {  	_ =	swait.ge [sflag:s6], $0x3E80  }
0x1c7: {  	[sflag:s6] =	ssyncset.done $0x0  }
0x1c8: {  	s2 =	simm.s32 $0x1580;
	[sflag:s6] =	ssyncadd.s32 $0xFFFFC180  }
0x1c9: {  	[spmem:s3] =	stream.indirect.scatter.add.f32 [tilespmem:s31], [sflag:$0x4], $0x80, s2, s29, $0xb8;
	[tilespmem:$0x1DC00] =	vst v63  }
0x1ca: {  	_ =	swait.ge [sflag:s24], $0x3E80  }
0x1cb: {  	[sflag:s24] =	ssyncset.done $0x0  }
0x1cc: {  	s2 =	simm.s32 $0x680;
	[sflag:s24] =	ssyncadd.s32 $0xFFFFC180  }
0x1cd: {  	[tilespmem:s31], [sflag:$0x2] =	stream.indirect.gather [hbm4b:s0+s29], $0x80, s2, s29, $0xb8;
	[tilespmem:$0x1DC00] =	vst v63  }
0x1ce: {  	_ =	swait.ge [sflag:s1], $0x3E80  }
0x1cf: {  	[sflag:s1] =	ssyncset.done $0x0  }
0x1d0: {  	s2 =	simm.s32 $0x1600;
	[sflag:s1] =	ssyncadd.s32 $0xFFFFC180  }
0x1d1: {  	[spmem:s3] =	stream.indirect.scatter.add.f32 [tilespmem:s23], [sflag:$0x4], $0x80, s2, s29, $0xb8;
	[tilespmem:$0x1DC00] =	vst v63  }
0x1d2: {  	_ =	swait.ge [sflag:s24], $0x3E80  }
0x1d3: {  	[sflag:s24] =	ssyncset.done $0x0  }
0x1d4: {  	s2 =	simm.s32 $0x700;
	[sflag:s24] =	ssyncadd.s32 $0xFFFFC180  }
0x1d5: {  	[tilespmem:s23], [sflag:$0x1] =	stream.indirect.gather [hbm4b:s0+s29], $0x80, s2, s29, $0xb8;
	[tilespmem:$0x1DC00] =	vst v63  }
0x1d6: {  	_ =	swait.ge [sflag:s6], $0x3E80  }
0x1d7: {  	[sflag:s6] =	ssyncset.done $0x0  }
0x1d8: {  	s2 =	simm.s32 $0x1680;
	[sflag:s6] =	ssyncadd.s32 $0xFFFFC180  }
0x1d9: {  	[spmem:s3] =	stream.indirect.scatter.add.f32 [tilespmem:s31], [sflag:$0x4], $0x80, s2, s29, $0xb8;
	[tilespmem:$0x1DC00] =	vst v63  }
0x1da: {  	_ =	swait.ge [sflag:s24], $0x3E80  }
0x1db: {  	[sflag:s24] =	ssyncset.done $0x0  }
0x1dc: {  	s2 =	simm.s32 $0x780;
	[sflag:s24] =	ssyncadd.s32 $0xFFFFC180  }
0x1dd: {  	[tilespmem:s31], [sflag:$0x2] =	stream.indirect.gather [hbm4b:s0+s29], $0x80, s2, s29, $0xb8;
	[tilespmem:$0x1DC00] =	vst v63  }
0x1de: {  	_ =	swait.ge [sflag:s1], $0x3E80  }
0x1df: {  	[sflag:s1] =	ssyncset.done $0x0  }
0x1e0: {  	s2 =	simm.s32 $0x1700;
	[sflag:s1] =	ssyncadd.s32 $0xFFFFC180  }
0x1e1: {  	[spmem:s3] =	stream.indirect.scatter.add.f32 [tilespmem:s23], [sflag:$0x4], $0x80, s2, s29, $0xb8;
	[tilespmem:$0x1DC00] =	vst v63  }
0x1e2: {  	_ =	swait.ge [sflag:s24], $0x3E80  }
0x1e3: {  	[sflag:s24] =	ssyncset.done $0x0  }
0x1e4: {  	[sflag:s24] =	ssyncadd.s32 $0xFFFFC180  }
0x1e5: {  	_ =	swait.ge [sflag:s6], $0x3E80  }
0x1e6: {  	[sflag:s6] =	ssyncset.done $0x0  }
0x1e7: {  	s2 =	simm.s32 $0x1780;
	[sflag:s6] =	ssyncadd.s32 $0xFFFFC180  }
0x1e8: {  	[spmem:s3] =	stream.indirect.scatter.add.f32 [tilespmem:s31], [sflag:$0x4], $0x80, s2, s29, $0xb8;
	[tilespmem:$0x1DC00] =	vst v63  }
0x1e9: {  	_ =	swait.ge [sflag:s24], $0x3E80  }
0x1ea: {  	[sflag:s24] =	ssyncset.done $0x0  }
0x1eb: {  	[sflag:s24] =	ssyncadd.s32 $0xFFFFC180  }
0x1ec: {  	_ =	swait.ge [sflag:s21], $0x800  }
0x1ed: {  	[sflag:s21] =	ssyncset.done $0x0  }
0x1ee: {  	[sflag:s21] =	ssyncadd.s32 $0xFFFFF800  }
0x1ef: {  	_ =	swait.ge [sflag:s21], $0x800  }
0x1f0: {  	[sflag:s21] =	ssyncset.done $0x0  }
0x1f1: {  	s2 =	rddreg [dreg:$0xf];
	[sflag:s21] =	ssyncadd.s32 $0xFFFFF800  }
0x1f2: {  	[tilespmem:s4], [sflag:$0x3] =	stream.linear.gather [hbm4b:s2+s4], $0x800, $0x38;
	[tilespmem:$0x1DC00] =	vst v63  }
0x1f3: {  	s2 =	rddreg [dreg:$0x10]  }
0x1f4: {  	[tilespmem:s8], [sflag:$0x3] =	stream.linear.gather [hbm4b:s2+s4], $0x800, $0x38;
	[tilespmem:$0x1DC00] =	vst v63  }
0x1f5: {  	_ = 	snop  }
0x1f6: {  	[tilespmem:s23], [sflag:$0x1] =	stream.indirect.gather [hbm4b:s0+s29], $0x80, s28, s29, $0xb8;
	[tilespmem:$0x1DC00] =	vst v63  }
0x1f7: {  	_ = 	snop  }
0x1f8: {  	[tilespmem:s31], [sflag:$0x2] =	stream.indirect.gather [hbm4b:s0+s29], $0x80, s7, s29, $0xb8;
	[tilespmem:$0x1DC00] =	vst v63  }
0x1f9: {  	_ =	swait.ge [sflag:s1], $0x3E80  }
0x1fa: {  	[sflag:s1] =	ssyncset.done $0x0  }
0x1fb: {  	[sflag:s1] =	ssyncadd.s32 $0xFFFFC180  }
0x1fc: {  	[spmem:s3] =	stream.indirect.scatter.add.f32 [tilespmem:s23], [sflag:$0x4], $0x80, s5, s29, $0xb8;
	[tilespmem:$0x1DC00] =	vst v63  }
0x1fd: {  	_ =	swait.ge [sflag:s24], $0x3E80  }
0x1fe: {  	[sflag:s24] =	ssyncset.done $0x0  }
0x1ff: {  	[sflag:s24] =	ssyncadd.s32 $0xFFFFC180  }
0x200: {  	[tilespmem:s23], [sflag:$0x1] =	stream.indirect.gather [hbm4b:s0+s29], $0x80, s26, s29, $0xb8;
	[tilespmem:$0x1DC00] =	vst v63  }
0x201: {  	_ =	swait.ge [sflag:s6], $0x3E80  }
0x202: {  	[sflag:s6] =	ssyncset.done $0x0  }
0x203: {  	[sflag:s6] =	ssyncadd.s32 $0xFFFFC180  }
0x204: {  	[spmem:s3] =	stream.indirect.scatter.add.f32 [tilespmem:s31], [sflag:$0x4], $0x80, s9, s29, $0xb8;
	[tilespmem:$0x1DC00] =	vst v63  }
0x205: {  	_ =	swait.ge [sflag:s24], $0x3E80  }
0x206: {  	[sflag:s24] =	ssyncset.done $0x0  }
0x207: {  	[sflag:s24] =	ssyncadd.s32 $0xFFFFC180  }
0x208: {  	[tilespmem:s31], [sflag:$0x2] =	stream.indirect.gather [hbm4b:s0+s29], $0x80, s10, s29, $0xb8;
	[tilespmem:$0x1DC00] =	vst v63  }
0x209: {  	_ =	swait.ge [sflag:s1], $0x3E80  }
0x20a: {  	[sflag:s1] =	ssyncset.done $0x0  }
0x20b: {  	[sflag:s1] =	ssyncadd.s32 $0xFFFFC180  }
0x20c: {  	[spmem:s3] =	stream.indirect.scatter.add.f32 [tilespmem:s23], [sflag:$0x4], $0x80, s11, s29, $0xb8;
	[tilespmem:$0x1DC00] =	vst v63  }
0x20d: {  	_ =	swait.ge [sflag:s24], $0x3E80  }
0x20e: {  	[sflag:s24] =	ssyncset.done $0x0  }
0x20f: {  	[sflag:s24] =	ssyncadd.s32 $0xFFFFC180  }
0x210: {  	[tilespmem:s23], [sflag:$0x1] =	stream.indirect.gather [hbm4b:s0+s29], $0x80, s12, s29, $0xb8;
	[tilespmem:$0x1DC00] =	vst v63  }
0x211: {  	_ =	swait.ge [sflag:s6], $0x3E80  }
0x212: {  	[sflag:s6] =	ssyncset.done $0x0  }
0x213: {  	[sflag:s6] =	ssyncadd.s32 $0xFFFFC180  }
0x214: {  	[spmem:s3] =	stream.indirect.scatter.add.f32 [tilespmem:s31], [sflag:$0x4], $0x80, s13, s29, $0xb8;
	[tilespmem:$0x1DC00] =	vst v63  }
0x215: {  	_ =	swait.ge [sflag:s24], $0x3E80  }
0x216: {  	[sflag:s24] =	ssyncset.done $0x0  }
0x217: {  	[sflag:s24] =	ssyncadd.s32 $0xFFFFC180  }
0x218: {  	[tilespmem:s31], [sflag:$0x2] =	stream.indirect.gather [hbm4b:s0+s29], $0x80, s14, s29, $0xb8;
	[tilespmem:$0x1DC00] =	vst v63  }
0x219: {  	_ =	swait.ge [sflag:s1], $0x3E80  }
0x21a: {  	[sflag:s1] =	ssyncset.done $0x0  }
0x21b: {  	[sflag:s1] =	ssyncadd.s32 $0xFFFFC180  }
0x21c: {  	[spmem:s3] =	stream.indirect.scatter.add.f32 [tilespmem:s23], [sflag:$0x4], $0x80, s15, s29, $0xb8;
	[tilespmem:$0x1DC00] =	vst v63  }
0x21d: {  	_ =	swait.ge [sflag:s24], $0x3E80  }
0x21e: {  	[sflag:s24] =	ssyncset.done $0x0  }
0x21f: {  	[sflag:s24] =	ssyncadd.s32 $0xFFFFC180  }
0x220: {  	[tilespmem:s23], [sflag:$0x1] =	stream.indirect.gather [hbm4b:s0+s29], $0x80, s16, s29, $0xb8;
	[tilespmem:$0x1DC00] =	vst v63  }
0x221: {  	_ =	swait.ge [sflag:s6], $0x3E80  }
0x222: {  	[sflag:s6] =	ssyncset.done $0x0  }
0x223: {  	[sflag:s6] =	ssyncadd.s32 $0xFFFFC180  }
0x224: {  	[spmem:s3] =	stream.indirect.scatter.add.f32 [tilespmem:s31], [sflag:$0x4], $0x80, s17, s29, $0xb8;
	[tilespmem:$0x1DC00] =	vst v63  }
0x225: {  	_ =	swait.ge [sflag:s24], $0x3E80  }
0x226: {  	[sflag:s24] =	ssyncset.done $0x0  }
0x227: {  	[sflag:s24] =	ssyncadd.s32 $0xFFFFC180  }
0x228: {  	[tilespmem:s31], [sflag:$0x2] =	stream.indirect.gather [hbm4b:s0+s29], $0x80, s18, s29, $0xb8;
	[tilespmem:$0x1DC00] =	vst v63  }
0x229: {  	_ =	swait.ge [sflag:s1], $0x3E80  }
0x22a: {  	[sflag:s1] =	ssyncset.done $0x0  }
0x22b: {  	[sflag:s1] =	ssyncadd.s32 $0xFFFFC180  }
0x22c: {  	[spmem:s3] =	stream.indirect.scatter.add.f32 [tilespmem:s23], [sflag:$0x4], $0x80, s19, s29, $0xb8;
	[tilespmem:$0x1DC00] =	vst v63  }
0x22d: {  	_ =	swait.ge [sflag:s24], $0x3E80  }
0x22e: {  	[sflag:s24] =	ssyncset.done $0x0  }
0x22f: {  	[sflag:s24] =	ssyncadd.s32 $0xFFFFC180  }
0x230: {  	[tilespmem:s23], [sflag:$0x1] =	stream.indirect.gather [hbm4b:s0+s29], $0x80, s20, s29, $0xb8;
	[tilespmem:$0x1DC00] =	vst v63  }
0x231: {  	_ =	swait.ge [sflag:s6], $0x3E80  }
0x232: {  	[sflag:s6] =	ssyncset.done $0x0  }
0x233: {  	[sflag:s6] =	ssyncadd.s32 $0xFFFFC180  }
0x234: {  	[spmem:s3] =	stream.indirect.scatter.add.f32 [tilespmem:s31], [sflag:$0x4], $0x80, s25, s29, $0xb8;
	[tilespmem:$0x1DC00] =	vst v63  }
0x235: {  	_ =	swait.ge [sflag:s24], $0x3E80  }
0x236: {  	[sflag:s24] =	ssyncset.done $0x0  }
0x237: {  	[sflag:s24] =	ssyncadd.s32 $0xFFFFC180  }
0x238: {  	[tilespmem:s31], [sflag:$0x2] =	stream.indirect.gather [hbm4b:s0+s29], $0x80, s30, s29, $0xb8;
	[tilespmem:$0x1DC00] =	vst v63  }
0x239: {  	_ =	swait.ge [sflag:s1], $0x3E80  }
0x23a: {  	[sflag:s1] =	ssyncset.done $0x0  }
0x23b: {  	s5 =	simm.s32 $0x1C00;
	[sflag:s1] =	ssyncadd.s32 $0xFFFFC180  }
0x23c: {  	[spmem:s3] =	stream.indirect.scatter.add.f32 [tilespmem:s23], [sflag:$0x4], $0x80, s5, s29, $0xb8;
	[tilespmem:$0x1DC00] =	vst v63  }
0x23d: {  	_ =	swait.ge [sflag:s24], $0x3E80  }
0x23e: {  	[sflag:s24] =	ssyncset.done $0x0  }
0x23f: {  	s7 =	simm.s32 $0xD00;
	[sflag:s24] =	ssyncadd.s32 $0xFFFFC180  }
0x240: {  	[tilespmem:s23], [sflag:$0x1] =	stream.indirect.gather [hbm4b:s0+s29], $0x80, s7, s29, $0xb8;
	[tilespmem:$0x1DC00] =	vst v63  }
0x241: {  	_ =	swait.ge [sflag:s6], $0x3E80  }
0x242: {  	[sflag:s6] =	ssyncset.done $0x0  }
0x243: {  	s30 =	simm.s32 $0x1C80;
	[sflag:s6] =	ssyncadd.s32 $0xFFFFC180  }
0x244: {  	[spmem:s3] =	stream.indirect.scatter.add.f32 [tilespmem:s31], [sflag:$0x4], $0x80, s30, s29, $0xb8;
	[tilespmem:$0x1DC00] =	vst v63  }
0x245: {  	_ =	swait.ge [sflag:s24], $0x3E80  }
0x246: {  	[sflag:s24] =	ssyncset.done $0x0  }
0x247: {  	s5 =	simm.s32 $0xD80;
	[sflag:s24] =	ssyncadd.s32 $0xFFFFC180  }
0x248: {  	[tilespmem:s31], [sflag:$0x2] =	stream.indirect.gather [hbm4b:s0+s29], $0x80, s5, s29, $0xb8;
	[tilespmem:$0x1DC00] =	vst v63  }
0x249: {  	_ =	swait.ge [sflag:s1], $0x3E80  }
0x24a: {  	[sflag:s1] =	ssyncset.done $0x0  }
0x24b: {  	s7 =	simm.s32 $0x1D00;
	[sflag:s1] =	ssyncadd.s32 $0xFFFFC180  }
0x24c: {  	[spmem:s3] =	stream.indirect.scatter.add.f32 [tilespmem:s23], [sflag:$0x4], $0x80, s7, s29, $0xb8;
	[tilespmem:$0x1DC00] =	vst v63  }
0x24d: {  	_ =	swait.ge [sflag:s24], $0x3E80  }
0x24e: {  	[sflag:s24] =	ssyncset.done $0x0  }
0x24f: {  	s30 =	simm.s32 $0xE00;
	[sflag:s24] =	ssyncadd.s32 $0xFFFFC180  }
0x250: {  	[tilespmem:s23], [sflag:$0x1] =	stream.indirect.gather [hbm4b:s0+s29], $0x80, s30, s29, $0xb8;
	[tilespmem:$0x1DC00] =	vst v63  }
0x251: {  	_ =	swait.ge [sflag:s6], $0x3E80  }
0x252: {  	[sflag:s6] =	ssyncset.done $0x0  }
0x253: {  	s5 =	simm.s32 $0x1D80;
	[sflag:s6] =	ssyncadd.s32 $0xFFFFC180  }
0x254: {  	[spmem:s3] =	stream.indirect.scatter.add.f32 [tilespmem:s31], [sflag:$0x4], $0x80, s5, s29, $0xb8;
	[tilespmem:$0x1DC00] =	vst v63  }
0x255: {  	_ =	swait.ge [sflag:s24], $0x3E80  }
0x256: {  	[sflag:s24] =	ssyncset.done $0x0  }
0x257: {  	s7 =	simm.s32 $0xE80;
	[sflag:s24] =	ssyncadd.s32 $0xFFFFC180  }
0x258: {  	[tilespmem:s31], [sflag:$0x2] =	stream.indirect.gather [hbm4b:s0+s29], $0x80, s7, s29, $0xb8;
	[tilespmem:$0x1DC00] =	vst v63  }
0x259: {  	_ =	swait.ge [sflag:s1], $0x3E80  }
0x25a: {  	[sflag:s1] =	ssyncset.done $0x0  }
0x25b: {  	s30 =	simm.s32 $0x1E00;
	[sflag:s1] =	ssyncadd.s32 $0xFFFFC180  }
0x25c: {  	[spmem:s3] =	stream.indirect.scatter.add.f32 [tilespmem:s23], [sflag:$0x4], $0x80, s30, s29, $0xb8;
	[tilespmem:$0x1DC00] =	vst v63  }
0x25d: {  	_ =	swait.ge [sflag:s24], $0x3E80  }
0x25e: {  	[sflag:s24] =	ssyncset.done $0x0  }
0x25f: {  	s5 =	simm.s32 $0xF00;
	[sflag:s24] =	ssyncadd.s32 $0xFFFFC180  }
0x260: {  	[tilespmem:s23], [sflag:$0x1] =	stream.indirect.gather [hbm4b:s0+s29], $0x80, s5, s29, $0xb8;
	[tilespmem:$0x1DC00] =	vst v63  }
0x261: {  	_ =	swait.ge [sflag:s6], $0x3E80  }
0x262: {  	[sflag:s6] =	ssyncset.done $0x0  }
0x263: {  	s7 =	simm.s32 $0x1E80;
	[sflag:s6] =	ssyncadd.s32 $0xFFFFC180  }
0x264: {  	[spmem:s3] =	stream.indirect.scatter.add.f32 [tilespmem:s31], [sflag:$0x4], $0x80, s7, s29, $0xb8;
	[tilespmem:$0x1DC00] =	vst v63  }
0x265: {  	_ =	swait.ge [sflag:s24], $0x3E80  }
0x266: {  	[sflag:s24] =	ssyncset.done $0x0  }
0x267: {  	s30 =	simm.s32 $0xF80;
	[sflag:s24] =	ssyncadd.s32 $0xFFFFC180  }
0x268: {  	[tilespmem:s31], [sflag:$0x2] =	stream.indirect.gather [hbm4b:s0+s29], $0x80, s30, s29, $0xb8;
	[tilespmem:$0x1DC00] =	vst v63  }
0x269: {  	_ =	swait.ge [sflag:s1], $0x3E80  }
0x26a: {  	[sflag:s1] =	ssyncset.done $0x0  }
0x26b: {  	s5 =	simm.s32 $0x1F00;
	[sflag:s1] =	ssyncadd.s32 $0xFFFFC180  }
0x26c: {  	[spmem:s3] =	stream.indirect.scatter.add.f32 [tilespmem:s23], [sflag:$0x4], $0x80, s5, s29, $0xb8;
	[tilespmem:$0x1DC00] =	vst v63  }
0x26d: {  	_ =	swait.ge [sflag:s24], $0x3E80  }
0x26e: {  	[sflag:s24] =	ssyncset.done $0x0  }
0x26f: {  	[sflag:s24] =	ssyncadd.s32 $0xFFFFC180  }
0x270: {  	_ =	swait.ge [sflag:s6], $0x3E80  }
0x271: {  	[sflag:s6] =	ssyncset.done $0x0  }
0x272: {  	s7 =	simm.s32 $0x1F80;
	[sflag:s6] =	ssyncadd.s32 $0xFFFFC180  }
0x273: {  	[spmem:s3] =	stream.indirect.scatter.add.f32 [tilespmem:s31], [sflag:$0x4], $0x80, s7, s29, $0xb8;
	[tilespmem:$0x1DC00] =	vst v63  }
0x274: {  	_ =	swait.ge [sflag:s24], $0x3E80  }
0x275: {  	[sflag:s24] =	ssyncset.done $0x0  }
0x276: {  	[sflag:s24] =	ssyncadd.s32 $0xFFFFC180  }
0x277: {  	_ =	swait.ge [sflag:s21], $0x800  }
0x278: {  	[sflag:s21] =	ssyncset.done $0x0  }
0x279: {  	[sflag:s21] =	ssyncadd.s32 $0xFFFFF800  }
0x27a: {  	_ =	swait.ge [sflag:s21], $0x800  }
0x27b: {  	[sflag:s21] =	ssyncset.done $0x0  }
0x27c: {  	[sflag:s21] =	ssyncadd.s32 $0xFFFFF800  }
0x27d: {  	[tilespmem:s23], [sflag:$0x1] =	stream.indirect.gather [hbm4b:s0+s29], $0x80, s4, s29, $0xb8;
	[tilespmem:$0x1DC00] =	vst v63  }
0x27e: {  	s30 =	simm.s32 $0x80  }
0x27f: {  	[tilespmem:s31], [sflag:$0x2] =	stream.indirect.gather [hbm4b:s0+s29], $0x80, s30, s29, $0xb8;
	[tilespmem:$0x1DC00] =	vst v63  }
0x280: {  	_ =	swait.ge [sflag:s1], $0x3E80  }
0x281: {  	[sflag:s1] =	ssyncset.done $0x0  }
0x282: {  	[sflag:s1] =	ssyncadd.s32 $0xFFFFC180  }
0x283: {  	[spmem:s3] =	stream.indirect.scatter.add.f32 [tilespmem:s23], [sflag:$0x4], $0x80, s8, s29, $0xb8;
	[tilespmem:$0x1DC00] =	vst v63  }
0x284: {  	_ =	swait.ge [sflag:s24], $0x3E80  }
0x285: {  	[sflag:s24] =	ssyncset.done $0x0  }
0x286: {  	s5 =	simm.s32 $0x100;
	[sflag:s24] =	ssyncadd.s32 $0xFFFFC180  }
0x287: {  	[tilespmem:s23], [sflag:$0x1] =	stream.indirect.gather [hbm4b:s0+s29], $0x80, s5, s29, $0xb8;
	[tilespmem:$0x1DC00] =	vst v63  }
0x288: {  	_ =	swait.ge [sflag:s6], $0x3E80  }
0x289: {  	[sflag:s6] =	ssyncset.done $0x0  }
0x28a: {  	s7 =	simm.s32 $0x1080;
	[sflag:s6] =	ssyncadd.s32 $0xFFFFC180  }
0x28b: {  	[spmem:s3] =	stream.indirect.scatter.add.f32 [tilespmem:s31], [sflag:$0x4], $0x80, s7, s29, $0xb8;
	[tilespmem:$0x1DC00] =	vst v63  }
0x28c: {  	_ =	swait.ge [sflag:s24], $0x3E80  }
0x28d: {  	[sflag:s24] =	ssyncset.done $0x0  }
0x28e: {  	s8 =	simm.s32 $0x180;
	[sflag:s24] =	ssyncadd.s32 $0xFFFFC180  }
0x28f: {  	[tilespmem:s31], [sflag:$0x2] =	stream.indirect.gather [hbm4b:s0+s29], $0x80, s8, s29, $0xb8;
	[tilespmem:$0x1DC00] =	vst v63  }
0x290: {  	_ =	swait.ge [sflag:s1], $0x3E80  }
0x291: {  	[sflag:s1] =	ssyncset.done $0x0  }
0x292: {  	s30 =	simm.s32 $0x1100;
	[sflag:s1] =	ssyncadd.s32 $0xFFFFC180  }
0x293: {  	[spmem:s3] =	stream.indirect.scatter.add.f32 [tilespmem:s23], [sflag:$0x4], $0x80, s30, s29, $0xb8;
	[tilespmem:$0x1DC00] =	vst v63  }
0x294: {  	_ =	swait.ge [sflag:s24], $0x3E80  }
0x295: {  	[sflag:s24] =	ssyncset.done $0x0  }
0x296: {  	s5 =	simm.s32 $0x200;
	[sflag:s24] =	ssyncadd.s32 $0xFFFFC180  }
0x297: {  	[tilespmem:s23], [sflag:$0x1] =	stream.indirect.gather [hbm4b:s0+s29], $0x80, s5, s29, $0xb8;
	[tilespmem:$0x1DC00] =	vst v63  }
0x298: {  	_ =	swait.ge [sflag:s6], $0x3E80  }
0x299: {  	[sflag:s6] =	ssyncset.done $0x0  }
0x29a: {  	s7 =	simm.s32 $0x1180;
	[sflag:s6] =	ssyncadd.s32 $0xFFFFC180  }
0x29b: {  	[spmem:s3] =	stream.indirect.scatter.add.f32 [tilespmem:s31], [sflag:$0x4], $0x80, s7, s29, $0xb8;
	[tilespmem:$0x1DC00] =	vst v63  }
0x29c: {  	_ =	swait.ge [sflag:s24], $0x3E80  }
0x29d: {  	[sflag:s24] =	ssyncset.done $0x0  }
0x29e: {  	s8 =	simm.s32 $0x280;
	[sflag:s24] =	ssyncadd.s32 $0xFFFFC180  }
0x29f: {  	[tilespmem:s31], [sflag:$0x2] =	stream.indirect.gather [hbm4b:s0+s29], $0x80, s8, s29, $0xb8;
	[tilespmem:$0x1DC00] =	vst v63  }
0x2a0: {  	_ =	swait.ge [sflag:s1], $0x3E80  }
0x2a1: {  	[sflag:s1] =	ssyncset.done $0x0  }
0x2a2: {  	s30 =	simm.s32 $0x1200;
	[sflag:s1] =	ssyncadd.s32 $0xFFFFC180  }
0x2a3: {  	[spmem:s3] =	stream.indirect.scatter.add.f32 [tilespmem:s23], [sflag:$0x4], $0x80, s30, s29, $0xb8;
	[tilespmem:$0x1DC00] =	vst v63  }
0x2a4: {  	_ =	swait.ge [sflag:s24], $0x3E80  }
0x2a5: {  	[sflag:s24] =	ssyncset.done $0x0  }
0x2a6: {  	s5 =	simm.s32 $0x300;
	[sflag:s24] =	ssyncadd.s32 $0xFFFFC180  }
0x2a7: {  	[tilespmem:s23], [sflag:$0x1] =	stream.indirect.gather [hbm4b:s0+s29], $0x80, s5, s29, $0xb8;
	[tilespmem:$0x1DC00] =	vst v63  }
0x2a8: {  	_ =	swait.ge [sflag:s6], $0x3E80  }
0x2a9: {  	[sflag:s6] =	ssyncset.done $0x0  }
0x2aa: {  	s7 =	simm.s32 $0x1280;
	[sflag:s6] =	ssyncadd.s32 $0xFFFFC180  }
0x2ab: {  	[spmem:s3] =	stream.indirect.scatter.add.f32 [tilespmem:s31], [sflag:$0x4], $0x80, s7, s29, $0xb8;
	[tilespmem:$0x1DC00] =	vst v63  }
0x2ac: {  	_ =	swait.ge [sflag:s24], $0x3E80  }
0x2ad: {  	[sflag:s24] =	ssyncset.done $0x0  }
0x2ae: {  	s8 =	simm.s32 $0x380;
	[sflag:s24] =	ssyncadd.s32 $0xFFFFC180  }
0x2af: {  	[tilespmem:s31], [sflag:$0x2] =	stream.indirect.gather [hbm4b:s0+s29], $0x80, s8, s29, $0xb8;
	[tilespmem:$0x1DC00] =	vst v63  }
0x2b0: {  	_ =	swait.ge [sflag:s1], $0x3E80  }
0x2b1: {  	[sflag:s1] =	ssyncset.done $0x0  }
0x2b2: {  	s30 =	simm.s32 $0x1300;
	[sflag:s1] =	ssyncadd.s32 $0xFFFFC180  }
0x2b3: {  	[spmem:s3] =	stream.indirect.scatter.add.f32 [tilespmem:s23], [sflag:$0x4], $0x80, s30, s29, $0xb8;
	[tilespmem:$0x1DC00] =	vst v63  }
0x2b4: {  	_ =	swait.ge [sflag:s24], $0x3E80  }
0x2b5: {  	[sflag:s24] =	ssyncset.done $0x0  }
0x2b6: {  	s5 =	simm.s32 $0x400;
	[sflag:s24] =	ssyncadd.s32 $0xFFFFC180  }
0x2b7: {  	[tilespmem:s23], [sflag:$0x1] =	stream.indirect.gather [hbm4b:s0+s29], $0x80, s5, s29, $0xb8;
	[tilespmem:$0x1DC00] =	vst v63  }
0x2b8: {  	_ =	swait.ge [sflag:s6], $0x3E80  }
0x2b9: {  	[sflag:s6] =	ssyncset.done $0x0  }
0x2ba: {  	s7 =	simm.s32 $0x1380;
	[sflag:s6] =	ssyncadd.s32 $0xFFFFC180  }
0x2bb: {  	[spmem:s3] =	stream.indirect.scatter.add.f32 [tilespmem:s31], [sflag:$0x4], $0x80, s7, s29, $0xb8;
	[tilespmem:$0x1DC00] =	vst v63  }
0x2bc: {  	_ =	swait.ge [sflag:s24], $0x3E80  }
0x2bd: {  	[sflag:s24] =	ssyncset.done $0x0  }
0x2be: {  	s8 =	simm.s32 $0x480;
	[sflag:s24] =	ssyncadd.s32 $0xFFFFC180  }
0x2bf: {  	[tilespmem:s31], [sflag:$0x2] =	stream.indirect.gather [hbm4b:s0+s29], $0x80, s8, s29, $0xb8;
	[tilespmem:$0x1DC00] =	vst v63  }
0x2c0: {  	_ =	swait.ge [sflag:s1], $0x3E80  }
0x2c1: {  	[sflag:s1] =	ssyncset.done $0x0  }
0x2c2: {  	s30 =	simm.s32 $0x1400;
	[sflag:s1] =	ssyncadd.s32 $0xFFFFC180  }
0x2c3: {  	[spmem:s3] =	stream.indirect.scatter.add.f32 [tilespmem:s23], [sflag:$0x4], $0x80, s30, s29, $0xb8;
	[tilespmem:$0x1DC00] =	vst v63  }
0x2c4: {  	_ =	swait.ge [sflag:s24], $0x3E80  }
0x2c5: {  	[sflag:s24] =	ssyncset.done $0x0  }
0x2c6: {  	s5 =	simm.s32 $0x500;
	[sflag:s24] =	ssyncadd.s32 $0xFFFFC180  }
0x2c7: {  	[tilespmem:s23], [sflag:$0x1] =	stream.indirect.gather [hbm4b:s0+s29], $0x80, s5, s29, $0xb8;
	[tilespmem:$0x1DC00] =	vst v63  }
0x2c8: {  	_ =	swait.ge [sflag:s6], $0x3E80  }
0x2c9: {  	[sflag:s6] =	ssyncset.done $0x0  }
0x2ca: {  	s7 =	simm.s32 $0x1480;
	[sflag:s6] =	ssyncadd.s32 $0xFFFFC180  }
0x2cb: {  	[spmem:s3] =	stream.indirect.scatter.add.f32 [tilespmem:s31], [sflag:$0x4], $0x80, s7, s29, $0xb8;
	[tilespmem:$0x1DC00] =	vst v63  }
0x2cc: {  	_ =	swait.ge [sflag:s24], $0x3E80  }
0x2cd: {  	[sflag:s24] =	ssyncset.done $0x0  }
0x2ce: {  	s8 =	simm.s32 $0x580;
	[sflag:s24] =	ssyncadd.s32 $0xFFFFC180  }
0x2cf: {  	[tilespmem:s31], [sflag:$0x2] =	stream.indirect.gather [hbm4b:s0+s29], $0x80, s8, s29, $0xb8;
	[tilespmem:$0x1DC00] =	vst v63  }
0x2d0: {  	_ =	swait.ge [sflag:s1], $0x3E80  }
0x2d1: {  	[sflag:s1] =	ssyncset.done $0x0  }
0x2d2: {  	s30 =	simm.s32 $0x1500;
	[sflag:s1] =	ssyncadd.s32 $0xFFFFC180  }
0x2d3: {  	[spmem:s3] =	stream.indirect.scatter.add.f32 [tilespmem:s23], [sflag:$0x4], $0x80, s30, s29, $0xb8;
	[tilespmem:$0x1DC00] =	vst v63  }
0x2d4: {  	_ =	swait.ge [sflag:s24], $0x3E80  }
0x2d5: {  	[sflag:s24] =	ssyncset.done $0x0  }
0x2d6: {  	s5 =	simm.s32 $0x600;
	[sflag:s24] =	ssyncadd.s32 $0xFFFFC180  }
0x2d7: {  	[tilespmem:s23], [sflag:$0x1] =	stream.indirect.gather [hbm4b:s0+s29], $0x80, s5, s29, $0xb8;
	[tilespmem:$0x1DC00] =	vst v63  }
0x2d8: {  	_ =	swait.ge [sflag:s6], $0x3E80  }
0x2d9: {  	[sflag:s6] =	ssyncset.done $0x0  }
0x2da: {  	s7 =	simm.s32 $0x1580;
	[sflag:s6] =	ssyncadd.s32 $0xFFFFC180  }
0x2db: {  	[spmem:s3] =	stream.indirect.scatter.add.f32 [tilespmem:s31], [sflag:$0x4], $0x80, s7, s29, $0xb8;
	[tilespmem:$0x1DC00] =	vst v63  }
0x2dc: {  	_ =	swait.ge [sflag:s24], $0x3E80  }
0x2dd: {  	[sflag:s24] =	ssyncset.done $0x0  }
0x2de: {  	s8 =	simm.s32 $0x680;
	[sflag:s24] =	ssyncadd.s32 $0xFFFFC180  }
0x2df: {  	[tilespmem:s31], [sflag:$0x2] =	stream.indirect.gather [hbm4b:s0+s29], $0x80, s8, s29, $0xb8;
	[tilespmem:$0x1DC00] =	vst v63  }
0x2e0: {  	_ =	swait.ge [sflag:s1], $0x3E80  }
0x2e1: {  	[sflag:s1] =	ssyncset.done $0x0  }
0x2e2: {  	s30 =	simm.s32 $0x1600;
	[sflag:s1] =	ssyncadd.s32 $0xFFFFC180  }
0x2e3: {  	[spmem:s3] =	stream.indirect.scatter.add.f32 [tilespmem:s23], [sflag:$0x4], $0x80, s30, s29, $0xb8;
	[tilespmem:$0x1DC00] =	vst v63  }
0x2e4: {  	_ =	swait.ge [sflag:s24], $0x3E80  }
0x2e5: {  	[sflag:s24] =	ssyncset.done $0x0  }
0x2e6: {  	s5 =	simm.s32 $0x700;
	[sflag:s24] =	ssyncadd.s32 $0xFFFFC180  }
0x2e7: {  	[tilespmem:s23], [sflag:$0x1] =	stream.indirect.gather [hbm4b:s0+s29], $0x80, s5, s29, $0xb8;
	[tilespmem:$0x1DC00] =	vst v63  }
0x2e8: {  	_ =	swait.ge [sflag:s6], $0x3E80  }
0x2e9: {  	[sflag:s6] =	ssyncset.done $0x0  }
0x2ea: {  	s7 =	simm.s32 $0x1680;
	[sflag:s6] =	ssyncadd.s32 $0xFFFFC180  }
0x2eb: {  	[spmem:s3] =	stream.indirect.scatter.add.f32 [tilespmem:s31], [sflag:$0x4], $0x80, s7, s29, $0xb8;
	[tilespmem:$0x1DC00] =	vst v63  }
0x2ec: {  	_ =	swait.ge [sflag:s24], $0x3E80  }
0x2ed: {  	[sflag:s24] =	ssyncset.done $0x0  }
0x2ee: {  	s8 =	simm.s32 $0x780;
	[sflag:s24] =	ssyncadd.s32 $0xFFFFC180  }
0x2ef: {  	[tilespmem:s31], [sflag:$0x2] =	stream.indirect.gather [hbm4b:s0+s29], $0x80, s8, s29, $0xb8;
	[tilespmem:$0x1DC00] =	vst v63  }
0x2f0: {  	_ =	swait.ge [sflag:s1], $0x3E80  }
0x2f1: {  	[sflag:s1] =	ssyncset.done $0x0  }
0x2f2: {  	s30 =	simm.s32 $0x1700;
	[sflag:s1] =	ssyncadd.s32 $0xFFFFC180  }
0x2f3: {  	[spmem:s3] =	stream.indirect.scatter.add.f32 [tilespmem:s23], [sflag:$0x4], $0x80, s30, s29, $0xb8;
	[tilespmem:$0x1DC00] =	vst v63  }
0x2f4: {  	_ =	swait.ge [sflag:s24], $0x3E80  }
0x2f5: {  	[sflag:s24] =	ssyncset.done $0x0  }
0x2f6: {  	[sflag:s24] =	ssyncadd.s32 $0xFFFFC180  }
0x2f7: {  	_ =	swait.ge [sflag:s6], $0x3E80  }
0x2f8: {  	[sflag:s6] =	ssyncset.done $0x0  }
0x2f9: {  	s5 =	simm.s32 $0x1780;
	[sflag:s6] =	ssyncadd.s32 $0xFFFFC180  }
0x2fa: {  	[spmem:s3] =	stream.indirect.scatter.add.f32 [tilespmem:s31], [sflag:$0x4], $0x80, s5, s29, $0xb8;
	[tilespmem:$0x1DC00] =	vst v63  }
0x2fb: {  	_ =	swait.ge [sflag:s24], $0x3E80  }
0x2fc: {  	[sflag:s24] =	ssyncset.done $0x0  }
0x2fd: {  	[sflag:s24] =	ssyncadd.s32 $0xFFFFC180  }
0x2fe: {  	s7 =	stileid.u32;
	[bflag:$0x0] =	sbarrier.arrive $0xFFFF  }
0x2ff: {  	s2 =	sshll.u32 s7, $0x6;
	s8 =	rddreg [dreg:$0x15]  }
0x300: {  	s2 =	sor.u32 $0x1C04, s2;
	s5 =	rddreg [dreg:$0x11];
	s30 =	sshrl.u32 s8, $0x3  }
0x301: {  	[hbm:s5], [sflag:s2] =	dma.local [spmem:s30], $0x2780  }
0x302: {  	_ =	swait.ge [sflag:s24], $0x2780  }
0x303: {  	s22 =	sadd.s32 $0x1, s22;
	s30 =	rddreg [dreg:$0x12]  }
0x304: {  	p0 =	sne.s32 s22, s30  }
.Ltmp1:
0x305: {  	_ = 	snop;
	(pc) =	sbr.rel @p0 .LBB2_1-.Ltmp1, $3  }
0x306: {  	_ =	sdelay $0x1  }
0x307: {  	[sflag:s24] =	ssyncset.done $0x0  }
0x308: {  	[sflag:s24] =	ssyncadd.s32 $0xFFFFD880  }
0x309: {  	_ =	sfence.sel $0x180000  }
0x30a: {  	[bflag:$0x0] =	sbarrier.arrive $0xFFFF  }
0x30b: {  	_ =	strace $0x9000004A  }
0x30c: {  	s0 =	stileid.u32;
	[bflag:$0x2] =	sbarrier.arrive $0xFFFF  }
0x30d: {  	p0 =	sne.s32 s0, $0x0;
	s0 =	rddreg [dreg:$0x3]  }
0x30e: {  	s0 =	sadd.s32 @!p0 $0x100000, s0  }
0x30f: {  	[sflag:s0] =	ssyncadd.tile.s32 @!p0 $0x1;
	_ =	shalt  }
.Lfunc_end2:
_tile_overlayer_lowered:
.L_overlay_start_2:
0x310: {  	(tag) =	ssettag $0x2  }
0x311: {  	s0 =	rddreg [dreg:$0x0];
	s2 =	stileid.u32  }
0x312: {  	s1 =	rddreg [dreg:$0x1];
	p0 =	sne.s32 s2, $0x0  }
0x313: {  	s3 =	rddreg [dreg:$0x2];
	[bflag:$0x3] =	sbarrier.arrive $0xFFFF;
	s2 =	simm.s32 @!p0 $0x1C04  }
0x314: {  	[timem:s3], [sflag:s2] =	dma.local @!p0 [hbm:s0], s1  }
0x315: {  	s0 =	simm.s32 @!p0 $0x4  }
0x316: {  	_ =	swait.ge @!p0 [sflag:s0], s1  }
0x317: {  	s1 =	ssub.s32 @!p0 $0x0, s1;
	[sflag:s0] =	ssyncset.done @!p0 $0x0  }
0x318: {  	[sflag:s0] =	ssyncadd.s32 @!p0 s1  }
0x319: {  	[bflag:$0x3] =	sbarrier.arrive $0xFFFF  }
0x31a: {  	_ =	shalt  }

// kernel: kernel.7.cloned.1.call-start
scs
__scs_entry_jumppad:
0x0: {  	(pc) =	sbr.rel $0x88, $3  }
0x1: {  	(tag) =	ssettag $0x0;
	lr =	simm.s32 $0x1  }
0x2: {  	[smem:$0x3F9D] =	sst lr;
	_ =	strace $0xD0000000  }
0x3: {  	_ = 	snop  }
0x4: {  	_ = 	snop  }
0x5: {  	_ = 	snop  }
0x6: {  	_ = 	snop  }
0x7: {  	_ = 	snop  }
__scs_overlays_trampoline_lowered:
0x8: {  	[smem:$0x3FAC] =	sst s0  }
0x9: {  	[smem:$0x3FAD] =	sst s1  }
0xa: {  	[smem:$0x3FAE] =	sst s2  }
0xb: {  	[smem:$0x3FAF] =	sst s3  }
0xc: {  	[smem:$0x3FB0] =	sst s4  }
0xd: {  	[smem:$0x3FB1] =	sst s5  }
0xe: {  	[smem:$0x3FB2] =	sst s6  }
0xf: {  	[smem:$0x3FB3] =	sst s7  }
0x10: {  	[smem:$0x3FB4] =	sst s8  }
0x11: {  	[smem:$0x3FB5] =	sst s9;
	s0 =	simm.s32 @!p0 $0x0  }
0x12: {  	s1 =	sld [smem:$0x3F9B];
	s0 =	simm.s32 @p0 $0x1  }
0x13: {  	[smem:$0x3FB6] =	sst s0;
	s0 =	simm.s32 @!p1 $0x0  }
0x14: {  	s2 =	sld [smem:$0x3F9A];
	s0 =	simm.s32 @p1 $0x1  }
0x15: {  	[smem:$0x3FB7] =	sst s0;
	s0 =	simm.s32 @!p2 $0x0  }
0x16: {  	s3 =	sld [smem:$0x3FDB];
	s0 =	simm.s32 @p2 $0x1  }
0x17: {  	s4 =	simm.s32 $0x1BF5;
	[smem:$0x3FB9] =	sst s0  }
0x18: {  	s0 =	sld [smem:$0x3F9C];
	_ =	swait.ge [sflag:s4], $0x0  }
0x19: {  	s7 =	sld [smem:$0x3F9D]  }
0x1a: {  	s8 =	sadd.s32 $0xFFFFE003, lr  }
0x1b: {  	s9 =	sadd.s32 $0xFFFFFEF7, lr;
	s5 =	simm.s32 $0xFFFFFFFF;
	p2 =	slt.u32 s8, $0xFFFFF086  }
0x1c: {  	p1 =	slt.u32 s9, $0xF7A;
	s5 =	simm.s32 @!p2 $0x0  }
0x1d: {  	s5 =	simm.s32 @p1 $0x1;
	p0 =	seq.s32 s7, s2  }
0x1e: {  	s7 =	smul.u32 @!p0 $0xF7A, s2;
	p2 =	seq.s32 @!p0 s5, $0x0  }
0x1f: {  	s9 =	smul.u32 $0xF7A, s1;
	s8 =	simm.s32 @!p0 $0x1BF5;
	p2 =	por !p2, p0  }
0x20: {  	[sflag:s8] =	ssyncset.s32 @!p0 $0xFFFFF086;
	s6 =	sadd.s32 @!p0 s3, s7;
	s7 =	simm.s32 @!p0 $0x108  }
0x21: {  	s3 =	sadd.s32 s3, s9;
	s6 =	sadd.s32 @!p0 $0x88, s6;
	s7 =	simm.s32 @p2 $0x1082  }
0x22: {  	[simem:s7], [sflag:s8] =	dma.local @!p0 [hbm:s6], $0xF7A  }
0x23: {  	s9 =	sor.u32 $0xD0000000, s2;
	s6 =	simm.s32 $0x108;
	_ =	swait.ge @!p0 [sflag:s8], $0x0  }
0x24: {  	s3 =	sadd.s32 $0x88, s3;
	s6 =	simm.s32 @!p1 $0x1082;
	[sflag:s4] =	ssyncset.s32 $0xFFFFF086  }
0x25: {  	[simem:s6], [sflag:s4] =	dma.local [hbm:s3], $0xF7A  }
0x26: {  	[smem:$0x3F9D] =	sst s1;
	(tag) =	ssettag s2;
	_ =	strace s9  }
0x27: {  	s1 =	sld [smem:$0x3FAD]  }
0x28: {  	s2 =	sld [smem:$0x3FAE]  }
0x29: {  	s4 =	sld [smem:$0x3FB0]  }
0x2a: {  	p0 =	seq.s32 s5, $0x0;
	s5 =	sld [smem:$0x3FB1]  }
0x2b: {  	s6 =	sld [smem:$0x3FB2]  }
0x2c: {  	s7 =	sld [smem:$0x3FB3]  }
0x2d: {  	s3 =	simm.s32 $0x108;
	s8 =	sld [smem:$0x3FB4]  }
0x2e: {  	s3 =	simm.s32 @!p0 $0x1082;
	s9 =	sld [smem:$0x3FB5]  }
0x2f: {  	lr =	sadd.s32 s0, s3;
	s0 =	sld [smem:$0x3FAC]  }
0x30: {  	s3 =	sld [smem:$0x3FAF]  }
0x31: {  	[smem:$0x3FB8] =	sst s10  }
0x32: {  	s10 =	sld [smem:$0x3FB6];
	_ =	sdelay $0x3  }
0x33: {  	p0 =	seq.s32 s10, $0x1;
	s10 =	sld [smem:$0x3FB8];
	_ =	sdelay $0x3  }
0x34: {  	[smem:$0x3FB8] =	sst s10  }
0x35: {  	s10 =	sld [smem:$0x3FB7];
	_ =	sdelay $0x3  }
0x36: {  	p1 =	seq.s32 s10, $0x1;
	s10 =	sld [smem:$0x3FB8];
	_ =	sdelay $0x3  }
0x37: {  	[smem:$0x3FB8] =	sst s10  }
0x38: {  	s10 =	sld [smem:$0x3FB9]  }
0x39: {  	_ = 	snop;
	(pc) =	sbr.ind lr, $3  }
0x3a: {  	_ = 	snop  }
0x3b: {  	_ = 	snop  }
0x3c: {  	p2 =	seq.s32 s10, $0x1;
	s10 =	sld [smem:$0x3FB8]  }
0x3d: {  	_ =	shalt  }
0x3e: {  	_ =	shalt  }
0x3f: {  	_ =	shalt  }
0x40: {  	_ =	shalt  }
0x41: {  	_ =	shalt  }
0x42: {  	_ =	shalt  }
0x43: {  	_ =	shalt  }
0x44: {  	_ =	shalt  }
0x45: {  	_ =	shalt  }
0x46: {  	_ =	shalt  }
0x47: {  	_ =	shalt  }
0x48: {  	_ =	shalt  }
0x49: {  	_ =	shalt  }
0x4a: {  	_ =	shalt  }
0x4b: {  	_ =	shalt  }
0x4c: {  	_ =	shalt  }
0x4d: {  	_ =	shalt  }
0x4e: {  	_ =	shalt  }
0x4f: {  	_ =	shalt  }
0x50: {  	_ =	shalt  }
0x51: {  	_ =	shalt  }
0x52: {  	_ =	shalt  }
0x53: {  	_ =	shalt  }
0x54: {  	_ =	shalt  }
0x55: {  	_ =	shalt  }
0x56: {  	_ =	shalt  }
0x57: {  	_ =	shalt  }
0x58: {  	_ =	shalt  }
0x59: {  	_ =	shalt  }
0x5a: {  	_ =	shalt  }
0x5b: {  	_ =	shalt  }
0x5c: {  	_ =	shalt  }
0x5d: {  	_ =	shalt  }
0x5e: {  	_ =	shalt  }
0x5f: {  	_ =	shalt  }
0x60: {  	_ =	shalt  }
0x61: {  	_ =	shalt  }
0x62: {  	_ =	shalt  }
0x63: {  	_ =	shalt  }
0x64: {  	_ =	shalt  }
0x65: {  	_ =	shalt  }
0x66: {  	_ =	shalt  }
0x67: {  	_ =	shalt  }
0x68: {  	_ =	shalt  }
0x69: {  	_ =	shalt  }
0x6a: {  	_ =	shalt  }
0x6b: {  	_ =	shalt  }
0x6c: {  	_ =	shalt  }
0x6d: {  	_ =	shalt  }
0x6e: {  	_ =	shalt  }
0x6f: {  	_ =	shalt  }
0x70: {  	_ =	shalt  }
0x71: {  	_ =	shalt  }
0x72: {  	_ =	shalt  }
0x73: {  	_ =	shalt  }
0x74: {  	_ =	shalt  }
0x75: {  	_ =	shalt  }
0x76: {  	_ =	shalt  }
0x77: {  	_ =	shalt  }
0x78: {  	_ =	shalt  }
0x79: {  	_ =	shalt  }
0x7a: {  	_ =	shalt  }
0x7b: {  	_ =	shalt  }
0x7c: {  	_ =	shalt  }
0x7d: {  	_ =	shalt  }
0x7e: {  	_ =	shalt  }
0x7f: {  	_ =	shalt  }
0x80: {  	_ =	shalt  }
0x81: {  	_ =	shalt  }
0x82: {  	_ =	shalt  }
0x83: {  	_ =	shalt  }
0x84: {  	_ =	shalt  }
0x85: {  	_ =	shalt  }
0x86: {  	_ =	shalt  }
0x87: {  	_ =	shalt  }
.Lfunc_end0:
.L_simem_size_0:
called_computation_lowered:
.L_overlay_start_0:
0x88: {  	s2 =	sld [smem:$0x3FD9]  }
0x89: {  	s3 =	sld [smem:$0x3FFE];
	_ =	sdelay $0x1  }
0x8a: {  	s1 =	srdreg.scid  }
0x8b: {  	s0 =	sand.u32 $0x1, s1  }
0x8c: {  	s17 =	sshll.u32 s0, $0xA;
	s2 =	sadd.s32 s3, s2  }
0x8d: {  	s2 =	sadd.s32 s2, s17  }
0x8e: {  	[smem:$0x3FC4] =	sst s2  }
0x8f: {  	_ = 	snop  }
0x90: {  	s2 =	sld [smem:$0x3FD0];
	(tm) =	ssettm $0x1  }
0x91: {  	s18 =	sld [smem:$0x3FFB];
	_ =	sdelay $0x3  }
0x92: {  	_ =	strace s18  }
0x93: {  	s3 =	sld [smem:$0x3FFC];
	_ =	sdelay $0x3  }
0x94: {  	_ =	strace s3  }
0x95: {  	s3 =	sld [smem:$0x3FFD];
	_ =	sdelay $0x3  }
0x96: {  	_ =	strace s3  }
0x97: {  	_ =	strace $0x8FFFFFFF  }
0x98: {  	s19 =	sld [smem:$0x3FDB];
	_ =	sdelay $0x1  }
0x99: {  	s4 =	simm.s32 $_scs_section_size  }
0x9a: {  	s5 =	simm.s32 $_size__tile_overlayer_lowered;
	s6 =	simm.s32 $_tile_overlayer_lowered  }
0x9b: {  	s22 =	simm.s32 $0x1BFF;
	s21 =	sshll.u32 s6, $0x1;
	s3 =	sadd.s32 s4, s19  }
0x9c: {  	s7 =	simm.s32 $0x0;
	s20 =	sshll.u32 s5, $0x1;
	s5 =	sadd.s32 s21, s3  }
0x9d: {  	[timem:s7], [sflag:s22] =	dma.local [hbm:s5], s20  }
0x9e: {  	_ =	swait.ge [sflag:s22], s20  }
0x9f: {  	s4 =	ssub.s32 $0x0, s20;
	[sflag:s22] =	ssyncset.done $0x0  }
0xa0: {  	[sflag:s22] =	ssyncadd.s32 s4;
	_ =	sdelay $0x1  }
0xa1: {  	s23 =	simm.s32 $0x1B8B  }
0xa2: {  	_ =	swait.ge [sflag:s23], $0x1  }
0xa3: {  	[sflag:s23] =	ssyncset.done $0x0  }
0xa4: {  	s25 =	simm.s32 $0x1B8E;
	s24 =	sld [smem:$0x3FFE];
	[sflag:s23] =	ssyncadd.s32 $0xFFFFFFFF  }
0xa5: {  	s26 =	simm.s32 $execute0_lowered;
	[smem:$0x3FD2] =	sst s25  }
0xa6: {  	s5 =	sshll.u32 s26, $0x1;
	_ =	strace $0x80000046;
	[dreg:$0x1] =	wrdreg $0xFFFFFFFF  }
0xa7: {  	s28 =	simm.s32 $_size_execute0_lowered;
	s3 =	sadd.s32 s3, s5;
	[dreg:$0x0] =	wrdreg $0x0  }
0xa8: {  	s5 =	sshll.u32 s28, $0x1;
	[dreg:$0x2] =	wrdreg s3  }
0xa9: {  	[dreg:$0x3] =	wrdreg s5  }
0xaa: {  	[dreg:$0x4] =	wrdreg $0xC0  }
0xab: {  	_ =	task [dreg:s7], $0x5FFFF  }
0xac: {  	[dreg:$0x1] =	wrdreg $0xFFFFFFFF  }
0xad: {  	[dreg:$0x0] =	wrdreg $0x60  }
0xae: {  	[dreg:$0x2] =	wrdreg s24  }
0xaf: {  	[dreg:$0x3] =	wrdreg s2  }
0xb0: {  	[dreg:$0x4] =	wrdreg $0x2A800  }
0xb1: {  	[dreg:$0x5] =	wrdreg $0x9  }
0xb2: {  	_ =	task.clear_ibuf [dreg:s7], $0x6FFFF;
	_ =	strace $0x90000046  }
0xb3: {  	s29 =	simm.s32 $0x9;
	_ =	strace $0x80000048  }
0xb4: {  	_ =	swait.ge [sflag:s29], $0x1  }
0xb5: {  	[sflag:s29] =	ssyncadd.s32 $0xFFFFFFFF  }
0xb6: {  	_ =	strace $0x90000048  }
0xb7: {  	_ =	sfence  }
0xb8: {  	s30 =	sld [smem:$0x0];
	_ =	sdelay $0x2  }
0xb9: {  	s31 =	sshll.u32 s1, $0xD;
	s1 =	sshrl.u32 s1, $0x2  }
0xba: {  	s3 =	sand.u32 $0x4000, s31;
	s1 =	sadd.s32 s1, s30  }
0xbb: {  	s0 =	sor.u32 s3, s0;
	s1 =	sshll.u32 s1, $0x11  }
0xbc: {  	s0 =	sor.u32 s1, s0  }
0xbd: {  	s0 =	sadd.s32 $0x8F2B, s0  }
0xbe: {  	[sflag:s0] =	ssyncadd.remote.s32 $0x1  }
0xbf: {  	_ =	sfence.sel $0xFFFF  }
0xc0: {  	[dreg:$0x0] =	wrdreg $0xFFFFFFFF;
	(pc) =	sbr.abs _section_cstart, $3  }
0xc1: {  	[dreg:$0x1] =	wrdreg $0xFFFFFFFF  }
0xc2: {  	_ =	task.clear_ibuf [dreg:s7], $0x2FFFF;
	_ =	strace $0x9FFFFFFF  }
0xc3: {  	(tm) =	ssettm $0x7FFFFFFF  }
tec
execute0_lowered:
.L_overlay_start_1:
0x0: {  	(tag) =	ssettag $0x1  }
0x1: {  	s4 =	rddreg [dreg:$0x0]  }
0x2: {  	s1 =	srdreg.scid;
	s5 =	rddreg [dreg:$0x1]  }
0x3: {  	s0 =	stileid.u32;
	s2 =	rddreg [dreg:$0x2]  }
0x4: {  	s3 =	simm.s32 $0x0;
	s24 =	sand.u32 $0x1, s1;
	s8 =	sshll.u32 s0, $0x1  }
0x5: {  	[smem:$0x7FF] =	sst s3;
	s1 =	sor.u32 s24, s8  }
0x6: {  	s11 =	simm.s32 $0x80;
	s6 =	smul.u32 $0x500, s1;
	s1 =	rddreg [dreg:$0x3]  }
0x7: {  	s12 =	simm.s32 $0x100;
	_ =	strace $0x80000047;
	[dreg:$0x6] =	wrdreg s11  }
0x8: {  	s13 =	simm.s32 $0x180;
	[dreg:$0x7] =	wrdreg s12  }
0x9: {  	s14 =	simm.s32 $0x200;
	[dreg:$0x8] =	wrdreg s13  }
0xa: {  	s15 =	simm.s32 $0x280;
	[dreg:$0x9] =	wrdreg s14  }
0xb: {  	s16 =	simm.s32 $0x300;
	[dreg:$0xa] =	wrdreg s15  }
0xc: {  	s17 =	simm.s32 $0x380;
	[dreg:$0xb] =	wrdreg s16  }
0xd: {  	s18 =	simm.s32 $0x400;
	[dreg:$0xc] =	wrdreg s17  }
0xe: {  	s19 =	simm.s32 $0x480;
	[dreg:$0xd] =	wrdreg s18  }
0xf: {  	s20 =	simm.s32 $0x500;
	[dreg:$0xe] =	wrdreg s19  }
0x10: {  	s21 =	simm.s32 $0x580;
	[dreg:$0xf] =	wrdreg s20  }
0x11: {  	s22 =	simm.s32 $0x600;
	[dreg:$0x10] =	wrdreg s21  }
0x12: {  	s23 =	simm.s32 $0x680;
	[dreg:$0x11] =	wrdreg s22  }
0x13: {  	s25 =	simm.s32 $0x700;
	[dreg:$0x12] =	wrdreg s23  }
0x14: {  	s26 =	simm.s32 $0x780;
	[dreg:$0x13] =	wrdreg s25  }
0x15: {  	s29 =	simm.s32 $0x800;
	[dreg:$0x14] =	wrdreg s26  }
0x16: {  	s30 =	simm.s32 $0x880;
	s7 =	smul.u32 $0x500, s0;
	[dreg:$0x15] =	wrdreg s29  }
0x17: {  	s31 =	simm.s32 $0x900;
	s8 =	sshll.u32 s24, $0x7;
	[dreg:$0x16] =	wrdreg s30  }
0x18: {  	s9 =	sor.u32 s8, s7;
	[dreg:$0x17] =	wrdreg s31;
	s7 =	simm.s32 $0xA80  }
0x19: {  	s8 =	simm.s32 $0xB00;
	[dreg:$0x1a] =	wrdreg s7  }
0x1a: {  	s11 =	simm.s32 $0xC80;
	[dreg:$0x1b] =	wrdreg s8  }
0x1b: {  	s12 =	simm.s32 $0xD00;
	[dreg:$0x1e] =	wrdreg s11  }
0x1c: {  	s13 =	simm.s32 $0xD80;
	[dreg:$0x1f] =	wrdreg s12  }
0x1d: {  	s14 =	simm.s32 $0xE00;
	[smem:$0x7DA] =	sst s13  }
0x1e: {  	s15 =	simm.s32 $0xE80;
	[smem:$0x7DB] =	sst s14  }
0x1f: {  	v0 =	vimm.f32 $0.0e+00;
	s16 =	simm.s32 $0xF00;
	[smem:$0x7DC] =	sst s15  }
0x20: {  	[tilespmem:$0x2890] =	vst v0;
	s17 =	simm.s32 $0xF80;
	[smem:$0x7DD] =	sst s16  }
0x21: {  	[tilespmem:$0x28A0] =	vst v0;
	s18 =	simm.s32 $0x1000;
	[smem:$0x7DE] =	sst s17  }
0x22: {  	[tilespmem:$0x28B0] =	vst v0;
	s19 =	simm.s32 $0x1080;
	[smem:$0x7DF] =	sst s18  }
0x23: {  	[tilespmem:$0x28C0] =	vst v0;
	s20 =	simm.s32 $0x1100;
	[smem:$0x7E0] =	sst s19  }
0x24: {  	[tilespmem:$0x28D0] =	vst v0;
	s21 =	simm.s32 $0x1180;
	[smem:$0x7E1] =	sst s20  }
0x25: {  	[tilespmem:$0x28E0] =	vst v0;
	s22 =	simm.s32 $0x1200;
	[smem:$0x7E2] =	sst s21  }
0x26: {  	[tilespmem:$0x28F0] =	vst v0;
	s23 =	simm.s32 $0x1280;
	[smem:$0x7E3] =	sst s22  }
0x27: {  	[tilespmem:$0x2900] =	vst v0;
	s25 =	simm.s32 $0x1300;
	[smem:$0x7E4] =	sst s23  }
0x28: {  	[tilespmem:$0x2910] =	vst v0;
	s26 =	simm.s32 $0x1380;
	[smem:$0x7E5] =	sst s25  }
0x29: {  	[tilespmem:$0x2920] =	vst v0;
	s29 =	simm.s32 $0x1400;
	[smem:$0x7E6] =	sst s26  }
0x2a: {  	[tilespmem:$0x2930] =	vst v0;
	s30 =	simm.s32 $0x1480;
	[smem:$0x7E7] =	sst s29  }
0x2b: {  	[tilespmem:$0x2800] =	vst v0;
	s31 =	simm.s32 $0x1500;
	[smem:$0x7E8] =	sst s30  }
0x2c: {  	[tilespmem:$0x2A70] =	vst v0;
	[smem:$0x7E9] =	sst s31;
	s7 =	simm.s32 $0x1680  }
0x2d: {  	[tilespmem:$0x2A60] =	vst v0;
	s8 =	simm.s32 $0x1700;
	[smem:$0x7EC] =	sst s7  }
0x2e: {  	[tilespmem:$0x2A50] =	vst v0;
	s11 =	simm.s32 $0x1880;
	[smem:$0x7ED] =	sst s8  }
0x2f: {  	[tilespmem:$0x2A40] =	vst v0;
	s12 =	simm.s32 $0x1900;
	[smem:$0x7F0] =	sst s11  }
0x30: {  	[tilespmem:$0x2A30] =	vst v0;
	s13 =	simm.s32 $0x1980;
	[smem:$0x7F1] =	sst s12  }
0x31: {  	[tilespmem:$0x2A20] =	vst v0;
	s14 =	simm.s32 $0x1A00;
	[smem:$0x7F2] =	sst s13  }
0x32: {  	[tilespmem:$0x2A10] =	vst v0;
	s15 =	simm.s32 $0x1A80;
	[smem:$0x7F3] =	sst s14  }
0x33: {  	[tilespmem:$0x2A00] =	vst v0;
	s16 =	simm.s32 $0x1B00;
	[smem:$0x7F4] =	sst s15  }
0x34: {  	[tilespmem:$0x29F0] =	vst v0;
	s17 =	simm.s32 $0x1B80;
	[smem:$0x7F5] =	sst s16  }
0x35: {  	[tilespmem:$0x29E0] =	vst v0;
	s18 =	simm.s32 $0x1C00;
	[smem:$0x7F6] =	sst s17  }
0x36: {  	[tilespmem:$0x29D0] =	vst v0;
	s19 =	simm.s32 $0x1C80;
	[smem:$0x7F7] =	sst s18  }
0x37: {  	[tilespmem:$0x29C0] =	vst v0;
	s20 =	simm.s32 $0x1D00;
	[smem:$0x7F8] =	sst s19  }
0x38: {  	[tilespmem:$0x29B0] =	vst v0;
	s22 =	simm.s32 $0x1D80;
	[smem:$0x7F9] =	sst s20  }
0x39: {  	[tilespmem:$0x29A0] =	vst v0;
	s23 =	simm.s32 $0x1E00;
	[smem:$0x7FA] =	sst s22  }
0x3a: {  	[tilespmem:$0x2990] =	vst v0;
	s25 =	simm.s32 $0x1E80;
	[smem:$0x7FB] =	sst s23  }
0x3b: {  	[tilespmem:$0x2980] =	vst v0;
	s26 =	simm.s32 $0x1F00;
	s4 =	sadd.s32 s6, s4;
	[smem:$0x7FC] =	sst s25  }
0x3c: {  	[tilespmem:$0x2970] =	vst v0;
	s6 =	sshrl.u32 s9, $0x3;
	s9 =	simm.s32 $0xB80;
	[smem:$0x7FD] =	sst s26  }
0x3d: {  	[tilespmem:$0x2960] =	vst v0;
	s4 =	sadd.s32 $0x1A00, s4;
	[dreg:$0x1c] =	wrdreg s9  }
0x3e: {  	[tilespmem:$0x2880] =	vst v0;
	s10 =	sadd.s32 s5, s6;
	[dreg:$0x4] =	wrdreg s4  }
0x3f: {  	[tilespmem:$0x2870] =	vst v0;
	s5 =	simm.s32 $0x980;
	[dreg:$0x5] =	wrdreg s10  }
0x40: {  	[tilespmem:$0x2860] =	vst v0;
	s6 =	simm.s32 $0xA00;
	[dreg:$0x18] =	wrdreg s5  }
0x41: {  	[tilespmem:$0x2850] =	vst v0;
	s9 =	simm.s32 $0x1780;
	[dreg:$0x19] =	wrdreg s6  }
0x42: {  	[tilespmem:$0x2840] =	vst v0;
	s10 =	simm.s32 $0xC00;
	[smem:$0x7EE] =	sst s9  }
0x43: {  	[tilespmem:$0x2830] =	vst v0;
	s5 =	simm.s32 $0x1580;
	[dreg:$0x1d] =	wrdreg s10  }
0x44: {  	[tilespmem:$0x2820] =	vst v0;
	s21 =	smul.u32 $0xA00, s0;
	s6 =	simm.s32 $0x1600;
	[smem:$0x7EA] =	sst s5  }
0x45: {  	[tilespmem:$0x2950] =	vst v0;
	[smem:$0x7EB] =	sst s6  }
0x46: {  	[tilespmem:$0x2940] =	vst v0;
	s10 =	simm.s32 $0x1800;
	s5 =	sshrl.u32 s21, $0x2;
	s6 =	simm.s32 $0x2800  }
0x47: {  	[tilespmem:$0x2810] =	vst v0;
	[smem:$0x7EF] =	sst s10;
	s4 =	sadd.s32 s5, s2;
	s5 =	simm.s32 $0x1  }
0x48: {  	[spmem:s4] =	stream.linear.scatter [tilespmem:s6], [sflag:$0x1], $0x280, $0x38;
	[tilespmem:$0x2D00] =	vst v63  }
0x49: {  	_ =	swait.ge [sflag:s5], $0x280  }
0x4a: {  	[sflag:s5] =	ssyncset.done $0x0  }
0x4b: {  	s29 =	rddreg [dreg:$0x4];
	[sflag:s5] =	ssyncadd.s32 $0xFFFFFD80  }
0x4c: {  	[tilespmem:s3], [sflag:$0x1] =	stream.linear.gather [hbm4b:s29+s3], $0x2800, $0x38;
	[tilespmem:$0x2D00] =	vst v63  }
0x4d: {  	_ =	swait.ge [sflag:s5], $0x2800  }
0x4e: {  	[sflag:s5] =	ssyncset.done $0x0  }
0x4f: {  	v1 =	vimm.f32 $1.000000000e+00;
	[sflag:s5] =	ssyncadd.s32 $0xFFFFD800  }
0x50: {  	[tilespmem:$0x2870] =	vst v1  }
0x51: {  	[tilespmem:$0x2860] =	vst v1  }
0x52: {  	[tilespmem:$0x2850] =	vst v1  }
0x53: {  	[tilespmem:$0x2840] =	vst v1  }
0x54: {  	[tilespmem:$0x2830] =	vst v1  }
0x55: {  	[tilespmem:$0x2820] =	vst v1  }
0x56: {  	[tilespmem:$0x2810] =	vst v1  }
0x57: {  	[tilespmem:$0x2800] =	vst v1  }
0x58: {  	s7 =	simm.s32 $0x7D;
	[bflag:$0x0] =	sbarrier.arrive $0xFFFF  }
0x59: {  	[spmem:s2] =	stream.indirect.scatter.add.f32 [tilespmem:s6], [sflag:$0x1], $0x1, s3, s7, $0xb8;
	[tilespmem:$0x2D00] =	vst v63  }
0x5a: {  	_ =	swait.ge [sflag:s5], $0x7D  }
0x5b: {  	[sflag:s5] =	ssyncset.done $0x0  }
0x5c: {  	s30 =	rddreg [dreg:$0x6];
	[sflag:s5] =	ssyncadd.s32 $0xFFFFFF83  }
0x5d: {  	[spmem:s2] =	stream.indirect.scatter.add.f32 [tilespmem:s6], [sflag:$0x1], $0x1, s30, s7, $0xb8;
	[tilespmem:$0x2D00] =	vst v63  }
0x5e: {  	_ =	swait.ge [sflag:s5], $0x7D  }
0x5f: {  	[sflag:s5] =	ssyncset.done $0x0  }
0x60: {  	s31 =	rddreg [dreg:$0x7];
	[sflag:s5] =	ssyncadd.s32 $0xFFFFFF83  }
0x61: {  	[spmem:s2] =	stream.indirect.scatter.add.f32 [tilespmem:s6], [sflag:$0x1], $0x1, s31, s7, $0xb8;
	[tilespmem:$0x2D00] =	vst v63  }
0x62: {  	_ =	swait.ge [sflag:s5], $0x7D  }
0x63: {  	[sflag:s5] =	ssyncset.done $0x0  }
0x64: {  	s9 =	rddreg [dreg:$0x8];
	[sflag:s5] =	ssyncadd.s32 $0xFFFFFF83  }
0x65: {  	[spmem:s2] =	stream.indirect.scatter.add.f32 [tilespmem:s6], [sflag:$0x1], $0x1, s9, s7, $0xb8;
	[tilespmem:$0x2D00] =	vst v63  }
0x66: {  	_ =	swait.ge [sflag:s5], $0x7D  }
0x67: {  	[sflag:s5] =	ssyncset.done $0x0  }
0x68: {  	s10 =	rddreg [dreg:$0x9];
	[sflag:s5] =	ssyncadd.s32 $0xFFFFFF83  }
0x69: {  	[spmem:s2] =	stream.indirect.scatter.add.f32 [tilespmem:s6], [sflag:$0x1], $0x1, s10, s7, $0xb8;
	[tilespmem:$0x2D00] =	vst v63  }
0x6a: {  	_ =	swait.ge [sflag:s5], $0x7D  }
0x6b: {  	[sflag:s5] =	ssyncset.done $0x0  }
0x6c: {  	s11 =	rddreg [dreg:$0xa];
	[sflag:s5] =	ssyncadd.s32 $0xFFFFFF83  }
0x6d: {  	[spmem:s2] =	stream.indirect.scatter.add.f32 [tilespmem:s6], [sflag:$0x1], $0x1, s11, s7, $0xb8;
	[tilespmem:$0x2D00] =	vst v63  }
0x6e: {  	_ =	swait.ge [sflag:s5], $0x7D  }
0x6f: {  	[sflag:s5] =	ssyncset.done $0x0  }
0x70: {  	s12 =	rddreg [dreg:$0xb];
	[sflag:s5] =	ssyncadd.s32 $0xFFFFFF83  }
0x71: {  	[spmem:s2] =	stream.indirect.scatter.add.f32 [tilespmem:s6], [sflag:$0x1], $0x1, s12, s7, $0xb8;
	[tilespmem:$0x2D00] =	vst v63  }
0x72: {  	_ =	swait.ge [sflag:s5], $0x7D  }
0x73: {  	[sflag:s5] =	ssyncset.done $0x0  }
0x74: {  	s13 =	rddreg [dreg:$0xc];
	[sflag:s5] =	ssyncadd.s32 $0xFFFFFF83  }
0x75: {  	[spmem:s2] =	stream.indirect.scatter.add.f32 [tilespmem:s6], [sflag:$0x1], $0x1, s13, s7, $0xb8;
	[tilespmem:$0x2D00] =	vst v63  }
0x76: {  	_ =	swait.ge [sflag:s5], $0x7D  }
0x77: {  	[sflag:s5] =	ssyncset.done $0x0  }
0x78: {  	s14 =	rddreg [dreg:$0xd];
	[sflag:s5] =	ssyncadd.s32 $0xFFFFFF83  }
0x79: {  	[spmem:s2] =	stream.indirect.scatter.add.f32 [tilespmem:s6], [sflag:$0x1], $0x1, s14, s7, $0xb8;
	[tilespmem:$0x2D00] =	vst v63  }
0x7a: {  	_ =	swait.ge [sflag:s5], $0x7D  }
0x7b: {  	[sflag:s5] =	ssyncset.done $0x0  }
0x7c: {  	s15 =	rddreg [dreg:$0xe];
	[sflag:s5] =	ssyncadd.s32 $0xFFFFFF83  }
0x7d: {  	[spmem:s2] =	stream.indirect.scatter.add.f32 [tilespmem:s6], [sflag:$0x1], $0x1, s15, s7, $0xb8;
	[tilespmem:$0x2D00] =	vst v63  }
0x7e: {  	_ =	swait.ge [sflag:s5], $0x7D  }
0x7f: {  	[sflag:s5] =	ssyncset.done $0x0  }
0x80: {  	s16 =	rddreg [dreg:$0xf];
	[sflag:s5] =	ssyncadd.s32 $0xFFFFFF83  }
0x81: {  	[spmem:s2] =	stream.indirect.scatter.add.f32 [tilespmem:s6], [sflag:$0x1], $0x1, s16, s7, $0xb8;
	[tilespmem:$0x2D00] =	vst v63  }
0x82: {  	_ =	swait.ge [sflag:s5], $0x7D  }
0x83: {  	[sflag:s5] =	ssyncset.done $0x0  }
0x84: {  	s17 =	rddreg [dreg:$0x10];
	[sflag:s5] =	ssyncadd.s32 $0xFFFFFF83  }
0x85: {  	[spmem:s2] =	stream.indirect.scatter.add.f32 [tilespmem:s6], [sflag:$0x1], $0x1, s17, s7, $0xb8;
	[tilespmem:$0x2D00] =	vst v63  }
0x86: {  	_ =	swait.ge [sflag:s5], $0x7D  }
0x87: {  	[sflag:s5] =	ssyncset.done $0x0  }
0x88: {  	s18 =	rddreg [dreg:$0x11];
	[sflag:s5] =	ssyncadd.s32 $0xFFFFFF83  }
0x89: {  	[spmem:s2] =	stream.indirect.scatter.add.f32 [tilespmem:s6], [sflag:$0x1], $0x1, s18, s7, $0xb8;
	[tilespmem:$0x2D00] =	vst v63  }
0x8a: {  	_ =	swait.ge [sflag:s5], $0x7D  }
0x8b: {  	[sflag:s5] =	ssyncset.done $0x0  }
0x8c: {  	s19 =	rddreg [dreg:$0x12];
	[sflag:s5] =	ssyncadd.s32 $0xFFFFFF83  }
0x8d: {  	[spmem:s2] =	stream.indirect.scatter.add.f32 [tilespmem:s6], [sflag:$0x1], $0x1, s19, s7, $0xb8;
	[tilespmem:$0x2D00] =	vst v63  }
0x8e: {  	_ =	swait.ge [sflag:s5], $0x7D  }
0x8f: {  	[sflag:s5] =	ssyncset.done $0x0  }
0x90: {  	s20 =	rddreg [dreg:$0x13];
	[sflag:s5] =	ssyncadd.s32 $0xFFFFFF83  }
0x91: {  	[spmem:s2] =	stream.indirect.scatter.add.f32 [tilespmem:s6], [sflag:$0x1], $0x1, s20, s7, $0xb8;
	[tilespmem:$0x2D00] =	vst v63  }
0x92: {  	_ =	swait.ge [sflag:s5], $0x7D  }
0x93: {  	[sflag:s5] =	ssyncset.done $0x0  }
0x94: {  	s21 =	rddreg [dreg:$0x14];
	[sflag:s5] =	ssyncadd.s32 $0xFFFFFF83  }
0x95: {  	[spmem:s2] =	stream.indirect.scatter.add.f32 [tilespmem:s6], [sflag:$0x1], $0x1, s21, s7, $0xb8;
	[tilespmem:$0x2D00] =	vst v63  }
0x96: {  	_ =	swait.ge [sflag:s5], $0x7D  }
0x97: {  	[sflag:s5] =	ssyncset.done $0x0  }
0x98: {  	s22 =	rddreg [dreg:$0x15];
	[sflag:s5] =	ssyncadd.s32 $0xFFFFFF83  }
0x99: {  	[spmem:s2] =	stream.indirect.scatter.add.f32 [tilespmem:s6], [sflag:$0x1], $0x1, s22, s7, $0xb8;
	[tilespmem:$0x2D00] =	vst v63  }
0x9a: {  	_ =	swait.ge [sflag:s5], $0x7D  }
0x9b: {  	[sflag:s5] =	ssyncset.done $0x0  }
0x9c: {  	s23 =	rddreg [dreg:$0x16];
	[sflag:s5] =	ssyncadd.s32 $0xFFFFFF83  }
0x9d: {  	[spmem:s2] =	stream.indirect.scatter.add.f32 [tilespmem:s6], [sflag:$0x1], $0x1, s23, s7, $0xb8;
	[tilespmem:$0x2D00] =	vst v63  }
0x9e: {  	_ =	swait.ge [sflag:s5], $0x7D  }
0x9f: {  	[sflag:s5] =	ssyncset.done $0x0  }
0xa0: {  	s25 =	rddreg [dreg:$0x17];
	[sflag:s5] =	ssyncadd.s32 $0xFFFFFF83  }
0xa1: {  	[spmem:s2] =	stream.indirect.scatter.add.f32 [tilespmem:s6], [sflag:$0x1], $0x1, s25, s7, $0xb8;
	[tilespmem:$0x2D00] =	vst v63  }
0xa2: {  	_ =	swait.ge [sflag:s5], $0x7D  }
0xa3: {  	[sflag:s5] =	ssyncset.done $0x0  }
0xa4: {  	s26 =	rddreg [dreg:$0x18];
	[sflag:s5] =	ssyncadd.s32 $0xFFFFFF83  }
0xa5: {  	[spmem:s2] =	stream.indirect.scatter.add.f32 [tilespmem:s6], [sflag:$0x1], $0x1, s26, s7, $0xb8;
	[tilespmem:$0x2D00] =	vst v63  }
0xa6: {  	_ =	swait.ge [sflag:s5], $0x7D  }
0xa7: {  	[sflag:s5] =	ssyncset.done $0x0  }
0xa8: {  	s29 =	rddreg [dreg:$0x19];
	[sflag:s5] =	ssyncadd.s32 $0xFFFFFF83  }
0xa9: {  	[spmem:s2] =	stream.indirect.scatter.add.f32 [tilespmem:s6], [sflag:$0x1], $0x1, s29, s7, $0xb8;
	[tilespmem:$0x2D00] =	vst v63  }
0xaa: {  	_ =	swait.ge [sflag:s5], $0x7D  }
0xab: {  	[sflag:s5] =	ssyncset.done $0x0  }
0xac: {  	s30 =	rddreg [dreg:$0x1a];
	[sflag:s5] =	ssyncadd.s32 $0xFFFFFF83  }
0xad: {  	[spmem:s2] =	stream.indirect.scatter.add.f32 [tilespmem:s6], [sflag:$0x1], $0x1, s30, s7, $0xb8;
	[tilespmem:$0x2D00] =	vst v63  }
0xae: {  	_ =	swait.ge [sflag:s5], $0x7D  }
0xaf: {  	[sflag:s5] =	ssyncset.done $0x0  }
0xb0: {  	s31 =	rddreg [dreg:$0x1b];
	[sflag:s5] =	ssyncadd.s32 $0xFFFFFF83  }
0xb1: {  	[spmem:s2] =	stream.indirect.scatter.add.f32 [tilespmem:s6], [sflag:$0x1], $0x1, s31, s7, $0xb8;
	[tilespmem:$0x2D00] =	vst v63  }
0xb2: {  	_ =	swait.ge [sflag:s5], $0x7D  }
0xb3: {  	[sflag:s5] =	ssyncset.done $0x0  }
0xb4: {  	s9 =	rddreg [dreg:$0x1c];
	[sflag:s5] =	ssyncadd.s32 $0xFFFFFF83  }
0xb5: {  	[spmem:s2] =	stream.indirect.scatter.add.f32 [tilespmem:s6], [sflag:$0x1], $0x1, s9, s7, $0xb8;
	[tilespmem:$0x2D00] =	vst v63  }
0xb6: {  	_ =	swait.ge [sflag:s5], $0x7D  }
0xb7: {  	[sflag:s5] =	ssyncset.done $0x0  }
0xb8: {  	s10 =	rddreg [dreg:$0x1d];
	[sflag:s5] =	ssyncadd.s32 $0xFFFFFF83  }
0xb9: {  	[spmem:s2] =	stream.indirect.scatter.add.f32 [tilespmem:s6], [sflag:$0x1], $0x1, s10, s7, $0xb8;
	[tilespmem:$0x2D00] =	vst v63  }
0xba: {  	_ =	swait.ge [sflag:s5], $0x7D  }
0xbb: {  	[sflag:s5] =	ssyncset.done $0x0  }
0xbc: {  	s11 =	rddreg [dreg:$0x1e];
	[sflag:s5] =	ssyncadd.s32 $0xFFFFFF83  }
0xbd: {  	[spmem:s2] =	stream.indirect.scatter.add.f32 [tilespmem:s6], [sflag:$0x1], $0x1, s11, s7, $0xb8;
	[tilespmem:$0x2D00] =	vst v63  }
0xbe: {  	_ =	swait.ge [sflag:s5], $0x7D  }
0xbf: {  	[sflag:s5] =	ssyncset.done $0x0  }
0xc0: {  	s12 =	rddreg [dreg:$0x1f];
	[sflag:s5] =	ssyncadd.s32 $0xFFFFFF83  }
0xc1: {  	[spmem:s2] =	stream.indirect.scatter.add.f32 [tilespmem:s6], [sflag:$0x1], $0x1, s12, s7, $0xb8;
	[tilespmem:$0x2D00] =	vst v63  }
0xc2: {  	_ =	swait.ge [sflag:s5], $0x7D  }
0xc3: {  	s13 =	sld [smem:$0x7DA]  }
0xc4: {  	[sflag:s5] =	ssyncset.done $0x0  }
0xc5: {  	[sflag:s5] =	ssyncadd.s32 $0xFFFFFF83  }
0xc6: {  	[spmem:s2] =	stream.indirect.scatter.add.f32 [tilespmem:s6], [sflag:$0x1], $0x1, s13, s7, $0xb8;
	[tilespmem:$0x2D00] =	vst v63  }
0xc7: {  	_ =	swait.ge [sflag:s5], $0x7D  }
0xc8: {  	s14 =	sld [smem:$0x7DB]  }
0xc9: {  	[sflag:s5] =	ssyncset.done $0x0  }
0xca: {  	[sflag:s5] =	ssyncadd.s32 $0xFFFFFF83  }
0xcb: {  	[spmem:s2] =	stream.indirect.scatter.add.f32 [tilespmem:s6], [sflag:$0x1], $0x1, s14, s7, $0xb8;
	[tilespmem:$0x2D00] =	vst v63  }
0xcc: {  	_ =	swait.ge [sflag:s5], $0x7D  }
0xcd: {  	s15 =	sld [smem:$0x7DC]  }
0xce: {  	[sflag:s5] =	ssyncset.done $0x0  }
0xcf: {  	[sflag:s5] =	ssyncadd.s32 $0xFFFFFF83  }
0xd0: {  	[spmem:s2] =	stream.indirect.scatter.add.f32 [tilespmem:s6], [sflag:$0x1], $0x1, s15, s7, $0xb8;
	[tilespmem:$0x2D00] =	vst v63  }
0xd1: {  	_ =	swait.ge [sflag:s5], $0x7D  }
0xd2: {  	s16 =	sld [smem:$0x7DD]  }
0xd3: {  	[sflag:s5] =	ssyncset.done $0x0  }
0xd4: {  	[sflag:s5] =	ssyncadd.s32 $0xFFFFFF83  }
0xd5: {  	[spmem:s2] =	stream.indirect.scatter.add.f32 [tilespmem:s6], [sflag:$0x1], $0x1, s16, s7, $0xb8;
	[tilespmem:$0x2D00] =	vst v63  }
0xd6: {  	_ =	swait.ge [sflag:s5], $0x7D  }
0xd7: {  	s17 =	sld [smem:$0x7DE]  }
0xd8: {  	[sflag:s5] =	ssyncset.done $0x0  }
0xd9: {  	[sflag:s5] =	ssyncadd.s32 $0xFFFFFF83  }
0xda: {  	[spmem:s2] =	stream.indirect.scatter.add.f32 [tilespmem:s6], [sflag:$0x1], $0x1, s17, s7, $0xb8;
	[tilespmem:$0x2D00] =	vst v63  }
0xdb: {  	_ =	swait.ge [sflag:s5], $0x7D  }
0xdc: {  	s18 =	sld [smem:$0x7DF]  }
0xdd: {  	[sflag:s5] =	ssyncset.done $0x0  }
0xde: {  	[sflag:s5] =	ssyncadd.s32 $0xFFFFFF83  }
0xdf: {  	[spmem:s2] =	stream.indirect.scatter.add.f32 [tilespmem:s6], [sflag:$0x1], $0x1, s18, s7, $0xb8;
	[tilespmem:$0x2D00] =	vst v63  }
0xe0: {  	_ =	swait.ge [sflag:s5], $0x7D  }
0xe1: {  	s19 =	sld [smem:$0x7E0]  }
0xe2: {  	[sflag:s5] =	ssyncset.done $0x0  }
0xe3: {  	[sflag:s5] =	ssyncadd.s32 $0xFFFFFF83  }
0xe4: {  	[spmem:s2] =	stream.indirect.scatter.add.f32 [tilespmem:s6], [sflag:$0x1], $0x1, s19, s7, $0xb8;
	[tilespmem:$0x2D00] =	vst v63  }
0xe5: {  	_ =	swait.ge [sflag:s5], $0x7D  }
0xe6: {  	s20 =	sld [smem:$0x7E1]  }
0xe7: {  	[sflag:s5] =	ssyncset.done $0x0  }
0xe8: {  	[sflag:s5] =	ssyncadd.s32 $0xFFFFFF83  }
0xe9: {  	[spmem:s2] =	stream.indirect.scatter.add.f32 [tilespmem:s6], [sflag:$0x1], $0x1, s20, s7, $0xb8;
	[tilespmem:$0x2D00] =	vst v63  }
0xea: {  	_ =	swait.ge [sflag:s5], $0x7D  }
0xeb: {  	s21 =	sld [smem:$0x7E2]  }
0xec: {  	[sflag:s5] =	ssyncset.done $0x0  }
0xed: {  	[sflag:s5] =	ssyncadd.s32 $0xFFFFFF83  }
0xee: {  	[spmem:s2] =	stream.indirect.scatter.add.f32 [tilespmem:s6], [sflag:$0x1], $0x1, s21, s7, $0xb8;
	[tilespmem:$0x2D00] =	vst v63  }
0xef: {  	_ =	swait.ge [sflag:s5], $0x7D  }
0xf0: {  	s22 =	sld [smem:$0x7E3]  }
0xf1: {  	[sflag:s5] =	ssyncset.done $0x0  }
0xf2: {  	[sflag:s5] =	ssyncadd.s32 $0xFFFFFF83  }
0xf3: {  	[spmem:s2] =	stream.indirect.scatter.add.f32 [tilespmem:s6], [sflag:$0x1], $0x1, s22, s7, $0xb8;
	[tilespmem:$0x2D00] =	vst v63  }
0xf4: {  	_ =	swait.ge [sflag:s5], $0x7D  }
0xf5: {  	s23 =	sld [smem:$0x7E4]  }
0xf6: {  	[sflag:s5] =	ssyncset.done $0x0  }
0xf7: {  	[sflag:s5] =	ssyncadd.s32 $0xFFFFFF83  }
0xf8: {  	[spmem:s2] =	stream.indirect.scatter.add.f32 [tilespmem:s6], [sflag:$0x1], $0x1, s23, s7, $0xb8;
	[tilespmem:$0x2D00] =	vst v63  }
0xf9: {  	_ =	swait.ge [sflag:s5], $0x7D  }
0xfa: {  	s25 =	sld [smem:$0x7E5]  }
0xfb: {  	[sflag:s5] =	ssyncset.done $0x0  }
0xfc: {  	[sflag:s5] =	ssyncadd.s32 $0xFFFFFF83  }
0xfd: {  	[spmem:s2] =	stream.indirect.scatter.add.f32 [tilespmem:s6], [sflag:$0x1], $0x1, s25, s7, $0xb8;
	[tilespmem:$0x2D00] =	vst v63  }
0xfe: {  	_ =	swait.ge [sflag:s5], $0x7D  }
0xff: {  	s26 =	sld [smem:$0x7E6]  }
0x100: {  	[sflag:s5] =	ssyncset.done $0x0  }
0x101: {  	[sflag:s5] =	ssyncadd.s32 $0xFFFFFF83  }
0x102: {  	[spmem:s2] =	stream.indirect.scatter.add.f32 [tilespmem:s6], [sflag:$0x1], $0x1, s26, s7, $0xb8;
	[tilespmem:$0x2D00] =	vst v63  }
0x103: {  	_ =	swait.ge [sflag:s5], $0x7D  }
0x104: {  	s29 =	sld [smem:$0x7E7]  }
0x105: {  	[sflag:s5] =	ssyncset.done $0x0  }
0x106: {  	[sflag:s5] =	ssyncadd.s32 $0xFFFFFF83  }
0x107: {  	[spmem:s2] =	stream.indirect.scatter.add.f32 [tilespmem:s6], [sflag:$0x1], $0x1, s29, s7, $0xb8;
	[tilespmem:$0x2D00] =	vst v63  }
0x108: {  	_ =	swait.ge [sflag:s5], $0x7D  }
0x109: {  	s30 =	sld [smem:$0x7E8]  }
0x10a: {  	[sflag:s5] =	ssyncset.done $0x0  }
0x10b: {  	[sflag:s5] =	ssyncadd.s32 $0xFFFFFF83  }
0x10c: {  	[spmem:s2] =	stream.indirect.scatter.add.f32 [tilespmem:s6], [sflag:$0x1], $0x1, s30, s7, $0xb8;
	[tilespmem:$0x2D00] =	vst v63  }
0x10d: {  	_ =	swait.ge [sflag:s5], $0x7D  }
0x10e: {  	s31 =	sld [smem:$0x7E9]  }
0x10f: {  	[sflag:s5] =	ssyncset.done $0x0  }
0x110: {  	[sflag:s5] =	ssyncadd.s32 $0xFFFFFF83  }
0x111: {  	[spmem:s2] =	stream.indirect.scatter.add.f32 [tilespmem:s6], [sflag:$0x1], $0x1, s31, s7, $0xb8;
	[tilespmem:$0x2D00] =	vst v63  }
0x112: {  	_ =	swait.ge [sflag:s5], $0x7D  }
0x113: {  	s9 =	sld [smem:$0x7EA]  }
0x114: {  	[sflag:s5] =	ssyncset.done $0x0  }
0x115: {  	[sflag:s5] =	ssyncadd.s32 $0xFFFFFF83  }
0x116: {  	[spmem:s2] =	stream.indirect.scatter.add.f32 [tilespmem:s6], [sflag:$0x1], $0x1, s9, s7, $0xb8;
	[tilespmem:$0x2D00] =	vst v63  }
0x117: {  	_ =	swait.ge [sflag:s5], $0x7D  }
0x118: {  	s10 =	sld [smem:$0x7EB]  }
0x119: {  	[sflag:s5] =	ssyncset.done $0x0  }
0x11a: {  	[sflag:s5] =	ssyncadd.s32 $0xFFFFFF83  }
0x11b: {  	[spmem:s2] =	stream.indirect.scatter.add.f32 [tilespmem:s6], [sflag:$0x1], $0x1, s10, s7, $0xb8;
	[tilespmem:$0x2D00] =	vst v63  }
0x11c: {  	_ =	swait.ge [sflag:s5], $0x7D  }
0x11d: {  	s11 =	sld [smem:$0x7EC]  }
0x11e: {  	[sflag:s5] =	ssyncset.done $0x0  }
0x11f: {  	[sflag:s5] =	ssyncadd.s32 $0xFFFFFF83  }
0x120: {  	[spmem:s2] =	stream.indirect.scatter.add.f32 [tilespmem:s6], [sflag:$0x1], $0x1, s11, s7, $0xb8;
	[tilespmem:$0x2D00] =	vst v63  }
0x121: {  	_ =	swait.ge [sflag:s5], $0x7D  }
0x122: {  	s12 =	sld [smem:$0x7ED]  }
0x123: {  	[sflag:s5] =	ssyncset.done $0x0  }
0x124: {  	[sflag:s5] =	ssyncadd.s32 $0xFFFFFF83  }
0x125: {  	[spmem:s2] =	stream.indirect.scatter.add.f32 [tilespmem:s6], [sflag:$0x1], $0x1, s12, s7, $0xb8;
	[tilespmem:$0x2D00] =	vst v63  }
0x126: {  	_ =	swait.ge [sflag:s5], $0x7D  }
0x127: {  	s13 =	sld [smem:$0x7EE]  }
0x128: {  	[sflag:s5] =	ssyncset.done $0x0  }
0x129: {  	[sflag:s5] =	ssyncadd.s32 $0xFFFFFF83  }
0x12a: {  	[spmem:s2] =	stream.indirect.scatter.add.f32 [tilespmem:s6], [sflag:$0x1], $0x1, s13, s7, $0xb8;
	[tilespmem:$0x2D00] =	vst v63  }
0x12b: {  	_ =	swait.ge [sflag:s5], $0x7D  }
0x12c: {  	s14 =	sld [smem:$0x7EF]  }
0x12d: {  	[sflag:s5] =	ssyncset.done $0x0  }
0x12e: {  	[sflag:s5] =	ssyncadd.s32 $0xFFFFFF83  }
0x12f: {  	[spmem:s2] =	stream.indirect.scatter.add.f32 [tilespmem:s6], [sflag:$0x1], $0x1, s14, s7, $0xb8;
	[tilespmem:$0x2D00] =	vst v63  }
0x130: {  	_ =	swait.ge [sflag:s5], $0x7D  }
0x131: {  	s15 =	sld [smem:$0x7F0]  }
0x132: {  	[sflag:s5] =	ssyncset.done $0x0  }
0x133: {  	[sflag:s5] =	ssyncadd.s32 $0xFFFFFF83  }
0x134: {  	[spmem:s2] =	stream.indirect.scatter.add.f32 [tilespmem:s6], [sflag:$0x1], $0x1, s15, s7, $0xb8;
	[tilespmem:$0x2D00] =	vst v63  }
0x135: {  	_ =	swait.ge [sflag:s5], $0x7D  }
0x136: {  	s16 =	sld [smem:$0x7F1]  }
0x137: {  	[sflag:s5] =	ssyncset.done $0x0  }
0x138: {  	[sflag:s5] =	ssyncadd.s32 $0xFFFFFF83  }
0x139: {  	[spmem:s2] =	stream.indirect.scatter.add.f32 [tilespmem:s6], [sflag:$0x1], $0x1, s16, s7, $0xb8;
	[tilespmem:$0x2D00] =	vst v63  }
0x13a: {  	_ =	swait.ge [sflag:s5], $0x7D  }
0x13b: {  	s17 =	sld [smem:$0x7F2]  }
0x13c: {  	[sflag:s5] =	ssyncset.done $0x0  }
0x13d: {  	[sflag:s5] =	ssyncadd.s32 $0xFFFFFF83  }
0x13e: {  	[spmem:s2] =	stream.indirect.scatter.add.f32 [tilespmem:s6], [sflag:$0x1], $0x1, s17, s7, $0xb8;
	[tilespmem:$0x2D00] =	vst v63  }
0x13f: {  	_ =	swait.ge [sflag:s5], $0x7D  }
0x140: {  	s18 =	sld [smem:$0x7F3]  }
0x141: {  	[sflag:s5] =	ssyncset.done $0x0  }
0x142: {  	[sflag:s5] =	ssyncadd.s32 $0xFFFFFF83  }
0x143: {  	[spmem:s2] =	stream.indirect.scatter.add.f32 [tilespmem:s6], [sflag:$0x1], $0x1, s18, s7, $0xb8;
	[tilespmem:$0x2D00] =	vst v63  }
0x144: {  	_ =	swait.ge [sflag:s5], $0x7D  }
0x145: {  	s19 =	sld [smem:$0x7F4]  }
0x146: {  	[sflag:s5] =	ssyncset.done $0x0  }
0x147: {  	[sflag:s5] =	ssyncadd.s32 $0xFFFFFF83  }
0x148: {  	[spmem:s2] =	stream.indirect.scatter.add.f32 [tilespmem:s6], [sflag:$0x1], $0x1, s19, s7, $0xb8;
	[tilespmem:$0x2D00] =	vst v63  }
0x149: {  	_ =	swait.ge [sflag:s5], $0x7D  }
0x14a: {  	s20 =	sld [smem:$0x7F5]  }
0x14b: {  	[sflag:s5] =	ssyncset.done $0x0  }
0x14c: {  	[sflag:s5] =	ssyncadd.s32 $0xFFFFFF83  }
0x14d: {  	[spmem:s2] =	stream.indirect.scatter.add.f32 [tilespmem:s6], [sflag:$0x1], $0x1, s20, s7, $0xb8;
	[tilespmem:$0x2D00] =	vst v63  }
0x14e: {  	_ =	swait.ge [sflag:s5], $0x7D  }
0x14f: {  	s21 =	sld [smem:$0x7F6]  }
0x150: {  	[sflag:s5] =	ssyncset.done $0x0  }
0x151: {  	[sflag:s5] =	ssyncadd.s32 $0xFFFFFF83  }
0x152: {  	[spmem:s2] =	stream.indirect.scatter.add.f32 [tilespmem:s6], [sflag:$0x1], $0x1, s21, s7, $0xb8;
	[tilespmem:$0x2D00] =	vst v63  }
0x153: {  	_ =	swait.ge [sflag:s5], $0x7D  }
0x154: {  	s22 =	sld [smem:$0x7F7]  }
0x155: {  	[sflag:s5] =	ssyncset.done $0x0  }
0x156: {  	[sflag:s5] =	ssyncadd.s32 $0xFFFFFF83  }
0x157: {  	[spmem:s2] =	stream.indirect.scatter.add.f32 [tilespmem:s6], [sflag:$0x1], $0x1, s22, s7, $0xb8;
	[tilespmem:$0x2D00] =	vst v63  }
0x158: {  	_ =	swait.ge [sflag:s5], $0x7D  }
0x159: {  	s23 =	sld [smem:$0x7F8]  }
0x15a: {  	[sflag:s5] =	ssyncset.done $0x0  }
0x15b: {  	[sflag:s5] =	ssyncadd.s32 $0xFFFFFF83  }
0x15c: {  	[spmem:s2] =	stream.indirect.scatter.add.f32 [tilespmem:s6], [sflag:$0x1], $0x1, s23, s7, $0xb8;
	[tilespmem:$0x2D00] =	vst v63  }
0x15d: {  	_ =	swait.ge [sflag:s5], $0x7D  }
0x15e: {  	s25 =	sld [smem:$0x7F9]  }
0x15f: {  	[sflag:s5] =	ssyncset.done $0x0  }
0x160: {  	[sflag:s5] =	ssyncadd.s32 $0xFFFFFF83  }
0x161: {  	[spmem:s2] =	stream.indirect.scatter.add.f32 [tilespmem:s6], [sflag:$0x1], $0x1, s25, s7, $0xb8;
	[tilespmem:$0x2D00] =	vst v63  }
0x162: {  	_ =	swait.ge [sflag:s5], $0x7D  }
0x163: {  	s26 =	sld [smem:$0x7FA]  }
0x164: {  	[sflag:s5] =	ssyncset.done $0x0  }
0x165: {  	[sflag:s5] =	ssyncadd.s32 $0xFFFFFF83  }
0x166: {  	[spmem:s2] =	stream.indirect.scatter.add.f32 [tilespmem:s6], [sflag:$0x1], $0x1, s26, s7, $0xb8;
	[tilespmem:$0x2D00] =	vst v63  }
0x167: {  	_ =	swait.ge [sflag:s5], $0x7D  }
0x168: {  	s29 =	sld [smem:$0x7FB]  }
0x169: {  	[sflag:s5] =	ssyncset.done $0x0  }
0x16a: {  	[sflag:s5] =	ssyncadd.s32 $0xFFFFFF83  }
0x16b: {  	[spmem:s2] =	stream.indirect.scatter.add.f32 [tilespmem:s6], [sflag:$0x1], $0x1, s29, s7, $0xb8;
	[tilespmem:$0x2D00] =	vst v63  }
0x16c: {  	_ =	swait.ge [sflag:s5], $0x7D  }
0x16d: {  	s30 =	sld [smem:$0x7FC]  }
0x16e: {  	[sflag:s5] =	ssyncset.done $0x0  }
0x16f: {  	[sflag:s5] =	ssyncadd.s32 $0xFFFFFF83  }
0x170: {  	[spmem:s2] =	stream.indirect.scatter.add.f32 [tilespmem:s6], [sflag:$0x1], $0x1, s30, s7, $0xb8;
	[tilespmem:$0x2D00] =	vst v63  }
0x171: {  	_ =	swait.ge [sflag:s5], $0x7D  }
0x172: {  	s31 =	sld [smem:$0x7FD]  }
0x173: {  	[sflag:s5] =	ssyncset.done $0x0  }
0x174: {  	[sflag:s5] =	ssyncadd.s32 $0xFFFFFF83  }
0x175: {  	[spmem:s2] =	stream.indirect.scatter.add.f32 [tilespmem:s6], [sflag:$0x1], $0x1, s31, s7, $0xb8;
	[tilespmem:$0x2D00] =	vst v63  }
0x176: {  	_ =	swait.ge [sflag:s5], $0x7D  }
0x177: {  	[sflag:s5] =	ssyncset.done $0x0  }
0x178: {  	s8 =	simm.s32 $0x1F80;
	[sflag:s5] =	ssyncadd.s32 $0xFFFFFF83  }
0x179: {  	[spmem:s2] =	stream.indirect.scatter.add.f32 [tilespmem:s6], [sflag:$0x1], $0x1, s8, s7, $0xb8;
	[tilespmem:$0x2D00] =	vst v63  }
0x17a: {  	_ =	swait.ge [sflag:s5], $0x7D  }
0x17b: {  	[sflag:s5] =	ssyncset.done $0x0  }
0x17c: {  	s9 =	simm.s32 $0x2000;
	[sflag:s5] =	ssyncadd.s32 $0xFFFFFF83  }
0x17d: {  	[spmem:s2] =	stream.indirect.scatter.add.f32 [tilespmem:s6], [sflag:$0x1], $0x1, s9, s7, $0xb8;
	[tilespmem:$0x2D00] =	vst v63  }
0x17e: {  	_ =	swait.ge [sflag:s5], $0x7D  }
0x17f: {  	[sflag:s5] =	ssyncset.done $0x0  }
0x180: {  	s10 =	simm.s32 $0x2080;
	[sflag:s5] =	ssyncadd.s32 $0xFFFFFF83  }
0x181: {  	[spmem:s2] =	stream.indirect.scatter.add.f32 [tilespmem:s6], [sflag:$0x1], $0x1, s10, s7, $0xb8;
	[tilespmem:$0x2D00] =	vst v63  }
0x182: {  	_ =	swait.ge [sflag:s5], $0x7D  }
0x183: {  	[sflag:s5] =	ssyncset.done $0x0  }
0x184: {  	s11 =	simm.s32 $0x2100;
	[sflag:s5] =	ssyncadd.s32 $0xFFFFFF83  }
0x185: {  	[spmem:s2] =	stream.indirect.scatter.add.f32 [tilespmem:s6], [sflag:$0x1], $0x1, s11, s7, $0xb8;
	[tilespmem:$0x2D00] =	vst v63  }
0x186: {  	_ =	swait.ge [sflag:s5], $0x7D  }
0x187: {  	[sflag:s5] =	ssyncset.done $0x0  }
0x188: {  	s12 =	simm.s32 $0x2180;
	[sflag:s5] =	ssyncadd.s32 $0xFFFFFF83  }
0x189: {  	[spmem:s2] =	stream.indirect.scatter.add.f32 [tilespmem:s6], [sflag:$0x1], $0x1, s12, s7, $0xb8;
	[tilespmem:$0x2D00] =	vst v63  }
0x18a: {  	_ =	swait.ge [sflag:s5], $0x7D  }
0x18b: {  	[sflag:s5] =	ssyncset.done $0x0  }
0x18c: {  	s13 =	simm.s32 $0x2200;
	[sflag:s5] =	ssyncadd.s32 $0xFFFFFF83  }
0x18d: {  	[spmem:s2] =	stream.indirect.scatter.add.f32 [tilespmem:s6], [sflag:$0x1], $0x1, s13, s7, $0xb8;
	[tilespmem:$0x2D00] =	vst v63  }
0x18e: {  	_ =	swait.ge [sflag:s5], $0x7D  }
0x18f: {  	[sflag:s5] =	ssyncset.done $0x0  }
0x190: {  	s14 =	simm.s32 $0x2280;
	[sflag:s5] =	ssyncadd.s32 $0xFFFFFF83  }
0x191: {  	[spmem:s2] =	stream.indirect.scatter.add.f32 [tilespmem:s6], [sflag:$0x1], $0x1, s14, s7, $0xb8;
	[tilespmem:$0x2D00] =	vst v63  }
0x192: {  	_ =	swait.ge [sflag:s5], $0x7D  }
0x193: {  	[sflag:s5] =	ssyncset.done $0x0  }
0x194: {  	s15 =	simm.s32 $0x2300;
	[sflag:s5] =	ssyncadd.s32 $0xFFFFFF83  }
0x195: {  	[spmem:s2] =	stream.indirect.scatter.add.f32 [tilespmem:s6], [sflag:$0x1], $0x1, s15, s7, $0xb8;
	[tilespmem:$0x2D00] =	vst v63  }
0x196: {  	_ =	swait.ge [sflag:s5], $0x7D  }
0x197: {  	[sflag:s5] =	ssyncset.done $0x0  }
0x198: {  	s16 =	simm.s32 $0x2380;
	[sflag:s5] =	ssyncadd.s32 $0xFFFFFF83  }
0x199: {  	[spmem:s2] =	stream.indirect.scatter.add.f32 [tilespmem:s6], [sflag:$0x1], $0x1, s16, s7, $0xb8;
	[tilespmem:$0x2D00] =	vst v63  }
0x19a: {  	_ =	swait.ge [sflag:s5], $0x7D  }
0x19b: {  	[sflag:s5] =	ssyncset.done $0x0  }
0x19c: {  	s17 =	simm.s32 $0x2400;
	[sflag:s5] =	ssyncadd.s32 $0xFFFFFF83  }
0x19d: {  	[spmem:s2] =	stream.indirect.scatter.add.f32 [tilespmem:s6], [sflag:$0x1], $0x1, s17, s7, $0xb8;
	[tilespmem:$0x2D00] =	vst v63  }
0x19e: {  	_ =	swait.ge [sflag:s5], $0x7D  }
0x19f: {  	[sflag:s5] =	ssyncset.done $0x0  }
0x1a0: {  	s18 =	simm.s32 $0x2480;
	[sflag:s5] =	ssyncadd.s32 $0xFFFFFF83  }
0x1a1: {  	[spmem:s2] =	stream.indirect.scatter.add.f32 [tilespmem:s6], [sflag:$0x1], $0x1, s18, s7, $0xb8;
	[tilespmem:$0x2D00] =	vst v63  }
0x1a2: {  	_ =	swait.ge [sflag:s5], $0x7D  }
0x1a3: {  	[sflag:s5] =	ssyncset.done $0x0  }
0x1a4: {  	s19 =	simm.s32 $0x2500;
	[sflag:s5] =	ssyncadd.s32 $0xFFFFFF83  }
0x1a5: {  	[spmem:s2] =	stream.indirect.scatter.add.f32 [tilespmem:s6], [sflag:$0x1], $0x1, s19, s7, $0xb8;
	[tilespmem:$0x2D00] =	vst v63  }
0x1a6: {  	_ =	swait.ge [sflag:s5], $0x7D  }
0x1a7: {  	[sflag:s5] =	ssyncset.done $0x0  }
0x1a8: {  	s20 =	simm.s32 $0x2580;
	[sflag:s5] =	ssyncadd.s32 $0xFFFFFF83  }
0x1a9: {  	[spmem:s2] =	stream.indirect.scatter.add.f32 [tilespmem:s6], [sflag:$0x1], $0x1, s20, s7, $0xb8;
	[tilespmem:$0x2D00] =	vst v63  }
0x1aa: {  	_ =	swait.ge [sflag:s5], $0x7D  }
0x1ab: {  	[sflag:s5] =	ssyncset.done $0x0  }
0x1ac: {  	s21 =	simm.s32 $0x2600;
	[sflag:s5] =	ssyncadd.s32 $0xFFFFFF83  }
0x1ad: {  	[spmem:s2] =	stream.indirect.scatter.add.f32 [tilespmem:s6], [sflag:$0x1], $0x1, s21, s7, $0xb8;
	[tilespmem:$0x2D00] =	vst v63  }
0x1ae: {  	_ =	swait.ge [sflag:s5], $0x7D  }
0x1af: {  	[sflag:s5] =	ssyncset.done $0x0  }
0x1b0: {  	s22 =	simm.s32 $0x2680;
	[sflag:s5] =	ssyncadd.s32 $0xFFFFFF83  }
0x1b1: {  	[spmem:s2] =	stream.indirect.scatter.add.f32 [tilespmem:s6], [sflag:$0x1], $0x1, s22, s7, $0xb8;
	[tilespmem:$0x2D00] =	vst v63  }
0x1b2: {  	s24 =	ssub.s32 $0x2, s24;
	_ =	swait.ge [sflag:s5], $0x7D  }
0x1b3: {  	s25 =	sshrl.u32 s24, $0x1;
	[sflag:s5] =	ssyncset.done $0x0  }
0x1b4: {  	s23 =	simm.s32 $0x2700;
	s25 =	ssub.s32 s24, s25;
	[sflag:s5] =	ssyncadd.s32 $0xFFFFFF83  }
0x1b5: {  	[spmem:s2] =	stream.indirect.scatter.add.f32 [tilespmem:s6], [sflag:$0x1], $0x1, s23, s7, $0xb8;
	[tilespmem:$0x2D00] =	vst v63  }
0x1b6: {  	s25 =	smax.u32 s25, $0x1;
	_ =	swait.ge [sflag:s5], $0x7D  }
0x1b7: {  	p0 =	sne.s32 s25, $0x1;
	[sflag:s5] =	ssyncset.done $0x0  }
.Ltmp0:
0x1b8: {  	s24 =	simm.s32 $0x2780;
	[sflag:s5] =	ssyncadd.s32 $0xFFFFFF83;
	(pc) =	sbr.rel @!p0 .LBB2_2-.Ltmp0, $4  }
0x1b9: {  	[spmem:s2] =	stream.indirect.scatter.add.f32 [tilespmem:s6], [sflag:$0x1], $0x1, s24, s7, $0xb8;
	[tilespmem:$0x2D00] =	vst v63  }
0x1ba: {  	_ =	swait.ge [sflag:s5], $0x7D  }
0x1bb: {  	s28 =	sadd.s32 $0xFFFFFFFF, s25;
	[sflag:s5] =	ssyncset.done $0x0  }
0x1bc: {  	s25 =	simm.s32 $0x20;
	s26 =	simm.s32 $0x10;
	[sflag:s5] =	ssyncadd.s32 $0xFFFFFF83  }
.LBB2_1:
0x1bd: {  	[bflag:$0x0] =	sbarrier.arrive $0xFFFF;
	s29 =	sshll.u32 s0, $0x6  }
0x1be: {  	s31 =	sshrl.u32 s4, $0x3;
	s30 =	rddreg [dreg:$0x5];
	s29 =	sor.u32 $0x1C01, s29  }
0x1bf: {  	[hbm:s30@s25], [sflag:s29] =	dma.strided [spmem:s31@s26], $0x50, s5, $0x10   }
0x1c0: {  	_ =	swait.ge [sflag:s5], $0x50  }
0x1c1: {  	[sflag:s5] =	ssyncset.done $0x0  }
0x1c2: {  	[sflag:s5] =	ssyncadd.s32 $0xFFFFFFB0  }
0x1c3: {  	[tilespmem:$0x2890] =	vst v0  }
0x1c4: {  	[tilespmem:$0x28A0] =	vst v0  }
0x1c5: {  	[tilespmem:$0x28B0] =	vst v0  }
0x1c6: {  	[tilespmem:$0x28C0] =	vst v0  }
0x1c7: {  	[tilespmem:$0x28D0] =	vst v0  }
0x1c8: {  	[tilespmem:$0x28E0] =	vst v0  }
0x1c9: {  	[tilespmem:$0x28F0] =	vst v0  }
0x1ca: {  	[tilespmem:$0x2900] =	vst v0  }
0x1cb: {  	[tilespmem:$0x2910] =	vst v0  }
0x1cc: {  	[tilespmem:$0x2920] =	vst v0  }
0x1cd: {  	[tilespmem:$0x2930] =	vst v0  }
0x1ce: {  	[tilespmem:$0x2800] =	vst v0  }
0x1cf: {  	[tilespmem:$0x2A70] =	vst v0  }
0x1d0: {  	[tilespmem:$0x2A60] =	vst v0  }
0x1d1: {  	[tilespmem:$0x2A50] =	vst v0  }
0x1d2: {  	[tilespmem:$0x2A40] =	vst v0  }
0x1d3: {  	[tilespmem:$0x2A30] =	vst v0  }
0x1d4: {  	[tilespmem:$0x2A20] =	vst v0  }
0x1d5: {  	[tilespmem:$0x2A10] =	vst v0  }
0x1d6: {  	[tilespmem:$0x2A00] =	vst v0  }
0x1d7: {  	[tilespmem:$0x29F0] =	vst v0  }
0x1d8: {  	[tilespmem:$0x29E0] =	vst v0  }
0x1d9: {  	[tilespmem:$0x29D0] =	vst v0  }
0x1da: {  	[tilespmem:$0x29C0] =	vst v0  }
0x1db: {  	[tilespmem:$0x29B0] =	vst v0  }
0x1dc: {  	[tilespmem:$0x29A0] =	vst v0  }
0x1dd: {  	[tilespmem:$0x2990] =	vst v0  }
0x1de: {  	[tilespmem:$0x2980] =	vst v0  }
0x1df: {  	[tilespmem:$0x2970] =	vst v0  }
0x1e0: {  	[tilespmem:$0x2960] =	vst v0  }
0x1e1: {  	[tilespmem:$0x2880] =	vst v0  }
0x1e2: {  	[tilespmem:$0x2870] =	vst v0  }
0x1e3: {  	[tilespmem:$0x2860] =	vst v0  }
0x1e4: {  	[tilespmem:$0x2850] =	vst v0  }
0x1e5: {  	[tilespmem:$0x2840] =	vst v0  }
0x1e6: {  	[tilespmem:$0x2830] =	vst v0  }
0x1e7: {  	[tilespmem:$0x2820] =	vst v0  }
0x1e8: {  	[tilespmem:$0x2950] =	vst v0  }
0x1e9: {  	[tilespmem:$0x2940] =	vst v0  }
0x1ea: {  	[tilespmem:$0x2810] =	vst v0  }
0x1eb: {  	[spmem:s4] =	stream.linear.scatter [tilespmem:s6], [sflag:$0x1], $0x280, $0x38;
	[tilespmem:$0x2D00] =	vst v63  }
0x1ec: {  	_ =	swait.ge [sflag:s5], $0x280  }
0x1ed: {  	[sflag:s5] =	ssyncset.done $0x0  }
0x1ee: {  	s31 =	rddreg [dreg:$0x4];
	[sflag:s5] =	ssyncadd.s32 $0xFFFFFD80  }
0x1ef: {  	[tilespmem:s3], [sflag:$0x1] =	stream.linear.gather [hbm4b:s31+s3], $0x2800, $0x38;
	[tilespmem:$0x2D00] =	vst v63  }
0x1f0: {  	_ =	swait.ge [sflag:s5], $0x2800  }
0x1f1: {  	[sflag:s5] =	ssyncset.done $0x0  }
0x1f2: {  	[sflag:s5] =	ssyncadd.s32 $0xFFFFD800  }
0x1f3: {  	[tilespmem:$0x2870] =	vst v1  }
0x1f4: {  	[tilespmem:$0x2860] =	vst v1  }
0x1f5: {  	[tilespmem:$0x2850] =	vst v1  }
0x1f6: {  	[tilespmem:$0x2840] =	vst v1  }
0x1f7: {  	[tilespmem:$0x2830] =	vst v1  }
0x1f8: {  	[tilespmem:$0x2820] =	vst v1  }
0x1f9: {  	[tilespmem:$0x2810] =	vst v1  }
0x1fa: {  	[tilespmem:$0x2800] =	vst v1  }
0x1fb: {  	[bflag:$0x0] =	sbarrier.arrive $0xFFFF  }
0x1fc: {  	[spmem:s2] =	stream.indirect.scatter.add.f32 [tilespmem:s6], [sflag:$0x1], $0x1, s3, s7, $0xb8;
	[tilespmem:$0x2D00] =	vst v63  }
0x1fd: {  	_ =	swait.ge [sflag:s5], $0x7D  }
0x1fe: {  	[sflag:s5] =	ssyncset.done $0x0  }
0x1ff: {  	s30 =	rddreg [dreg:$0x6];
	[sflag:s5] =	ssyncadd.s32 $0xFFFFFF83  }
0x200: {  	[spmem:s2] =	stream.indirect.scatter.add.f32 [tilespmem:s6], [sflag:$0x1], $0x1, s30, s7, $0xb8;
	[tilespmem:$0x2D00] =	vst v63  }
0x201: {  	_ =	swait.ge [sflag:s5], $0x7D  }
0x202: {  	[sflag:s5] =	ssyncset.done $0x0  }
0x203: {  	s31 =	rddreg [dreg:$0x7];
	[sflag:s5] =	ssyncadd.s32 $0xFFFFFF83  }
0x204: {  	[spmem:s2] =	stream.indirect.scatter.add.f32 [tilespmem:s6], [sflag:$0x1], $0x1, s31, s7, $0xb8;
	[tilespmem:$0x2D00] =	vst v63  }
0x205: {  	_ =	swait.ge [sflag:s5], $0x7D  }
0x206: {  	[sflag:s5] =	ssyncset.done $0x0  }
0x207: {  	s30 =	rddreg [dreg:$0x8];
	[sflag:s5] =	ssyncadd.s32 $0xFFFFFF83  }
0x208: {  	[spmem:s2] =	stream.indirect.scatter.add.f32 [tilespmem:s6], [sflag:$0x1], $0x1, s30, s7, $0xb8;
	[tilespmem:$0x2D00] =	vst v63  }
0x209: {  	_ =	swait.ge [sflag:s5], $0x7D  }
0x20a: {  	[sflag:s5] =	ssyncset.done $0x0  }
0x20b: {  	s31 =	rddreg [dreg:$0x9];
	[sflag:s5] =	ssyncadd.s32 $0xFFFFFF83  }
0x20c: {  	[spmem:s2] =	stream.indirect.scatter.add.f32 [tilespmem:s6], [sflag:$0x1], $0x1, s31, s7, $0xb8;
	[tilespmem:$0x2D00] =	vst v63  }
0x20d: {  	_ =	swait.ge [sflag:s5], $0x7D  }
0x20e: {  	[sflag:s5] =	ssyncset.done $0x0  }
0x20f: {  	s30 =	rddreg [dreg:$0xa];
	[sflag:s5] =	ssyncadd.s32 $0xFFFFFF83  }
0x210: {  	[spmem:s2] =	stream.indirect.scatter.add.f32 [tilespmem:s6], [sflag:$0x1], $0x1, s30, s7, $0xb8;
	[tilespmem:$0x2D00] =	vst v63  }
0x211: {  	_ =	swait.ge [sflag:s5], $0x7D  }
0x212: {  	[sflag:s5] =	ssyncset.done $0x0  }
0x213: {  	s31 =	rddreg [dreg:$0xb];
	[sflag:s5] =	ssyncadd.s32 $0xFFFFFF83  }
0x214: {  	[spmem:s2] =	stream.indirect.scatter.add.f32 [tilespmem:s6], [sflag:$0x1], $0x1, s31, s7, $0xb8;
	[tilespmem:$0x2D00] =	vst v63  }
0x215: {  	_ =	swait.ge [sflag:s5], $0x7D  }
0x216: {  	[sflag:s5] =	ssyncset.done $0x0  }
0x217: {  	s30 =	rddreg [dreg:$0xc];
	[sflag:s5] =	ssyncadd.s32 $0xFFFFFF83  }
0x218: {  	[spmem:s2] =	stream.indirect.scatter.add.f32 [tilespmem:s6], [sflag:$0x1], $0x1, s30, s7, $0xb8;
	[tilespmem:$0x2D00] =	vst v63  }
0x219: {  	_ =	swait.ge [sflag:s5], $0x7D  }
0x21a: {  	[sflag:s5] =	ssyncset.done $0x0  }
0x21b: {  	s31 =	rddreg [dreg:$0xd];
	[sflag:s5] =	ssyncadd.s32 $0xFFFFFF83  }
0x21c: {  	[spmem:s2] =	stream.indirect.scatter.add.f32 [tilespmem:s6], [sflag:$0x1], $0x1, s31, s7, $0xb8;
	[tilespmem:$0x2D00] =	vst v63  }
0x21d: {  	_ =	swait.ge [sflag:s5], $0x7D  }
0x21e: {  	[sflag:s5] =	ssyncset.done $0x0  }
0x21f: {  	s30 =	rddreg [dreg:$0xe];
	[sflag:s5] =	ssyncadd.s32 $0xFFFFFF83  }
0x220: {  	[spmem:s2] =	stream.indirect.scatter.add.f32 [tilespmem:s6], [sflag:$0x1], $0x1, s30, s7, $0xb8;
	[tilespmem:$0x2D00] =	vst v63  }
0x221: {  	_ =	swait.ge [sflag:s5], $0x7D  }
0x222: {  	[sflag:s5] =	ssyncset.done $0x0  }
0x223: {  	s31 =	rddreg [dreg:$0xf];
	[sflag:s5] =	ssyncadd.s32 $0xFFFFFF83  }
0x224: {  	[spmem:s2] =	stream.indirect.scatter.add.f32 [tilespmem:s6], [sflag:$0x1], $0x1, s31, s7, $0xb8;
	[tilespmem:$0x2D00] =	vst v63  }
0x225: {  	_ =	swait.ge [sflag:s5], $0x7D  }
0x226: {  	[sflag:s5] =	ssyncset.done $0x0  }
0x227: {  	s30 =	rddreg [dreg:$0x10];
	[sflag:s5] =	ssyncadd.s32 $0xFFFFFF83  }
0x228: {  	[spmem:s2] =	stream.indirect.scatter.add.f32 [tilespmem:s6], [sflag:$0x1], $0x1, s30, s7, $0xb8;
	[tilespmem:$0x2D00] =	vst v63  }
0x229: {  	_ =	swait.ge [sflag:s5], $0x7D  }
0x22a: {  	[sflag:s5] =	ssyncset.done $0x0  }
0x22b: {  	s31 =	rddreg [dreg:$0x11];
	[sflag:s5] =	ssyncadd.s32 $0xFFFFFF83  }
0x22c: {  	[spmem:s2] =	stream.indirect.scatter.add.f32 [tilespmem:s6], [sflag:$0x1], $0x1, s31, s7, $0xb8;
	[tilespmem:$0x2D00] =	vst v63  }
0x22d: {  	_ =	swait.ge [sflag:s5], $0x7D  }
0x22e: {  	[sflag:s5] =	ssyncset.done $0x0  }
0x22f: {  	s30 =	rddreg [dreg:$0x12];
	[sflag:s5] =	ssyncadd.s32 $0xFFFFFF83  }
0x230: {  	[spmem:s2] =	stream.indirect.scatter.add.f32 [tilespmem:s6], [sflag:$0x1], $0x1, s30, s7, $0xb8;
	[tilespmem:$0x2D00] =	vst v63  }
0x231: {  	_ =	swait.ge [sflag:s5], $0x7D  }
0x232: {  	[sflag:s5] =	ssyncset.done $0x0  }
0x233: {  	s31 =	rddreg [dreg:$0x13];
	[sflag:s5] =	ssyncadd.s32 $0xFFFFFF83  }
0x234: {  	[spmem:s2] =	stream.indirect.scatter.add.f32 [tilespmem:s6], [sflag:$0x1], $0x1, s31, s7, $0xb8;
	[tilespmem:$0x2D00] =	vst v63  }
0x235: {  	_ =	swait.ge [sflag:s5], $0x7D  }
0x236: {  	[sflag:s5] =	ssyncset.done $0x0  }
0x237: {  	s30 =	rddreg [dreg:$0x14];
	[sflag:s5] =	ssyncadd.s32 $0xFFFFFF83  }
0x238: {  	[spmem:s2] =	stream.indirect.scatter.add.f32 [tilespmem:s6], [sflag:$0x1], $0x1, s30, s7, $0xb8;
	[tilespmem:$0x2D00] =	vst v63  }
0x239: {  	_ =	swait.ge [sflag:s5], $0x7D  }
0x23a: {  	[sflag:s5] =	ssyncset.done $0x0  }
0x23b: {  	s31 =	rddreg [dreg:$0x15];
	[sflag:s5] =	ssyncadd.s32 $0xFFFFFF83  }
0x23c: {  	[spmem:s2] =	stream.indirect.scatter.add.f32 [tilespmem:s6], [sflag:$0x1], $0x1, s31, s7, $0xb8;
	[tilespmem:$0x2D00] =	vst v63  }
0x23d: {  	_ =	swait.ge [sflag:s5], $0x7D  }
0x23e: {  	[sflag:s5] =	ssyncset.done $0x0  }
0x23f: {  	s30 =	rddreg [dreg:$0x16];
	[sflag:s5] =	ssyncadd.s32 $0xFFFFFF83  }
0x240: {  	[spmem:s2] =	stream.indirect.scatter.add.f32 [tilespmem:s6], [sflag:$0x1], $0x1, s30, s7, $0xb8;
	[tilespmem:$0x2D00] =	vst v63  }
0x241: {  	_ =	swait.ge [sflag:s5], $0x7D  }
0x242: {  	[sflag:s5] =	ssyncset.done $0x0  }
0x243: {  	s31 =	rddreg [dreg:$0x17];
	[sflag:s5] =	ssyncadd.s32 $0xFFFFFF83  }
0x244: {  	[spmem:s2] =	stream.indirect.scatter.add.f32 [tilespmem:s6], [sflag:$0x1], $0x1, s31, s7, $0xb8;
	[tilespmem:$0x2D00] =	vst v63  }
0x245: {  	_ =	swait.ge [sflag:s5], $0x7D  }
0x246: {  	[sflag:s5] =	ssyncset.done $0x0  }
0x247: {  	s30 =	rddreg [dreg:$0x18];
	[sflag:s5] =	ssyncadd.s32 $0xFFFFFF83  }
0x248: {  	[spmem:s2] =	stream.indirect.scatter.add.f32 [tilespmem:s6], [sflag:$0x1], $0x1, s30, s7, $0xb8;
	[tilespmem:$0x2D00] =	vst v63  }
0x249: {  	_ =	swait.ge [sflag:s5], $0x7D  }
0x24a: {  	[sflag:s5] =	ssyncset.done $0x0  }
0x24b: {  	s31 =	rddreg [dreg:$0x19];
	[sflag:s5] =	ssyncadd.s32 $0xFFFFFF83  }
0x24c: {  	[spmem:s2] =	stream.indirect.scatter.add.f32 [tilespmem:s6], [sflag:$0x1], $0x1, s31, s7, $0xb8;
	[tilespmem:$0x2D00] =	vst v63  }
0x24d: {  	_ =	swait.ge [sflag:s5], $0x7D  }
0x24e: {  	[sflag:s5] =	ssyncset.done $0x0  }
0x24f: {  	s30 =	rddreg [dreg:$0x1a];
	[sflag:s5] =	ssyncadd.s32 $0xFFFFFF83  }
0x250: {  	[spmem:s2] =	stream.indirect.scatter.add.f32 [tilespmem:s6], [sflag:$0x1], $0x1, s30, s7, $0xb8;
	[tilespmem:$0x2D00] =	vst v63  }
0x251: {  	_ =	swait.ge [sflag:s5], $0x7D  }
0x252: {  	[sflag:s5] =	ssyncset.done $0x0  }
0x253: {  	s31 =	rddreg [dreg:$0x1b];
	[sflag:s5] =	ssyncadd.s32 $0xFFFFFF83  }
0x254: {  	[spmem:s2] =	stream.indirect.scatter.add.f32 [tilespmem:s6], [sflag:$0x1], $0x1, s31, s7, $0xb8;
	[tilespmem:$0x2D00] =	vst v63  }
0x255: {  	_ =	swait.ge [sflag:s5], $0x7D  }
0x256: {  	[sflag:s5] =	ssyncset.done $0x0  }
0x257: {  	s30 =	rddreg [dreg:$0x1c];
	[sflag:s5] =	ssyncadd.s32 $0xFFFFFF83  }
0x258: {  	[spmem:s2] =	stream.indirect.scatter.add.f32 [tilespmem:s6], [sflag:$0x1], $0x1, s30, s7, $0xb8;
	[tilespmem:$0x2D00] =	vst v63  }
0x259: {  	_ =	swait.ge [sflag:s5], $0x7D  }
0x25a: {  	[sflag:s5] =	ssyncset.done $0x0  }
0x25b: {  	s31 =	rddreg [dreg:$0x1d];
	[sflag:s5] =	ssyncadd.s32 $0xFFFFFF83  }
0x25c: {  	[spmem:s2] =	stream.indirect.scatter.add.f32 [tilespmem:s6], [sflag:$0x1], $0x1, s31, s7, $0xb8;
	[tilespmem:$0x2D00] =	vst v63  }
0x25d: {  	_ =	swait.ge [sflag:s5], $0x7D  }
0x25e: {  	[sflag:s5] =	ssyncset.done $0x0  }
0x25f: {  	s30 =	rddreg [dreg:$0x1e];
	[sflag:s5] =	ssyncadd.s32 $0xFFFFFF83  }
0x260: {  	[spmem:s2] =	stream.indirect.scatter.add.f32 [tilespmem:s6], [sflag:$0x1], $0x1, s30, s7, $0xb8;
	[tilespmem:$0x2D00] =	vst v63  }
0x261: {  	_ =	swait.ge [sflag:s5], $0x7D  }
0x262: {  	[sflag:s5] =	ssyncset.done $0x0  }
0x263: {  	s31 =	rddreg [dreg:$0x1f];
	[sflag:s5] =	ssyncadd.s32 $0xFFFFFF83  }
0x264: {  	[spmem:s2] =	stream.indirect.scatter.add.f32 [tilespmem:s6], [sflag:$0x1], $0x1, s31, s7, $0xb8;
	[tilespmem:$0x2D00] =	vst v63  }
0x265: {  	_ =	swait.ge [sflag:s5], $0x7D  }
0x266: {  	s30 =	sld [smem:$0x7DA]  }
0x267: {  	[sflag:s5] =	ssyncset.done $0x0  }
0x268: {  	[sflag:s5] =	ssyncadd.s32 $0xFFFFFF83  }
0x269: {  	[spmem:s2] =	stream.indirect.scatter.add.f32 [tilespmem:s6], [sflag:$0x1], $0x1, s30, s7, $0xb8;
	[tilespmem:$0x2D00] =	vst v63  }
0x26a: {  	_ =	swait.ge [sflag:s5], $0x7D  }
0x26b: {  	s31 =	sld [smem:$0x7DB]  }
0x26c: {  	[sflag:s5] =	ssyncset.done $0x0  }
0x26d: {  	[sflag:s5] =	ssyncadd.s32 $0xFFFFFF83  }
0x26e: {  	[spmem:s2] =	stream.indirect.scatter.add.f32 [tilespmem:s6], [sflag:$0x1], $0x1, s31, s7, $0xb8;
	[tilespmem:$0x2D00] =	vst v63  }
0x26f: {  	_ =	swait.ge [sflag:s5], $0x7D  }
0x270: {  	s30 =	sld [smem:$0x7DC]  }
0x271: {  	[sflag:s5] =	ssyncset.done $0x0  }
0x272: {  	[sflag:s5] =	ssyncadd.s32 $0xFFFFFF83  }
0x273: {  	[spmem:s2] =	stream.indirect.scatter.add.f32 [tilespmem:s6], [sflag:$0x1], $0x1, s30, s7, $0xb8;
	[tilespmem:$0x2D00] =	vst v63  }
0x274: {  	_ =	swait.ge [sflag:s5], $0x7D  }
0x275: {  	s31 =	sld [smem:$0x7DD]  }
0x276: {  	[sflag:s5] =	ssyncset.done $0x0  }
0x277: {  	[sflag:s5] =	ssyncadd.s32 $0xFFFFFF83  }
0x278: {  	[spmem:s2] =	stream.indirect.scatter.add.f32 [tilespmem:s6], [sflag:$0x1], $0x1, s31, s7, $0xb8;
	[tilespmem:$0x2D00] =	vst v63  }
0x279: {  	_ =	swait.ge [sflag:s5], $0x7D  }
0x27a: {  	s30 =	sld [smem:$0x7DE]  }
0x27b: {  	[sflag:s5] =	ssyncset.done $0x0  }
0x27c: {  	[sflag:s5] =	ssyncadd.s32 $0xFFFFFF83  }
0x27d: {  	[spmem:s2] =	stream.indirect.scatter.add.f32 [tilespmem:s6], [sflag:$0x1], $0x1, s30, s7, $0xb8;
	[tilespmem:$0x2D00] =	vst v63  }
0x27e: {  	_ =	swait.ge [sflag:s5], $0x7D  }
0x27f: {  	s31 =	sld [smem:$0x7DF]  }
0x280: {  	[sflag:s5] =	ssyncset.done $0x0  }
0x281: {  	[sflag:s5] =	ssyncadd.s32 $0xFFFFFF83  }
0x282: {  	[spmem:s2] =	stream.indirect.scatter.add.f32 [tilespmem:s6], [sflag:$0x1], $0x1, s31, s7, $0xb8;
	[tilespmem:$0x2D00] =	vst v63  }
0x283: {  	_ =	swait.ge [sflag:s5], $0x7D  }
0x284: {  	s30 =	sld [smem:$0x7E0]  }
0x285: {  	[sflag:s5] =	ssyncset.done $0x0  }
0x286: {  	[sflag:s5] =	ssyncadd.s32 $0xFFFFFF83  }
0x287: {  	[spmem:s2] =	stream.indirect.scatter.add.f32 [tilespmem:s6], [sflag:$0x1], $0x1, s30, s7, $0xb8;
	[tilespmem:$0x2D00] =	vst v63  }
0x288: {  	_ =	swait.ge [sflag:s5], $0x7D  }
0x289: {  	s31 =	sld [smem:$0x7E1]  }
0x28a: {  	[sflag:s5] =	ssyncset.done $0x0  }
0x28b: {  	[sflag:s5] =	ssyncadd.s32 $0xFFFFFF83  }
0x28c: {  	[spmem:s2] =	stream.indirect.scatter.add.f32 [tilespmem:s6], [sflag:$0x1], $0x1, s31, s7, $0xb8;
	[tilespmem:$0x2D00] =	vst v63  }
0x28d: {  	_ =	swait.ge [sflag:s5], $0x7D  }
0x28e: {  	s30 =	sld [smem:$0x7E2]  }
0x28f: {  	[sflag:s5] =	ssyncset.done $0x0  }
0x290: {  	[sflag:s5] =	ssyncadd.s32 $0xFFFFFF83  }
0x291: {  	[spmem:s2] =	stream.indirect.scatter.add.f32 [tilespmem:s6], [sflag:$0x1], $0x1, s30, s7, $0xb8;
	[tilespmem:$0x2D00] =	vst v63  }
0x292: {  	_ =	swait.ge [sflag:s5], $0x7D  }
0x293: {  	s31 =	sld [smem:$0x7E3]  }
0x294: {  	[sflag:s5] =	ssyncset.done $0x0  }
0x295: {  	[sflag:s5] =	ssyncadd.s32 $0xFFFFFF83  }
0x296: {  	[spmem:s2] =	stream.indirect.scatter.add.f32 [tilespmem:s6], [sflag:$0x1], $0x1, s31, s7, $0xb8;
	[tilespmem:$0x2D00] =	vst v63  }
0x297: {  	_ =	swait.ge [sflag:s5], $0x7D  }
0x298: {  	s30 =	sld [smem:$0x7E4]  }
0x299: {  	[sflag:s5] =	ssyncset.done $0x0  }
0x29a: {  	[sflag:s5] =	ssyncadd.s32 $0xFFFFFF83  }
0x29b: {  	[spmem:s2] =	stream.indirect.scatter.add.f32 [tilespmem:s6], [sflag:$0x1], $0x1, s30, s7, $0xb8;
	[tilespmem:$0x2D00] =	vst v63  }
0x29c: {  	_ =	swait.ge [sflag:s5], $0x7D  }
0x29d: {  	s31 =	sld [smem:$0x7E5]  }
0x29e: {  	[sflag:s5] =	ssyncset.done $0x0  }
0x29f: {  	[sflag:s5] =	ssyncadd.s32 $0xFFFFFF83  }
0x2a0: {  	[spmem:s2] =	stream.indirect.scatter.add.f32 [tilespmem:s6], [sflag:$0x1], $0x1, s31, s7, $0xb8;
	[tilespmem:$0x2D00] =	vst v63  }
0x2a1: {  	_ =	swait.ge [sflag:s5], $0x7D  }
0x2a2: {  	s30 =	sld [smem:$0x7E6]  }
0x2a3: {  	[sflag:s5] =	ssyncset.done $0x0  }
0x2a4: {  	[sflag:s5] =	ssyncadd.s32 $0xFFFFFF83  }
0x2a5: {  	[spmem:s2] =	stream.indirect.scatter.add.f32 [tilespmem:s6], [sflag:$0x1], $0x1, s30, s7, $0xb8;
	[tilespmem:$0x2D00] =	vst v63  }
0x2a6: {  	_ =	swait.ge [sflag:s5], $0x7D  }
0x2a7: {  	s31 =	sld [smem:$0x7E7]  }
0x2a8: {  	[sflag:s5] =	ssyncset.done $0x0  }
0x2a9: {  	[sflag:s5] =	ssyncadd.s32 $0xFFFFFF83  }
0x2aa: {  	[spmem:s2] =	stream.indirect.scatter.add.f32 [tilespmem:s6], [sflag:$0x1], $0x1, s31, s7, $0xb8;
	[tilespmem:$0x2D00] =	vst v63  }
0x2ab: {  	_ =	swait.ge [sflag:s5], $0x7D  }
0x2ac: {  	s30 =	sld [smem:$0x7E8]  }
0x2ad: {  	[sflag:s5] =	ssyncset.done $0x0  }
0x2ae: {  	[sflag:s5] =	ssyncadd.s32 $0xFFFFFF83  }
0x2af: {  	[spmem:s2] =	stream.indirect.scatter.add.f32 [tilespmem:s6], [sflag:$0x1], $0x1, s30, s7, $0xb8;
	[tilespmem:$0x2D00] =	vst v63  }
0x2b0: {  	_ =	swait.ge [sflag:s5], $0x7D  }
0x2b1: {  	s31 =	sld [smem:$0x7E9]  }
0x2b2: {  	[sflag:s5] =	ssyncset.done $0x0  }
0x2b3: {  	[sflag:s5] =	ssyncadd.s32 $0xFFFFFF83  }
0x2b4: {  	[spmem:s2] =	stream.indirect.scatter.add.f32 [tilespmem:s6], [sflag:$0x1], $0x1, s31, s7, $0xb8;
	[tilespmem:$0x2D00] =	vst v63  }
0x2b5: {  	_ =	swait.ge [sflag:s5], $0x7D  }
0x2b6: {  	s30 =	sld [smem:$0x7EA]  }
0x2b7: {  	[sflag:s5] =	ssyncset.done $0x0  }
0x2b8: {  	[sflag:s5] =	ssyncadd.s32 $0xFFFFFF83  }
0x2b9: {  	[spmem:s2] =	stream.indirect.scatter.add.f32 [tilespmem:s6], [sflag:$0x1], $0x1, s30, s7, $0xb8;
	[tilespmem:$0x2D00] =	vst v63  }
0x2ba: {  	_ =	swait.ge [sflag:s5], $0x7D  }
0x2bb: {  	s31 =	sld [smem:$0x7EB]  }
0x2bc: {  	[sflag:s5] =	ssyncset.done $0x0  }
0x2bd: {  	[sflag:s5] =	ssyncadd.s32 $0xFFFFFF83  }
0x2be: {  	[spmem:s2] =	stream.indirect.scatter.add.f32 [tilespmem:s6], [sflag:$0x1], $0x1, s31, s7, $0xb8;
	[tilespmem:$0x2D00] =	vst v63  }
0x2bf: {  	_ =	swait.ge [sflag:s5], $0x7D  }
0x2c0: {  	s30 =	sld [smem:$0x7EC]  }
0x2c1: {  	[sflag:s5] =	ssyncset.done $0x0  }
0x2c2: {  	[sflag:s5] =	ssyncadd.s32 $0xFFFFFF83  }
0x2c3: {  	[spmem:s2] =	stream.indirect.scatter.add.f32 [tilespmem:s6], [sflag:$0x1], $0x1, s30, s7, $0xb8;
	[tilespmem:$0x2D00] =	vst v63  }
0x2c4: {  	_ =	swait.ge [sflag:s5], $0x7D  }
0x2c5: {  	s31 =	sld [smem:$0x7ED]  }
0x2c6: {  	[sflag:s5] =	ssyncset.done $0x0  }
0x2c7: {  	[sflag:s5] =	ssyncadd.s32 $0xFFFFFF83  }
0x2c8: {  	[spmem:s2] =	stream.indirect.scatter.add.f32 [tilespmem:s6], [sflag:$0x1], $0x1, s31, s7, $0xb8;
	[tilespmem:$0x2D00] =	vst v63  }
0x2c9: {  	_ =	swait.ge [sflag:s5], $0x7D  }
0x2ca: {  	s30 =	sld [smem:$0x7EE]  }
0x2cb: {  	[sflag:s5] =	ssyncset.done $0x0  }
0x2cc: {  	[sflag:s5] =	ssyncadd.s32 $0xFFFFFF83  }
0x2cd: {  	[spmem:s2] =	stream.indirect.scatter.add.f32 [tilespmem:s6], [sflag:$0x1], $0x1, s30, s7, $0xb8;
	[tilespmem:$0x2D00] =	vst v63  }
0x2ce: {  	_ =	swait.ge [sflag:s5], $0x7D  }
0x2cf: {  	s31 =	sld [smem:$0x7EF]  }
0x2d0: {  	[sflag:s5] =	ssyncset.done $0x0  }
0x2d1: {  	[sflag:s5] =	ssyncadd.s32 $0xFFFFFF83  }
0x2d2: {  	[spmem:s2] =	stream.indirect.scatter.add.f32 [tilespmem:s6], [sflag:$0x1], $0x1, s31, s7, $0xb8;
	[tilespmem:$0x2D00] =	vst v63  }
0x2d3: {  	_ =	swait.ge [sflag:s5], $0x7D  }
0x2d4: {  	s30 =	sld [smem:$0x7F0]  }
0x2d5: {  	[sflag:s5] =	ssyncset.done $0x0  }
0x2d6: {  	[sflag:s5] =	ssyncadd.s32 $0xFFFFFF83  }
0x2d7: {  	[spmem:s2] =	stream.indirect.scatter.add.f32 [tilespmem:s6], [sflag:$0x1], $0x1, s30, s7, $0xb8;
	[tilespmem:$0x2D00] =	vst v63  }
0x2d8: {  	_ =	swait.ge [sflag:s5], $0x7D  }
0x2d9: {  	s31 =	sld [smem:$0x7F1]  }
0x2da: {  	[sflag:s5] =	ssyncset.done $0x0  }
0x2db: {  	[sflag:s5] =	ssyncadd.s32 $0xFFFFFF83  }
0x2dc: {  	[spmem:s2] =	stream.indirect.scatter.add.f32 [tilespmem:s6], [sflag:$0x1], $0x1, s31, s7, $0xb8;
	[tilespmem:$0x2D00] =	vst v63  }
0x2dd: {  	_ =	swait.ge [sflag:s5], $0x7D  }
0x2de: {  	s30 =	sld [smem:$0x7F2]  }
0x2df: {  	[sflag:s5] =	ssyncset.done $0x0  }
0x2e0: {  	[sflag:s5] =	ssyncadd.s32 $0xFFFFFF83  }
0x2e1: {  	[spmem:s2] =	stream.indirect.scatter.add.f32 [tilespmem:s6], [sflag:$0x1], $0x1, s30, s7, $0xb8;
	[tilespmem:$0x2D00] =	vst v63  }
0x2e2: {  	_ =	swait.ge [sflag:s5], $0x7D  }
0x2e3: {  	s31 =	sld [smem:$0x7F3]  }
0x2e4: {  	[sflag:s5] =	ssyncset.done $0x0  }
0x2e5: {  	[sflag:s5] =	ssyncadd.s32 $0xFFFFFF83  }
0x2e6: {  	[spmem:s2] =	stream.indirect.scatter.add.f32 [tilespmem:s6], [sflag:$0x1], $0x1, s31, s7, $0xb8;
	[tilespmem:$0x2D00] =	vst v63  }
0x2e7: {  	_ =	swait.ge [sflag:s5], $0x7D  }
0x2e8: {  	s30 =	sld [smem:$0x7F4]  }
0x2e9: {  	[sflag:s5] =	ssyncset.done $0x0  }
0x2ea: {  	[sflag:s5] =	ssyncadd.s32 $0xFFFFFF83  }
0x2eb: {  	[spmem:s2] =	stream.indirect.scatter.add.f32 [tilespmem:s6], [sflag:$0x1], $0x1, s30, s7, $0xb8;
	[tilespmem:$0x2D00] =	vst v63  }
0x2ec: {  	_ =	swait.ge [sflag:s5], $0x7D  }
0x2ed: {  	s31 =	sld [smem:$0x7F5]  }
0x2ee: {  	[sflag:s5] =	ssyncset.done $0x0  }
0x2ef: {  	[sflag:s5] =	ssyncadd.s32 $0xFFFFFF83  }
0x2f0: {  	[spmem:s2] =	stream.indirect.scatter.add.f32 [tilespmem:s6], [sflag:$0x1], $0x1, s31, s7, $0xb8;
	[tilespmem:$0x2D00] =	vst v63  }
0x2f1: {  	_ =	swait.ge [sflag:s5], $0x7D  }
0x2f2: {  	s30 =	sld [smem:$0x7F6]  }
0x2f3: {  	[sflag:s5] =	ssyncset.done $0x0  }
0x2f4: {  	[sflag:s5] =	ssyncadd.s32 $0xFFFFFF83  }
0x2f5: {  	[spmem:s2] =	stream.indirect.scatter.add.f32 [tilespmem:s6], [sflag:$0x1], $0x1, s30, s7, $0xb8;
	[tilespmem:$0x2D00] =	vst v63  }
0x2f6: {  	_ =	swait.ge [sflag:s5], $0x7D  }
0x2f7: {  	s31 =	sld [smem:$0x7F7]  }
0x2f8: {  	[sflag:s5] =	ssyncset.done $0x0  }
0x2f9: {  	[sflag:s5] =	ssyncadd.s32 $0xFFFFFF83  }
0x2fa: {  	[spmem:s2] =	stream.indirect.scatter.add.f32 [tilespmem:s6], [sflag:$0x1], $0x1, s31, s7, $0xb8;
	[tilespmem:$0x2D00] =	vst v63  }
0x2fb: {  	_ =	swait.ge [sflag:s5], $0x7D  }
0x2fc: {  	s30 =	sld [smem:$0x7F8]  }
0x2fd: {  	[sflag:s5] =	ssyncset.done $0x0  }
0x2fe: {  	[sflag:s5] =	ssyncadd.s32 $0xFFFFFF83  }
0x2ff: {  	[spmem:s2] =	stream.indirect.scatter.add.f32 [tilespmem:s6], [sflag:$0x1], $0x1, s30, s7, $0xb8;
	[tilespmem:$0x2D00] =	vst v63  }
0x300: {  	_ =	swait.ge [sflag:s5], $0x7D  }
0x301: {  	s31 =	sld [smem:$0x7F9]  }
0x302: {  	[sflag:s5] =	ssyncset.done $0x0  }
0x303: {  	[sflag:s5] =	ssyncadd.s32 $0xFFFFFF83  }
0x304: {  	[spmem:s2] =	stream.indirect.scatter.add.f32 [tilespmem:s6], [sflag:$0x1], $0x1, s31, s7, $0xb8;
	[tilespmem:$0x2D00] =	vst v63  }
0x305: {  	_ =	swait.ge [sflag:s5], $0x7D  }
0x306: {  	s30 =	sld [smem:$0x7FA]  }
0x307: {  	[sflag:s5] =	ssyncset.done $0x0  }
0x308: {  	[sflag:s5] =	ssyncadd.s32 $0xFFFFFF83  }
0x309: {  	[spmem:s2] =	stream.indirect.scatter.add.f32 [tilespmem:s6], [sflag:$0x1], $0x1, s30, s7, $0xb8;
	[tilespmem:$0x2D00] =	vst v63  }
0x30a: {  	_ =	swait.ge [sflag:s5], $0x7D  }
0x30b: {  	s31 =	sld [smem:$0x7FB]  }
0x30c: {  	[sflag:s5] =	ssyncset.done $0x0  }
0x30d: {  	[sflag:s5] =	ssyncadd.s32 $0xFFFFFF83  }
0x30e: {  	[spmem:s2] =	stream.indirect.scatter.add.f32 [tilespmem:s6], [sflag:$0x1], $0x1, s31, s7, $0xb8;
	[tilespmem:$0x2D00] =	vst v63  }
0x30f: {  	_ =	swait.ge [sflag:s5], $0x7D  }
0x310: {  	s30 =	sld [smem:$0x7FC]  }
0x311: {  	[sflag:s5] =	ssyncset.done $0x0  }
0x312: {  	[sflag:s5] =	ssyncadd.s32 $0xFFFFFF83  }
0x313: {  	[spmem:s2] =	stream.indirect.scatter.add.f32 [tilespmem:s6], [sflag:$0x1], $0x1, s30, s7, $0xb8;
	[tilespmem:$0x2D00] =	vst v63  }
0x314: {  	_ =	swait.ge [sflag:s5], $0x7D  }
0x315: {  	s31 =	sld [smem:$0x7FD]  }
0x316: {  	[sflag:s5] =	ssyncset.done $0x0  }
0x317: {  	[sflag:s5] =	ssyncadd.s32 $0xFFFFFF83  }
0x318: {  	[spmem:s2] =	stream.indirect.scatter.add.f32 [tilespmem:s6], [sflag:$0x1], $0x1, s31, s7, $0xb8;
	[tilespmem:$0x2D00] =	vst v63  }
0x319: {  	_ =	swait.ge [sflag:s5], $0x7D  }
0x31a: {  	[sflag:s5] =	ssyncset.done $0x0  }
0x31b: {  	[sflag:s5] =	ssyncadd.s32 $0xFFFFFF83  }
0x31c: {  	[spmem:s2] =	stream.indirect.scatter.add.f32 [tilespmem:s6], [sflag:$0x1], $0x1, s8, s7, $0xb8;
	[tilespmem:$0x2D00] =	vst v63  }
0x31d: {  	_ =	swait.ge [sflag:s5], $0x7D  }
0x31e: {  	[sflag:s5] =	ssyncset.done $0x0  }
0x31f: {  	[sflag:s5] =	ssyncadd.s32 $0xFFFFFF83  }
0x320: {  	[spmem:s2] =	stream.indirect.scatter.add.f32 [tilespmem:s6], [sflag:$0x1], $0x1, s9, s7, $0xb8;
	[tilespmem:$0x2D00] =	vst v63  }
0x321: {  	_ =	swait.ge [sflag:s5], $0x7D  }
0x322: {  	[sflag:s5] =	ssyncset.done $0x0  }
0x323: {  	[sflag:s5] =	ssyncadd.s32 $0xFFFFFF83  }
0x324: {  	[spmem:s2] =	stream.indirect.scatter.add.f32 [tilespmem:s6], [sflag:$0x1], $0x1, s10, s7, $0xb8;
	[tilespmem:$0x2D00] =	vst v63  }
0x325: {  	_ =	swait.ge [sflag:s5], $0x7D  }
0x326: {  	[sflag:s5] =	ssyncset.done $0x0  }
0x327: {  	[sflag:s5] =	ssyncadd.s32 $0xFFFFFF83  }
0x328: {  	[spmem:s2] =	stream.indirect.scatter.add.f32 [tilespmem:s6], [sflag:$0x1], $0x1, s11, s7, $0xb8;
	[tilespmem:$0x2D00] =	vst v63  }
0x329: {  	_ =	swait.ge [sflag:s5], $0x7D  }
0x32a: {  	[sflag:s5] =	ssyncset.done $0x0  }
0x32b: {  	[sflag:s5] =	ssyncadd.s32 $0xFFFFFF83  }
0x32c: {  	[spmem:s2] =	stream.indirect.scatter.add.f32 [tilespmem:s6], [sflag:$0x1], $0x1, s12, s7, $0xb8;
	[tilespmem:$0x2D00] =	vst v63  }
0x32d: {  	_ =	swait.ge [sflag:s5], $0x7D  }
0x32e: {  	[sflag:s5] =	ssyncset.done $0x0  }
0x32f: {  	[sflag:s5] =	ssyncadd.s32 $0xFFFFFF83  }
0x330: {  	[spmem:s2] =	stream.indirect.scatter.add.f32 [tilespmem:s6], [sflag:$0x1], $0x1, s13, s7, $0xb8;
	[tilespmem:$0x2D00] =	vst v63  }
0x331: {  	_ =	swait.ge [sflag:s5], $0x7D  }
0x332: {  	[sflag:s5] =	ssyncset.done $0x0  }
0x333: {  	[sflag:s5] =	ssyncadd.s32 $0xFFFFFF83  }
0x334: {  	[spmem:s2] =	stream.indirect.scatter.add.f32 [tilespmem:s6], [sflag:$0x1], $0x1, s14, s7, $0xb8;
	[tilespmem:$0x2D00] =	vst v63  }
0x335: {  	_ =	swait.ge [sflag:s5], $0x7D  }
0x336: {  	[sflag:s5] =	ssyncset.done $0x0  }
0x337: {  	[sflag:s5] =	ssyncadd.s32 $0xFFFFFF83  }
0x338: {  	[spmem:s2] =	stream.indirect.scatter.add.f32 [tilespmem:s6], [sflag:$0x1], $0x1, s15, s7, $0xb8;
	[tilespmem:$0x2D00] =	vst v63  }
0x339: {  	_ =	swait.ge [sflag:s5], $0x7D  }
0x33a: {  	[sflag:s5] =	ssyncset.done $0x0  }
0x33b: {  	[sflag:s5] =	ssyncadd.s32 $0xFFFFFF83  }
0x33c: {  	[spmem:s2] =	stream.indirect.scatter.add.f32 [tilespmem:s6], [sflag:$0x1], $0x1, s16, s7, $0xb8;
	[tilespmem:$0x2D00] =	vst v63  }
0x33d: {  	_ =	swait.ge [sflag:s5], $0x7D  }
0x33e: {  	[sflag:s5] =	ssyncset.done $0x0  }
0x33f: {  	[sflag:s5] =	ssyncadd.s32 $0xFFFFFF83  }
0x340: {  	[spmem:s2] =	stream.indirect.scatter.add.f32 [tilespmem:s6], [sflag:$0x1], $0x1, s17, s7, $0xb8;
	[tilespmem:$0x2D00] =	vst v63  }
0x341: {  	_ =	swait.ge [sflag:s5], $0x7D  }
0x342: {  	[sflag:s5] =	ssyncset.done $0x0  }
0x343: {  	[sflag:s5] =	ssyncadd.s32 $0xFFFFFF83  }
0x344: {  	[spmem:s2] =	stream.indirect.scatter.add.f32 [tilespmem:s6], [sflag:$0x1], $0x1, s18, s7, $0xb8;
	[tilespmem:$0x2D00] =	vst v63  }
0x345: {  	_ =	swait.ge [sflag:s5], $0x7D  }
0x346: {  	[sflag:s5] =	ssyncset.done $0x0  }
0x347: {  	[sflag:s5] =	ssyncadd.s32 $0xFFFFFF83  }
0x348: {  	[spmem:s2] =	stream.indirect.scatter.add.f32 [tilespmem:s6], [sflag:$0x1], $0x1, s19, s7, $0xb8;
	[tilespmem:$0x2D00] =	vst v63  }
0x349: {  	_ =	swait.ge [sflag:s5], $0x7D  }
0x34a: {  	[sflag:s5] =	ssyncset.done $0x0  }
0x34b: {  	[sflag:s5] =	ssyncadd.s32 $0xFFFFFF83  }
0x34c: {  	[spmem:s2] =	stream.indirect.scatter.add.f32 [tilespmem:s6], [sflag:$0x1], $0x1, s20, s7, $0xb8;
	[tilespmem:$0x2D00] =	vst v63  }
0x34d: {  	_ =	swait.ge [sflag:s5], $0x7D  }
0x34e: {  	[sflag:s5] =	ssyncset.done $0x0  }
0x34f: {  	[sflag:s5] =	ssyncadd.s32 $0xFFFFFF83  }
0x350: {  	[spmem:s2] =	stream.indirect.scatter.add.f32 [tilespmem:s6], [sflag:$0x1], $0x1, s21, s7, $0xb8;
	[tilespmem:$0x2D00] =	vst v63  }
0x351: {  	_ =	swait.ge [sflag:s5], $0x7D  }
0x352: {  	[sflag:s5] =	ssyncset.done $0x0  }
0x353: {  	[sflag:s5] =	ssyncadd.s32 $0xFFFFFF83  }
0x354: {  	[spmem:s2] =	stream.indirect.scatter.add.f32 [tilespmem:s6], [sflag:$0x1], $0x1, s22, s7, $0xb8;
	[tilespmem:$0x2D00] =	vst v63  }
0x355: {  	_ =	swait.ge [sflag:s5], $0x7D  }
0x356: {  	[sflag:s5] =	ssyncset.done $0x0  }
0x357: {  	[sflag:s5] =	ssyncadd.s32 $0xFFFFFF83  }
0x358: {  	[spmem:s2] =	stream.indirect.scatter.add.f32 [tilespmem:s6], [sflag:$0x1], $0x1, s23, s7, $0xb8;
	[tilespmem:$0x2D00] =	vst v63  }
0x359: {  	_ =	swait.ge [sflag:s5], $0x7D  }
0x35a: {  	p0 =	sne.s32 s28, $0x1;
	[sflag:s5] =	ssyncset.done $0x0  }
.Ltmp1:
0x35b: {  	[sflag:s5] =	ssyncadd.s32 $0xFFFFFF83;
	(pc) =	sbr.rel @p0 .LBB2_1-.Ltmp1, $4  }
0x35c: {  	[spmem:s2] =	stream.indirect.scatter.add.f32 [tilespmem:s6], [sflag:$0x1], $0x1, s24, s7, $0xb8;
	[tilespmem:$0x2D00] =	vst v63  }
0x35d: {  	_ =	swait.ge [sflag:s5], $0x7D  }
0x35e: {  	[sflag:s5] =	ssyncset.done $0x0  }
0x35f: {  	s28 =	sadd.s32 $0xFFFFFFFF, s28;
	[sflag:s5] =	ssyncadd.s32 $0xFFFFFF83  }
.LBB2_2:
0x360: {  	[bflag:$0x0] =	sbarrier.arrive $0xFFFF;
	s3 =	sshll.u32 s0, $0x6  }
0x361: {  	s4 =	sshrl.u32 s4, $0x3;
	s2 =	rddreg [dreg:$0x5];
	s3 =	sor.u32 $0x1C01, s3  }
0x362: {  	[hbm:s2@s25], [sflag:s3] =	dma.strided [spmem:s4@s26], $0x50, s5, $0x10   }
0x363: {  	_ =	swait.ge [sflag:s5], $0x50  }
0x364: {  	[sflag:s5] =	ssyncset.done $0x0  }
0x365: {  	[sflag:s5] =	ssyncadd.s32 $0xFFFFFFB0  }
0x366: {  	_ =	sfence.sel $0x180000  }
0x367: {  	[bflag:$0x0] =	sbarrier.arrive $0xFFFF  }
0x368: {  	p0 =	sne.s32 s0, $0x0;
	_ =	strace $0x90000047  }
0x369: {  	s0 =	sadd.s32 @!p0 $0x100000, s1;
	[bflag:$0x2] =	sbarrier.arrive $0xFFFF  }
0x36a: {  	[sflag:s0] =	ssyncadd.tile.s32 @!p0 $0x1;
	_ =	shalt  }
.Lfunc_end2:
_tile_overlayer_lowered:
.L_overlay_start_2:
0x36b: {  	(tag) =	ssettag $0x2  }
0x36c: {  	s0 =	rddreg [dreg:$0x0];
	s2 =	stileid.u32  }
0x36d: {  	s1 =	rddreg [dreg:$0x1];
	p0 =	sne.s32 s2, $0x0  }
0x36e: {  	s3 =	rddreg [dreg:$0x2];
	[bflag:$0x3] =	sbarrier.arrive $0xFFFF;
	s2 =	simm.s32 @!p0 $0x1C01  }
0x36f: {  	[timem:s3], [sflag:s2] =	dma.local @!p0 [hbm:s0], s1  }
0x370: {  	s0 =	simm.s32 @!p0 $0x1  }
0x371: {  	_ =	swait.ge @!p0 [sflag:s0], s1  }
0x372: {  	s1 =	ssub.s32 @!p0 $0x0, s1;
	[sflag:s0] =	ssyncset.done @!p0 $0x0  }
0x373: {  	[sflag:s0] =	ssyncadd.s32 @!p0 s1  }
0x374: {  	[bflag:$0x3] =	sbarrier.arrive $0xFFFF  }
0x375: {  	_ =	shalt  }

</sc_bundles>
